<compile_context>
chip_gen: v7x
topology: tpu7x:2x2x1
jax: 0.10.2.dev20260603
libtpu: 0.0.44.dev20260713+nightly
codegen_flags: <defaults>
</compile_context>

<pallas_src>
import functools

import jax
import jax.numpy as jnp
from jax import lax
from jax.experimental import pallas as pl
from jax.experimental.pallas import tpu as pltpu
from jax.experimental.pallas import tpu_sc as plsc

_N = 320000
_D = 128
_C = 512
_WEIGHT = 0.3

_NC = 2
_NS = 16
_NW = _NC * _NS
_ROWS_PER_W = _N // _NW
_CHUNK = 80
_NCHUNK = _ROWS_PER_W // _CHUNK
_NSLOT = 4
_SENT = _ROWS_PER_W


def _make_sc_kernel():
    mesh = plsc.VectorSubcoreMesh(core_axis_name="c", subcore_axis_name="s",
                                  num_cores=_NC, num_subcores=_NS)
    rows_per_tile = _C // _NS

    @functools.partial(
        pl.kernel,
        out_type=[
            jax.ShapeDtypeStruct((_NC, _C, _D), jnp.float32),
            jax.ShapeDtypeStruct((_NW, _C), jnp.int32),
        ],
        mesh=mesh,
        compiler_params=pltpu.CompilerParams(needs_layout_passes=False),
        scratch_types=[
            pltpu.VMEM((_NSLOT, _CHUNK, _D), jnp.float32),
            pltpu.VMEM((_NSLOT, _CHUNK, _D), jnp.float32),
            pltpu.VMEM((_NSLOT, _CHUNK), jnp.int32),
            pltpu.VMEM((_C,), jnp.int32),
            pltpu.VMEM((rows_per_tile, _D), jnp.float32),
            pltpu.VMEM_SHARED((_C, _D), jnp.float32),
            pltpu.SemaphoreType.DMA((_NSLOT,)),
            pltpu.SemaphoreType.DMA((_NSLOT,)),
        ],
    )
    def sc_k(zs, zi, lb, out_d, out_fp,
             bs, bi, lbl, fp, zb, sh_d, gsem, ssem):
        cid = lax.axis_index("c")
        sid = lax.axis_index("s")
        wid = sid * _NC + cid
        base0 = wid * _ROWS_PER_W

        def issue_gather(c, b):
            base = base0 + c * _CHUNK
            pltpu.async_copy(lb.at[pl.ds(base, _CHUNK)], lbl.at[b],
                             gsem.at[b])
            pltpu.async_copy(zs.at[pl.ds(base, _CHUNK)], bs.at[b],
                             gsem.at[b])
            pltpu.async_copy(zi.at[pl.ds(base, _CHUNK)], bi.at[b],
                             gsem.at[b])

        def wait_gather(c, b):
            base = base0 + c * _CHUNK
            pltpu.make_async_copy(lb.at[pl.ds(base, _CHUNK)], lbl.at[b],
                                  gsem.at[b]).wait()
            pltpu.make_async_copy(zs.at[pl.ds(base, _CHUNK)], bs.at[b],
                                  gsem.at[b]).wait()
            pltpu.make_async_copy(zi.at[pl.ds(base, _CHUNK)], bi.at[b],
                                  gsem.at[b]).wait()

        def issue_scatter(b):
            pltpu.async_copy(bs.at[b], sh_d.at[lbl.at[b]], ssem.at[b],
                             add=True)

        def wait_scatter(b):
            pltpu.make_async_copy(bs.at[b], sh_d.at[lbl.at[b]],
                                  ssem.at[b]).wait()

        def sub_pass(b):
            def rows(r2, _):
                r = r2 * 2
                for rr in (0, 1):
                    for c8 in range(_D // 16):
                        sl = pl.ds(c8 * 16, 16)
                        x = bs[b, r + rr, sl]
                        y = bi[b, r + rr, sl]
                        bs[b, r + rr, sl] = x - y
                return _
            lax.fori_loop(0, _CHUNK // 2, rows, None)

        issue_gather(0, 0)
        issue_gather(1, 1)

        zeros16 = jnp.zeros((16,), jnp.float32)
        iota16 = lax.iota(jnp.int32, 16)
        sent16 = jnp.full((16,), _SENT, jnp.int32)
        prev_perm = jnp.maximum(iota16 - 1, 0)

        def fill_zb(it, _):
            r = it // (_D // 16)
            c = it % (_D // 16)
            zb[r, pl.ds(c * 16, 16)] = zeros16
            return _
        lax.fori_loop(0, rows_per_tile * (_D // 16), fill_zb, None)

        def fill_fp(k, _):
            fp[pl.ds(k * 16, 16)] = sent16
            return _
        lax.fori_loop(0, _C // 16, fill_fp, None)

        row0 = sid * rows_per_tile
        pltpu.sync_copy(zb, sh_d.at[pl.ds(row0, rows_per_tile)])
        plsc.subcore_barrier()

        def mark_first(c, b, prev_last):
            def vec(k, _):
                x = lbl[b, pl.ds(k * 16, 16)]
                pv = lbl[b, pl.ds(jnp.maximum((k - 1) * 16, 0), 16)]
                carry = jnp.where(k == 0, prev_last, pv[15])
                prev = x.at[prev_perm].get(mode="promise_in_bounds")
                prev = jnp.where(iota16 == 0, carry, prev)
                is_first = x != prev
                pos = (c * _CHUNK + k * 16) + iota16
                plsc.store_scatter(fp, [x], pos, mask=is_first)
                return _
            lax.fori_loop(0, _CHUNK // 16, vec, None)
            return lbl[b, pl.ds(_CHUNK - 16, 16)][15]

        def group(g, prev_last):
            for b in range(_NSLOT):
                c = g * _NSLOT + b
                wait_gather(c, b)
                sub_pass(b)
                issue_scatter(b)
                prev_last = mark_first(c, b, prev_last)
                nb = (b + 2) % _NSLOT
                nc = c + 2

                @pl.when(nc >= _NSLOT)
                def _older():
                    wait_scatter(nb)

                @pl.when(nc < _NCHUNK)
                def _prefetch():
                    issue_gather(nc, nb)
            return prev_last
        prev_last = lax.fori_loop(0, _NCHUNK // _NSLOT, group,
                                  jnp.int32(-1))

        for c in range(_NCHUNK - _NCHUNK % _NSLOT, _NCHUNK):
            b = c % _NSLOT
            wait_gather(c, b)
            sub_pass(b)
            issue_scatter(b)
            prev_last = mark_first(c, b, prev_last)

        for b in (2, 3, 0):
            wait_scatter(b)

        pltpu.sync_copy(fp, out_fp.at[wid])

        plsc.subcore_barrier()

        pltpu.sync_copy(sh_d.at[pl.ds(row0, rows_per_tile)],
                        bs.at[0, pl.ds(0, rows_per_tile)])
        pltpu.sync_copy(bs.at[0, pl.ds(0, rows_per_tile)],
                        out_d.at[cid, pl.ds(row0, rows_per_tile)])

    return sc_k


def _fin_body(d_ref, fp_ref, o_ref):
    d = d_ref[0] + d_ref[1]
    sq = jnp.sum(d * d, axis=1, keepdims=True)

    fp = fp_ref[...]
    sent = jnp.int32(_ROWS_PER_W)
    nxt = jnp.concatenate(
        [fp[:, 1:], jnp.full((_NW, 1), sent, jnp.int32)], axis=1)
    sh = 1
    while sh < _C:
        pad = jnp.full((_NW, sh), sent, jnp.int32)
        nxt = jnp.minimum(nxt, jnp.concatenate([nxt[:, sh:], pad], axis=1))
        sh *= 2
    cnt_w = jnp.where(fp < sent, nxt - fp, 0)
    cnt = jnp.sum(cnt_w.astype(jnp.float32), axis=0)[:, None]

    present = cnt > 0.0
    denom = jnp.maximum(cnt, 1.0)
    dist = jnp.sqrt(jnp.where(present, sq, 1.0)) / denom
    loss_sum = jnp.sum(jnp.where(present, dist, 0.0))
    npres = jnp.maximum(jnp.sum(jnp.where(present, 1.0, 0.0)), 1.0)
    o_ref[...] = jnp.full((1, 1), _WEIGHT * (loss_sum / npres), jnp.float32)


def kernel(z_s, z_i, labels):
    sc_k = _make_sc_kernel()
    acc_d, fp = sc_k(z_s, z_i, labels.astype(jnp.int32))
    out = pl.pallas_call(
        _fin_body,
        out_shape=jax.ShapeDtypeStruct((1, 1), jnp.float32),
    )(acc_d, fp)
    return out[0, 0]

# --- scband reference (transcript-rebuilt; emitter-appended) ---
"""Pipeline reference for scband-prototype-alignment-29858612642176 (READ-ONLY COPY).

The authoritative reference and input builder live on the scoring server;
editing this copy changes nothing except your own understanding.
"""

import jax, jax.numpy as jnp
import numpy as np

N = 320000
D = 128
C = 512
WEIGHT = 0.3


def setup_inputs(seed: int = 0) -> dict:
    key = jax.random.key(seed)
    k1, k2, k3 = jax.random.split(key, 3)
    z_s = jax.random.normal(k1, (N, D), dtype=jnp.float32)
    z_i = jax.random.normal(k2, (N, D), dtype=jnp.float32)
    labels = jnp.sort(jax.random.randint(k3, (N,), 0, C))
    return {"z_s": z_s, "z_i": z_i, "labels": labels}


def reference(z_s, z_i, labels):
    # Per-class prototype (mean) via segment_sum over labels, matching the
    # torch loop `for c in labels.unique(): z[labels == c].mean(0)`.
    counts = jnp.bincount(labels, length=C).astype(jnp.float32)
    sum_s = jax.ops.segment_sum(z_s, labels, num_segments=C)
    sum_i = jax.ops.segment_sum(z_i, labels, num_segments=C)
    present = counts > 0
    denom = jnp.maximum(counts, 1.0)[:, None]
    proto_s = sum_s / denom
    proto_i = sum_i / denom
    # L2 distance between class prototypes, only for present classes.
    sq = jnp.sum((proto_s - proto_i) ** 2, axis=1)
    dist = jnp.sqrt(jnp.where(present, sq, 1.0))
    loss_sum = jnp.sum(jnp.where(present, dist, 0.0))
    cnt = jnp.maximum(jnp.sum(present.astype(jnp.float32)), 1.0)
    return WEIGHT * (loss_sum / cnt)

if __name__ == "__main__":
    import jax
    _d = setup_inputs()
    print(jax.jit(kernel)(*tuple(_d.values())))

</pallas_src>

<mosaic_0001>
#map = affine_map<(d0, d1) -> (0, 0)>
#map1 = affine_map<(d0, d1) -> (0)>
#map2 = affine_map<(d0, d1) -> (0, 0, 0)>
module attributes {stable_mosaic.version = 14 : i64} {
  func.func @sc_k(%arg0: i32, %arg1: i32, %arg2: memref<320000x128xf32, #tpu.memory_space<hbm>>, %arg3: memref<320000x128xf32, #tpu.memory_space<hbm>>, %arg4: memref<320000xi32, #tpu.memory_space<hbm>>, %arg5: memref<2x512x128xf32, #tpu.memory_space<hbm>>, %arg6: memref<32x512xi32, #tpu.memory_space<hbm>>, %arg7: memref<4x80x128xf32, #tpu.memory_space<vmem>>, %arg8: memref<4x80x128xf32, #tpu.memory_space<vmem>>, %arg9: memref<4x80xi32, #tpu.memory_space<vmem>>, %arg10: memref<512xi32, #tpu.memory_space<vmem>>, %arg11: memref<32x128xf32, #tpu.memory_space<vmem>>, %arg12: memref<512x128xf32, #tpu.memory_space<vmem_shared>>, %arg13: memref<4x!tpu.dma_semaphore, #tpu.memory_space<semaphore_mem>>, %arg14: memref<4x!tpu.dma_semaphore, #tpu.memory_space<semaphore_mem>>) attributes {dimension_semantics = [#tpu.dimension_semantics<core_parallel>, #tpu.dimension_semantics<subcore_parallel>], iteration_bounds = array<i64: 2, 16>, scalar_prefetch = 0 : i64, scratch_operands = 8 : i64, tpu.core_type = #tpu.core_type<sc_vector_subcore>, window_params = [{transform_indices = #map}, {transform_indices = #map}, {transform_indices = #map1}, {transform_indices = #map2}, {transform_indices = #map}]} {
    %mul3A = arith.constant 2 : i32
    %mul3A_0 = arith.muli %arg1, %mul3A : i32
    %add3A = arith.addi %mul3A_0, %arg0 : i32
    %mul3A_1 = arith.constant 10000 : i32
    %mul3A_2 = arith.muli %add3A, %mul3A_1 : i32
    %add3A_3 = arith.constant 0 : i32
    %add3A_4 = arith.addi %mul3A_2, %add3A_3 : i32
    %dma_start3A = arith.constant 0 : i32
    %dma_start3A_5 = arith.constant 0 : i32
    %dma_start3A_6 = arith.constant 0 : i32
    %dma_start3A_7 = tpu.memref_slice %arg9[%dma_start3A, %dma_start3A_6] : memref<4x80xi32, #tpu.memory_space<vmem>> -> memref<1x80xi32, #tpu.memory_space<vmem>>
    %dma_start3A_8 = tpu.memref_squeeze %dma_start3A_7 : memref<1x80xi32, #tpu.memory_space<vmem>> -> memref<80xi32, #tpu.memory_space<vmem>>
    %dma_start3A_9 = tpu.memref_slice %arg4[%add3A_4] : memref<320000xi32, #tpu.memory_space<hbm>> -> memref<80xi32, #tpu.memory_space<hbm>>
    %dma_start3A_10 = tpu.memref_slice %arg13[%dma_start3A_5] : memref<4x!tpu.dma_semaphore, #tpu.memory_space<semaphore_mem>> -> memref<1x!tpu.dma_semaphore, #tpu.memory_space<semaphore_mem>>
    %dma_start3A_11 = tpu.memref_squeeze %dma_start3A_10 : memref<1x!tpu.dma_semaphore, #tpu.memory_space<semaphore_mem>> -> memref<!tpu.dma_semaphore, #tpu.memory_space<semaphore_mem>>
    %dma_start3A_12 = arith.constant 0 : i32
    %dma_start3A_13 = tpu.memref_slice %arg9[%dma_start3A, %dma_start3A_12] : memref<4x80xi32, #tpu.memory_space<vmem>> -> memref<1x80xi32, #tpu.memory_space<vmem>>
    %dma_start3A_14 = tpu.memref_squeeze %dma_start3A_13 : memref<1x80xi32, #tpu.memory_space<vmem>> -> memref<80xi32, #tpu.memory_space<vmem>>
    %dma_start3A_15 = tpu.memref_slice %arg4[%add3A_4] : memref<320000xi32, #tpu.memory_space<hbm>> -> memref<80xi32, #tpu.memory_space<hbm>>
    tpu.enqueue_dma source(%dma_start3A_15 : memref<80xi32, #tpu.memory_space<hbm>>) target(%dma_start3A_14 : memref<80xi32, #tpu.memory_space<vmem>>) target_semaphore(%dma_start3A_11 : memref<!tpu.dma_semaphore, #tpu.memory_space<semaphore_mem>>)
    %dma_start3A_16 = arith.constant 0 : i32
    %dma_start3A_17 = arith.constant 0 : i32
    %dma_start3A_18 = arith.constant 0 : i32
    %dma_start3A_19 = arith.constant 0 : i32
    %dma_start3A_20 = tpu.memref_slice %arg7[%dma_start3A_16, %dma_start3A_18, %dma_start3A_19] : memref<4x80x128xf32, #tpu.memory_space<vmem>> -> memref<1x80x128xf32, #tpu.memory_space<vmem>>
    %dma_start3A_21 = tpu.memref_squeeze %dma_start3A_20 : memref<1x80x128xf32, #tpu.memory_space<vmem>> -> memref<80x128xf32, #tpu.memory_space<vmem>>
    %dma_start3A_22 = arith.constant 0 : i32
    %dma_start3A_23 = tpu.memref_slice %arg2[%add3A_4, %dma_start3A_22] : memref<320000x128xf32, #tpu.memory_space<hbm>> -> memref<80x128xf32, #tpu.memory_space<hbm>>
    %dma_start3A_24 = tpu.memref_slice %arg13[%dma_start3A_17] : memref<4x!tpu.dma_semaphore, #tpu.memory_space<semaphore_mem>> -> memref<1x!tpu.dma_semaphore, #tpu.memory_space<semaphore_mem>>
    %dma_start3A_25 = tpu.memref_squeeze %dma_start3A_24 : memref<1x!tpu.dma_semaphore, #tpu.memory_space<semaphore_mem>> -> memref<!tpu.dma_semaphore, #tpu.memory_space<semaphore_mem>>
    %dma_start3A_26 = arith.constant 0 : i32
    %dma_start3A_27 = arith.constant 0 : i32
    %dma_start3A_28 = tpu.memref_slice %arg7[%dma_start3A_16, %dma_start3A_26, %dma_start3A_27] : memref<4x80x128xf32, #tpu.memory_space<vmem>> -> memref<1x80x128xf32, #tpu.memory_space<vmem>>
    %dma_start3A_29 = tpu.memref_squeeze %dma_start3A_28 : memref<1x80x128xf32, #tpu.memory_space<vmem>> -> memref<80x128xf32, #tpu.memory_space<vmem>>
    %dma_start3A_30 = arith.constant 0 : i32
    %dma_start3A_31 = tpu.memref_slice %arg2[%add3A_4, %dma_start3A_30] : memref<320000x128xf32, #tpu.memory_space<hbm>> -> memref<80x128xf32, #tpu.memory_space<hbm>>
    tpu.enqueue_dma source(%dma_start3A_31 : memref<80x128xf32, #tpu.memory_space<hbm>>) target(%dma_start3A_29 : memref<80x128xf32, #tpu.memory_space<vmem>>) target_semaphore(%dma_start3A_25 : memref<!tpu.dma_semaphore, #tpu.memory_space<semaphore_mem>>)
    %dma_start3A_32 = arith.constant 0 : i32
    %dma_start3A_33 = arith.constant 0 : i32
    %dma_start3A_34 = arith.constant 0 : i32
    %dma_start3A_35 = arith.constant 0 : i32
    %dma_start3A_36 = tpu.memref_slice %arg8[%dma_start3A_32, %dma_start3A_34, %dma_start3A_35] : memref<4x80x128xf32, #tpu.memory_space<vmem>> -> memref<1x80x128xf32, #tpu.memory_space<vmem>>
    %dma_start3A_37 = tpu.memref_squeeze %dma_start3A_36 : memref<1x80x128xf32, #tpu.memory_space<vmem>> -> memref<80x128xf32, #tpu.memory_space<vmem>>
    %dma_start3A_38 = arith.constant 0 : i32
    %dma_start3A_39 = tpu.memref_slice %arg3[%add3A_4, %dma_start3A_38] : memref<320000x128xf32, #tpu.memory_space<hbm>> -> memref<80x128xf32, #tpu.memory_space<hbm>>
    %dma_start3A_40 = tpu.memref_slice %arg13[%dma_start3A_33] : memref<4x!tpu.dma_semaphore, #tpu.memory_space<semaphore_mem>> -> memref<1x!tpu.dma_semaphore, #tpu.memory_space<semaphore_mem>>
    %dma_start3A_41 = tpu.memref_squeeze %dma_start3A_40 : memref<1x!tpu.dma_semaphore, #tpu.memory_space<semaphore_mem>> -> memref<!tpu.dma_semaphore, #tpu.memory_space<semaphore_mem>>
    %dma_start3A_42 = arith.constant 0 : i32
    %dma_start3A_43 = arith.constant 0 : i32
    %dma_start3A_44 = tpu.memref_slice %arg8[%dma_start3A_32, %dma_start3A_42, %dma_start3A_43] : memref<4x80x128xf32, #tpu.memory_space<vmem>> -> memref<1x80x128xf32, #tpu.memory_space<vmem>>
    %dma_start3A_45 = tpu.memref_squeeze %dma_start3A_44 : memref<1x80x128xf32, #tpu.memory_space<vmem>> -> memref<80x128xf32, #tpu.memory_space<vmem>>
    %dma_start3A_46 = arith.constant 0 : i32
    %dma_start3A_47 = tpu.memref_slice %arg3[%add3A_4, %dma_start3A_46] : memref<320000x128xf32, #tpu.memory_space<hbm>> -> memref<80x128xf32, #tpu.memory_space<hbm>>
    tpu.enqueue_dma source(%dma_start3A_47 : memref<80x128xf32, #tpu.memory_space<hbm>>) target(%dma_start3A_45 : memref<80x128xf32, #tpu.memory_space<vmem>>) target_semaphore(%dma_start3A_41 : memref<!tpu.dma_semaphore, #tpu.memory_space<semaphore_mem>>)
    %add3A_48 = arith.constant 80 : i32
    %add3A_49 = arith.addi %mul3A_2, %add3A_48 : i32
    %dma_start3A_50 = arith.constant 1 : i32
    %dma_start3A_51 = arith.constant 1 : i32
    %dma_start3A_52 = arith.constant 0 : i32
    %dma_start3A_53 = tpu.memref_slice %arg9[%dma_start3A_50, %dma_start3A_52] : memref<4x80xi32, #tpu.memory_space<vmem>> -> memref<1x80xi32, #tpu.memory_space<vmem>>
    %dma_start3A_54 = tpu.memref_squeeze %dma_start3A_53 : memref<1x80xi32, #tpu.memory_space<vmem>> -> memref<80xi32, #tpu.memory_space<vmem>>
    %dma_start3A_55 = tpu.memref_slice %arg4[%add3A_49] : memref<320000xi32, #tpu.memory_space<hbm>> -> memref<80xi32, #tpu.memory_space<hbm>>
    %dma_start3A_56 = tpu.memref_slice %arg13[%dma_start3A_51] : memref<4x!tpu.dma_semaphore, #tpu.memory_space<semaphore_mem>> -> memref<1x!tpu.dma_semaphore, #tpu.memory_space<semaphore_mem>>
    %dma_start3A_57 = tpu.memref_squeeze %dma_start3A_56 : memref<1x!tpu.dma_semaphore, #tpu.memory_space<semaphore_mem>> -> memref<!tpu.dma_semaphore, #tpu.memory_space<semaphore_mem>>
    %dma_start3A_58 = arith.constant 0 : i32
    %dma_start3A_59 = tpu.memref_slice %arg9[%dma_start3A_50, %dma_start3A_58] : memref<4x80xi32, #tpu.memory_space<vmem>> -> memref<1x80xi32, #tpu.memory_space<vmem>>
    %dma_start3A_60 = tpu.memref_squeeze %dma_start3A_59 : memref<1x80xi32, #tpu.memory_space<vmem>> -> memref<80xi32, #tpu.memory_space<vmem>>
    %dma_start3A_61 = tpu.memref_slice %arg4[%add3A_49] : memref<320000xi32, #tpu.memory_space<hbm>> -> memref<80xi32, #tpu.memory_space<hbm>>
    tpu.enqueue_dma source(%dma_start3A_61 : memref<80xi32, #tpu.memory_space<hbm>>) target(%dma_start3A_60 : memref<80xi32, #tpu.memory_space<vmem>>) target_semaphore(%dma_start3A_57 : memref<!tpu.dma_semaphore, #tpu.memory_space<semaphore_mem>>)
    %dma_start3A_62 = arith.constant 1 : i32
    %dma_start3A_63 = arith.constant 1 : i32
    %dma_start3A_64 = arith.constant 0 : i32
    %dma_start3A_65 = arith.constant 0 : i32
    %dma_start3A_66 = tpu.memref_slice %arg7[%dma_start3A_62, %dma_start3A_64, %dma_start3A_65] : memref<4x80x128xf32, #tpu.memory_space<vmem>> -> memref<1x80x128xf32, #tpu.memory_space<vmem>>
    %dma_start3A_67 = tpu.memref_squeeze %dma_start3A_66 : memref<1x80x128xf32, #tpu.memory_space<vmem>> -> memref<80x128xf32, #tpu.memory_space<vmem>>
    %dma_start3A_68 = arith.constant 0 : i32
    %dma_start3A_69 = tpu.memref_slice %arg2[%add3A_49, %dma_start3A_68] : memref<320000x128xf32, #tpu.memory_space<hbm>> -> memref<80x128xf32, #tpu.memory_space<hbm>>
    %dma_start3A_70 = tpu.memref_slice %arg13[%dma_start3A_63] : memref<4x!tpu.dma_semaphore, #tpu.memory_space<semaphore_mem>> -> memref<1x!tpu.dma_semaphore, #tpu.memory_space<semaphore_mem>>
    %dma_start3A_71 = tpu.memref_squeeze %dma_start3A_70 : memref<1x!tpu.dma_semaphore, #tpu.memory_space<semaphore_mem>> -> memref<!tpu.dma_semaphore, #tpu.memory_space<semaphore_mem>>
    %dma_start3A_72 = arith.constant 0 : i32
    %dma_start3A_73 = arith.constant 0 : i32
    %dma_start3A_74 = tpu.memref_slice %arg7[%dma_start3A_62, %dma_start3A_72, %dma_start3A_73] : memref<4x80x128xf32, #tpu.memory_space<vmem>> -> memref<1x80x128xf32, #tpu.memory_space<vmem>>
    %dma_start3A_75 = tpu.memref_squeeze %dma_start3A_74 : memref<1x80x128xf32, #tpu.memory_space<vmem>> -> memref<80x128xf32, #tpu.memory_space<vmem>>
    %dma_start3A_76 = arith.constant 0 : i32
    %dma_start3A_77 = tpu.memref_slice %arg2[%add3A_49, %dma_start3A_76] : memref<320000x128xf32, #tpu.memory_space<hbm>> -> memref<80x128xf32, #tpu.memory_space<hbm>>
    tpu.enqueue_dma source(%dma_start3A_77 : memref<80x128xf32, #tpu.memory_space<hbm>>) target(%dma_start3A_75 : memref<80x128xf32, #tpu.memory_space<vmem>>) target_semaphore(%dma_start3A_71 : memref<!tpu.dma_semaphore, #tpu.memory_space<semaphore_mem>>)
    %dma_start3A_78 = arith.constant 1 : i32
    %dma_start3A_79 = arith.constant 1 : i32
    %dma_start3A_80 = arith.constant 0 : i32
    %dma_start3A_81 = arith.constant 0 : i32
    %dma_start3A_82 = tpu.memref_slice %arg8[%dma_start3A_78, %dma_start3A_80, %dma_start3A_81] : memref<4x80x128xf32, #tpu.memory_space<vmem>> -> memref<1x80x128xf32, #tpu.memory_space<vmem>>
    %dma_start3A_83 = tpu.memref_squeeze %dma_start3A_82 : memref<1x80x128xf32, #tpu.memory_space<vmem>> -> memref<80x128xf32, #tpu.memory_space<vmem>>
    %dma_start3A_84 = arith.constant 0 : i32
    %dma_start3A_85 = tpu.memref_slice %arg3[%add3A_49, %dma_start3A_84] : memref<320000x128xf32, #tpu.memory_space<hbm>> -> memref<80x128xf32, #tpu.memory_space<hbm>>
    %dma_start3A_86 = tpu.memref_slice %arg13[%dma_start3A_79] : memref<4x!tpu.dma_semaphore, #tpu.memory_space<semaphore_mem>> -> memref<1x!tpu.dma_semaphore, #tpu.memory_space<semaphore_mem>>
    %dma_start3A_87 = tpu.memref_squeeze %dma_start3A_86 : memref<1x!tpu.dma_semaphore, #tpu.memory_space<semaphore_mem>> -> memref<!tpu.dma_semaphore, #tpu.memory_space<semaphore_mem>>
    %dma_start3A_88 = arith.constant 0 : i32
    %dma_start3A_89 = arith.constant 0 : i32
    %dma_start3A_90 = tpu.memref_slice %arg8[%dma_start3A_78, %dma_start3A_88, %dma_start3A_89] : memref<4x80x128xf32, #tpu.memory_space<vmem>> -> memref<1x80x128xf32, #tpu.memory_space<vmem>>
    %dma_start3A_91 = tpu.memref_squeeze %dma_start3A_90 : memref<1x80x128xf32, #tpu.memory_space<vmem>> -> memref<80x128xf32, #tpu.memory_space<vmem>>
    %dma_start3A_92 = arith.constant 0 : i32
    %dma_start3A_93 = tpu.memref_slice %arg3[%add3A_49, %dma_start3A_92] : memref<320000x128xf32, #tpu.memory_space<hbm>> -> memref<80x128xf32, #tpu.memory_space<hbm>>
    tpu.enqueue_dma source(%dma_start3A_93 : memref<80x128xf32, #tpu.memory_space<hbm>>) target(%dma_start3A_91 : memref<80x128xf32, #tpu.memory_space<vmem>>) target_semaphore(%dma_start3A_87 : memref<!tpu.dma_semaphore, #tpu.memory_space<semaphore_mem>>)
    %broadcast_in_dim3A = arith.constant 0.000000e+00 : f32
    %broadcast_in_dim3A_94 = vector.broadcast %broadcast_in_dim3A : f32 to vector<16xf32>
    %iota3A = tpu.iota {dimensions = array<i32: 0>} : vector<16xi32>
    %broadcast_in_dim3A_95 = arith.constant 10000 : i32
    %broadcast_in_dim3A_96 = vector.broadcast %broadcast_in_dim3A_95 : i32 to vector<16xi32>
    %sub3A = arith.constant 1 : i32
    %sub3A_97 = vector.broadcast %sub3A : i32 to vector<16xi32>
    %sub3A_98 = arith.subi %iota3A, %sub3A_97 : vector<16xi32>
    %max3A = arith.constant 0 : i32
    %max3A_99 = vector.broadcast %max3A : i32 to vector<16xi32>
    %max3A_100 = arith.maxsi %sub3A_98, %max3A_99 : vector<16xi32>
    %scan3A = arith.constant 0 : i32
    %scan3A_101 = arith.constant 256 : i32
    %scan3A_102 = arith.addi %scan3A, %scan3A_101 : i32
    %scan3A_103 = arith.constant 1 : i32
    scf.for %scan3A_239 = %scan3A to %scan3A_102 step %scan3A_103  : i32 {
      %jit3A = arith.constant 8 : i32
      %div3A = arith.divsi %scan3A_239, %jit3A : i32
      %sign3A = arith.constant 0 : i32
      %sign3A_240 = arith.cmpi sgt, %scan3A_239, %sign3A : i32
      %sign3A_241 = arith.extui %sign3A_240 : i1 to i32
      %sign3A_242 = arith.constant 0 : i32
      %sign3A_243 = arith.cmpi slt, %scan3A_239, %sign3A_242 : i32
      %sign3A_244 = arith.extui %sign3A_243 : i1 to i32
      %sign3A_245 = arith.subi %sign3A_241, %sign3A_244 : i32
      %sign3A_246 = arith.constant 0 : i32
      %sign3A_247 = arith.cmpi sgt, %jit3A, %sign3A_246 : i32
      %sign3A_248 = arith.extui %sign3A_247 : i1 to i32
      %sign3A_249 = arith.constant 0 : i32
      %sign3A_250 = arith.cmpi slt, %jit3A, %sign3A_249 : i32
      %sign3A_251 = arith.extui %sign3A_250 : i1 to i32
      %sign3A_252 = arith.subi %sign3A_248, %sign3A_251 : i32
      %ne3A = arith.cmpi ne, %sign3A_245, %sign3A_252 : i32
      %rem3A = arith.remsi %scan3A_239, %jit3A : i32
      %ne3A_253 = arith.constant 0 : i32
      %ne3A_254 = arith.cmpi ne, %rem3A, %ne3A_253 : i32
      %and3A = arith.andi %ne3A, %ne3A_254 : i1
      %sub3A_255 = arith.constant 1 : i32
      %sub3A_256 = arith.subi %div3A, %sub3A_255 : i32
      %select_n3A = arith.select %and3A, %sub3A_256, %div3A : i32
      %jit3A_257 = arith.constant 8 : i32
      %eq3A = arith.constant 0 : i32
      %eq3A_258 = arith.cmpi eq, %jit3A_257, %eq3A : i32
      %jit3A_259 = arith.constant 1 : i32
      %select_n3A_260 = arith.select %eq3A_258, %jit3A_259, %jit3A_257 : i32
      %rem3A_261 = arith.remsi %scan3A_239, %select_n3A_260 : i32
      %ne3A_262 = arith.constant 0 : i32
      %ne3A_263 = arith.cmpi ne, %rem3A_261, %ne3A_262 : i32
      %lt3A = arith.constant 0 : i32
      %lt3A_264 = arith.cmpi slt, %rem3A_261, %lt3A : i32
      %lt3A_265 = arith.constant 0 : i32
      %lt3A_266 = arith.cmpi slt, %select_n3A_260, %lt3A_265 : i32
      %ne3A_267 = arith.xori %lt3A_264, %lt3A_266 : i1
      %and3A_268 = arith.andi %ne3A_267, %ne3A_263 : i1
      %add3A_269 = arith.addi %rem3A_261, %select_n3A_260 : i32
      %select_n3A_270 = arith.select %and3A_268, %add3A_269, %rem3A_261 : i32
      %mul3A_271 = arith.constant 16 : i32
      %mul3A_272 = arith.muli %select_n3A_270, %mul3A_271 : i32
      %swap3A = arith.index_cast %select_n3A : i32 to index
      %swap3A_273 = arith.index_cast %mul3A_272 : i32 to index
      %swap3A_274 = tpu.vector_load %arg11[%swap3A, %swap3A_273] {strides = array<i32>} : memref<32x128xf32, #tpu.memory_space<vmem>>, vector<16xf32>,
      tpu.vector_store %arg11[%swap3A, %swap3A_273], %broadcast_in_dim3A_94 {strides = array<i32>} : memref<32x128xf32, #tpu.memory_space<vmem>>, vector<16xf32>,
    }
    %scan3A_104 = arith.constant 256 : i32
    %scan3A_105 = arith.constant 0 : i32
    %scan3A_106 = arith.constant 32 : i32
    %scan3A_107 = arith.addi %scan3A_105, %scan3A_106 : i32
    %scan3A_108 = arith.constant 1 : i32
    scf.for %scan3A_239 = %scan3A_105 to %scan3A_107 step %scan3A_108  : i32 {
      %mul3A_240 = arith.constant 16 : i32
      %mul3A_241 = arith.muli %scan3A_239, %mul3A_240 : i32
      %swap3A = arith.index_cast %mul3A_241 : i32 to index
      %swap3A_242 = tpu.vector_load %arg10[%swap3A] {strides = array<i32>} : memref<512xi32, #tpu.memory_space<vmem>>, vector<16xi32>,
      tpu.vector_store %arg10[%swap3A], %broadcast_in_dim3A_96 {strides = array<i32>} : memref<512xi32, #tpu.memory_space<vmem>>, vector<16xi32>,
    }
    %scan3A_109 = arith.constant 32 : i32
    %mul3A_110 = arith.constant 32 : i32
    %mul3A_111 = arith.muli %arg1, %mul3A_110 : i32
    "tpu.region"() ({
      %run_scoped3A_239 = tpu.sem_alloc : memref<!tpu.dma_semaphore, #tpu.memory_space<semaphore_mem>>
      %dma_start3A_240 = arith.constant 0 : i32
      %dma_start3A_241 = tpu.memref_slice %arg12[%mul3A_111, %dma_start3A_240] : memref<512x128xf32, #tpu.memory_space<vmem_shared>> -> memref<32x128xf32, #tpu.memory_space<vmem_shared>>
      %dma_start3A_242 = arith.constant 0 : i32
      %dma_start3A_243 = tpu.memref_slice %arg12[%mul3A_111, %dma_start3A_242] : memref<512x128xf32, #tpu.memory_space<vmem_shared>> -> memref<32x128xf32, #tpu.memory_space<vmem_shared>>
      tpu.enqueue_dma source(%arg11 : memref<32x128xf32, #tpu.memory_space<vmem>>) target(%dma_start3A_243 : memref<32x128xf32, #tpu.memory_space<vmem_shared>>) target_semaphore(%run_scoped3A_239 : memref<!tpu.dma_semaphore, #tpu.memory_space<semaphore_mem>>)
      %dma_wait3A_244 = arith.constant 0 : i32
      %dma_wait3A_245 = tpu.memref_slice %arg12[%mul3A_111, %dma_wait3A_244] : memref<512x128xf32, #tpu.memory_space<vmem_shared>> -> memref<32x128xf32, #tpu.memory_space<vmem_shared>>
      %dma_wait3A_246 = arith.constant 0 : i32
      %dma_wait3A_247 = tpu.memref_slice %arg12[%mul3A_111, %dma_wait3A_246] : memref<512x128xf32, #tpu.memory_space<vmem_shared>> -> memref<32x128xf32, #tpu.memory_space<vmem_shared>>
      tpu.wait_dma2 semaphore(%run_scoped3A_239 : memref<!tpu.dma_semaphore, #tpu.memory_space<semaphore_mem>>) src(%arg11 : memref<32x128xf32, #tpu.memory_space<vmem>>) dst(%dma_wait3A_247 : memref<32x128xf32, #tpu.memory_space<vmem_shared>>)
      tpu.yield
    }) : () -> ()
    %barrier3A = arith.constant 0 : index
    tpu.barrier barrier_id(%barrier3A)
    %scan3A_112 = arith.constant -1 : i32
    %scan3A_113 = arith.constant 0 : i32
    %scan3A_114 = arith.constant 31 : i32
    %scan3A_115 = arith.addi %scan3A_113, %scan3A_114 : i32
    %scan3A_116 = arith.constant 1 : i32
    %scan3A_117 = scf.for %scan3A_239 = %scan3A_113 to %scan3A_115 step %scan3A_116 iter_args(%scan3A_240 = %scan3A_112) -> (i32)  : i32 {
      %mul3A_241 = arith.constant 4 : i32
      %mul3A_242 = arith.muli %scan3A_239, %mul3A_241 : i32
      %add3A_243 = arith.constant 0 : i32
      %add3A_244 = arith.addi %mul3A_242, %add3A_243 : i32
      %mul3A_245 = arith.constant 80 : i32
      %mul3A_246 = arith.muli %add3A_244, %mul3A_245 : i32
      %add3A_247 = arith.addi %mul3A_2, %mul3A_246 : i32
      %dma_wait3A_248 = arith.constant 0 : i32
      %dma_wait3A_249 = arith.constant 0 : i32
      %dma_wait3A_250 = arith.constant 0 : i32
      %dma_wait3A_251 = tpu.memref_slice %arg9[%dma_wait3A_248, %dma_wait3A_250] : memref<4x80xi32, #tpu.memory_space<vmem>> -> memref<1x80xi32, #tpu.memory_space<vmem>>
      %dma_wait3A_252 = tpu.memref_squeeze %dma_wait3A_251 : memref<1x80xi32, #tpu.memory_space<vmem>> -> memref<80xi32, #tpu.memory_space<vmem>>
      %dma_wait3A_253 = tpu.memref_slice %arg4[%add3A_247] : memref<320000xi32, #tpu.memory_space<hbm>> -> memref<80xi32, #tpu.memory_space<hbm>>
      %dma_wait3A_254 = tpu.memref_slice %arg13[%dma_wait3A_249] : memref<4x!tpu.dma_semaphore, #tpu.memory_space<semaphore_mem>> -> memref<1x!tpu.dma_semaphore, #tpu.memory_space<semaphore_mem>>
      %dma_wait3A_255 = tpu.memref_squeeze %dma_wait3A_254 : memref<1x!tpu.dma_semaphore, #tpu.memory_space<semaphore_mem>> -> memref<!tpu.dma_semaphore, #tpu.memory_space<semaphore_mem>>
      %dma_wait3A_256 = arith.constant 0 : i32
      %dma_wait3A_257 = tpu.memref_slice %arg9[%dma_wait3A_248, %dma_wait3A_256] : memref<4x80xi32, #tpu.memory_space<vmem>> -> memref<1x80xi32, #tpu.memory_space<vmem>>
      %dma_wait3A_258 = tpu.memref_squeeze %dma_wait3A_257 : memref<1x80xi32, #tpu.memory_space<vmem>> -> memref<80xi32, #tpu.memory_space<vmem>>
      %dma_wait3A_259 = tpu.memref_slice %arg4[%add3A_247] : memref<320000xi32, #tpu.memory_space<hbm>> -> memref<80xi32, #tpu.memory_space<hbm>>
      tpu.wait_dma2 semaphore(%dma_wait3A_255 : memref<!tpu.dma_semaphore, #tpu.memory_space<semaphore_mem>>) src(%dma_wait3A_259 : memref<80xi32, #tpu.memory_space<hbm>>) dst(%dma_wait3A_258 : memref<80xi32, #tpu.memory_space<vmem>>)
      %dma_wait3A_260 = arith.constant 0 : i32
      %dma_wait3A_261 = arith.constant 0 : i32
      %dma_wait3A_262 = arith.constant 0 : i32
      %dma_wait3A_263 = arith.constant 0 : i32
      %dma_wait3A_264 = tpu.memref_slice %arg7[%dma_wait3A_260, %dma_wait3A_262, %dma_wait3A_263] : memref<4x80x128xf32, #tpu.memory_space<vmem>> -> memref<1x80x128xf32, #tpu.memory_space<vmem>>
      %dma_wait3A_265 = tpu.memref_squeeze %dma_wait3A_264 : memref<1x80x128xf32, #tpu.memory_space<vmem>> -> memref<80x128xf32, #tpu.memory_space<vmem>>
      %dma_wait3A_266 = arith.constant 0 : i32
      %dma_wait3A_267 = tpu.memref_slice %arg2[%add3A_247, %dma_wait3A_266] : memref<320000x128xf32, #tpu.memory_space<hbm>> -> memref<80x128xf32, #tpu.memory_space<hbm>>
      %dma_wait3A_268 = tpu.memref_slice %arg13[%dma_wait3A_261] : memref<4x!tpu.dma_semaphore, #tpu.memory_space<semaphore_mem>> -> memref<1x!tpu.dma_semaphore, #tpu.memory_space<semaphore_mem>>
      %dma_wait3A_269 = tpu.memref_squeeze %dma_wait3A_268 : memref<1x!tpu.dma_semaphore, #tpu.memory_space<semaphore_mem>> -> memref<!tpu.dma_semaphore, #tpu.memory_space<semaphore_mem>>
      %dma_wait3A_270 = arith.constant 0 : i32
      %dma_wait3A_271 = arith.constant 0 : i32
      %dma_wait3A_272 = tpu.memref_slice %arg7[%dma_wait3A_260, %dma_wait3A_270, %dma_wait3A_271] : memref<4x80x128xf32, #tpu.memory_space<vmem>> -> memref<1x80x128xf32, #tpu.memory_space<vmem>>
      %dma_wait3A_273 = tpu.memref_squeeze %dma_wait3A_272 : memref<1x80x128xf32, #tpu.memory_space<vmem>> -> memref<80x128xf32, #tpu.memory_space<vmem>>
      %dma_wait3A_274 = arith.constant 0 : i32
      %dma_wait3A_275 = tpu.memref_slice %arg2[%add3A_247, %dma_wait3A_274] : memref<320000x128xf32, #tpu.memory_space<hbm>> -> memref<80x128xf32, #tpu.memory_space<hbm>>
      tpu.wait_dma2 semaphore(%dma_wait3A_269 : memref<!tpu.dma_semaphore, #tpu.memory_space<semaphore_mem>>) src(%dma_wait3A_275 : memref<80x128xf32, #tpu.memory_space<hbm>>) dst(%dma_wait3A_273 : memref<80x128xf32, #tpu.memory_space<vmem>>)
      %dma_wait3A_276 = arith.constant 0 : i32
      %dma_wait3A_277 = arith.constant 0 : i32
      %dma_wait3A_278 = arith.constant 0 : i32
      %dma_wait3A_279 = arith.constant 0 : i32
      %dma_wait3A_280 = tpu.memref_slice %arg8[%dma_wait3A_276, %dma_wait3A_278, %dma_wait3A_279] : memref<4x80x128xf32, #tpu.memory_space<vmem>> -> memref<1x80x128xf32, #tpu.memory_space<vmem>>
      %dma_wait3A_281 = tpu.memref_squeeze %dma_wait3A_280 : memref<1x80x128xf32, #tpu.memory_space<vmem>> -> memref<80x128xf32, #tpu.memory_space<vmem>>
      %dma_wait3A_282 = arith.constant 0 : i32
      %dma_wait3A_283 = tpu.memref_slice %arg3[%add3A_247, %dma_wait3A_282] : memref<320000x128xf32, #tpu.memory_space<hbm>> -> memref<80x128xf32, #tpu.memory_space<hbm>>
      %dma_wait3A_284 = tpu.memref_slice %arg13[%dma_wait3A_277] : memref<4x!tpu.dma_semaphore, #tpu.memory_space<semaphore_mem>> -> memref<1x!tpu.dma_semaphore, #tpu.memory_space<semaphore_mem>>
      %dma_wait3A_285 = tpu.memref_squeeze %dma_wait3A_284 : memref<1x!tpu.dma_semaphore, #tpu.memory_space<semaphore_mem>> -> memref<!tpu.dma_semaphore, #tpu.memory_space<semaphore_mem>>
      %dma_wait3A_286 = arith.constant 0 : i32
      %dma_wait3A_287 = arith.constant 0 : i32
      %dma_wait3A_288 = tpu.memref_slice %arg8[%dma_wait3A_276, %dma_wait3A_286, %dma_wait3A_287] : memref<4x80x128xf32, #tpu.memory_space<vmem>> -> memref<1x80x128xf32, #tpu.memory_space<vmem>>
      %dma_wait3A_289 = tpu.memref_squeeze %dma_wait3A_288 : memref<1x80x128xf32, #tpu.memory_space<vmem>> -> memref<80x128xf32, #tpu.memory_space<vmem>>
      %dma_wait3A_290 = arith.constant 0 : i32
      %dma_wait3A_291 = tpu.memref_slice %arg3[%add3A_247, %dma_wait3A_290] : memref<320000x128xf32, #tpu.memory_space<hbm>> -> memref<80x128xf32, #tpu.memory_space<hbm>>
      tpu.wait_dma2 semaphore(%dma_wait3A_285 : memref<!tpu.dma_semaphore, #tpu.memory_space<semaphore_mem>>) src(%dma_wait3A_291 : memref<80x128xf32, #tpu.memory_space<hbm>>) dst(%dma_wait3A_289 : memref<80x128xf32, #tpu.memory_space<vmem>>)
      %scan3A_292 = arith.constant 0 : i32
      %scan3A_293 = arith.constant 40 : i32
      %scan3A_294 = arith.addi %scan3A_292, %scan3A_293 : i32
      %scan3A_295 = arith.constant 1 : i32
      scf.for %scan3A_613 = %scan3A_292 to %scan3A_294 step %scan3A_295  : i32 {
        %mul3A_614 = arith.constant 2 : i32
        %mul3A_615 = arith.muli %scan3A_613, %mul3A_614 : i32
        %add3A_616 = arith.constant 0 : i32
        %add3A_617 = arith.addi %mul3A_615, %add3A_616 : i32
        %get3A_618 = arith.constant 0 : i32
        %get3A_619 = arith.index_cast %get3A_618 : i32 to index
        %get3A_620 = arith.index_cast %add3A_617 : i32 to index
        %get3A_621 = arith.constant 0 : index
        %get3A_622 = tpu.vector_load %arg7[%get3A_619, %get3A_620, %get3A_621] {strides = array<i32>} : memref<4x80x128xf32, #tpu.memory_space<vmem>>, vector<16xf32>,
        %add3A_623 = arith.constant 0 : i32
        %add3A_624 = arith.addi %mul3A_615, %add3A_623 : i32
        %get3A_625 = arith.constant 0 : i32
        %get3A_626 = arith.index_cast %get3A_625 : i32 to index
        %get3A_627 = arith.index_cast %add3A_624 : i32 to index
        %get3A_628 = arith.constant 0 : index
        %get3A_629 = tpu.vector_load %arg8[%get3A_626, %get3A_627, %get3A_628] {strides = array<i32>} : memref<4x80x128xf32, #tpu.memory_space<vmem>>, vector<16xf32>,
        %sub3A_630 = arith.subf %get3A_622, %get3A_629 : vector<16xf32>
        %add3A_631 = arith.constant 0 : i32
        %add3A_632 = arith.addi %mul3A_615, %add3A_631 : i32
        %swap3A = arith.constant 0 : i32
        %swap3A_633 = arith.index_cast %swap3A : i32 to index
        %swap3A_634 = arith.index_cast %add3A_632 : i32 to index
        %swap3A_635 = arith.constant 0 : index
        %swap3A_636 = tpu.vector_load %arg7[%swap3A_633, %swap3A_634, %swap3A_635] {strides = array<i32>} : memref<4x80x128xf32, #tpu.memory_space<vmem>>, vector<16xf32>,
        tpu.vector_store %arg7[%swap3A_633, %swap3A_634, %swap3A_635], %sub3A_630 {strides = array<i32>} : memref<4x80x128xf32, #tpu.memory_space<vmem>>, vector<16xf32>,
        %add3A_637 = arith.constant 0 : i32
        %add3A_638 = arith.addi %mul3A_615, %add3A_637 : i32
        %get3A_639 = arith.constant 0 : i32
        %get3A_640 = arith.index_cast %get3A_639 : i32 to index
        %get3A_641 = arith.index_cast %add3A_638 : i32 to index
        %get3A_642 = arith.constant 16 : index
        %get3A_643 = tpu.vector_load %arg7[%get3A_640, %get3A_641, %get3A_642] {strides = array<i32>} : memref<4x80x128xf32, #tpu.memory_space<vmem>>, vector<16xf32>,
        %add3A_644 = arith.constant 0 : i32
        %add3A_645 = arith.addi %mul3A_615, %add3A_644 : i32
        %get3A_646 = arith.constant 0 : i32
        %get3A_647 = arith.index_cast %get3A_646 : i32 to index
        %get3A_648 = arith.index_cast %add3A_645 : i32 to index
        %get3A_649 = arith.constant 16 : index
        %get3A_650 = tpu.vector_load %arg8[%get3A_647, %get3A_648, %get3A_649] {strides = array<i32>} : memref<4x80x128xf32, #tpu.memory_space<vmem>>, vector<16xf32>,
        %sub3A_651 = arith.subf %get3A_643, %get3A_650 : vector<16xf32>
        %add3A_652 = arith.constant 0 : i32
        %add3A_653 = arith.addi %mul3A_615, %add3A_652 : i32
        %swap3A_654 = arith.constant 0 : i32
        %swap3A_655 = arith.index_cast %swap3A_654 : i32 to index
        %swap3A_656 = arith.index_cast %add3A_653 : i32 to index
        %swap3A_657 = arith.constant 16 : index
        %swap3A_658 = tpu.vector_load %arg7[%swap3A_655, %swap3A_656, %swap3A_657] {strides = array<i32>} : memref<4x80x128xf32, #tpu.memory_space<vmem>>, vector<16xf32>,
        tpu.vector_store %arg7[%swap3A_655, %swap3A_656, %swap3A_657], %sub3A_651 {strides = array<i32>} : memref<4x80x128xf32, #tpu.memory_space<vmem>>, vector<16xf32>,
        %add3A_659 = arith.constant 0 : i32
        %add3A_660 = arith.addi %mul3A_615, %add3A_659 : i32
        %get3A_661 = arith.constant 0 : i32
        %get3A_662 = arith.index_cast %get3A_661 : i32 to index
        %get3A_663 = arith.index_cast %add3A_660 : i32 to index
        %get3A_664 = arith.constant 32 : index
        %get3A_665 = tpu.vector_load %arg7[%get3A_662, %get3A_663, %get3A_664] {strides = array<i32>} : memref<4x80x128xf32, #tpu.memory_space<vmem>>, vector<16xf32>,
        %add3A_666 = arith.constant 0 : i32
        %add3A_667 = arith.addi %mul3A_615, %add3A_666 : i32
        %get3A_668 = arith.constant 0 : i32
        %get3A_669 = arith.index_cast %get3A_668 : i32 to index
        %get3A_670 = arith.index_cast %add3A_667 : i32 to index
        %get3A_671 = arith.constant 32 : index
        %get3A_672 = tpu.vector_load %arg8[%get3A_669, %get3A_670, %get3A_671] {strides = array<i32>} : memref<4x80x128xf32, #tpu.memory_space<vmem>>, vector<16xf32>,
        %sub3A_673 = arith.subf %get3A_665, %get3A_672 : vector<16xf32>
        %add3A_674 = arith.constant 0 : i32
        %add3A_675 = arith.addi %mul3A_615, %add3A_674 : i32
        %swap3A_676 = arith.constant 0 : i32
        %swap3A_677 = arith.index_cast %swap3A_676 : i32 to index
        %swap3A_678 = arith.index_cast %add3A_675 : i32 to index
        %swap3A_679 = arith.constant 32 : index
        %swap3A_680 = tpu.vector_load %arg7[%swap3A_677, %swap3A_678, %swap3A_679] {strides = array<i32>} : memref<4x80x128xf32, #tpu.memory_space<vmem>>, vector<16xf32>,
        tpu.vector_store %arg7[%swap3A_677, %swap3A_678, %swap3A_679], %sub3A_673 {strides = array<i32>} : memref<4x80x128xf32, #tpu.memory_space<vmem>>, vector<16xf32>,
        %add3A_681 = arith.constant 0 : i32
        %add3A_682 = arith.addi %mul3A_615, %add3A_681 : i32
        %get3A_683 = arith.constant 0 : i32
        %get3A_684 = arith.index_cast %get3A_683 : i32 to index
        %get3A_685 = arith.index_cast %add3A_682 : i32 to index
        %get3A_686 = arith.constant 48 : index
        %get3A_687 = tpu.vector_load %arg7[%get3A_684, %get3A_685, %get3A_686] {strides = array<i32>} : memref<4x80x128xf32, #tpu.memory_space<vmem>>, vector<16xf32>,
        %add3A_688 = arith.constant 0 : i32
        %add3A_689 = arith.addi %mul3A_615, %add3A_688 : i32
        %get3A_690 = arith.constant 0 : i32
        %get3A_691 = arith.index_cast %get3A_690 : i32 to index
        %get3A_692 = arith.index_cast %add3A_689 : i32 to index
        %get3A_693 = arith.constant 48 : index
        %get3A_694 = tpu.vector_load %arg8[%get3A_691, %get3A_692, %get3A_693] {strides = array<i32>} : memref<4x80x128xf32, #tpu.memory_space<vmem>>, vector<16xf32>,
        %sub3A_695 = arith.subf %get3A_687, %get3A_694 : vector<16xf32>
        %add3A_696 = arith.constant 0 : i32
        %add3A_697 = arith.addi %mul3A_615, %add3A_696 : i32
        %swap3A_698 = arith.constant 0 : i32
        %swap3A_699 = arith.index_cast %swap3A_698 : i32 to index
        %swap3A_700 = arith.index_cast %add3A_697 : i32 to index
        %swap3A_701 = arith.constant 48 : index
        %swap3A_702 = tpu.vector_load %arg7[%swap3A_699, %swap3A_700, %swap3A_701] {strides = array<i32>} : memref<4x80x128xf32, #tpu.memory_space<vmem>>, vector<16xf32>,
        tpu.vector_store %arg7[%swap3A_699, %swap3A_700, %swap3A_701], %sub3A_695 {strides = array<i32>} : memref<4x80x128xf32, #tpu.memory_space<vmem>>, vector<16xf32>,
        %add3A_703 = arith.constant 0 : i32
        %add3A_704 = arith.addi %mul3A_615, %add3A_703 : i32
        %get3A_705 = arith.constant 0 : i32
        %get3A_706 = arith.index_cast %get3A_705 : i32 to index
        %get3A_707 = arith.index_cast %add3A_704 : i32 to index
        %get3A_708 = arith.constant 64 : index
        %get3A_709 = tpu.vector_load %arg7[%get3A_706, %get3A_707, %get3A_708] {strides = array<i32>} : memref<4x80x128xf32, #tpu.memory_space<vmem>>, vector<16xf32>,
        %add3A_710 = arith.constant 0 : i32
        %add3A_711 = arith.addi %mul3A_615, %add3A_710 : i32
        %get3A_712 = arith.constant 0 : i32
        %get3A_713 = arith.index_cast %get3A_712 : i32 to index
        %get3A_714 = arith.index_cast %add3A_711 : i32 to index
        %get3A_715 = arith.constant 64 : index
        %get3A_716 = tpu.vector_load %arg8[%get3A_713, %get3A_714, %get3A_715] {strides = array<i32>} : memref<4x80x128xf32, #tpu.memory_space<vmem>>, vector<16xf32>,
        %sub3A_717 = arith.subf %get3A_709, %get3A_716 : vector<16xf32>
        %add3A_718 = arith.constant 0 : i32
        %add3A_719 = arith.addi %mul3A_615, %add3A_718 : i32
        %swap3A_720 = arith.constant 0 : i32
        %swap3A_721 = arith.index_cast %swap3A_720 : i32 to index
        %swap3A_722 = arith.index_cast %add3A_719 : i32 to index
        %swap3A_723 = arith.constant 64 : index
        %swap3A_724 = tpu.vector_load %arg7[%swap3A_721, %swap3A_722, %swap3A_723] {strides = array<i32>} : memref<4x80x128xf32, #tpu.memory_space<vmem>>, vector<16xf32>,
        tpu.vector_store %arg7[%swap3A_721, %swap3A_722, %swap3A_723], %sub3A_717 {strides = array<i32>} : memref<4x80x128xf32, #tpu.memory_space<vmem>>, vector<16xf32>,
        %add3A_725 = arith.constant 0 : i32
        %add3A_726 = arith.addi %mul3A_615, %add3A_725 : i32
        %get3A_727 = arith.constant 0 : i32
        %get3A_728 = arith.index_cast %get3A_727 : i32 to index
        %get3A_729 = arith.index_cast %add3A_726 : i32 to index
        %get3A_730 = arith.constant 80 : index
        %get3A_731 = tpu.vector_load %arg7[%get3A_728, %get3A_729, %get3A_730] {strides = array<i32>} : memref<4x80x128xf32, #tpu.memory_space<vmem>>, vector<16xf32>,
        %add3A_732 = arith.constant 0 : i32
        %add3A_733 = arith.addi %mul3A_615, %add3A_732 : i32
        %get3A_734 = arith.constant 0 : i32
        %get3A_735 = arith.index_cast %get3A_734 : i32 to index
        %get3A_736 = arith.index_cast %add3A_733 : i32 to index
        %get3A_737 = arith.constant 80 : index
        %get3A_738 = tpu.vector_load %arg8[%get3A_735, %get3A_736, %get3A_737] {strides = array<i32>} : memref<4x80x128xf32, #tpu.memory_space<vmem>>, vector<16xf32>,
        %sub3A_739 = arith.subf %get3A_731, %get3A_738 : vector<16xf32>
        %add3A_740 = arith.constant 0 : i32
        %add3A_741 = arith.addi %mul3A_615, %add3A_740 : i32
        %swap3A_742 = arith.constant 0 : i32
        %swap3A_743 = arith.index_cast %swap3A_742 : i32 to index
        %swap3A_744 = arith.index_cast %add3A_741 : i32 to index
        %swap3A_745 = arith.constant 80 : index
        %swap3A_746 = tpu.vector_load %arg7[%swap3A_743, %swap3A_744, %swap3A_745] {strides = array<i32>} : memref<4x80x128xf32, #tpu.memory_space<vmem>>, vector<16xf32>,
        tpu.vector_store %arg7[%swap3A_743, %swap3A_744, %swap3A_745], %sub3A_739 {strides = array<i32>} : memref<4x80x128xf32, #tpu.memory_space<vmem>>, vector<16xf32>,
        %add3A_747 = arith.constant 0 : i32
        %add3A_748 = arith.addi %mul3A_615, %add3A_747 : i32
        %get3A_749 = arith.constant 0 : i32
        %get3A_750 = arith.index_cast %get3A_749 : i32 to index
        %get3A_751 = arith.index_cast %add3A_748 : i32 to index
        %get3A_752 = arith.constant 96 : index
        %get3A_753 = tpu.vector_load %arg7[%get3A_750, %get3A_751, %get3A_752] {strides = array<i32>} : memref<4x80x128xf32, #tpu.memory_space<vmem>>, vector<16xf32>,
        %add3A_754 = arith.constant 0 : i32
        %add3A_755 = arith.addi %mul3A_615, %add3A_754 : i32
        %get3A_756 = arith.constant 0 : i32
        %get3A_757 = arith.index_cast %get3A_756 : i32 to index
        %get3A_758 = arith.index_cast %add3A_755 : i32 to index
        %get3A_759 = arith.constant 96 : index
        %get3A_760 = tpu.vector_load %arg8[%get3A_757, %get3A_758, %get3A_759] {strides = array<i32>} : memref<4x80x128xf32, #tpu.memory_space<vmem>>, vector<16xf32>,
        %sub3A_761 = arith.subf %get3A_753, %get3A_760 : vector<16xf32>
        %add3A_762 = arith.constant 0 : i32
        %add3A_763 = arith.addi %mul3A_615, %add3A_762 : i32
        %swap3A_764 = arith.constant 0 : i32
        %swap3A_765 = arith.index_cast %swap3A_764 : i32 to index
        %swap3A_766 = arith.index_cast %add3A_763 : i32 to index
        %swap3A_767 = arith.constant 96 : index
        %swap3A_768 = tpu.vector_load %arg7[%swap3A_765, %swap3A_766, %swap3A_767] {strides = array<i32>} : memref<4x80x128xf32, #tpu.memory_space<vmem>>, vector<16xf32>,
        tpu.vector_store %arg7[%swap3A_765, %swap3A_766, %swap3A_767], %sub3A_761 {strides = array<i32>} : memref<4x80x128xf32, #tpu.memory_space<vmem>>, vector<16xf32>,
        %add3A_769 = arith.constant 0 : i32
        %add3A_770 = arith.addi %mul3A_615, %add3A_769 : i32
        %get3A_771 = arith.constant 0 : i32
        %get3A_772 = arith.index_cast %get3A_771 : i32 to index
        %get3A_773 = arith.index_cast %add3A_770 : i32 to index
        %get3A_774 = arith.constant 112 : index
        %get3A_775 = tpu.vector_load %arg7[%get3A_772, %get3A_773, %get3A_774] {strides = array<i32>} : memref<4x80x128xf32, #tpu.memory_space<vmem>>, vector<16xf32>,
        %add3A_776 = arith.constant 0 : i32
        %add3A_777 = arith.addi %mul3A_615, %add3A_776 : i32
        %get3A_778 = arith.constant 0 : i32
        %get3A_779 = arith.index_cast %get3A_778 : i32 to index
        %get3A_780 = arith.index_cast %add3A_777 : i32 to index
        %get3A_781 = arith.constant 112 : index
        %get3A_782 = tpu.vector_load %arg8[%get3A_779, %get3A_780, %get3A_781] {strides = array<i32>} : memref<4x80x128xf32, #tpu.memory_space<vmem>>, vector<16xf32>,
        %sub3A_783 = arith.subf %get3A_775, %get3A_782 : vector<16xf32>
        %add3A_784 = arith.constant 0 : i32
        %add3A_785 = arith.addi %mul3A_615, %add3A_784 : i32
        %swap3A_786 = arith.constant 0 : i32
        %swap3A_787 = arith.index_cast %swap3A_786 : i32 to index
        %swap3A_788 = arith.index_cast %add3A_785 : i32 to index
        %swap3A_789 = arith.constant 112 : index
        %swap3A_790 = tpu.vector_load %arg7[%swap3A_787, %swap3A_788, %swap3A_789] {strides = array<i32>} : memref<4x80x128xf32, #tpu.memory_space<vmem>>, vector<16xf32>,
        tpu.vector_store %arg7[%swap3A_787, %swap3A_788, %swap3A_789], %sub3A_783 {strides = array<i32>} : memref<4x80x128xf32, #tpu.memory_space<vmem>>, vector<16xf32>,
        %add3A_791 = arith.constant 1 : i32
        %add3A_792 = arith.addi %mul3A_615, %add3A_791 : i32
        %get3A_793 = arith.constant 0 : i32
        %get3A_794 = arith.index_cast %get3A_793 : i32 to index
        %get3A_795 = arith.index_cast %add3A_792 : i32 to index
        %get3A_796 = arith.constant 0 : index
        %get3A_797 = tpu.vector_load %arg7[%get3A_794, %get3A_795, %get3A_796] {strides = array<i32>} : memref<4x80x128xf32, #tpu.memory_space<vmem>>, vector<16xf32>,
        %add3A_798 = arith.constant 1 : i32
        %add3A_799 = arith.addi %mul3A_615, %add3A_798 : i32
        %get3A_800 = arith.constant 0 : i32
        %get3A_801 = arith.index_cast %get3A_800 : i32 to index
        %get3A_802 = arith.index_cast %add3A_799 : i32 to index
        %get3A_803 = arith.constant 0 : index
        %get3A_804 = tpu.vector_load %arg8[%get3A_801, %get3A_802, %get3A_803] {strides = array<i32>} : memref<4x80x128xf32, #tpu.memory_space<vmem>>, vector<16xf32>,
        %sub3A_805 = arith.subf %get3A_797, %get3A_804 : vector<16xf32>
        %add3A_806 = arith.constant 1 : i32
        %add3A_807 = arith.addi %mul3A_615, %add3A_806 : i32
        %swap3A_808 = arith.constant 0 : i32
        %swap3A_809 = arith.index_cast %swap3A_808 : i32 to index
        %swap3A_810 = arith.index_cast %add3A_807 : i32 to index
        %swap3A_811 = arith.constant 0 : index
        %swap3A_812 = tpu.vector_load %arg7[%swap3A_809, %swap3A_810, %swap3A_811] {strides = array<i32>} : memref<4x80x128xf32, #tpu.memory_space<vmem>>, vector<16xf32>,
        tpu.vector_store %arg7[%swap3A_809, %swap3A_810, %swap3A_811], %sub3A_805 {strides = array<i32>} : memref<4x80x128xf32, #tpu.memory_space<vmem>>, vector<16xf32>,
        %add3A_813 = arith.constant 1 : i32
        %add3A_814 = arith.addi %mul3A_615, %add3A_813 : i32
        %get3A_815 = arith.constant 0 : i32
        %get3A_816 = arith.index_cast %get3A_815 : i32 to index
        %get3A_817 = arith.index_cast %add3A_814 : i32 to index
        %get3A_818 = arith.constant 16 : index
        %get3A_819 = tpu.vector_load %arg7[%get3A_816, %get3A_817, %get3A_818] {strides = array<i32>} : memref<4x80x128xf32, #tpu.memory_space<vmem>>, vector<16xf32>,
        %add3A_820 = arith.constant 1 : i32
        %add3A_821 = arith.addi %mul3A_615, %add3A_820 : i32
        %get3A_822 = arith.constant 0 : i32
        %get3A_823 = arith.index_cast %get3A_822 : i32 to index
        %get3A_824 = arith.index_cast %add3A_821 : i32 to index
        %get3A_825 = arith.constant 16 : index
        %get3A_826 = tpu.vector_load %arg8[%get3A_823, %get3A_824, %get3A_825] {strides = array<i32>} : memref<4x80x128xf32, #tpu.memory_space<vmem>>, vector<16xf32>,
        %sub3A_827 = arith.subf %get3A_819, %get3A_826 : vector<16xf32>
        %add3A_828 = arith.constant 1 : i32
        %add3A_829 = arith.addi %mul3A_615, %add3A_828 : i32
        %swap3A_830 = arith.constant 0 : i32
        %swap3A_831 = arith.index_cast %swap3A_830 : i32 to index
        %swap3A_832 = arith.index_cast %add3A_829 : i32 to index
        %swap3A_833 = arith.constant 16 : index
        %swap3A_834 = tpu.vector_load %arg7[%swap3A_831, %swap3A_832, %swap3A_833] {strides = array<i32>} : memref<4x80x128xf32, #tpu.memory_space<vmem>>, vector<16xf32>,
        tpu.vector_store %arg7[%swap3A_831, %swap3A_832, %swap3A_833], %sub3A_827 {strides = array<i32>} : memref<4x80x128xf32, #tpu.memory_space<vmem>>, vector<16xf32>,
        %add3A_835 = arith.constant 1 : i32
        %add3A_836 = arith.addi %mul3A_615, %add3A_835 : i32
        %get3A_837 = arith.constant 0 : i32
        %get3A_838 = arith.index_cast %get3A_837 : i32 to index
        %get3A_839 = arith.index_cast %add3A_836 : i32 to index
        %get3A_840 = arith.constant 32 : index
        %get3A_841 = tpu.vector_load %arg7[%get3A_838, %get3A_839, %get3A_840] {strides = array<i32>} : memref<4x80x128xf32, #tpu.memory_space<vmem>>, vector<16xf32>,
        %add3A_842 = arith.constant 1 : i32
        %add3A_843 = arith.addi %mul3A_615, %add3A_842 : i32
        %get3A_844 = arith.constant 0 : i32
        %get3A_845 = arith.index_cast %get3A_844 : i32 to index
        %get3A_846 = arith.index_cast %add3A_843 : i32 to index
        %get3A_847 = arith.constant 32 : index
        %get3A_848 = tpu.vector_load %arg8[%get3A_845, %get3A_846, %get3A_847] {strides = array<i32>} : memref<4x80x128xf32, #tpu.memory_space<vmem>>, vector<16xf32>,
        %sub3A_849 = arith.subf %get3A_841, %get3A_848 : vector<16xf32>
        %add3A_850 = arith.constant 1 : i32
        %add3A_851 = arith.addi %mul3A_615, %add3A_850 : i32
        %swap3A_852 = arith.constant 0 : i32
        %swap3A_853 = arith.index_cast %swap3A_852 : i32 to index
        %swap3A_854 = arith.index_cast %add3A_851 : i32 to index
        %swap3A_855 = arith.constant 32 : index
        %swap3A_856 = tpu.vector_load %arg7[%swap3A_853, %swap3A_854, %swap3A_855] {strides = array<i32>} : memref<4x80x128xf32, #tpu.memory_space<vmem>>, vector<16xf32>,
        tpu.vector_store %arg7[%swap3A_853, %swap3A_854, %swap3A_855], %sub3A_849 {strides = array<i32>} : memref<4x80x128xf32, #tpu.memory_space<vmem>>, vector<16xf32>,
        %add3A_857 = arith.constant 1 : i32
        %add3A_858 = arith.addi %mul3A_615, %add3A_857 : i32
        %get3A_859 = arith.constant 0 : i32
        %get3A_860 = arith.index_cast %get3A_859 : i32 to index
        %get3A_861 = arith.index_cast %add3A_858 : i32 to index
        %get3A_862 = arith.constant 48 : index
        %get3A_863 = tpu.vector_load %arg7[%get3A_860, %get3A_861, %get3A_862] {strides = array<i32>} : memref<4x80x128xf32, #tpu.memory_space<vmem>>, vector<16xf32>,
        %add3A_864 = arith.constant 1 : i32
        %add3A_865 = arith.addi %mul3A_615, %add3A_864 : i32
        %get3A_866 = arith.constant 0 : i32
        %get3A_867 = arith.index_cast %get3A_866 : i32 to index
        %get3A_868 = arith.index_cast %add3A_865 : i32 to index
        %get3A_869 = arith.constant 48 : index
        %get3A_870 = tpu.vector_load %arg8[%get3A_867, %get3A_868, %get3A_869] {strides = array<i32>} : memref<4x80x128xf32, #tpu.memory_space<vmem>>, vector<16xf32>,
        %sub3A_871 = arith.subf %get3A_863, %get3A_870 : vector<16xf32>
        %add3A_872 = arith.constant 1 : i32
        %add3A_873 = arith.addi %mul3A_615, %add3A_872 : i32
        %swap3A_874 = arith.constant 0 : i32
        %swap3A_875 = arith.index_cast %swap3A_874 : i32 to index
        %swap3A_876 = arith.index_cast %add3A_873 : i32 to index
        %swap3A_877 = arith.constant 48 : index
        %swap3A_878 = tpu.vector_load %arg7[%swap3A_875, %swap3A_876, %swap3A_877] {strides = array<i32>} : memref<4x80x128xf32, #tpu.memory_space<vmem>>, vector<16xf32>,
        tpu.vector_store %arg7[%swap3A_875, %swap3A_876, %swap3A_877], %sub3A_871 {strides = array<i32>} : memref<4x80x128xf32, #tpu.memory_space<vmem>>, vector<16xf32>,
        %add3A_879 = arith.constant 1 : i32
        %add3A_880 = arith.addi %mul3A_615, %add3A_879 : i32
        %get3A_881 = arith.constant 0 : i32
        %get3A_882 = arith.index_cast %get3A_881 : i32 to index
        %get3A_883 = arith.index_cast %add3A_880 : i32 to index
        %get3A_884 = arith.constant 64 : index
        %get3A_885 = tpu.vector_load %arg7[%get3A_882, %get3A_883, %get3A_884] {strides = array<i32>} : memref<4x80x128xf32, #tpu.memory_space<vmem>>, vector<16xf32>,
        %add3A_886 = arith.constant 1 : i32
        %add3A_887 = arith.addi %mul3A_615, %add3A_886 : i32
        %get3A_888 = arith.constant 0 : i32
        %get3A_889 = arith.index_cast %get3A_888 : i32 to index
        %get3A_890 = arith.index_cast %add3A_887 : i32 to index
        %get3A_891 = arith.constant 64 : index
        %get3A_892 = tpu.vector_load %arg8[%get3A_889, %get3A_890, %get3A_891] {strides = array<i32>} : memref<4x80x128xf32, #tpu.memory_space<vmem>>, vector<16xf32>,
        %sub3A_893 = arith.subf %get3A_885, %get3A_892 : vector<16xf32>
        %add3A_894 = arith.constant 1 : i32
        %add3A_895 = arith.addi %mul3A_615, %add3A_894 : i32
        %swap3A_896 = arith.constant 0 : i32
        %swap3A_897 = arith.index_cast %swap3A_896 : i32 to index
        %swap3A_898 = arith.index_cast %add3A_895 : i32 to index
        %swap3A_899 = arith.constant 64 : index
        %swap3A_900 = tpu.vector_load %arg7[%swap3A_897, %swap3A_898, %swap3A_899] {strides = array<i32>} : memref<4x80x128xf32, #tpu.memory_space<vmem>>, vector<16xf32>,
        tpu.vector_store %arg7[%swap3A_897, %swap3A_898, %swap3A_899], %sub3A_893 {strides = array<i32>} : memref<4x80x128xf32, #tpu.memory_space<vmem>>, vector<16xf32>,
        %add3A_901 = arith.constant 1 : i32
        %add3A_902 = arith.addi %mul3A_615, %add3A_901 : i32
        %get3A_903 = arith.constant 0 : i32
        %get3A_904 = arith.index_cast %get3A_903 : i32 to index
        %get3A_905 = arith.index_cast %add3A_902 : i32 to index
        %get3A_906 = arith.constant 80 : index
        %get3A_907 = tpu.vector_load %arg7[%get3A_904, %get3A_905, %get3A_906] {strides = array<i32>} : memref<4x80x128xf32, #tpu.memory_space<vmem>>, vector<16xf32>,
        %add3A_908 = arith.constant 1 : i32
        %add3A_909 = arith.addi %mul3A_615, %add3A_908 : i32
        %get3A_910 = arith.constant 0 : i32
        %get3A_911 = arith.index_cast %get3A_910 : i32 to index
        %get3A_912 = arith.index_cast %add3A_909 : i32 to index
        %get3A_913 = arith.constant 80 : index
        %get3A_914 = tpu.vector_load %arg8[%get3A_911, %get3A_912, %get3A_913] {strides = array<i32>} : memref<4x80x128xf32, #tpu.memory_space<vmem>>, vector<16xf32>,
        %sub3A_915 = arith.subf %get3A_907, %get3A_914 : vector<16xf32>
        %add3A_916 = arith.constant 1 : i32
        %add3A_917 = arith.addi %mul3A_615, %add3A_916 : i32
        %swap3A_918 = arith.constant 0 : i32
        %swap3A_919 = arith.index_cast %swap3A_918 : i32 to index
        %swap3A_920 = arith.index_cast %add3A_917 : i32 to index
        %swap3A_921 = arith.constant 80 : index
        %swap3A_922 = tpu.vector_load %arg7[%swap3A_919, %swap3A_920, %swap3A_921] {strides = array<i32>} : memref<4x80x128xf32, #tpu.memory_space<vmem>>, vector<16xf32>,
        tpu.vector_store %arg7[%swap3A_919, %swap3A_920, %swap3A_921], %sub3A_915 {strides = array<i32>} : memref<4x80x128xf32, #tpu.memory_space<vmem>>, vector<16xf32>,
        %add3A_923 = arith.constant 1 : i32
        %add3A_924 = arith.addi %mul3A_615, %add3A_923 : i32
        %get3A_925 = arith.constant 0 : i32
        %get3A_926 = arith.index_cast %get3A_925 : i32 to index
        %get3A_927 = arith.index_cast %add3A_924 : i32 to index
        %get3A_928 = arith.constant 96 : index
        %get3A_929 = tpu.vector_load %arg7[%get3A_926, %get3A_927, %get3A_928] {strides = array<i32>} : memref<4x80x128xf32, #tpu.memory_space<vmem>>, vector<16xf32>,
        %add3A_930 = arith.constant 1 : i32
        %add3A_931 = arith.addi %mul3A_615, %add3A_930 : i32
        %get3A_932 = arith.constant 0 : i32
        %get3A_933 = arith.index_cast %get3A_932 : i32 to index
        %get3A_934 = arith.index_cast %add3A_931 : i32 to index
        %get3A_935 = arith.constant 96 : index
        %get3A_936 = tpu.vector_load %arg8[%get3A_933, %get3A_934, %get3A_935] {strides = array<i32>} : memref<4x80x128xf32, #tpu.memory_space<vmem>>, vector<16xf32>,
        %sub3A_937 = arith.subf %get3A_929, %get3A_936 : vector<16xf32>
        %add3A_938 = arith.constant 1 : i32
        %add3A_939 = arith.addi %mul3A_615, %add3A_938 : i32
        %swap3A_940 = arith.constant 0 : i32
        %swap3A_941 = arith.index_cast %swap3A_940 : i32 to index
        %swap3A_942 = arith.index_cast %add3A_939 : i32 to index
        %swap3A_943 = arith.constant 96 : index
        %swap3A_944 = tpu.vector_load %arg7[%swap3A_941, %swap3A_942, %swap3A_943] {strides = array<i32>} : memref<4x80x128xf32, #tpu.memory_space<vmem>>, vector<16xf32>,
        tpu.vector_store %arg7[%swap3A_941, %swap3A_942, %swap3A_943], %sub3A_937 {strides = array<i32>} : memref<4x80x128xf32, #tpu.memory_space<vmem>>, vector<16xf32>,
        %add3A_945 = arith.constant 1 : i32
        %add3A_946 = arith.addi %mul3A_615, %add3A_945 : i32
        %get3A_947 = arith.constant 0 : i32
        %get3A_948 = arith.index_cast %get3A_947 : i32 to index
        %get3A_949 = arith.index_cast %add3A_946 : i32 to index
        %get3A_950 = arith.constant 112 : index
        %get3A_951 = tpu.vector_load %arg7[%get3A_948, %get3A_949, %get3A_950] {strides = array<i32>} : memref<4x80x128xf32, #tpu.memory_space<vmem>>, vector<16xf32>,
        %add3A_952 = arith.constant 1 : i32
        %add3A_953 = arith.addi %mul3A_615, %add3A_952 : i32
        %get3A_954 = arith.constant 0 : i32
        %get3A_955 = arith.index_cast %get3A_954 : i32 to index
        %get3A_956 = arith.index_cast %add3A_953 : i32 to index
        %get3A_957 = arith.constant 112 : index
        %get3A_958 = tpu.vector_load %arg8[%get3A_955, %get3A_956, %get3A_957] {strides = array<i32>} : memref<4x80x128xf32, #tpu.memory_space<vmem>>, vector<16xf32>,
        %sub3A_959 = arith.subf %get3A_951, %get3A_958 : vector<16xf32>
        %add3A_960 = arith.constant 1 : i32
        %add3A_961 = arith.addi %mul3A_615, %add3A_960 : i32
        %swap3A_962 = arith.constant 0 : i32
        %swap3A_963 = arith.index_cast %swap3A_962 : i32 to index
        %swap3A_964 = arith.index_cast %add3A_961 : i32 to index
        %swap3A_965 = arith.constant 112 : index
        %swap3A_966 = tpu.vector_load %arg7[%swap3A_963, %swap3A_964, %swap3A_965] {strides = array<i32>} : memref<4x80x128xf32, #tpu.memory_space<vmem>>, vector<16xf32>,
        tpu.vector_store %arg7[%swap3A_963, %swap3A_964, %swap3A_965], %sub3A_959 {strides = array<i32>} : memref<4x80x128xf32, #tpu.memory_space<vmem>>, vector<16xf32>,
      }
      %scan3A_296 = arith.constant 40 : i32
      %dma_start3A_297 = arith.constant 0 : i32
      %dma_start3A_298 = arith.constant 0 : i32
      %dma_start3A_299 = arith.constant 0 : i32
      %dma_start3A_300 = arith.constant 0 : i32
      %dma_start3A_301 = arith.constant 0 : i32
      %dma_start3A_302 = tpu.memref_slice %arg7[%dma_start3A_297, %dma_start3A_300, %dma_start3A_301] : memref<4x80x128xf32, #tpu.memory_space<vmem>> -> memref<1x80x128xf32, #tpu.memory_space<vmem>>
      %dma_start3A_303 = tpu.memref_squeeze %dma_start3A_302 : memref<1x80x128xf32, #tpu.memory_space<vmem>> -> memref<80x128xf32, #tpu.memory_space<vmem>>
      %dma_start3A_304 = arith.constant 0 : i32
      %dma_start3A_305 = tpu.memref_slice %arg9[%dma_start3A_298, %dma_start3A_304] : memref<4x80xi32, #tpu.memory_space<vmem>> -> memref<1x80xi32, #tpu.memory_space<vmem>>
      %dma_start3A_306 = tpu.memref_squeeze %dma_start3A_305 : memref<1x80xi32, #tpu.memory_space<vmem>> -> memref<80xi32, #tpu.memory_space<vmem>>
      %dma_start3A_307 = arith.constant 0 : i32
      %dma_start3A_308 = arith.constant 0 : i32
      %dma_start3A_309 = tpu.memref_slice %arg12[%dma_start3A_307, %dma_start3A_308] : memref<512x128xf32, #tpu.memory_space<vmem_shared>> -> memref<512x128xf32, #tpu.memory_space<vmem_shared>>
      %dma_start3A_310 = tpu.memref_slice %arg14[%dma_start3A_299] : memref<4x!tpu.dma_semaphore, #tpu.memory_space<semaphore_mem>> -> memref<1x!tpu.dma_semaphore, #tpu.memory_space<semaphore_mem>>
      %dma_start3A_311 = tpu.memref_squeeze %dma_start3A_310 : memref<1x!tpu.dma_semaphore, #tpu.memory_space<semaphore_mem>> -> memref<!tpu.dma_semaphore, #tpu.memory_space<semaphore_mem>>
      tpu.enqueue_indirect_dma source(%dma_start3A_303 : memref<80x128xf32, #tpu.memory_space<vmem>>) target(%dma_start3A_309 : memref<512x128xf32, #tpu.memory_space<vmem_shared>>) offsets(%dma_start3A_306 : memref<80xi32, #tpu.memory_space<vmem>>) semaphore(%dma_start3A_311 : memref<!tpu.dma_semaphore, #tpu.memory_space<semaphore_mem>>) {add = true}
      %scan3A_312 = arith.constant 0 : i32
      %scan3A_313 = arith.constant 5 : i32
      %scan3A_314 = arith.addi %scan3A_312, %scan3A_313 : i32
      %scan3A_315 = arith.constant 1 : i32
      scf.for %scan3A_613 = %scan3A_312 to %scan3A_314 step %scan3A_315  : i32 {
        %mul3A_614 = arith.constant 16 : i32
        %mul3A_615 = arith.muli %scan3A_613, %mul3A_614 : i32
        %get3A_616 = arith.constant 0 : i32
        %get3A_617 = arith.index_cast %get3A_616 : i32 to index
        %get3A_618 = arith.index_cast %mul3A_615 : i32 to index
        %get3A_619 = tpu.vector_load %arg9[%get3A_617, %get3A_618] {strides = array<i32>} : memref<4x80xi32, #tpu.memory_space<vmem>>, vector<16xi32>,
        %sub3A_620 = arith.constant 1 : i32
        %sub3A_621 = arith.subi %scan3A_613, %sub3A_620 : i32
        %mul3A_622 = arith.constant 16 : i32
        %mul3A_623 = arith.muli %sub3A_621, %mul3A_622 : i32
        %max3A_624 = arith.constant 0 : i32
        %max3A_625 = arith.maxsi %mul3A_623, %max3A_624 : i32
        %get3A_626 = arith.constant 0 : i32
        %get3A_627 = arith.index_cast %get3A_626 : i32 to index
        %get3A_628 = arith.index_cast %max3A_625 : i32 to index
        %get3A_629 = tpu.vector_load %arg9[%get3A_627, %get3A_628] {strides = array<i32>} : memref<4x80xi32, #tpu.memory_space<vmem>>, vector<16xi32>,
        %eq3A = arith.constant 0 : i32
        %eq3A_630 = arith.cmpi eq, %scan3A_613, %eq3A : i32
        %slice3A_631 = vector.extract_strided_slice %get3A_629 {offsets = [15], sizes = [1], strides = [1]} : vector<16xi32> to vector<1xi32>
        %squeeze3A_632 = vector.extract %slice3A_631[0] : i32 from vector<1xi32>
        %select_n3A = arith.select %eq3A_630, %scan3A_240, %squeeze3A_632 : i32
        %lt3A_633 = arith.constant 0 : i32
        %lt3A_634 = vector.broadcast %lt3A_633 : i32 to vector<16xi32>
        %lt3A_635 = arith.cmpi slt, %max3A_100, %lt3A_634 : vector<16xi32>
        %add3A_636 = arith.constant 16 : i32
        %add3A_637 = vector.broadcast %add3A_636 : i32 to vector<16xi32>
        %add3A_638 = arith.addi %max3A_100, %add3A_637 : vector<16xi32>
        %select_n3A_639 = arith.select %lt3A_635, %add3A_638, %max3A_100 : vector<16xi1>, vector<16xi32>
        %broadcast_in_dim3A_640 = vector.shape_cast %select_n3A_639 : vector<16xi32> to vector<16x1xi32>
        %gather3A = vector.shape_cast %broadcast_in_dim3A_640 : vector<16x1xi32> to vector<16xi32>
        %gather3A_641 = tpu.dynamic_gather %get3A_619[%gather3A] in [0] : vector<16xi32>, vector<16xi32> -> vector<16xi32>
        %eq3A_642 = arith.constant 0 : i32
        %eq3A_643 = vector.broadcast %eq3A_642 : i32 to vector<16xi32>
        %eq3A_644 = arith.cmpi eq, %iota3A, %eq3A_643 : vector<16xi32>
        %broadcast_in_dim3A_645 = vector.broadcast %select_n3A : i32 to vector<16xi32>
        %select_n3A_646 = arith.select %eq3A_644, %broadcast_in_dim3A_645, %gather3A_641 : vector<16xi1>, vector<16xi32>
        %ne3A = arith.cmpi ne, %get3A_619, %select_n3A_646 : vector<16xi32>
        %mul3A_647 = arith.constant 80 : i32
        %mul3A_648 = arith.muli %add3A_244, %mul3A_647 : i32
        %mul3A_649 = arith.constant 16 : i32
        %mul3A_650 = arith.muli %scan3A_613, %mul3A_649 : i32
        %add3A_651 = arith.addi %mul3A_648, %mul3A_650 : i32
        %add3A_652 = vector.broadcast %add3A_651 : i32 to vector<16xi32>
        %add3A_653 = arith.addi %add3A_652, %iota3A : vector<16xi32>
        tpu.vector_store_idx %arg10[%get3A_619], %add3A_653 masked %ne3A : memref<512xi32, #tpu.memory_space<vmem>>[vector<16xi32>], vector<16xi32>, vector<16xi1>
      }
      %scan3A_316 = arith.constant 5 : i32
      %get3A_317 = arith.constant 0 : i32
      %get3A_318 = arith.index_cast %get3A_317 : i32 to index
      %get3A_319 = arith.constant 64 : index
      %get3A_320 = tpu.vector_load %arg9[%get3A_318, %get3A_319] {strides = array<i32>} : memref<4x80xi32, #tpu.memory_space<vmem>>, vector<16xi32>,
      %slice3A_321 = vector.extract_strided_slice %get3A_320 {offsets = [15], sizes = [1], strides = [1]} : vector<16xi32> to vector<1xi32>
      %squeeze3A_322 = vector.extract %slice3A_321[0] : i32 from vector<1xi32>
      %add3A_323 = arith.constant 2 : i32
      %add3A_324 = arith.addi %add3A_244, %add3A_323 : i32
      %ge3A = arith.constant 4 : i32
      %ge3A_325 = arith.cmpi sge, %add3A_324, %ge3A : i32
      %convert_element_type3A = arith.extui %ge3A_325 : i1 to i32
      %cond3A = arith.constant 0 : i32
      %cond3A_326 = arith.cmpi ne, %convert_element_type3A, %cond3A : i32
      scf.if %cond3A_326 {
        %dma_wait3A_613 = arith.constant 2 : i32
        %dma_wait3A_614 = arith.constant 2 : i32
        %dma_wait3A_615 = arith.constant 2 : i32
        %dma_wait3A_616 = arith.constant 0 : i32
        %dma_wait3A_617 = arith.constant 0 : i32
        %dma_wait3A_618 = tpu.memref_slice %arg7[%dma_wait3A_613, %dma_wait3A_616, %dma_wait3A_617] : memref<4x80x128xf32, #tpu.memory_space<vmem>> -> memref<1x80x128xf32, #tpu.memory_space<vmem>>
        %dma_wait3A_619 = tpu.memref_squeeze %dma_wait3A_618 : memref<1x80x128xf32, #tpu.memory_space<vmem>> -> memref<80x128xf32, #tpu.memory_space<vmem>>
        %dma_wait3A_620 = arith.constant 0 : i32
        %dma_wait3A_621 = tpu.memref_slice %arg9[%dma_wait3A_614, %dma_wait3A_620] : memref<4x80xi32, #tpu.memory_space<vmem>> -> memref<1x80xi32, #tpu.memory_space<vmem>>
        %dma_wait3A_622 = tpu.memref_squeeze %dma_wait3A_621 : memref<1x80xi32, #tpu.memory_space<vmem>> -> memref<80xi32, #tpu.memory_space<vmem>>
        %dma_wait3A_623 = arith.constant 0 : i32
        %dma_wait3A_624 = arith.constant 0 : i32
        %dma_wait3A_625 = tpu.memref_slice %arg12[%dma_wait3A_623, %dma_wait3A_624] : memref<512x128xf32, #tpu.memory_space<vmem_shared>> -> memref<512x128xf32, #tpu.memory_space<vmem_shared>>
        %dma_wait3A_626 = tpu.memref_slice %arg14[%dma_wait3A_615] : memref<4x!tpu.dma_semaphore, #tpu.memory_space<semaphore_mem>> -> memref<1x!tpu.dma_semaphore, #tpu.memory_space<semaphore_mem>>
        %dma_wait3A_627 = tpu.memref_squeeze %dma_wait3A_626 : memref<1x!tpu.dma_semaphore, #tpu.memory_space<semaphore_mem>> -> memref<!tpu.dma_semaphore, #tpu.memory_space<semaphore_mem>>
        tpu.wait_indirect_dma semaphore(%dma_wait3A_627 : memref<!tpu.dma_semaphore, #tpu.memory_space<semaphore_mem>>) src(%dma_wait3A_619 : memref<80x128xf32, #tpu.memory_space<vmem>>) dst(%dma_wait3A_625 : memref<512x128xf32, #tpu.memory_space<vmem_shared>>)
      } else {
      }
      %lt3A = arith.constant 125 : i32
      %lt3A_327 = arith.cmpi slt, %add3A_324, %lt3A : i32
      %convert_element_type3A_328 = arith.extui %lt3A_327 : i1 to i32
      %cond3A_329 = arith.constant 0 : i32
      %cond3A_330 = arith.cmpi ne, %convert_element_type3A_328, %cond3A_329 : i32
      scf.if %cond3A_330 {
        %mul3A_613 = arith.constant 80 : i32
        %mul3A_614 = arith.muli %add3A_324, %mul3A_613 : i32
        %add3A_615 = arith.addi %mul3A_2, %mul3A_614 : i32
        %dma_start3A_616 = arith.constant 2 : i32
        %dma_start3A_617 = arith.constant 2 : i32
        %dma_start3A_618 = arith.constant 0 : i32
        %dma_start3A_619 = tpu.memref_slice %arg9[%dma_start3A_616, %dma_start3A_618] : memref<4x80xi32, #tpu.memory_space<vmem>> -> memref<1x80xi32, #tpu.memory_space<vmem>>
        %dma_start3A_620 = tpu.memref_squeeze %dma_start3A_619 : memref<1x80xi32, #tpu.memory_space<vmem>> -> memref<80xi32, #tpu.memory_space<vmem>>
        %dma_start3A_621 = tpu.memref_slice %arg4[%add3A_615] : memref<320000xi32, #tpu.memory_space<hbm>> -> memref<80xi32, #tpu.memory_space<hbm>>
        %dma_start3A_622 = tpu.memref_slice %arg13[%dma_start3A_617] : memref<4x!tpu.dma_semaphore, #tpu.memory_space<semaphore_mem>> -> memref<1x!tpu.dma_semaphore, #tpu.memory_space<semaphore_mem>>
        %dma_start3A_623 = tpu.memref_squeeze %dma_start3A_622 : memref<1x!tpu.dma_semaphore, #tpu.memory_space<semaphore_mem>> -> memref<!tpu.dma_semaphore, #tpu.memory_space<semaphore_mem>>
        %dma_start3A_624 = arith.constant 0 : i32
        %dma_start3A_625 = tpu.memref_slice %arg9[%dma_start3A_616, %dma_start3A_624] : memref<4x80xi32, #tpu.memory_space<vmem>> -> memref<1x80xi32, #tpu.memory_space<vmem>>
        %dma_start3A_626 = tpu.memref_squeeze %dma_start3A_625 : memref<1x80xi32, #tpu.memory_space<vmem>> -> memref<80xi32, #tpu.memory_space<vmem>>
        %dma_start3A_627 = tpu.memref_slice %arg4[%add3A_615] : memref<320000xi32, #tpu.memory_space<hbm>> -> memref<80xi32, #tpu.memory_space<hbm>>
        tpu.enqueue_dma source(%dma_start3A_627 : memref<80xi32, #tpu.memory_space<hbm>>) target(%dma_start3A_626 : memref<80xi32, #tpu.memory_space<vmem>>) target_semaphore(%dma_start3A_623 : memref<!tpu.dma_semaphore, #tpu.memory_space<semaphore_mem>>)
        %dma_start3A_628 = arith.constant 2 : i32
        %dma_start3A_629 = arith.constant 2 : i32
        %dma_start3A_630 = arith.constant 0 : i32
        %dma_start3A_631 = arith.constant 0 : i32
        %dma_start3A_632 = tpu.memref_slice %arg7[%dma_start3A_628, %dma_start3A_630, %dma_start3A_631] : memref<4x80x128xf32, #tpu.memory_space<vmem>> -> memref<1x80x128xf32, #tpu.memory_space<vmem>>
        %dma_start3A_633 = tpu.memref_squeeze %dma_start3A_632 : memref<1x80x128xf32, #tpu.memory_space<vmem>> -> memref<80x128xf32, #tpu.memory_space<vmem>>
        %dma_start3A_634 = arith.constant 0 : i32
        %dma_start3A_635 = tpu.memref_slice %arg2[%add3A_615, %dma_start3A_634] : memref<320000x128xf32, #tpu.memory_space<hbm>> -> memref<80x128xf32, #tpu.memory_space<hbm>>
        %dma_start3A_636 = tpu.memref_slice %arg13[%dma_start3A_629] : memref<4x!tpu.dma_semaphore, #tpu.memory_space<semaphore_mem>> -> memref<1x!tpu.dma_semaphore, #tpu.memory_space<semaphore_mem>>
        %dma_start3A_637 = tpu.memref_squeeze %dma_start3A_636 : memref<1x!tpu.dma_semaphore, #tpu.memory_space<semaphore_mem>> -> memref<!tpu.dma_semaphore, #tpu.memory_space<semaphore_mem>>
        %dma_start3A_638 = arith.constant 0 : i32
        %dma_start3A_639 = arith.constant 0 : i32
        %dma_start3A_640 = tpu.memref_slice %arg7[%dma_start3A_628, %dma_start3A_638, %dma_start3A_639] : memref<4x80x128xf32, #tpu.memory_space<vmem>> -> memref<1x80x128xf32, #tpu.memory_space<vmem>>
        %dma_start3A_641 = tpu.memref_squeeze %dma_start3A_640 : memref<1x80x128xf32, #tpu.memory_space<vmem>> -> memref<80x128xf32, #tpu.memory_space<vmem>>
        %dma_start3A_642 = arith.constant 0 : i32
        %dma_start3A_643 = tpu.memref_slice %arg2[%add3A_615, %dma_start3A_642] : memref<320000x128xf32, #tpu.memory_space<hbm>> -> memref<80x128xf32, #tpu.memory_space<hbm>>
        tpu.enqueue_dma source(%dma_start3A_643 : memref<80x128xf32, #tpu.memory_space<hbm>>) target(%dma_start3A_641 : memref<80x128xf32, #tpu.memory_space<vmem>>) target_semaphore(%dma_start3A_637 : memref<!tpu.dma_semaphore, #tpu.memory_space<semaphore_mem>>)
        %dma_start3A_644 = arith.constant 2 : i32
        %dma_start3A_645 = arith.constant 2 : i32
        %dma_start3A_646 = arith.constant 0 : i32
        %dma_start3A_647 = arith.constant 0 : i32
        %dma_start3A_648 = tpu.memref_slice %arg8[%dma_start3A_644, %dma_start3A_646, %dma_start3A_647] : memref<4x80x128xf32, #tpu.memory_space<vmem>> -> memref<1x80x128xf32, #tpu.memory_space<vmem>>
        %dma_start3A_649 = tpu.memref_squeeze %dma_start3A_648 : memref<1x80x128xf32, #tpu.memory_space<vmem>> -> memref<80x128xf32, #tpu.memory_space<vmem>>
        %dma_start3A_650 = arith.constant 0 : i32
        %dma_start3A_651 = tpu.memref_slice %arg3[%add3A_615, %dma_start3A_650] : memref<320000x128xf32, #tpu.memory_space<hbm>> -> memref<80x128xf32, #tpu.memory_space<hbm>>
        %dma_start3A_652 = tpu.memref_slice %arg13[%dma_start3A_645] : memref<4x!tpu.dma_semaphore, #tpu.memory_space<semaphore_mem>> -> memref<1x!tpu.dma_semaphore, #tpu.memory_space<semaphore_mem>>
        %dma_start3A_653 = tpu.memref_squeeze %dma_start3A_652 : memref<1x!tpu.dma_semaphore, #tpu.memory_space<semaphore_mem>> -> memref<!tpu.dma_semaphore, #tpu.memory_space<semaphore_mem>>
        %dma_start3A_654 = arith.constant 0 : i32
        %dma_start3A_655 = arith.constant 0 : i32
        %dma_start3A_656 = tpu.memref_slice %arg8[%dma_start3A_644, %dma_start3A_654, %dma_start3A_655] : memref<4x80x128xf32, #tpu.memory_space<vmem>> -> memref<1x80x128xf32, #tpu.memory_space<vmem>>
        %dma_start3A_657 = tpu.memref_squeeze %dma_start3A_656 : memref<1x80x128xf32, #tpu.memory_space<vmem>> -> memref<80x128xf32, #tpu.memory_space<vmem>>
        %dma_start3A_658 = arith.constant 0 : i32
        %dma_start3A_659 = tpu.memref_slice %arg3[%add3A_615, %dma_start3A_658] : memref<320000x128xf32, #tpu.memory_space<hbm>> -> memref<80x128xf32, #tpu.memory_space<hbm>>
        tpu.enqueue_dma source(%dma_start3A_659 : memref<80x128xf32, #tpu.memory_space<hbm>>) target(%dma_start3A_657 : memref<80x128xf32, #tpu.memory_space<vmem>>) target_semaphore(%dma_start3A_653 : memref<!tpu.dma_semaphore, #tpu.memory_space<semaphore_mem>>)
      } else {
      }
      %mul3A_331 = arith.constant 4 : i32
      %mul3A_332 = arith.muli %scan3A_239, %mul3A_331 : i32
      %add3A_333 = arith.constant 1 : i32
      %add3A_334 = arith.addi %mul3A_332, %add3A_333 : i32
      %mul3A_335 = arith.constant 80 : i32
      %mul3A_336 = arith.muli %add3A_334, %mul3A_335 : i32
      %add3A_337 = arith.addi %mul3A_2, %mul3A_336 : i32
      %dma_wait3A_338 = arith.constant 1 : i32
      %dma_wait3A_339 = arith.constant 1 : i32
      %dma_wait3A_340 = arith.constant 0 : i32
      %dma_wait3A_341 = tpu.memref_slice %arg9[%dma_wait3A_338, %dma_wait3A_340] : memref<4x80xi32, #tpu.memory_space<vmem>> -> memref<1x80xi32, #tpu.memory_space<vmem>>
      %dma_wait3A_342 = tpu.memref_squeeze %dma_wait3A_341 : memref<1x80xi32, #tpu.memory_space<vmem>> -> memref<80xi32, #tpu.memory_space<vmem>>
      %dma_wait3A_343 = tpu.memref_slice %arg4[%add3A_337] : memref<320000xi32, #tpu.memory_space<hbm>> -> memref<80xi32, #tpu.memory_space<hbm>>
      %dma_wait3A_344 = tpu.memref_slice %arg13[%dma_wait3A_339] : memref<4x!tpu.dma_semaphore, #tpu.memory_space<semaphore_mem>> -> memref<1x!tpu.dma_semaphore, #tpu.memory_space<semaphore_mem>>
      %dma_wait3A_345 = tpu.memref_squeeze %dma_wait3A_344 : memref<1x!tpu.dma_semaphore, #tpu.memory_space<semaphore_mem>> -> memref<!tpu.dma_semaphore, #tpu.memory_space<semaphore_mem>>
      %dma_wait3A_346 = arith.constant 0 : i32
      %dma_wait3A_347 = tpu.memref_slice %arg9[%dma_wait3A_338, %dma_wait3A_346] : memref<4x80xi32, #tpu.memory_space<vmem>> -> memref<1x80xi32, #tpu.memory_space<vmem>>
      %dma_wait3A_348 = tpu.memref_squeeze %dma_wait3A_347 : memref<1x80xi32, #tpu.memory_space<vmem>> -> memref<80xi32, #tpu.memory_space<vmem>>
      %dma_wait3A_349 = tpu.memref_slice %arg4[%add3A_337] : memref<320000xi32, #tpu.memory_space<hbm>> -> memref<80xi32, #tpu.memory_space<hbm>>
      tpu.wait_dma2 semaphore(%dma_wait3A_345 : memref<!tpu.dma_semaphore, #tpu.memory_space<semaphore_mem>>) src(%dma_wait3A_349 : memref<80xi32, #tpu.memory_space<hbm>>) dst(%dma_wait3A_348 : memref<80xi32, #tpu.memory_space<vmem>>)
      %dma_wait3A_350 = arith.constant 1 : i32
      %dma_wait3A_351 = arith.constant 1 : i32
      %dma_wait3A_352 = arith.constant 0 : i32
      %dma_wait3A_353 = arith.constant 0 : i32
      %dma_wait3A_354 = tpu.memref_slice %arg7[%dma_wait3A_350, %dma_wait3A_352, %dma_wait3A_353] : memref<4x80x128xf32, #tpu.memory_space<vmem>> -> memref<1x80x128xf32, #tpu.memory_space<vmem>>
      %dma_wait3A_355 = tpu.memref_squeeze %dma_wait3A_354 : memref<1x80x128xf32, #tpu.memory_space<vmem>> -> memref<80x128xf32, #tpu.memory_space<vmem>>
      %dma_wait3A_356 = arith.constant 0 : i32
      %dma_wait3A_357 = tpu.memref_slice %arg2[%add3A_337, %dma_wait3A_356] : memref<320000x128xf32, #tpu.memory_space<hbm>> -> memref<80x128xf32, #tpu.memory_space<hbm>>
      %dma_wait3A_358 = tpu.memref_slice %arg13[%dma_wait3A_351] : memref<4x!tpu.dma_semaphore, #tpu.memory_space<semaphore_mem>> -> memref<1x!tpu.dma_semaphore, #tpu.memory_space<semaphore_mem>>
      %dma_wait3A_359 = tpu.memref_squeeze %dma_wait3A_358 : memref<1x!tpu.dma_semaphore, #tpu.memory_space<semaphore_mem>> -> memref<!tpu.dma_semaphore, #tpu.memory_space<semaphore_mem>>
      %dma_wait3A_360 = arith.constant 0 : i32
      %dma_wait3A_361 = arith.constant 0 : i32
      %dma_wait3A_362 = tpu.memref_slice %arg7[%dma_wait3A_350, %dma_wait3A_360, %dma_wait3A_361] : memref<4x80x128xf32, #tpu.memory_space<vmem>> -> memref<1x80x128xf32, #tpu.memory_space<vmem>>
      %dma_wait3A_363 = tpu.memref_squeeze %dma_wait3A_362 : memref<1x80x128xf32, #tpu.memory_space<vmem>> -> memref<80x128xf32, #tpu.memory_space<vmem>>
      %dma_wait3A_364 = arith.constant 0 : i32
      %dma_wait3A_365 = tpu.memref_slice %arg2[%add3A_337, %dma_wait3A_364] : memref<320000x128xf32, #tpu.memory_space<hbm>> -> memref<80x128xf32, #tpu.memory_space<hbm>>
      tpu.wait_dma2 semaphore(%dma_wait3A_359 : memref<!tpu.dma_semaphore, #tpu.memory_space<semaphore_mem>>) src(%dma_wait3A_365 : memref<80x128xf32, #tpu.memory_space<hbm>>) dst(%dma_wait3A_363 : memref<80x128xf32, #tpu.memory_space<vmem>>)
      %dma_wait3A_366 = arith.constant 1 : i32
      %dma_wait3A_367 = arith.constant 1 : i32
      %dma_wait3A_368 = arith.constant 0 : i32
      %dma_wait3A_369 = arith.constant 0 : i32
      %dma_wait3A_370 = tpu.memref_slice %arg8[%dma_wait3A_366, %dma_wait3A_368, %dma_wait3A_369] : memref<4x80x128xf32, #tpu.memory_space<vmem>> -> memref<1x80x128xf32, #tpu.memory_space<vmem>>
      %dma_wait3A_371 = tpu.memref_squeeze %dma_wait3A_370 : memref<1x80x128xf32, #tpu.memory_space<vmem>> -> memref<80x128xf32, #tpu.memory_space<vmem>>
      %dma_wait3A_372 = arith.constant 0 : i32
      %dma_wait3A_373 = tpu.memref_slice %arg3[%add3A_337, %dma_wait3A_372] : memref<320000x128xf32, #tpu.memory_space<hbm>> -> memref<80x128xf32, #tpu.memory_space<hbm>>
      %dma_wait3A_374 = tpu.memref_slice %arg13[%dma_wait3A_367] : memref<4x!tpu.dma_semaphore, #tpu.memory_space<semaphore_mem>> -> memref<1x!tpu.dma_semaphore, #tpu.memory_space<semaphore_mem>>
      %dma_wait3A_375 = tpu.memref_squeeze %dma_wait3A_374 : memref<1x!tpu.dma_semaphore, #tpu.memory_space<semaphore_mem>> -> memref<!tpu.dma_semaphore, #tpu.memory_space<semaphore_mem>>
      %dma_wait3A_376 = arith.constant 0 : i32
      %dma_wait3A_377 = arith.constant 0 : i32
      %dma_wait3A_378 = tpu.memref_slice %arg8[%dma_wait3A_366, %dma_wait3A_376, %dma_wait3A_377] : memref<4x80x128xf32, #tpu.memory_space<vmem>> -> memref<1x80x128xf32, #tpu.memory_space<vmem>>
      %dma_wait3A_379 = tpu.memref_squeeze %dma_wait3A_378 : memref<1x80x128xf32, #tpu.memory_space<vmem>> -> memref<80x128xf32, #tpu.memory_space<vmem>>
      %dma_wait3A_380 = arith.constant 0 : i32
      %dma_wait3A_381 = tpu.memref_slice %arg3[%add3A_337, %dma_wait3A_380] : memref<320000x128xf32, #tpu.memory_space<hbm>> -> memref<80x128xf32, #tpu.memory_space<hbm>>
      tpu.wait_dma2 semaphore(%dma_wait3A_375 : memref<!tpu.dma_semaphore, #tpu.memory_space<semaphore_mem>>) src(%dma_wait3A_381 : memref<80x128xf32, #tpu.memory_space<hbm>>) dst(%dma_wait3A_379 : memref<80x128xf32, #tpu.memory_space<vmem>>)
      %scan3A_382 = arith.constant 0 : i32
      %scan3A_383 = arith.constant 40 : i32
      %scan3A_384 = arith.addi %scan3A_382, %scan3A_383 : i32
      %scan3A_385 = arith.constant 1 : i32
      scf.for %scan3A_613 = %scan3A_382 to %scan3A_384 step %scan3A_385  : i32 {
        %mul3A_614 = arith.constant 2 : i32
        %mul3A_615 = arith.muli %scan3A_613, %mul3A_614 : i32
        %add3A_616 = arith.constant 0 : i32
        %add3A_617 = arith.addi %mul3A_615, %add3A_616 : i32
        %get3A_618 = arith.constant 1 : i32
        %get3A_619 = arith.index_cast %get3A_618 : i32 to index
        %get3A_620 = arith.index_cast %add3A_617 : i32 to index
        %get3A_621 = arith.constant 0 : index
        %get3A_622 = tpu.vector_load %arg7[%get3A_619, %get3A_620, %get3A_621] {strides = array<i32>} : memref<4x80x128xf32, #tpu.memory_space<vmem>>, vector<16xf32>,
        %add3A_623 = arith.constant 0 : i32
        %add3A_624 = arith.addi %mul3A_615, %add3A_623 : i32
        %get3A_625 = arith.constant 1 : i32
        %get3A_626 = arith.index_cast %get3A_625 : i32 to index
        %get3A_627 = arith.index_cast %add3A_624 : i32 to index
        %get3A_628 = arith.constant 0 : index
        %get3A_629 = tpu.vector_load %arg8[%get3A_626, %get3A_627, %get3A_628] {strides = array<i32>} : memref<4x80x128xf32, #tpu.memory_space<vmem>>, vector<16xf32>,
        %sub3A_630 = arith.subf %get3A_622, %get3A_629 : vector<16xf32>
        %add3A_631 = arith.constant 0 : i32
        %add3A_632 = arith.addi %mul3A_615, %add3A_631 : i32
        %swap3A = arith.constant 1 : i32
        %swap3A_633 = arith.index_cast %swap3A : i32 to index
        %swap3A_634 = arith.index_cast %add3A_632 : i32 to index
        %swap3A_635 = arith.constant 0 : index
        %swap3A_636 = tpu.vector_load %arg7[%swap3A_633, %swap3A_634, %swap3A_635] {strides = array<i32>} : memref<4x80x128xf32, #tpu.memory_space<vmem>>, vector<16xf32>,
        tpu.vector_store %arg7[%swap3A_633, %swap3A_634, %swap3A_635], %sub3A_630 {strides = array<i32>} : memref<4x80x128xf32, #tpu.memory_space<vmem>>, vector<16xf32>,
        %add3A_637 = arith.constant 0 : i32
        %add3A_638 = arith.addi %mul3A_615, %add3A_637 : i32
        %get3A_639 = arith.constant 1 : i32
        %get3A_640 = arith.index_cast %get3A_639 : i32 to index
        %get3A_641 = arith.index_cast %add3A_638 : i32 to index
        %get3A_642 = arith.constant 16 : index
        %get3A_643 = tpu.vector_load %arg7[%get3A_640, %get3A_641, %get3A_642] {strides = array<i32>} : memref<4x80x128xf32, #tpu.memory_space<vmem>>, vector<16xf32>,
        %add3A_644 = arith.constant 0 : i32
        %add3A_645 = arith.addi %mul3A_615, %add3A_644 : i32
        %get3A_646 = arith.constant 1 : i32
        %get3A_647 = arith.index_cast %get3A_646 : i32 to index
        %get3A_648 = arith.index_cast %add3A_645 : i32 to index
        %get3A_649 = arith.constant 16 : index
        %get3A_650 = tpu.vector_load %arg8[%get3A_647, %get3A_648, %get3A_649] {strides = array<i32>} : memref<4x80x128xf32, #tpu.memory_space<vmem>>, vector<16xf32>,
        %sub3A_651 = arith.subf %get3A_643, %get3A_650 : vector<16xf32>
        %add3A_652 = arith.constant 0 : i32
        %add3A_653 = arith.addi %mul3A_615, %add3A_652 : i32
        %swap3A_654 = arith.constant 1 : i32
        %swap3A_655 = arith.index_cast %swap3A_654 : i32 to index
        %swap3A_656 = arith.index_cast %add3A_653 : i32 to index
        %swap3A_657 = arith.constant 16 : index
        %swap3A_658 = tpu.vector_load %arg7[%swap3A_655, %swap3A_656, %swap3A_657] {strides = array<i32>} : memref<4x80x128xf32, #tpu.memory_space<vmem>>, vector<16xf32>,
        tpu.vector_store %arg7[%swap3A_655, %swap3A_656, %swap3A_657], %sub3A_651 {strides = array<i32>} : memref<4x80x128xf32, #tpu.memory_space<vmem>>, vector<16xf32>,
        %add3A_659 = arith.constant 0 : i32
        %add3A_660 = arith.addi %mul3A_615, %add3A_659 : i32
        %get3A_661 = arith.constant 1 : i32
        %get3A_662 = arith.index_cast %get3A_661 : i32 to index
        %get3A_663 = arith.index_cast %add3A_660 : i32 to index
        %get3A_664 = arith.constant 32 : index
        %get3A_665 = tpu.vector_load %arg7[%get3A_662, %get3A_663, %get3A_664] {strides = array<i32>} : memref<4x80x128xf32, #tpu.memory_space<vmem>>, vector<16xf32>,
        %add3A_666 = arith.constant 0 : i32
        %add3A_667 = arith.addi %mul3A_615, %add3A_666 : i32
        %get3A_668 = arith.constant 1 : i32
        %get3A_669 = arith.index_cast %get3A_668 : i32 to index
        %get3A_670 = arith.index_cast %add3A_667 : i32 to index
        %get3A_671 = arith.constant 32 : index
        %get3A_672 = tpu.vector_load %arg8[%get3A_669, %get3A_670, %get3A_671] {strides = array<i32>} : memref<4x80x128xf32, #tpu.memory_space<vmem>>, vector<16xf32>,
        %sub3A_673 = arith.subf %get3A_665, %get3A_672 : vector<16xf32>
        %add3A_674 = arith.constant 0 : i32
        %add3A_675 = arith.addi %mul3A_615, %add3A_674 : i32
        %swap3A_676 = arith.constant 1 : i32
        %swap3A_677 = arith.index_cast %swap3A_676 : i32 to index
        %swap3A_678 = arith.index_cast %add3A_675 : i32 to index
        %swap3A_679 = arith.constant 32 : index
        %swap3A_680 = tpu.vector_load %arg7[%swap3A_677, %swap3A_678, %swap3A_679] {strides = array<i32>} : memref<4x80x128xf32, #tpu.memory_space<vmem>>, vector<16xf32>,
        tpu.vector_store %arg7[%swap3A_677, %swap3A_678, %swap3A_679], %sub3A_673 {strides = array<i32>} : memref<4x80x128xf32, #tpu.memory_space<vmem>>, vector<16xf32>,
        %add3A_681 = arith.constant 0 : i32
        %add3A_682 = arith.addi %mul3A_615, %add3A_681 : i32
        %get3A_683 = arith.constant 1 : i32
        %get3A_684 = arith.index_cast %get3A_683 : i32 to index
        %get3A_685 = arith.index_cast %add3A_682 : i32 to index
        %get3A_686 = arith.constant 48 : index
        %get3A_687 = tpu.vector_load %arg7[%get3A_684, %get3A_685, %get3A_686] {strides = array<i32>} : memref<4x80x128xf32, #tpu.memory_space<vmem>>, vector<16xf32>,
        %add3A_688 = arith.constant 0 : i32
        %add3A_689 = arith.addi %mul3A_615, %add3A_688 : i32
        %get3A_690 = arith.constant 1 : i32
        %get3A_691 = arith.index_cast %get3A_690 : i32 to index
        %get3A_692 = arith.index_cast %add3A_689 : i32 to index
        %get3A_693 = arith.constant 48 : index
        %get3A_694 = tpu.vector_load %arg8[%get3A_691, %get3A_692, %get3A_693] {strides = array<i32>} : memref<4x80x128xf32, #tpu.memory_space<vmem>>, vector<16xf32>,
        %sub3A_695 = arith.subf %get3A_687, %get3A_694 : vector<16xf32>
        %add3A_696 = arith.constant 0 : i32
        %add3A_697 = arith.addi %mul3A_615, %add3A_696 : i32
        %swap3A_698 = arith.constant 1 : i32
        %swap3A_699 = arith.index_cast %swap3A_698 : i32 to index
        %swap3A_700 = arith.index_cast %add3A_697 : i32 to index
        %swap3A_701 = arith.constant 48 : index
        %swap3A_702 = tpu.vector_load %arg7[%swap3A_699, %swap3A_700, %swap3A_701] {strides = array<i32>} : memref<4x80x128xf32, #tpu.memory_space<vmem>>, vector<16xf32>,
        tpu.vector_store %arg7[%swap3A_699, %swap3A_700, %swap3A_701], %sub3A_695 {strides = array<i32>} : memref<4x80x128xf32, #tpu.memory_space<vmem>>, vector<16xf32>,
        %add3A_703 = arith.constant 0 : i32
        %add3A_704 = arith.addi %mul3A_615, %add3A_703 : i32
        %get3A_705 = arith.constant 1 : i32
        %get3A_706 = arith.index_cast %get3A_705 : i32 to index
        %get3A_707 = arith.index_cast %add3A_704 : i32 to index
        %get3A_708 = arith.constant 64 : index
        %get3A_709 = tpu.vector_load %arg7[%get3A_706, %get3A_707, %get3A_708] {strides = array<i32>} : memref<4x80x128xf32, #tpu.memory_space<vmem>>, vector<16xf32>,
        %add3A_710 = arith.constant 0 : i32
        %add3A_711 = arith.addi %mul3A_615, %add3A_710 : i32
        %get3A_712 = arith.constant 1 : i32
        %get3A_713 = arith.index_cast %get3A_712 : i32 to index
        %get3A_714 = arith.index_cast %add3A_711 : i32 to index
        %get3A_715 = arith.constant 64 : index
        %get3A_716 = tpu.vector_load %arg8[%get3A_713, %get3A_714, %get3A_715] {strides = array<i32>} : memref<4x80x128xf32, #tpu.memory_space<vmem>>, vector<16xf32>,
        %sub3A_717 = arith.subf %get3A_709, %get3A_716 : vector<16xf32>
        %add3A_718 = arith.constant 0 : i32
        %add3A_719 = arith.addi %mul3A_615, %add3A_718 : i32
        %swap3A_720 = arith.constant 1 : i32
        %swap3A_721 = arith.index_cast %swap3A_720 : i32 to index
        %swap3A_722 = arith.index_cast %add3A_719 : i32 to index
        %swap3A_723 = arith.constant 64 : index
        %swap3A_724 = tpu.vector_load %arg7[%swap3A_721, %swap3A_722, %swap3A_723] {strides = array<i32>} : memref<4x80x128xf32, #tpu.memory_space<vmem>>, vector<16xf32>,
        tpu.vector_store %arg7[%swap3A_721, %swap3A_722, %swap3A_723], %sub3A_717 {strides = array<i32>} : memref<4x80x128xf32, #tpu.memory_space<vmem>>, vector<16xf32>,
        %add3A_725 = arith.constant 0 : i32
        %add3A_726 = arith.addi %mul3A_615, %add3A_725 : i32
        %get3A_727 = arith.constant 1 : i32
        %get3A_728 = arith.index_cast %get3A_727 : i32 to index
        %get3A_729 = arith.index_cast %add3A_726 : i32 to index
        %get3A_730 = arith.constant 80 : index
        %get3A_731 = tpu.vector_load %arg7[%get3A_728, %get3A_729, %get3A_730] {strides = array<i32>} : memref<4x80x128xf32, #tpu.memory_space<vmem>>, vector<16xf32>,
        %add3A_732 = arith.constant 0 : i32
        %add3A_733 = arith.addi %mul3A_615, %add3A_732 : i32
        %get3A_734 = arith.constant 1 : i32
        %get3A_735 = arith.index_cast %get3A_734 : i32 to index
        %get3A_736 = arith.index_cast %add3A_733 : i32 to index
        %get3A_737 = arith.constant 80 : index
        %get3A_738 = tpu.vector_load %arg8[%get3A_735, %get3A_736, %get3A_737] {strides = array<i32>} : memref<4x80x128xf32, #tpu.memory_space<vmem>>, vector<16xf32>,
        %sub3A_739 = arith.subf %get3A_731, %get3A_738 : vector<16xf32>
        %add3A_740 = arith.constant 0 : i32
        %add3A_741 = arith.addi %mul3A_615, %add3A_740 : i32
        %swap3A_742 = arith.constant 1 : i32
        %swap3A_743 = arith.index_cast %swap3A_742 : i32 to index
        %swap3A_744 = arith.index_cast %add3A_741 : i32 to index
        %swap3A_745 = arith.constant 80 : index
        %swap3A_746 = tpu.vector_load %arg7[%swap3A_743, %swap3A_744, %swap3A_745] {strides = array<i32>} : memref<4x80x128xf32, #tpu.memory_space<vmem>>, vector<16xf32>,
        tpu.vector_store %arg7[%swap3A_743, %swap3A_744, %swap3A_745], %sub3A_739 {strides = array<i32>} : memref<4x80x128xf32, #tpu.memory_space<vmem>>, vector<16xf32>,
        %add3A_747 = arith.constant 0 : i32
        %add3A_748 = arith.addi %mul3A_615, %add3A_747 : i32
        %get3A_749 = arith.constant 1 : i32
        %get3A_750 = arith.index_cast %get3A_749 : i32 to index
        %get3A_751 = arith.index_cast %add3A_748 : i32 to index
        %get3A_752 = arith.constant 96 : index
        %get3A_753 = tpu.vector_load %arg7[%get3A_750, %get3A_751, %get3A_752] {strides = array<i32>} : memref<4x80x128xf32, #tpu.memory_space<vmem>>, vector<16xf32>,
        %add3A_754 = arith.constant 0 : i32
        %add3A_755 = arith.addi %mul3A_615, %add3A_754 : i32
        %get3A_756 = arith.constant 1 : i32
        %get3A_757 = arith.index_cast %get3A_756 : i32 to index
        %get3A_758 = arith.index_cast %add3A_755 : i32 to index
        %get3A_759 = arith.constant 96 : index
        %get3A_760 = tpu.vector_load %arg8[%get3A_757, %get3A_758, %get3A_759] {strides = array<i32>} : memref<4x80x128xf32, #tpu.memory_space<vmem>>, vector<16xf32>,
        %sub3A_761 = arith.subf %get3A_753, %get3A_760 : vector<16xf32>
        %add3A_762 = arith.constant 0 : i32
        %add3A_763 = arith.addi %mul3A_615, %add3A_762 : i32
        %swap3A_764 = arith.constant 1 : i32
        %swap3A_765 = arith.index_cast %swap3A_764 : i32 to index
        %swap3A_766 = arith.index_cast %add3A_763 : i32 to index
        %swap3A_767 = arith.constant 96 : index
        %swap3A_768 = tpu.vector_load %arg7[%swap3A_765, %swap3A_766, %swap3A_767] {strides = array<i32>} : memref<4x80x128xf32, #tpu.memory_space<vmem>>, vector<16xf32>,
        tpu.vector_store %arg7[%swap3A_765, %swap3A_766, %swap3A_767], %sub3A_761 {strides = array<i32>} : memref<4x80x128xf32, #tpu.memory_space<vmem>>, vector<16xf32>,
        %add3A_769 = arith.constant 0 : i32
        %add3A_770 = arith.addi %mul3A_615, %add3A_769 : i32
        %get3A_771 = arith.constant 1 : i32
        %get3A_772 = arith.index_cast %get3A_771 : i32 to index
        %get3A_773 = arith.index_cast %add3A_770 : i32 to index
        %get3A_774 = arith.constant 112 : index
        %get3A_775 = tpu.vector_load %arg7[%get3A_772, %get3A_773, %get3A_774] {strides = array<i32>} : memref<4x80x128xf32, #tpu.memory_space<vmem>>, vector<16xf32>,
        %add3A_776 = arith.constant 0 : i32
        %add3A_777 = arith.addi %mul3A_615, %add3A_776 : i32
        %get3A_778 = arith.constant 1 : i32
        %get3A_779 = arith.index_cast %get3A_778 : i32 to index
        %get3A_780 = arith.index_cast %add3A_777 : i32 to index
        %get3A_781 = arith.constant 112 : index
        %get3A_782 = tpu.vector_load %arg8[%get3A_779, %get3A_780, %get3A_781] {strides = array<i32>} : memref<4x80x128xf32, #tpu.memory_space<vmem>>, vector<16xf32>,
        %sub3A_783 = arith.subf %get3A_775, %get3A_782 : vector<16xf32>
        %add3A_784 = arith.constant 0 : i32
        %add3A_785 = arith.addi %mul3A_615, %add3A_784 : i32
        %swap3A_786 = arith.constant 1 : i32
        %swap3A_787 = arith.index_cast %swap3A_786 : i32 to index
        %swap3A_788 = arith.index_cast %add3A_785 : i32 to index
        %swap3A_789 = arith.constant 112 : index
        %swap3A_790 = tpu.vector_load %arg7[%swap3A_787, %swap3A_788, %swap3A_789] {strides = array<i32>} : memref<4x80x128xf32, #tpu.memory_space<vmem>>, vector<16xf32>,
        tpu.vector_store %arg7[%swap3A_787, %swap3A_788, %swap3A_789], %sub3A_783 {strides = array<i32>} : memref<4x80x128xf32, #tpu.memory_space<vmem>>, vector<16xf32>,
        %add3A_791 = arith.constant 1 : i32
        %add3A_792 = arith.addi %mul3A_615, %add3A_791 : i32
        %get3A_793 = arith.constant 1 : i32
        %get3A_794 = arith.index_cast %get3A_793 : i32 to index
        %get3A_795 = arith.index_cast %add3A_792 : i32 to index
        %get3A_796 = arith.constant 0 : index
        %get3A_797 = tpu.vector_load %arg7[%get3A_794, %get3A_795, %get3A_796] {strides = array<i32>} : memref<4x80x128xf32, #tpu.memory_space<vmem>>, vector<16xf32>,
        %add3A_798 = arith.constant 1 : i32
        %add3A_799 = arith.addi %mul3A_615, %add3A_798 : i32
        %get3A_800 = arith.constant 1 : i32
        %get3A_801 = arith.index_cast %get3A_800 : i32 to index
        %get3A_802 = arith.index_cast %add3A_799 : i32 to index
        %get3A_803 = arith.constant 0 : index
        %get3A_804 = tpu.vector_load %arg8[%get3A_801, %get3A_802, %get3A_803] {strides = array<i32>} : memref<4x80x128xf32, #tpu.memory_space<vmem>>, vector<16xf32>,
        %sub3A_805 = arith.subf %get3A_797, %get3A_804 : vector<16xf32>
        %add3A_806 = arith.constant 1 : i32
        %add3A_807 = arith.addi %mul3A_615, %add3A_806 : i32
        %swap3A_808 = arith.constant 1 : i32
        %swap3A_809 = arith.index_cast %swap3A_808 : i32 to index
        %swap3A_810 = arith.index_cast %add3A_807 : i32 to index
        %swap3A_811 = arith.constant 0 : index
        %swap3A_812 = tpu.vector_load %arg7[%swap3A_809, %swap3A_810, %swap3A_811] {strides = array<i32>} : memref<4x80x128xf32, #tpu.memory_space<vmem>>, vector<16xf32>,
        tpu.vector_store %arg7[%swap3A_809, %swap3A_810, %swap3A_811], %sub3A_805 {strides = array<i32>} : memref<4x80x128xf32, #tpu.memory_space<vmem>>, vector<16xf32>,
        %add3A_813 = arith.constant 1 : i32
        %add3A_814 = arith.addi %mul3A_615, %add3A_813 : i32
        %get3A_815 = arith.constant 1 : i32
        %get3A_816 = arith.index_cast %get3A_815 : i32 to index
        %get3A_817 = arith.index_cast %add3A_814 : i32 to index
        %get3A_818 = arith.constant 16 : index
        %get3A_819 = tpu.vector_load %arg7[%get3A_816, %get3A_817, %get3A_818] {strides = array<i32>} : memref<4x80x128xf32, #tpu.memory_space<vmem>>, vector<16xf32>,
        %add3A_820 = arith.constant 1 : i32
        %add3A_821 = arith.addi %mul3A_615, %add3A_820 : i32
        %get3A_822 = arith.constant 1 : i32
        %get3A_823 = arith.index_cast %get3A_822 : i32 to index
        %get3A_824 = arith.index_cast %add3A_821 : i32 to index
        %get3A_825 = arith.constant 16 : index
        %get3A_826 = tpu.vector_load %arg8[%get3A_823, %get3A_824, %get3A_825] {strides = array<i32>} : memref<4x80x128xf32, #tpu.memory_space<vmem>>, vector<16xf32>,
        %sub3A_827 = arith.subf %get3A_819, %get3A_826 : vector<16xf32>
        %add3A_828 = arith.constant 1 : i32
        %add3A_829 = arith.addi %mul3A_615, %add3A_828 : i32
        %swap3A_830 = arith.constant 1 : i32
        %swap3A_831 = arith.index_cast %swap3A_830 : i32 to index
        %swap3A_832 = arith.index_cast %add3A_829 : i32 to index
        %swap3A_833 = arith.constant 16 : index
        %swap3A_834 = tpu.vector_load %arg7[%swap3A_831, %swap3A_832, %swap3A_833] {strides = array<i32>} : memref<4x80x128xf32, #tpu.memory_space<vmem>>, vector<16xf32>,
        tpu.vector_store %arg7[%swap3A_831, %swap3A_832, %swap3A_833], %sub3A_827 {strides = array<i32>} : memref<4x80x128xf32, #tpu.memory_space<vmem>>, vector<16xf32>,
        %add3A_835 = arith.constant 1 : i32
        %add3A_836 = arith.addi %mul3A_615, %add3A_835 : i32
        %get3A_837 = arith.constant 1 : i32
        %get3A_838 = arith.index_cast %get3A_837 : i32 to index
        %get3A_839 = arith.index_cast %add3A_836 : i32 to index
        %get3A_840 = arith.constant 32 : index
        %get3A_841 = tpu.vector_load %arg7[%get3A_838, %get3A_839, %get3A_840] {strides = array<i32>} : memref<4x80x128xf32, #tpu.memory_space<vmem>>, vector<16xf32>,
        %add3A_842 = arith.constant 1 : i32
        %add3A_843 = arith.addi %mul3A_615, %add3A_842 : i32
        %get3A_844 = arith.constant 1 : i32
        %get3A_845 = arith.index_cast %get3A_844 : i32 to index
        %get3A_846 = arith.index_cast %add3A_843 : i32 to index
        %get3A_847 = arith.constant 32 : index
        %get3A_848 = tpu.vector_load %arg8[%get3A_845, %get3A_846, %get3A_847] {strides = array<i32>} : memref<4x80x128xf32, #tpu.memory_space<vmem>>, vector<16xf32>,
        %sub3A_849 = arith.subf %get3A_841, %get3A_848 : vector<16xf32>
        %add3A_850 = arith.constant 1 : i32
        %add3A_851 = arith.addi %mul3A_615, %add3A_850 : i32
        %swap3A_852 = arith.constant 1 : i32
        %swap3A_853 = arith.index_cast %swap3A_852 : i32 to index
        %swap3A_854 = arith.index_cast %add3A_851 : i32 to index
        %swap3A_855 = arith.constant 32 : index
        %swap3A_856 = tpu.vector_load %arg7[%swap3A_853, %swap3A_854, %swap3A_855] {strides = array<i32>} : memref<4x80x128xf32, #tpu.memory_space<vmem>>, vector<16xf32>,
        tpu.vector_store %arg7[%swap3A_853, %swap3A_854, %swap3A_855], %sub3A_849 {strides = array<i32>} : memref<4x80x128xf32, #tpu.memory_space<vmem>>, vector<16xf32>,
        %add3A_857 = arith.constant 1 : i32
        %add3A_858 = arith.addi %mul3A_615, %add3A_857 : i32
        %get3A_859 = arith.constant 1 : i32
        %get3A_860 = arith.index_cast %get3A_859 : i32 to index
        %get3A_861 = arith.index_cast %add3A_858 : i32 to index
        %get3A_862 = arith.constant 48 : index
        %get3A_863 = tpu.vector_load %arg7[%get3A_860, %get3A_861, %get3A_862] {strides = array<i32>} : memref<4x80x128xf32, #tpu.memory_space<vmem>>, vector<16xf32>,
        %add3A_864 = arith.constant 1 : i32
        %add3A_865 = arith.addi %mul3A_615, %add3A_864 : i32
        %get3A_866 = arith.constant 1 : i32
        %get3A_867 = arith.index_cast %get3A_866 : i32 to index
        %get3A_868 = arith.index_cast %add3A_865 : i32 to index
        %get3A_869 = arith.constant 48 : index
        %get3A_870 = tpu.vector_load %arg8[%get3A_867, %get3A_868, %get3A_869] {strides = array<i32>} : memref<4x80x128xf32, #tpu.memory_space<vmem>>, vector<16xf32>,
        %sub3A_871 = arith.subf %get3A_863, %get3A_870 : vector<16xf32>
        %add3A_872 = arith.constant 1 : i32
        %add3A_873 = arith.addi %mul3A_615, %add3A_872 : i32
        %swap3A_874 = arith.constant 1 : i32
        %swap3A_875 = arith.index_cast %swap3A_874 : i32 to index
        %swap3A_876 = arith.index_cast %add3A_873 : i32 to index
        %swap3A_877 = arith.constant 48 : index
        %swap3A_878 = tpu.vector_load %arg7[%swap3A_875, %swap3A_876, %swap3A_877] {strides = array<i32>} : memref<4x80x128xf32, #tpu.memory_space<vmem>>, vector<16xf32>,
        tpu.vector_store %arg7[%swap3A_875, %swap3A_876, %swap3A_877], %sub3A_871 {strides = array<i32>} : memref<4x80x128xf32, #tpu.memory_space<vmem>>, vector<16xf32>,
        %add3A_879 = arith.constant 1 : i32
        %add3A_880 = arith.addi %mul3A_615, %add3A_879 : i32
        %get3A_881 = arith.constant 1 : i32
        %get3A_882 = arith.index_cast %get3A_881 : i32 to index
        %get3A_883 = arith.index_cast %add3A_880 : i32 to index
        %get3A_884 = arith.constant 64 : index
        %get3A_885 = tpu.vector_load %arg7[%get3A_882, %get3A_883, %get3A_884] {strides = array<i32>} : memref<4x80x128xf32, #tpu.memory_space<vmem>>, vector<16xf32>,
        %add3A_886 = arith.constant 1 : i32
        %add3A_887 = arith.addi %mul3A_615, %add3A_886 : i32
        %get3A_888 = arith.constant 1 : i32
        %get3A_889 = arith.index_cast %get3A_888 : i32 to index
        %get3A_890 = arith.index_cast %add3A_887 : i32 to index
        %get3A_891 = arith.constant 64 : index
        %get3A_892 = tpu.vector_load %arg8[%get3A_889, %get3A_890, %get3A_891] {strides = array<i32>} : memref<4x80x128xf32, #tpu.memory_space<vmem>>, vector<16xf32>,
        %sub3A_893 = arith.subf %get3A_885, %get3A_892 : vector<16xf32>
        %add3A_894 = arith.constant 1 : i32
        %add3A_895 = arith.addi %mul3A_615, %add3A_894 : i32
        %swap3A_896 = arith.constant 1 : i32
        %swap3A_897 = arith.index_cast %swap3A_896 : i32 to index
        %swap3A_898 = arith.index_cast %add3A_895 : i32 to index
        %swap3A_899 = arith.constant 64 : index
        %swap3A_900 = tpu.vector_load %arg7[%swap3A_897, %swap3A_898, %swap3A_899] {strides = array<i32>} : memref<4x80x128xf32, #tpu.memory_space<vmem>>, vector<16xf32>,
        tpu.vector_store %arg7[%swap3A_897, %swap3A_898, %swap3A_899], %sub3A_893 {strides = array<i32>} : memref<4x80x128xf32, #tpu.memory_space<vmem>>, vector<16xf32>,
        %add3A_901 = arith.constant 1 : i32
        %add3A_902 = arith.addi %mul3A_615, %add3A_901 : i32
        %get3A_903 = arith.constant 1 : i32
        %get3A_904 = arith.index_cast %get3A_903 : i32 to index
        %get3A_905 = arith.index_cast %add3A_902 : i32 to index
        %get3A_906 = arith.constant 80 : index
        %get3A_907 = tpu.vector_load %arg7[%get3A_904, %get3A_905, %get3A_906] {strides = array<i32>} : memref<4x80x128xf32, #tpu.memory_space<vmem>>, vector<16xf32>,
        %add3A_908 = arith.constant 1 : i32
        %add3A_909 = arith.addi %mul3A_615, %add3A_908 : i32
        %get3A_910 = arith.constant 1 : i32
        %get3A_911 = arith.index_cast %get3A_910 : i32 to index
        %get3A_912 = arith.index_cast %add3A_909 : i32 to index
        %get3A_913 = arith.constant 80 : index
        %get3A_914 = tpu.vector_load %arg8[%get3A_911, %get3A_912, %get3A_913] {strides = array<i32>} : memref<4x80x128xf32, #tpu.memory_space<vmem>>, vector<16xf32>,
        %sub3A_915 = arith.subf %get3A_907, %get3A_914 : vector<16xf32>
        %add3A_916 = arith.constant 1 : i32
        %add3A_917 = arith.addi %mul3A_615, %add3A_916 : i32
        %swap3A_918 = arith.constant 1 : i32
        %swap3A_919 = arith.index_cast %swap3A_918 : i32 to index
        %swap3A_920 = arith.index_cast %add3A_917 : i32 to index
        %swap3A_921 = arith.constant 80 : index
        %swap3A_922 = tpu.vector_load %arg7[%swap3A_919, %swap3A_920, %swap3A_921] {strides = array<i32>} : memref<4x80x128xf32, #tpu.memory_space<vmem>>, vector<16xf32>,
        tpu.vector_store %arg7[%swap3A_919, %swap3A_920, %swap3A_921], %sub3A_915 {strides = array<i32>} : memref<4x80x128xf32, #tpu.memory_space<vmem>>, vector<16xf32>,
        %add3A_923 = arith.constant 1 : i32
        %add3A_924 = arith.addi %mul3A_615, %add3A_923 : i32
        %get3A_925 = arith.constant 1 : i32
        %get3A_926 = arith.index_cast %get3A_925 : i32 to index
        %get3A_927 = arith.index_cast %add3A_924 : i32 to index
        %get3A_928 = arith.constant 96 : index
        %get3A_929 = tpu.vector_load %arg7[%get3A_926, %get3A_927, %get3A_928] {strides = array<i32>} : memref<4x80x128xf32, #tpu.memory_space<vmem>>, vector<16xf32>,
        %add3A_930 = arith.constant 1 : i32
        %add3A_931 = arith.addi %mul3A_615, %add3A_930 : i32
        %get3A_932 = arith.constant 1 : i32
        %get3A_933 = arith.index_cast %get3A_932 : i32 to index
        %get3A_934 = arith.index_cast %add3A_931 : i32 to index
        %get3A_935 = arith.constant 96 : index
        %get3A_936 = tpu.vector_load %arg8[%get3A_933, %get3A_934, %get3A_935] {strides = array<i32>} : memref<4x80x128xf32, #tpu.memory_space<vmem>>, vector<16xf32>,
        %sub3A_937 = arith.subf %get3A_929, %get3A_936 : vector<16xf32>
        %add3A_938 = arith.constant 1 : i32
        %add3A_939 = arith.addi %mul3A_615, %add3A_938 : i32
        %swap3A_940 = arith.constant 1 : i32
        %swap3A_941 = arith.index_cast %swap3A_940 : i32 to index
        %swap3A_942 = arith.index_cast %add3A_939 : i32 to index
        %swap3A_943 = arith.constant 96 : index
        %swap3A_944 = tpu.vector_load %arg7[%swap3A_941, %swap3A_942, %swap3A_943] {strides = array<i32>} : memref<4x80x128xf32, #tpu.memory_space<vmem>>, vector<16xf32>,
        tpu.vector_store %arg7[%swap3A_941, %swap3A_942, %swap3A_943], %sub3A_937 {strides = array<i32>} : memref<4x80x128xf32, #tpu.memory_space<vmem>>, vector<16xf32>,
        %add3A_945 = arith.constant 1 : i32
        %add3A_946 = arith.addi %mul3A_615, %add3A_945 : i32
        %get3A_947 = arith.constant 1 : i32
        %get3A_948 = arith.index_cast %get3A_947 : i32 to index
        %get3A_949 = arith.index_cast %add3A_946 : i32 to index
        %get3A_950 = arith.constant 112 : index
        %get3A_951 = tpu.vector_load %arg7[%get3A_948, %get3A_949, %get3A_950] {strides = array<i32>} : memref<4x80x128xf32, #tpu.memory_space<vmem>>, vector<16xf32>,
        %add3A_952 = arith.constant 1 : i32
        %add3A_953 = arith.addi %mul3A_615, %add3A_952 : i32
        %get3A_954 = arith.constant 1 : i32
        %get3A_955 = arith.index_cast %get3A_954 : i32 to index
        %get3A_956 = arith.index_cast %add3A_953 : i32 to index
        %get3A_957 = arith.constant 112 : index
        %get3A_958 = tpu.vector_load %arg8[%get3A_955, %get3A_956, %get3A_957] {strides = array<i32>} : memref<4x80x128xf32, #tpu.memory_space<vmem>>, vector<16xf32>,
        %sub3A_959 = arith.subf %get3A_951, %get3A_958 : vector<16xf32>
        %add3A_960 = arith.constant 1 : i32
        %add3A_961 = arith.addi %mul3A_615, %add3A_960 : i32
        %swap3A_962 = arith.constant 1 : i32
        %swap3A_963 = arith.index_cast %swap3A_962 : i32 to index
        %swap3A_964 = arith.index_cast %add3A_961 : i32 to index
        %swap3A_965 = arith.constant 112 : index
        %swap3A_966 = tpu.vector_load %arg7[%swap3A_963, %swap3A_964, %swap3A_965] {strides = array<i32>} : memref<4x80x128xf32, #tpu.memory_space<vmem>>, vector<16xf32>,
        tpu.vector_store %arg7[%swap3A_963, %swap3A_964, %swap3A_965], %sub3A_959 {strides = array<i32>} : memref<4x80x128xf32, #tpu.memory_space<vmem>>, vector<16xf32>,
      }
      %scan3A_386 = arith.constant 40 : i32
      %dma_start3A_387 = arith.constant 1 : i32
      %dma_start3A_388 = arith.constant 1 : i32
      %dma_start3A_389 = arith.constant 1 : i32
      %dma_start3A_390 = arith.constant 0 : i32
      %dma_start3A_391 = arith.constant 0 : i32
      %dma_start3A_392 = tpu.memref_slice %arg7[%dma_start3A_387, %dma_start3A_390, %dma_start3A_391] : memref<4x80x128xf32, #tpu.memory_space<vmem>> -> memref<1x80x128xf32, #tpu.memory_space<vmem>>
      %dma_start3A_393 = tpu.memref_squeeze %dma_start3A_392 : memref<1x80x128xf32, #tpu.memory_space<vmem>> -> memref<80x128xf32, #tpu.memory_space<vmem>>
      %dma_start3A_394 = arith.constant 0 : i32
      %dma_start3A_395 = tpu.memref_slice %arg9[%dma_start3A_388, %dma_start3A_394] : memref<4x80xi32, #tpu.memory_space<vmem>> -> memref<1x80xi32, #tpu.memory_space<vmem>>
      %dma_start3A_396 = tpu.memref_squeeze %dma_start3A_395 : memref<1x80xi32, #tpu.memory_space<vmem>> -> memref<80xi32, #tpu.memory_space<vmem>>
      %dma_start3A_397 = arith.constant 0 : i32
      %dma_start3A_398 = arith.constant 0 : i32
      %dma_start3A_399 = tpu.memref_slice %arg12[%dma_start3A_397, %dma_start3A_398] : memref<512x128xf32, #tpu.memory_space<vmem_shared>> -> memref<512x128xf32, #tpu.memory_space<vmem_shared>>
      %dma_start3A_400 = tpu.memref_slice %arg14[%dma_start3A_389] : memref<4x!tpu.dma_semaphore, #tpu.memory_space<semaphore_mem>> -> memref<1x!tpu.dma_semaphore, #tpu.memory_space<semaphore_mem>>
      %dma_start3A_401 = tpu.memref_squeeze %dma_start3A_400 : memref<1x!tpu.dma_semaphore, #tpu.memory_space<semaphore_mem>> -> memref<!tpu.dma_semaphore, #tpu.memory_space<semaphore_mem>>
      tpu.enqueue_indirect_dma source(%dma_start3A_393 : memref<80x128xf32, #tpu.memory_space<vmem>>) target(%dma_start3A_399 : memref<512x128xf32, #tpu.memory_space<vmem_shared>>) offsets(%dma_start3A_396 : memref<80xi32, #tpu.memory_space<vmem>>) semaphore(%dma_start3A_401 : memref<!tpu.dma_semaphore, #tpu.memory_space<semaphore_mem>>) {add = true}
      %scan3A_402 = arith.constant 0 : i32
      %scan3A_403 = arith.constant 5 : i32
      %scan3A_404 = arith.addi %scan3A_402, %scan3A_403 : i32
      %scan3A_405 = arith.constant 1 : i32
      scf.for %scan3A_613 = %scan3A_402 to %scan3A_404 step %scan3A_405  : i32 {
        %mul3A_614 = arith.constant 16 : i32
        %mul3A_615 = arith.muli %scan3A_613, %mul3A_614 : i32
        %get3A_616 = arith.constant 1 : i32
        %get3A_617 = arith.index_cast %get3A_616 : i32 to index
        %get3A_618 = arith.index_cast %mul3A_615 : i32 to index
        %get3A_619 = tpu.vector_load %arg9[%get3A_617, %get3A_618] {strides = array<i32>} : memref<4x80xi32, #tpu.memory_space<vmem>>, vector<16xi32>,
        %sub3A_620 = arith.constant 1 : i32
        %sub3A_621 = arith.subi %scan3A_613, %sub3A_620 : i32
        %mul3A_622 = arith.constant 16 : i32
        %mul3A_623 = arith.muli %sub3A_621, %mul3A_622 : i32
        %max3A_624 = arith.constant 0 : i32
        %max3A_625 = arith.maxsi %mul3A_623, %max3A_624 : i32
        %get3A_626 = arith.constant 1 : i32
        %get3A_627 = arith.index_cast %get3A_626 : i32 to index
        %get3A_628 = arith.index_cast %max3A_625 : i32 to index
        %get3A_629 = tpu.vector_load %arg9[%get3A_627, %get3A_628] {strides = array<i32>} : memref<4x80xi32, #tpu.memory_space<vmem>>, vector<16xi32>,
        %eq3A = arith.constant 0 : i32
        %eq3A_630 = arith.cmpi eq, %scan3A_613, %eq3A : i32
        %slice3A_631 = vector.extract_strided_slice %get3A_629 {offsets = [15], sizes = [1], strides = [1]} : vector<16xi32> to vector<1xi32>
        %squeeze3A_632 = vector.extract %slice3A_631[0] : i32 from vector<1xi32>
        %select_n3A = arith.select %eq3A_630, %squeeze3A_322, %squeeze3A_632 : i32
        %lt3A_633 = arith.constant 0 : i32
        %lt3A_634 = vector.broadcast %lt3A_633 : i32 to vector<16xi32>
        %lt3A_635 = arith.cmpi slt, %max3A_100, %lt3A_634 : vector<16xi32>
        %add3A_636 = arith.constant 16 : i32
        %add3A_637 = vector.broadcast %add3A_636 : i32 to vector<16xi32>
        %add3A_638 = arith.addi %max3A_100, %add3A_637 : vector<16xi32>
        %select_n3A_639 = arith.select %lt3A_635, %add3A_638, %max3A_100 : vector<16xi1>, vector<16xi32>
        %broadcast_in_dim3A_640 = vector.shape_cast %select_n3A_639 : vector<16xi32> to vector<16x1xi32>
        %gather3A = vector.shape_cast %broadcast_in_dim3A_640 : vector<16x1xi32> to vector<16xi32>
        %gather3A_641 = tpu.dynamic_gather %get3A_619[%gather3A] in [0] : vector<16xi32>, vector<16xi32> -> vector<16xi32>
        %eq3A_642 = arith.constant 0 : i32
        %eq3A_643 = vector.broadcast %eq3A_642 : i32 to vector<16xi32>
        %eq3A_644 = arith.cmpi eq, %iota3A, %eq3A_643 : vector<16xi32>
        %broadcast_in_dim3A_645 = vector.broadcast %select_n3A : i32 to vector<16xi32>
        %select_n3A_646 = arith.select %eq3A_644, %broadcast_in_dim3A_645, %gather3A_641 : vector<16xi1>, vector<16xi32>
        %ne3A = arith.cmpi ne, %get3A_619, %select_n3A_646 : vector<16xi32>
        %mul3A_647 = arith.constant 80 : i32
        %mul3A_648 = arith.muli %add3A_334, %mul3A_647 : i32
        %mul3A_649 = arith.constant 16 : i32
        %mul3A_650 = arith.muli %scan3A_613, %mul3A_649 : i32
        %add3A_651 = arith.addi %mul3A_648, %mul3A_650 : i32
        %add3A_652 = vector.broadcast %add3A_651 : i32 to vector<16xi32>
        %add3A_653 = arith.addi %add3A_652, %iota3A : vector<16xi32>
        tpu.vector_store_idx %arg10[%get3A_619], %add3A_653 masked %ne3A : memref<512xi32, #tpu.memory_space<vmem>>[vector<16xi32>], vector<16xi32>, vector<16xi1>
      }
      %scan3A_406 = arith.constant 5 : i32
      %get3A_407 = arith.constant 1 : i32
      %get3A_408 = arith.index_cast %get3A_407 : i32 to index
      %get3A_409 = arith.constant 64 : index
      %get3A_410 = tpu.vector_load %arg9[%get3A_408, %get3A_409] {strides = array<i32>} : memref<4x80xi32, #tpu.memory_space<vmem>>, vector<16xi32>,
      %slice3A_411 = vector.extract_strided_slice %get3A_410 {offsets = [15], sizes = [1], strides = [1]} : vector<16xi32> to vector<1xi32>
      %squeeze3A_412 = vector.extract %slice3A_411[0] : i32 from vector<1xi32>
      %add3A_413 = arith.constant 2 : i32
      %add3A_414 = arith.addi %add3A_334, %add3A_413 : i32
      %ge3A_415 = arith.constant 4 : i32
      %ge3A_416 = arith.cmpi sge, %add3A_414, %ge3A_415 : i32
      %convert_element_type3A_417 = arith.extui %ge3A_416 : i1 to i32
      %cond3A_418 = arith.constant 0 : i32
      %cond3A_419 = arith.cmpi ne, %convert_element_type3A_417, %cond3A_418 : i32
      scf.if %cond3A_419 {
        %dma_wait3A_613 = arith.constant 3 : i32
        %dma_wait3A_614 = arith.constant 3 : i32
        %dma_wait3A_615 = arith.constant 3 : i32
        %dma_wait3A_616 = arith.constant 0 : i32
        %dma_wait3A_617 = arith.constant 0 : i32
        %dma_wait3A_618 = tpu.memref_slice %arg7[%dma_wait3A_613, %dma_wait3A_616, %dma_wait3A_617] : memref<4x80x128xf32, #tpu.memory_space<vmem>> -> memref<1x80x128xf32, #tpu.memory_space<vmem>>
        %dma_wait3A_619 = tpu.memref_squeeze %dma_wait3A_618 : memref<1x80x128xf32, #tpu.memory_space<vmem>> -> memref<80x128xf32, #tpu.memory_space<vmem>>
        %dma_wait3A_620 = arith.constant 0 : i32
        %dma_wait3A_621 = tpu.memref_slice %arg9[%dma_wait3A_614, %dma_wait3A_620] : memref<4x80xi32, #tpu.memory_space<vmem>> -> memref<1x80xi32, #tpu.memory_space<vmem>>
        %dma_wait3A_622 = tpu.memref_squeeze %dma_wait3A_621 : memref<1x80xi32, #tpu.memory_space<vmem>> -> memref<80xi32, #tpu.memory_space<vmem>>
        %dma_wait3A_623 = arith.constant 0 : i32
        %dma_wait3A_624 = arith.constant 0 : i32
        %dma_wait3A_625 = tpu.memref_slice %arg12[%dma_wait3A_623, %dma_wait3A_624] : memref<512x128xf32, #tpu.memory_space<vmem_shared>> -> memref<512x128xf32, #tpu.memory_space<vmem_shared>>
        %dma_wait3A_626 = tpu.memref_slice %arg14[%dma_wait3A_615] : memref<4x!tpu.dma_semaphore, #tpu.memory_space<semaphore_mem>> -> memref<1x!tpu.dma_semaphore, #tpu.memory_space<semaphore_mem>>
        %dma_wait3A_627 = tpu.memref_squeeze %dma_wait3A_626 : memref<1x!tpu.dma_semaphore, #tpu.memory_space<semaphore_mem>> -> memref<!tpu.dma_semaphore, #tpu.memory_space<semaphore_mem>>
        tpu.wait_indirect_dma semaphore(%dma_wait3A_627 : memref<!tpu.dma_semaphore, #tpu.memory_space<semaphore_mem>>) src(%dma_wait3A_619 : memref<80x128xf32, #tpu.memory_space<vmem>>) dst(%dma_wait3A_625 : memref<512x128xf32, #tpu.memory_space<vmem_shared>>)
      } else {
      }
      %lt3A_420 = arith.constant 125 : i32
      %lt3A_421 = arith.cmpi slt, %add3A_414, %lt3A_420 : i32
      %convert_element_type3A_422 = arith.extui %lt3A_421 : i1 to i32
      %cond3A_423 = arith.constant 0 : i32
      %cond3A_424 = arith.cmpi ne, %convert_element_type3A_422, %cond3A_423 : i32
      scf.if %cond3A_424 {
        %mul3A_613 = arith.constant 80 : i32
        %mul3A_614 = arith.muli %add3A_414, %mul3A_613 : i32
        %add3A_615 = arith.addi %mul3A_2, %mul3A_614 : i32
        %dma_start3A_616 = arith.constant 3 : i32
        %dma_start3A_617 = arith.constant 3 : i32
        %dma_start3A_618 = arith.constant 0 : i32
        %dma_start3A_619 = tpu.memref_slice %arg9[%dma_start3A_616, %dma_start3A_618] : memref<4x80xi32, #tpu.memory_space<vmem>> -> memref<1x80xi32, #tpu.memory_space<vmem>>
        %dma_start3A_620 = tpu.memref_squeeze %dma_start3A_619 : memref<1x80xi32, #tpu.memory_space<vmem>> -> memref<80xi32, #tpu.memory_space<vmem>>
        %dma_start3A_621 = tpu.memref_slice %arg4[%add3A_615] : memref<320000xi32, #tpu.memory_space<hbm>> -> memref<80xi32, #tpu.memory_space<hbm>>
        %dma_start3A_622 = tpu.memref_slice %arg13[%dma_start3A_617] : memref<4x!tpu.dma_semaphore, #tpu.memory_space<semaphore_mem>> -> memref<1x!tpu.dma_semaphore, #tpu.memory_space<semaphore_mem>>
        %dma_start3A_623 = tpu.memref_squeeze %dma_start3A_622 : memref<1x!tpu.dma_semaphore, #tpu.memory_space<semaphore_mem>> -> memref<!tpu.dma_semaphore, #tpu.memory_space<semaphore_mem>>
        %dma_start3A_624 = arith.constant 0 : i32
        %dma_start3A_625 = tpu.memref_slice %arg9[%dma_start3A_616, %dma_start3A_624] : memref<4x80xi32, #tpu.memory_space<vmem>> -> memref<1x80xi32, #tpu.memory_space<vmem>>
        %dma_start3A_626 = tpu.memref_squeeze %dma_start3A_625 : memref<1x80xi32, #tpu.memory_space<vmem>> -> memref<80xi32, #tpu.memory_space<vmem>>
        %dma_start3A_627 = tpu.memref_slice %arg4[%add3A_615] : memref<320000xi32, #tpu.memory_space<hbm>> -> memref<80xi32, #tpu.memory_space<hbm>>
        tpu.enqueue_dma source(%dma_start3A_627 : memref<80xi32, #tpu.memory_space<hbm>>) target(%dma_start3A_626 : memref<80xi32, #tpu.memory_space<vmem>>) target_semaphore(%dma_start3A_623 : memref<!tpu.dma_semaphore, #tpu.memory_space<semaphore_mem>>)
        %dma_start3A_628 = arith.constant 3 : i32
        %dma_start3A_629 = arith.constant 3 : i32
        %dma_start3A_630 = arith.constant 0 : i32
        %dma_start3A_631 = arith.constant 0 : i32
        %dma_start3A_632 = tpu.memref_slice %arg7[%dma_start3A_628, %dma_start3A_630, %dma_start3A_631] : memref<4x80x128xf32, #tpu.memory_space<vmem>> -> memref<1x80x128xf32, #tpu.memory_space<vmem>>
        %dma_start3A_633 = tpu.memref_squeeze %dma_start3A_632 : memref<1x80x128xf32, #tpu.memory_space<vmem>> -> memref<80x128xf32, #tpu.memory_space<vmem>>
        %dma_start3A_634 = arith.constant 0 : i32
        %dma_start3A_635 = tpu.memref_slice %arg2[%add3A_615, %dma_start3A_634] : memref<320000x128xf32, #tpu.memory_space<hbm>> -> memref<80x128xf32, #tpu.memory_space<hbm>>
        %dma_start3A_636 = tpu.memref_slice %arg13[%dma_start3A_629] : memref<4x!tpu.dma_semaphore, #tpu.memory_space<semaphore_mem>> -> memref<1x!tpu.dma_semaphore, #tpu.memory_space<semaphore_mem>>
        %dma_start3A_637 = tpu.memref_squeeze %dma_start3A_636 : memref<1x!tpu.dma_semaphore, #tpu.memory_space<semaphore_mem>> -> memref<!tpu.dma_semaphore, #tpu.memory_space<semaphore_mem>>
        %dma_start3A_638 = arith.constant 0 : i32
        %dma_start3A_639 = arith.constant 0 : i32
        %dma_start3A_640 = tpu.memref_slice %arg7[%dma_start3A_628, %dma_start3A_638, %dma_start3A_639] : memref<4x80x128xf32, #tpu.memory_space<vmem>> -> memref<1x80x128xf32, #tpu.memory_space<vmem>>
        %dma_start3A_641 = tpu.memref_squeeze %dma_start3A_640 : memref<1x80x128xf32, #tpu.memory_space<vmem>> -> memref<80x128xf32, #tpu.memory_space<vmem>>
        %dma_start3A_642 = arith.constant 0 : i32
        %dma_start3A_643 = tpu.memref_slice %arg2[%add3A_615, %dma_start3A_642] : memref<320000x128xf32, #tpu.memory_space<hbm>> -> memref<80x128xf32, #tpu.memory_space<hbm>>
        tpu.enqueue_dma source(%dma_start3A_643 : memref<80x128xf32, #tpu.memory_space<hbm>>) target(%dma_start3A_641 : memref<80x128xf32, #tpu.memory_space<vmem>>) target_semaphore(%dma_start3A_637 : memref<!tpu.dma_semaphore, #tpu.memory_space<semaphore_mem>>)
        %dma_start3A_644 = arith.constant 3 : i32
        %dma_start3A_645 = arith.constant 3 : i32
        %dma_start3A_646 = arith.constant 0 : i32
        %dma_start3A_647 = arith.constant 0 : i32
        %dma_start3A_648 = tpu.memref_slice %arg8[%dma_start3A_644, %dma_start3A_646, %dma_start3A_647] : memref<4x80x128xf32, #tpu.memory_space<vmem>> -> memref<1x80x128xf32, #tpu.memory_space<vmem>>
        %dma_start3A_649 = tpu.memref_squeeze %dma_start3A_648 : memref<1x80x128xf32, #tpu.memory_space<vmem>> -> memref<80x128xf32, #tpu.memory_space<vmem>>
        %dma_start3A_650 = arith.constant 0 : i32
        %dma_start3A_651 = tpu.memref_slice %arg3[%add3A_615, %dma_start3A_650] : memref<320000x128xf32, #tpu.memory_space<hbm>> -> memref<80x128xf32, #tpu.memory_space<hbm>>
        %dma_start3A_652 = tpu.memref_slice %arg13[%dma_start3A_645] : memref<4x!tpu.dma_semaphore, #tpu.memory_space<semaphore_mem>> -> memref<1x!tpu.dma_semaphore, #tpu.memory_space<semaphore_mem>>
        %dma_start3A_653 = tpu.memref_squeeze %dma_start3A_652 : memref<1x!tpu.dma_semaphore, #tpu.memory_space<semaphore_mem>> -> memref<!tpu.dma_semaphore, #tpu.memory_space<semaphore_mem>>
        %dma_start3A_654 = arith.constant 0 : i32
        %dma_start3A_655 = arith.constant 0 : i32
        %dma_start3A_656 = tpu.memref_slice %arg8[%dma_start3A_644, %dma_start3A_654, %dma_start3A_655] : memref<4x80x128xf32, #tpu.memory_space<vmem>> -> memref<1x80x128xf32, #tpu.memory_space<vmem>>
        %dma_start3A_657 = tpu.memref_squeeze %dma_start3A_656 : memref<1x80x128xf32, #tpu.memory_space<vmem>> -> memref<80x128xf32, #tpu.memory_space<vmem>>
        %dma_start3A_658 = arith.constant 0 : i32
        %dma_start3A_659 = tpu.memref_slice %arg3[%add3A_615, %dma_start3A_658] : memref<320000x128xf32, #tpu.memory_space<hbm>> -> memref<80x128xf32, #tpu.memory_space<hbm>>
        tpu.enqueue_dma source(%dma_start3A_659 : memref<80x128xf32, #tpu.memory_space<hbm>>) target(%dma_start3A_657 : memref<80x128xf32, #tpu.memory_space<vmem>>) target_semaphore(%dma_start3A_653 : memref<!tpu.dma_semaphore, #tpu.memory_space<semaphore_mem>>)
      } else {
      }
      %mul3A_425 = arith.constant 4 : i32
      %mul3A_426 = arith.muli %scan3A_239, %mul3A_425 : i32
      %add3A_427 = arith.constant 2 : i32
      %add3A_428 = arith.addi %mul3A_426, %add3A_427 : i32
      %mul3A_429 = arith.constant 80 : i32
      %mul3A_430 = arith.muli %add3A_428, %mul3A_429 : i32
      %add3A_431 = arith.addi %mul3A_2, %mul3A_430 : i32
      %dma_wait3A_432 = arith.constant 2 : i32
      %dma_wait3A_433 = arith.constant 2 : i32
      %dma_wait3A_434 = arith.constant 0 : i32
      %dma_wait3A_435 = tpu.memref_slice %arg9[%dma_wait3A_432, %dma_wait3A_434] : memref<4x80xi32, #tpu.memory_space<vmem>> -> memref<1x80xi32, #tpu.memory_space<vmem>>
      %dma_wait3A_436 = tpu.memref_squeeze %dma_wait3A_435 : memref<1x80xi32, #tpu.memory_space<vmem>> -> memref<80xi32, #tpu.memory_space<vmem>>
      %dma_wait3A_437 = tpu.memref_slice %arg4[%add3A_431] : memref<320000xi32, #tpu.memory_space<hbm>> -> memref<80xi32, #tpu.memory_space<hbm>>
      %dma_wait3A_438 = tpu.memref_slice %arg13[%dma_wait3A_433] : memref<4x!tpu.dma_semaphore, #tpu.memory_space<semaphore_mem>> -> memref<1x!tpu.dma_semaphore, #tpu.memory_space<semaphore_mem>>
      %dma_wait3A_439 = tpu.memref_squeeze %dma_wait3A_438 : memref<1x!tpu.dma_semaphore, #tpu.memory_space<semaphore_mem>> -> memref<!tpu.dma_semaphore, #tpu.memory_space<semaphore_mem>>
      %dma_wait3A_440 = arith.constant 0 : i32
      %dma_wait3A_441 = tpu.memref_slice %arg9[%dma_wait3A_432, %dma_wait3A_440] : memref<4x80xi32, #tpu.memory_space<vmem>> -> memref<1x80xi32, #tpu.memory_space<vmem>>
      %dma_wait3A_442 = tpu.memref_squeeze %dma_wait3A_441 : memref<1x80xi32, #tpu.memory_space<vmem>> -> memref<80xi32, #tpu.memory_space<vmem>>
      %dma_wait3A_443 = tpu.memref_slice %arg4[%add3A_431] : memref<320000xi32, #tpu.memory_space<hbm>> -> memref<80xi32, #tpu.memory_space<hbm>>
      tpu.wait_dma2 semaphore(%dma_wait3A_439 : memref<!tpu.dma_semaphore, #tpu.memory_space<semaphore_mem>>) src(%dma_wait3A_443 : memref<80xi32, #tpu.memory_space<hbm>>) dst(%dma_wait3A_442 : memref<80xi32, #tpu.memory_space<vmem>>)
      %dma_wait3A_444 = arith.constant 2 : i32
      %dma_wait3A_445 = arith.constant 2 : i32
      %dma_wait3A_446 = arith.constant 0 : i32
      %dma_wait3A_447 = arith.constant 0 : i32
      %dma_wait3A_448 = tpu.memref_slice %arg7[%dma_wait3A_444, %dma_wait3A_446, %dma_wait3A_447] : memref<4x80x128xf32, #tpu.memory_space<vmem>> -> memref<1x80x128xf32, #tpu.memory_space<vmem>>
      %dma_wait3A_449 = tpu.memref_squeeze %dma_wait3A_448 : memref<1x80x128xf32, #tpu.memory_space<vmem>> -> memref<80x128xf32, #tpu.memory_space<vmem>>
      %dma_wait3A_450 = arith.constant 0 : i32
      %dma_wait3A_451 = tpu.memref_slice %arg2[%add3A_431, %dma_wait3A_450] : memref<320000x128xf32, #tpu.memory_space<hbm>> -> memref<80x128xf32, #tpu.memory_space<hbm>>
      %dma_wait3A_452 = tpu.memref_slice %arg13[%dma_wait3A_445] : memref<4x!tpu.dma_semaphore, #tpu.memory_space<semaphore_mem>> -> memref<1x!tpu.dma_semaphore, #tpu.memory_space<semaphore_mem>>
      %dma_wait3A_453 = tpu.memref_squeeze %dma_wait3A_452 : memref<1x!tpu.dma_semaphore, #tpu.memory_space<semaphore_mem>> -> memref<!tpu.dma_semaphore, #tpu.memory_space<semaphore_mem>>
      %dma_wait3A_454 = arith.constant 0 : i32
      %dma_wait3A_455 = arith.constant 0 : i32
      %dma_wait3A_456 = tpu.memref_slice %arg7[%dma_wait3A_444, %dma_wait3A_454, %dma_wait3A_455] : memref<4x80x128xf32, #tpu.memory_space<vmem>> -> memref<1x80x128xf32, #tpu.memory_space<vmem>>
      %dma_wait3A_457 = tpu.memref_squeeze %dma_wait3A_456 : memref<1x80x128xf32, #tpu.memory_space<vmem>> -> memref<80x128xf32, #tpu.memory_space<vmem>>
      %dma_wait3A_458 = arith.constant 0 : i32
      %dma_wait3A_459 = tpu.memref_slice %arg2[%add3A_431, %dma_wait3A_458] : memref<320000x128xf32, #tpu.memory_space<hbm>> -> memref<80x128xf32, #tpu.memory_space<hbm>>
      tpu.wait_dma2 semaphore(%dma_wait3A_453 : memref<!tpu.dma_semaphore, #tpu.memory_space<semaphore_mem>>) src(%dma_wait3A_459 : memref<80x128xf32, #tpu.memory_space<hbm>>) dst(%dma_wait3A_457 : memref<80x128xf32, #tpu.memory_space<vmem>>)
      %dma_wait3A_460 = arith.constant 2 : i32
      %dma_wait3A_461 = arith.constant 2 : i32
      %dma_wait3A_462 = arith.constant 0 : i32
      %dma_wait3A_463 = arith.constant 0 : i32
      %dma_wait3A_464 = tpu.memref_slice %arg8[%dma_wait3A_460, %dma_wait3A_462, %dma_wait3A_463] : memref<4x80x128xf32, #tpu.memory_space<vmem>> -> memref<1x80x128xf32, #tpu.memory_space<vmem>>
      %dma_wait3A_465 = tpu.memref_squeeze %dma_wait3A_464 : memref<1x80x128xf32, #tpu.memory_space<vmem>> -> memref<80x128xf32, #tpu.memory_space<vmem>>
      %dma_wait3A_466 = arith.constant 0 : i32
      %dma_wait3A_467 = tpu.memref_slice %arg3[%add3A_431, %dma_wait3A_466] : memref<320000x128xf32, #tpu.memory_space<hbm>> -> memref<80x128xf32, #tpu.memory_space<hbm>>
      %dma_wait3A_468 = tpu.memref_slice %arg13[%dma_wait3A_461] : memref<4x!tpu.dma_semaphore, #tpu.memory_space<semaphore_mem>> -> memref<1x!tpu.dma_semaphore, #tpu.memory_space<semaphore_mem>>
      %dma_wait3A_469 = tpu.memref_squeeze %dma_wait3A_468 : memref<1x!tpu.dma_semaphore, #tpu.memory_space<semaphore_mem>> -> memref<!tpu.dma_semaphore, #tpu.memory_space<semaphore_mem>>
      %dma_wait3A_470 = arith.constant 0 : i32
      %dma_wait3A_471 = arith.constant 0 : i32
      %dma_wait3A_472 = tpu.memref_slice %arg8[%dma_wait3A_460, %dma_wait3A_470, %dma_wait3A_471] : memref<4x80x128xf32, #tpu.memory_space<vmem>> -> memref<1x80x128xf32, #tpu.memory_space<vmem>>
      %dma_wait3A_473 = tpu.memref_squeeze %dma_wait3A_472 : memref<1x80x128xf32, #tpu.memory_space<vmem>> -> memref<80x128xf32, #tpu.memory_space<vmem>>
      %dma_wait3A_474 = arith.constant 0 : i32
      %dma_wait3A_475 = tpu.memref_slice %arg3[%add3A_431, %dma_wait3A_474] : memref<320000x128xf32, #tpu.memory_space<hbm>> -> memref<80x128xf32, #tpu.memory_space<hbm>>
      tpu.wait_dma2 semaphore(%dma_wait3A_469 : memref<!tpu.dma_semaphore, #tpu.memory_space<semaphore_mem>>) src(%dma_wait3A_475 : memref<80x128xf32, #tpu.memory_space<hbm>>) dst(%dma_wait3A_473 : memref<80x128xf32, #tpu.memory_space<vmem>>)
      %scan3A_476 = arith.constant 0 : i32
      %scan3A_477 = arith.constant 40 : i32
      %scan3A_478 = arith.addi %scan3A_476, %scan3A_477 : i32
      %scan3A_479 = arith.constant 1 : i32
      scf.for %scan3A_613 = %scan3A_476 to %scan3A_478 step %scan3A_479  : i32 {
        %mul3A_614 = arith.constant 2 : i32
        %mul3A_615 = arith.muli %scan3A_613, %mul3A_614 : i32
        %add3A_616 = arith.constant 0 : i32
        %add3A_617 = arith.addi %mul3A_615, %add3A_616 : i32
        %get3A_618 = arith.constant 2 : i32
        %get3A_619 = arith.index_cast %get3A_618 : i32 to index
        %get3A_620 = arith.index_cast %add3A_617 : i32 to index
        %get3A_621 = arith.constant 0 : index
        %get3A_622 = tpu.vector_load %arg7[%get3A_619, %get3A_620, %get3A_621] {strides = array<i32>} : memref<4x80x128xf32, #tpu.memory_space<vmem>>, vector<16xf32>,
        %add3A_623 = arith.constant 0 : i32
        %add3A_624 = arith.addi %mul3A_615, %add3A_623 : i32
        %get3A_625 = arith.constant 2 : i32
        %get3A_626 = arith.index_cast %get3A_625 : i32 to index
        %get3A_627 = arith.index_cast %add3A_624 : i32 to index
        %get3A_628 = arith.constant 0 : index
        %get3A_629 = tpu.vector_load %arg8[%get3A_626, %get3A_627, %get3A_628] {strides = array<i32>} : memref<4x80x128xf32, #tpu.memory_space<vmem>>, vector<16xf32>,
        %sub3A_630 = arith.subf %get3A_622, %get3A_629 : vector<16xf32>
        %add3A_631 = arith.constant 0 : i32
        %add3A_632 = arith.addi %mul3A_615, %add3A_631 : i32
        %swap3A = arith.constant 2 : i32
        %swap3A_633 = arith.index_cast %swap3A : i32 to index
        %swap3A_634 = arith.index_cast %add3A_632 : i32 to index
        %swap3A_635 = arith.constant 0 : index
        %swap3A_636 = tpu.vector_load %arg7[%swap3A_633, %swap3A_634, %swap3A_635] {strides = array<i32>} : memref<4x80x128xf32, #tpu.memory_space<vmem>>, vector<16xf32>,
        tpu.vector_store %arg7[%swap3A_633, %swap3A_634, %swap3A_635], %sub3A_630 {strides = array<i32>} : memref<4x80x128xf32, #tpu.memory_space<vmem>>, vector<16xf32>,
        %add3A_637 = arith.constant 0 : i32
        %add3A_638 = arith.addi %mul3A_615, %add3A_637 : i32
        %get3A_639 = arith.constant 2 : i32
        %get3A_640 = arith.index_cast %get3A_639 : i32 to index
        %get3A_641 = arith.index_cast %add3A_638 : i32 to index
        %get3A_642 = arith.constant 16 : index
        %get3A_643 = tpu.vector_load %arg7[%get3A_640, %get3A_641, %get3A_642] {strides = array<i32>} : memref<4x80x128xf32, #tpu.memory_space<vmem>>, vector<16xf32>,
        %add3A_644 = arith.constant 0 : i32
        %add3A_645 = arith.addi %mul3A_615, %add3A_644 : i32
        %get3A_646 = arith.constant 2 : i32
        %get3A_647 = arith.index_cast %get3A_646 : i32 to index
        %get3A_648 = arith.index_cast %add3A_645 : i32 to index
        %get3A_649 = arith.constant 16 : index
        %get3A_650 = tpu.vector_load %arg8[%get3A_647, %get3A_648, %get3A_649] {strides = array<i32>} : memref<4x80x128xf32, #tpu.memory_space<vmem>>, vector<16xf32>,
        %sub3A_651 = arith.subf %get3A_643, %get3A_650 : vector<16xf32>
        %add3A_652 = arith.constant 0 : i32
        %add3A_653 = arith.addi %mul3A_615, %add3A_652 : i32
        %swap3A_654 = arith.constant 2 : i32
        %swap3A_655 = arith.index_cast %swap3A_654 : i32 to index
        %swap3A_656 = arith.index_cast %add3A_653 : i32 to index
        %swap3A_657 = arith.constant 16 : index
        %swap3A_658 = tpu.vector_load %arg7[%swap3A_655, %swap3A_656, %swap3A_657] {strides = array<i32>} : memref<4x80x128xf32, #tpu.memory_space<vmem>>, vector<16xf32>,
        tpu.vector_store %arg7[%swap3A_655, %swap3A_656, %swap3A_657], %sub3A_651 {strides = array<i32>} : memref<4x80x128xf32, #tpu.memory_space<vmem>>, vector<16xf32>,
        %add3A_659 = arith.constant 0 : i32
        %add3A_660 = arith.addi %mul3A_615, %add3A_659 : i32
        %get3A_661 = arith.constant 2 : i32
        %get3A_662 = arith.index_cast %get3A_661 : i32 to index
        %get3A_663 = arith.index_cast %add3A_660 : i32 to index
        %get3A_664 = arith.constant 32 : index
        %get3A_665 = tpu.vector_load %arg7[%get3A_662, %get3A_663, %get3A_664] {strides = array<i32>} : memref<4x80x128xf32, #tpu.memory_space<vmem>>, vector<16xf32>,
        %add3A_666 = arith.constant 0 : i32
        %add3A_667 = arith.addi %mul3A_615, %add3A_666 : i32
        %get3A_668 = arith.constant 2 : i32
        %get3A_669 = arith.index_cast %get3A_668 : i32 to index
        %get3A_670 = arith.index_cast %add3A_667 : i32 to index
        %get3A_671 = arith.constant 32 : index
        %get3A_672 = tpu.vector_load %arg8[%get3A_669, %get3A_670, %get3A_671] {strides = array<i32>} : memref<4x80x128xf32, #tpu.memory_space<vmem>>, vector<16xf32>,
        %sub3A_673 = arith.subf %get3A_665, %get3A_672 : vector<16xf32>
        %add3A_674 = arith.constant 0 : i32
        %add3A_675 = arith.addi %mul3A_615, %add3A_674 : i32
        %swap3A_676 = arith.constant 2 : i32
        %swap3A_677 = arith.index_cast %swap3A_676 : i32 to index
        %swap3A_678 = arith.index_cast %add3A_675 : i32 to index
        %swap3A_679 = arith.constant 32 : index
        %swap3A_680 = tpu.vector_load %arg7[%swap3A_677, %swap3A_678, %swap3A_679] {strides = array<i32>} : memref<4x80x128xf32, #tpu.memory_space<vmem>>, vector<16xf32>,
        tpu.vector_store %arg7[%swap3A_677, %swap3A_678, %swap3A_679], %sub3A_673 {strides = array<i32>} : memref<4x80x128xf32, #tpu.memory_space<vmem>>, vector<16xf32>,
        %add3A_681 = arith.constant 0 : i32
        %add3A_682 = arith.addi %mul3A_615, %add3A_681 : i32
        %get3A_683 = arith.constant 2 : i32
        %get3A_684 = arith.index_cast %get3A_683 : i32 to index
        %get3A_685 = arith.index_cast %add3A_682 : i32 to index
        %get3A_686 = arith.constant 48 : index
        %get3A_687 = tpu.vector_load %arg7[%get3A_684, %get3A_685, %get3A_686] {strides = array<i32>} : memref<4x80x128xf32, #tpu.memory_space<vmem>>, vector<16xf32>,
        %add3A_688 = arith.constant 0 : i32
        %add3A_689 = arith.addi %mul3A_615, %add3A_688 : i32
        %get3A_690 = arith.constant 2 : i32
        %get3A_691 = arith.index_cast %get3A_690 : i32 to index
        %get3A_692 = arith.index_cast %add3A_689 : i32 to index
        %get3A_693 = arith.constant 48 : index
        %get3A_694 = tpu.vector_load %arg8[%get3A_691, %get3A_692, %get3A_693] {strides = array<i32>} : memref<4x80x128xf32, #tpu.memory_space<vmem>>, vector<16xf32>,
        %sub3A_695 = arith.subf %get3A_687, %get3A_694 : vector<16xf32>
        %add3A_696 = arith.constant 0 : i32
        %add3A_697 = arith.addi %mul3A_615, %add3A_696 : i32
        %swap3A_698 = arith.constant 2 : i32
        %swap3A_699 = arith.index_cast %swap3A_698 : i32 to index
        %swap3A_700 = arith.index_cast %add3A_697 : i32 to index
        %swap3A_701 = arith.constant 48 : index
        %swap3A_702 = tpu.vector_load %arg7[%swap3A_699, %swap3A_700, %swap3A_701] {strides = array<i32>} : memref<4x80x128xf32, #tpu.memory_space<vmem>>, vector<16xf32>,
        tpu.vector_store %arg7[%swap3A_699, %swap3A_700, %swap3A_701], %sub3A_695 {strides = array<i32>} : memref<4x80x128xf32, #tpu.memory_space<vmem>>, vector<16xf32>,
        %add3A_703 = arith.constant 0 : i32
        %add3A_704 = arith.addi %mul3A_615, %add3A_703 : i32
        %get3A_705 = arith.constant 2 : i32
        %get3A_706 = arith.index_cast %get3A_705 : i32 to index
        %get3A_707 = arith.index_cast %add3A_704 : i32 to index
        %get3A_708 = arith.constant 64 : index
        %get3A_709 = tpu.vector_load %arg7[%get3A_706, %get3A_707, %get3A_708] {strides = array<i32>} : memref<4x80x128xf32, #tpu.memory_space<vmem>>, vector<16xf32>,
        %add3A_710 = arith.constant 0 : i32
        %add3A_711 = arith.addi %mul3A_615, %add3A_710 : i32
        %get3A_712 = arith.constant 2 : i32
        %get3A_713 = arith.index_cast %get3A_712 : i32 to index
        %get3A_714 = arith.index_cast %add3A_711 : i32 to index
        %get3A_715 = arith.constant 64 : index
        %get3A_716 = tpu.vector_load %arg8[%get3A_713, %get3A_714, %get3A_715] {strides = array<i32>} : memref<4x80x128xf32, #tpu.memory_space<vmem>>, vector<16xf32>,
        %sub3A_717 = arith.subf %get3A_709, %get3A_716 : vector<16xf32>
        %add3A_718 = arith.constant 0 : i32
        %add3A_719 = arith.addi %mul3A_615, %add3A_718 : i32
        %swap3A_720 = arith.constant 2 : i32
        %swap3A_721 = arith.index_cast %swap3A_720 : i32 to index
        %swap3A_722 = arith.index_cast %add3A_719 : i32 to index
        %swap3A_723 = arith.constant 64 : index
        %swap3A_724 = tpu.vector_load %arg7[%swap3A_721, %swap3A_722, %swap3A_723] {strides = array<i32>} : memref<4x80x128xf32, #tpu.memory_space<vmem>>, vector<16xf32>,
        tpu.vector_store %arg7[%swap3A_721, %swap3A_722, %swap3A_723], %sub3A_717 {strides = array<i32>} : memref<4x80x128xf32, #tpu.memory_space<vmem>>, vector<16xf32>,
        %add3A_725 = arith.constant 0 : i32
        %add3A_726 = arith.addi %mul3A_615, %add3A_725 : i32
        %get3A_727 = arith.constant 2 : i32
        %get3A_728 = arith.index_cast %get3A_727 : i32 to index
        %get3A_729 = arith.index_cast %add3A_726 : i32 to index
        %get3A_730 = arith.constant 80 : index
        %get3A_731 = tpu.vector_load %arg7[%get3A_728, %get3A_729, %get3A_730] {strides = array<i32>} : memref<4x80x128xf32, #tpu.memory_space<vmem>>, vector<16xf32>,
        %add3A_732 = arith.constant 0 : i32
        %add3A_733 = arith.addi %mul3A_615, %add3A_732 : i32
        %get3A_734 = arith.constant 2 : i32
        %get3A_735 = arith.index_cast %get3A_734 : i32 to index
        %get3A_736 = arith.index_cast %add3A_733 : i32 to index
        %get3A_737 = arith.constant 80 : index
        %get3A_738 = tpu.vector_load %arg8[%get3A_735, %get3A_736, %get3A_737] {strides = array<i32>} : memref<4x80x128xf32, #tpu.memory_space<vmem>>, vector<16xf32>,
        %sub3A_739 = arith.subf %get3A_731, %get3A_738 : vector<16xf32>
        %add3A_740 = arith.constant 0 : i32
        %add3A_741 = arith.addi %mul3A_615, %add3A_740 : i32
        %swap3A_742 = arith.constant 2 : i32
        %swap3A_743 = arith.index_cast %swap3A_742 : i32 to index
        %swap3A_744 = arith.index_cast %add3A_741 : i32 to index
        %swap3A_745 = arith.constant 80 : index
        %swap3A_746 = tpu.vector_load %arg7[%swap3A_743, %swap3A_744, %swap3A_745] {strides = array<i32>} : memref<4x80x128xf32, #tpu.memory_space<vmem>>, vector<16xf32>,
        tpu.vector_store %arg7[%swap3A_743, %swap3A_744, %swap3A_745], %sub3A_739 {strides = array<i32>} : memref<4x80x128xf32, #tpu.memory_space<vmem>>, vector<16xf32>,
        %add3A_747 = arith.constant 0 : i32
        %add3A_748 = arith.addi %mul3A_615, %add3A_747 : i32
        %get3A_749 = arith.constant 2 : i32
        %get3A_750 = arith.index_cast %get3A_749 : i32 to index
        %get3A_751 = arith.index_cast %add3A_748 : i32 to index
        %get3A_752 = arith.constant 96 : index
        %get3A_753 = tpu.vector_load %arg7[%get3A_750, %get3A_751, %get3A_752] {strides = array<i32>} : memref<4x80x128xf32, #tpu.memory_space<vmem>>, vector<16xf32>,
        %add3A_754 = arith.constant 0 : i32
        %add3A_755 = arith.addi %mul3A_615, %add3A_754 : i32
        %get3A_756 = arith.constant 2 : i32
        %get3A_757 = arith.index_cast %get3A_756 : i32 to index
        %get3A_758 = arith.index_cast %add3A_755 : i32 to index
        %get3A_759 = arith.constant 96 : index
        %get3A_760 = tpu.vector_load %arg8[%get3A_757, %get3A_758, %get3A_759] {strides = array<i32>} : memref<4x80x128xf32, #tpu.memory_space<vmem>>, vector<16xf32>,
        %sub3A_761 = arith.subf %get3A_753, %get3A_760 : vector<16xf32>
        %add3A_762 = arith.constant 0 : i32
        %add3A_763 = arith.addi %mul3A_615, %add3A_762 : i32
        %swap3A_764 = arith.constant 2 : i32
        %swap3A_765 = arith.index_cast %swap3A_764 : i32 to index
        %swap3A_766 = arith.index_cast %add3A_763 : i32 to index
        %swap3A_767 = arith.constant 96 : index
        %swap3A_768 = tpu.vector_load %arg7[%swap3A_765, %swap3A_766, %swap3A_767] {strides = array<i32>} : memref<4x80x128xf32, #tpu.memory_space<vmem>>, vector<16xf32>,
        tpu.vector_store %arg7[%swap3A_765, %swap3A_766, %swap3A_767], %sub3A_761 {strides = array<i32>} : memref<4x80x128xf32, #tpu.memory_space<vmem>>, vector<16xf32>,
        %add3A_769 = arith.constant 0 : i32
        %add3A_770 = arith.addi %mul3A_615, %add3A_769 : i32
        %get3A_771 = arith.constant 2 : i32
        %get3A_772 = arith.index_cast %get3A_771 : i32 to index
        %get3A_773 = arith.index_cast %add3A_770 : i32 to index
        %get3A_774 = arith.constant 112 : index
        %get3A_775 = tpu.vector_load %arg7[%get3A_772, %get3A_773, %get3A_774] {strides = array<i32>} : memref<4x80x128xf32, #tpu.memory_space<vmem>>, vector<16xf32>,
        %add3A_776 = arith.constant 0 : i32
        %add3A_777 = arith.addi %mul3A_615, %add3A_776 : i32
        %get3A_778 = arith.constant 2 : i32
        %get3A_779 = arith.index_cast %get3A_778 : i32 to index
        %get3A_780 = arith.index_cast %add3A_777 : i32 to index
        %get3A_781 = arith.constant 112 : index
        %get3A_782 = tpu.vector_load %arg8[%get3A_779, %get3A_780, %get3A_781] {strides = array<i32>} : memref<4x80x128xf32, #tpu.memory_space<vmem>>, vector<16xf32>,
        %sub3A_783 = arith.subf %get3A_775, %get3A_782 : vector<16xf32>
        %add3A_784 = arith.constant 0 : i32
        %add3A_785 = arith.addi %mul3A_615, %add3A_784 : i32
        %swap3A_786 = arith.constant 2 : i32
        %swap3A_787 = arith.index_cast %swap3A_786 : i32 to index
        %swap3A_788 = arith.index_cast %add3A_785 : i32 to index
        %swap3A_789 = arith.constant 112 : index
        %swap3A_790 = tpu.vector_load %arg7[%swap3A_787, %swap3A_788, %swap3A_789] {strides = array<i32>} : memref<4x80x128xf32, #tpu.memory_space<vmem>>, vector<16xf32>,
        tpu.vector_store %arg7[%swap3A_787, %swap3A_788, %swap3A_789], %sub3A_783 {strides = array<i32>} : memref<4x80x128xf32, #tpu.memory_space<vmem>>, vector<16xf32>,
        %add3A_791 = arith.constant 1 : i32
        %add3A_792 = arith.addi %mul3A_615, %add3A_791 : i32
        %get3A_793 = arith.constant 2 : i32
        %get3A_794 = arith.index_cast %get3A_793 : i32 to index
        %get3A_795 = arith.index_cast %add3A_792 : i32 to index
        %get3A_796 = arith.constant 0 : index
        %get3A_797 = tpu.vector_load %arg7[%get3A_794, %get3A_795, %get3A_796] {strides = array<i32>} : memref<4x80x128xf32, #tpu.memory_space<vmem>>, vector<16xf32>,
        %add3A_798 = arith.constant 1 : i32
        %add3A_799 = arith.addi %mul3A_615, %add3A_798 : i32
        %get3A_800 = arith.constant 2 : i32
        %get3A_801 = arith.index_cast %get3A_800 : i32 to index
        %get3A_802 = arith.index_cast %add3A_799 : i32 to index
        %get3A_803 = arith.constant 0 : index
        %get3A_804 = tpu.vector_load %arg8[%get3A_801, %get3A_802, %get3A_803] {strides = array<i32>} : memref<4x80x128xf32, #tpu.memory_space<vmem>>, vector<16xf32>,
        %sub3A_805 = arith.subf %get3A_797, %get3A_804 : vector<16xf32>
        %add3A_806 = arith.constant 1 : i32
        %add3A_807 = arith.addi %mul3A_615, %add3A_806 : i32
        %swap3A_808 = arith.constant 2 : i32
        %swap3A_809 = arith.index_cast %swap3A_808 : i32 to index
        %swap3A_810 = arith.index_cast %add3A_807 : i32 to index
        %swap3A_811 = arith.constant 0 : index
        %swap3A_812 = tpu.vector_load %arg7[%swap3A_809, %swap3A_810, %swap3A_811] {strides = array<i32>} : memref<4x80x128xf32, #tpu.memory_space<vmem>>, vector<16xf32>,
        tpu.vector_store %arg7[%swap3A_809, %swap3A_810, %swap3A_811], %sub3A_805 {strides = array<i32>} : memref<4x80x128xf32, #tpu.memory_space<vmem>>, vector<16xf32>,
        %add3A_813 = arith.constant 1 : i32
        %add3A_814 = arith.addi %mul3A_615, %add3A_813 : i32
        %get3A_815 = arith.constant 2 : i32
        %get3A_816 = arith.index_cast %get3A_815 : i32 to index
        %get3A_817 = arith.index_cast %add3A_814 : i32 to index
        %get3A_818 = arith.constant 16 : index
        %get3A_819 = tpu.vector_load %arg7[%get3A_816, %get3A_817, %get3A_818] {strides = array<i32>} : memref<4x80x128xf32, #tpu.memory_space<vmem>>, vector<16xf32>,
        %add3A_820 = arith.constant 1 : i32
        %add3A_821 = arith.addi %mul3A_615, %add3A_820 : i32
        %get3A_822 = arith.constant 2 : i32
        %get3A_823 = arith.index_cast %get3A_822 : i32 to index
        %get3A_824 = arith.index_cast %add3A_821 : i32 to index
        %get3A_825 = arith.constant 16 : index
        %get3A_826 = tpu.vector_load %arg8[%get3A_823, %get3A_824, %get3A_825] {strides = array<i32>} : memref<4x80x128xf32, #tpu.memory_space<vmem>>, vector<16xf32>,
        %sub3A_827 = arith.subf %get3A_819, %get3A_826 : vector<16xf32>
        %add3A_828 = arith.constant 1 : i32
        %add3A_829 = arith.addi %mul3A_615, %add3A_828 : i32
        %swap3A_830 = arith.constant 2 : i32
        %swap3A_831 = arith.index_cast %swap3A_830 : i32 to index
        %swap3A_832 = arith.index_cast %add3A_829 : i32 to index
        %swap3A_833 = arith.constant 16 : index
        %swap3A_834 = tpu.vector_load %arg7[%swap3A_831, %swap3A_832, %swap3A_833] {strides = array<i32>} : memref<4x80x128xf32, #tpu.memory_space<vmem>>, vector<16xf32>,
        tpu.vector_store %arg7[%swap3A_831, %swap3A_832, %swap3A_833], %sub3A_827 {strides = array<i32>} : memref<4x80x128xf32, #tpu.memory_space<vmem>>, vector<16xf32>,
        %add3A_835 = arith.constant 1 : i32
        %add3A_836 = arith.addi %mul3A_615, %add3A_835 : i32
        %get3A_837 = arith.constant 2 : i32
        %get3A_838 = arith.index_cast %get3A_837 : i32 to index
        %get3A_839 = arith.index_cast %add3A_836 : i32 to index
        %get3A_840 = arith.constant 32 : index
        %get3A_841 = tpu.vector_load %arg7[%get3A_838, %get3A_839, %get3A_840] {strides = array<i32>} : memref<4x80x128xf32, #tpu.memory_space<vmem>>, vector<16xf32>,
        %add3A_842 = arith.constant 1 : i32
        %add3A_843 = arith.addi %mul3A_615, %add3A_842 : i32
        %get3A_844 = arith.constant 2 : i32
        %get3A_845 = arith.index_cast %get3A_844 : i32 to index
        %get3A_846 = arith.index_cast %add3A_843 : i32 to index
        %get3A_847 = arith.constant 32 : index
        %get3A_848 = tpu.vector_load %arg8[%get3A_845, %get3A_846, %get3A_847] {strides = array<i32>} : memref<4x80x128xf32, #tpu.memory_space<vmem>>, vector<16xf32>,
        %sub3A_849 = arith.subf %get3A_841, %get3A_848 : vector<16xf32>
        %add3A_850 = arith.constant 1 : i32
        %add3A_851 = arith.addi %mul3A_615, %add3A_850 : i32
        %swap3A_852 = arith.constant 2 : i32
        %swap3A_853 = arith.index_cast %swap3A_852 : i32 to index
        %swap3A_854 = arith.index_cast %add3A_851 : i32 to index
        %swap3A_855 = arith.constant 32 : index
        %swap3A_856 = tpu.vector_load %arg7[%swap3A_853, %swap3A_854, %swap3A_855] {strides = array<i32>} : memref<4x80x128xf32, #tpu.memory_space<vmem>>, vector<16xf32>,
        tpu.vector_store %arg7[%swap3A_853, %swap3A_854, %swap3A_855], %sub3A_849 {strides = array<i32>} : memref<4x80x128xf32, #tpu.memory_space<vmem>>, vector<16xf32>,
        %add3A_857 = arith.constant 1 : i32
        %add3A_858 = arith.addi %mul3A_615, %add3A_857 : i32
        %get3A_859 = arith.constant 2 : i32
        %get3A_860 = arith.index_cast %get3A_859 : i32 to index
        %get3A_861 = arith.index_cast %add3A_858 : i32 to index
        %get3A_862 = arith.constant 48 : index
        %get3A_863 = tpu.vector_load %arg7[%get3A_860, %get3A_861, %get3A_862] {strides = array<i32>} : memref<4x80x128xf32, #tpu.memory_space<vmem>>, vector<16xf32>,
        %add3A_864 = arith.constant 1 : i32
        %add3A_865 = arith.addi %mul3A_615, %add3A_864 : i32
        %get3A_866 = arith.constant 2 : i32
        %get3A_867 = arith.index_cast %get3A_866 : i32 to index
        %get3A_868 = arith.index_cast %add3A_865 : i32 to index
        %get3A_869 = arith.constant 48 : index
        %get3A_870 = tpu.vector_load %arg8[%get3A_867, %get3A_868, %get3A_869] {strides = array<i32>} : memref<4x80x128xf32, #tpu.memory_space<vmem>>, vector<16xf32>,
        %sub3A_871 = arith.subf %get3A_863, %get3A_870 : vector<16xf32>
        %add3A_872 = arith.constant 1 : i32
        %add3A_873 = arith.addi %mul3A_615, %add3A_872 : i32
        %swap3A_874 = arith.constant 2 : i32
        %swap3A_875 = arith.index_cast %swap3A_874 : i32 to index
        %swap3A_876 = arith.index_cast %add3A_873 : i32 to index
        %swap3A_877 = arith.constant 48 : index
        %swap3A_878 = tpu.vector_load %arg7[%swap3A_875, %swap3A_876, %swap3A_877] {strides = array<i32>} : memref<4x80x128xf32, #tpu.memory_space<vmem>>, vector<16xf32>,
        tpu.vector_store %arg7[%swap3A_875, %swap3A_876, %swap3A_877], %sub3A_871 {strides = array<i32>} : memref<4x80x128xf32, #tpu.memory_space<vmem>>, vector<16xf32>,
        %add3A_879 = arith.constant 1 : i32
        %add3A_880 = arith.addi %mul3A_615, %add3A_879 : i32
        %get3A_881 = arith.constant 2 : i32
        %get3A_882 = arith.index_cast %get3A_881 : i32 to index
        %get3A_883 = arith.index_cast %add3A_880 : i32 to index
        %get3A_884 = arith.constant 64 : index
        %get3A_885 = tpu.vector_load %arg7[%get3A_882, %get3A_883, %get3A_884] {strides = array<i32>} : memref<4x80x128xf32, #tpu.memory_space<vmem>>, vector<16xf32>,
        %add3A_886 = arith.constant 1 : i32
        %add3A_887 = arith.addi %mul3A_615, %add3A_886 : i32
        %get3A_888 = arith.constant 2 : i32
        %get3A_889 = arith.index_cast %get3A_888 : i32 to index
        %get3A_890 = arith.index_cast %add3A_887 : i32 to index
        %get3A_891 = arith.constant 64 : index
        %get3A_892 = tpu.vector_load %arg8[%get3A_889, %get3A_890, %get3A_891] {strides = array<i32>} : memref<4x80x128xf32, #tpu.memory_space<vmem>>, vector<16xf32>,
        %sub3A_893 = arith.subf %get3A_885, %get3A_892 : vector<16xf32>
        %add3A_894 = arith.constant 1 : i32
        %add3A_895 = arith.addi %mul3A_615, %add3A_894 : i32
        %swap3A_896 = arith.constant 2 : i32
        %swap3A_897 = arith.index_cast %swap3A_896 : i32 to index
        %swap3A_898 = arith.index_cast %add3A_895 : i32 to index
        %swap3A_899 = arith.constant 64 : index
        %swap3A_900 = tpu.vector_load %arg7[%swap3A_897, %swap3A_898, %swap3A_899] {strides = array<i32>} : memref<4x80x128xf32, #tpu.memory_space<vmem>>, vector<16xf32>,
        tpu.vector_store %arg7[%swap3A_897, %swap3A_898, %swap3A_899], %sub3A_893 {strides = array<i32>} : memref<4x80x128xf32, #tpu.memory_space<vmem>>, vector<16xf32>,
        %add3A_901 = arith.constant 1 : i32
        %add3A_902 = arith.addi %mul3A_615, %add3A_901 : i32
        %get3A_903 = arith.constant 2 : i32
        %get3A_904 = arith.index_cast %get3A_903 : i32 to index
        %get3A_905 = arith.index_cast %add3A_902 : i32 to index
        %get3A_906 = arith.constant 80 : index
        %get3A_907 = tpu.vector_load %arg7[%get3A_904, %get3A_905, %get3A_906] {strides = array<i32>} : memref<4x80x128xf32, #tpu.memory_space<vmem>>, vector<16xf32>,
        %add3A_908 = arith.constant 1 : i32
        %add3A_909 = arith.addi %mul3A_615, %add3A_908 : i32
        %get3A_910 = arith.constant 2 : i32
        %get3A_911 = arith.index_cast %get3A_910 : i32 to index
        %get3A_912 = arith.index_cast %add3A_909 : i32 to index
        %get3A_913 = arith.constant 80 : index
        %get3A_914 = tpu.vector_load %arg8[%get3A_911, %get3A_912, %get3A_913] {strides = array<i32>} : memref<4x80x128xf32, #tpu.memory_space<vmem>>, vector<16xf32>,
        %sub3A_915 = arith.subf %get3A_907, %get3A_914 : vector<16xf32>
        %add3A_916 = arith.constant 1 : i32
        %add3A_917 = arith.addi %mul3A_615, %add3A_916 : i32
        %swap3A_918 = arith.constant 2 : i32
        %swap3A_919 = arith.index_cast %swap3A_918 : i32 to index
        %swap3A_920 = arith.index_cast %add3A_917 : i32 to index
        %swap3A_921 = arith.constant 80 : index
        %swap3A_922 = tpu.vector_load %arg7[%swap3A_919, %swap3A_920, %swap3A_921] {strides = array<i32>} : memref<4x80x128xf32, #tpu.memory_space<vmem>>, vector<16xf32>,
        tpu.vector_store %arg7[%swap3A_919, %swap3A_920, %swap3A_921], %sub3A_915 {strides = array<i32>} : memref<4x80x128xf32, #tpu.memory_space<vmem>>, vector<16xf32>,
        %add3A_923 = arith.constant 1 : i32
        %add3A_924 = arith.addi %mul3A_615, %add3A_923 : i32
        %get3A_925 = arith.constant 2 : i32
        %get3A_926 = arith.index_cast %get3A_925 : i32 to index
        %get3A_927 = arith.index_cast %add3A_924 : i32 to index
        %get3A_928 = arith.constant 96 : index
        %get3A_929 = tpu.vector_load %arg7[%get3A_926, %get3A_927, %get3A_928] {strides = array<i32>} : memref<4x80x128xf32, #tpu.memory_space<vmem>>, vector<16xf32>,
        %add3A_930 = arith.constant 1 : i32
        %add3A_931 = arith.addi %mul3A_615, %add3A_930 : i32
        %get3A_932 = arith.constant 2 : i32
        %get3A_933 = arith.index_cast %get3A_932 : i32 to index
        %get3A_934 = arith.index_cast %add3A_931 : i32 to index
        %get3A_935 = arith.constant 96 : index
        %get3A_936 = tpu.vector_load %arg8[%get3A_933, %get3A_934, %get3A_935] {strides = array<i32>} : memref<4x80x128xf32, #tpu.memory_space<vmem>>, vector<16xf32>,
        %sub3A_937 = arith.subf %get3A_929, %get3A_936 : vector<16xf32>
        %add3A_938 = arith.constant 1 : i32
        %add3A_939 = arith.addi %mul3A_615, %add3A_938 : i32
        %swap3A_940 = arith.constant 2 : i32
        %swap3A_941 = arith.index_cast %swap3A_940 : i32 to index
        %swap3A_942 = arith.index_cast %add3A_939 : i32 to index
        %swap3A_943 = arith.constant 96 : index
        %swap3A_944 = tpu.vector_load %arg7[%swap3A_941, %swap3A_942, %swap3A_943] {strides = array<i32>} : memref<4x80x128xf32, #tpu.memory_space<vmem>>, vector<16xf32>,
        tpu.vector_store %arg7[%swap3A_941, %swap3A_942, %swap3A_943], %sub3A_937 {strides = array<i32>} : memref<4x80x128xf32, #tpu.memory_space<vmem>>, vector<16xf32>,
        %add3A_945 = arith.constant 1 : i32
        %add3A_946 = arith.addi %mul3A_615, %add3A_945 : i32
        %get3A_947 = arith.constant 2 : i32
        %get3A_948 = arith.index_cast %get3A_947 : i32 to index
        %get3A_949 = arith.index_cast %add3A_946 : i32 to index
        %get3A_950 = arith.constant 112 : index
        %get3A_951 = tpu.vector_load %arg7[%get3A_948, %get3A_949, %get3A_950] {strides = array<i32>} : memref<4x80x128xf32, #tpu.memory_space<vmem>>, vector<16xf32>,
        %add3A_952 = arith.constant 1 : i32
        %add3A_953 = arith.addi %mul3A_615, %add3A_952 : i32
        %get3A_954 = arith.constant 2 : i32
        %get3A_955 = arith.index_cast %get3A_954 : i32 to index
        %get3A_956 = arith.index_cast %add3A_953 : i32 to index
        %get3A_957 = arith.constant 112 : index
        %get3A_958 = tpu.vector_load %arg8[%get3A_955, %get3A_956, %get3A_957] {strides = array<i32>} : memref<4x80x128xf32, #tpu.memory_space<vmem>>, vector<16xf32>,
        %sub3A_959 = arith.subf %get3A_951, %get3A_958 : vector<16xf32>
        %add3A_960 = arith.constant 1 : i32
        %add3A_961 = arith.addi %mul3A_615, %add3A_960 : i32
        %swap3A_962 = arith.constant 2 : i32
        %swap3A_963 = arith.index_cast %swap3A_962 : i32 to index
        %swap3A_964 = arith.index_cast %add3A_961 : i32 to index
        %swap3A_965 = arith.constant 112 : index
        %swap3A_966 = tpu.vector_load %arg7[%swap3A_963, %swap3A_964, %swap3A_965] {strides = array<i32>} : memref<4x80x128xf32, #tpu.memory_space<vmem>>, vector<16xf32>,
        tpu.vector_store %arg7[%swap3A_963, %swap3A_964, %swap3A_965], %sub3A_959 {strides = array<i32>} : memref<4x80x128xf32, #tpu.memory_space<vmem>>, vector<16xf32>,
      }
      %scan3A_480 = arith.constant 40 : i32
      %dma_start3A_481 = arith.constant 2 : i32
      %dma_start3A_482 = arith.constant 2 : i32
      %dma_start3A_483 = arith.constant 2 : i32
      %dma_start3A_484 = arith.constant 0 : i32
      %dma_start3A_485 = arith.constant 0 : i32
      %dma_start3A_486 = tpu.memref_slice %arg7[%dma_start3A_481, %dma_start3A_484, %dma_start3A_485] : memref<4x80x128xf32, #tpu.memory_space<vmem>> -> memref<1x80x128xf32, #tpu.memory_space<vmem>>
      %dma_start3A_487 = tpu.memref_squeeze %dma_start3A_486 : memref<1x80x128xf32, #tpu.memory_space<vmem>> -> memref<80x128xf32, #tpu.memory_space<vmem>>
      %dma_start3A_488 = arith.constant 0 : i32
      %dma_start3A_489 = tpu.memref_slice %arg9[%dma_start3A_482, %dma_start3A_488] : memref<4x80xi32, #tpu.memory_space<vmem>> -> memref<1x80xi32, #tpu.memory_space<vmem>>
      %dma_start3A_490 = tpu.memref_squeeze %dma_start3A_489 : memref<1x80xi32, #tpu.memory_space<vmem>> -> memref<80xi32, #tpu.memory_space<vmem>>
      %dma_start3A_491 = arith.constant 0 : i32
      %dma_start3A_492 = arith.constant 0 : i32
      %dma_start3A_493 = tpu.memref_slice %arg12[%dma_start3A_491, %dma_start3A_492] : memref<512x128xf32, #tpu.memory_space<vmem_shared>> -> memref<512x128xf32, #tpu.memory_space<vmem_shared>>
      %dma_start3A_494 = tpu.memref_slice %arg14[%dma_start3A_483] : memref<4x!tpu.dma_semaphore, #tpu.memory_space<semaphore_mem>> -> memref<1x!tpu.dma_semaphore, #tpu.memory_space<semaphore_mem>>
      %dma_start3A_495 = tpu.memref_squeeze %dma_start3A_494 : memref<1x!tpu.dma_semaphore, #tpu.memory_space<semaphore_mem>> -> memref<!tpu.dma_semaphore, #tpu.memory_space<semaphore_mem>>
      tpu.enqueue_indirect_dma source(%dma_start3A_487 : memref<80x128xf32, #tpu.memory_space<vmem>>) target(%dma_start3A_493 : memref<512x128xf32, #tpu.memory_space<vmem_shared>>) offsets(%dma_start3A_490 : memref<80xi32, #tpu.memory_space<vmem>>) semaphore(%dma_start3A_495 : memref<!tpu.dma_semaphore, #tpu.memory_space<semaphore_mem>>) {add = true}
      %scan3A_496 = arith.constant 0 : i32
      %scan3A_497 = arith.constant 5 : i32
      %scan3A_498 = arith.addi %scan3A_496, %scan3A_497 : i32
      %scan3A_499 = arith.constant 1 : i32
      scf.for %scan3A_613 = %scan3A_496 to %scan3A_498 step %scan3A_499  : i32 {
        %mul3A_614 = arith.constant 16 : i32
        %mul3A_615 = arith.muli %scan3A_613, %mul3A_614 : i32
        %get3A_616 = arith.constant 2 : i32
        %get3A_617 = arith.index_cast %get3A_616 : i32 to index
        %get3A_618 = arith.index_cast %mul3A_615 : i32 to index
        %get3A_619 = tpu.vector_load %arg9[%get3A_617, %get3A_618] {strides = array<i32>} : memref<4x80xi32, #tpu.memory_space<vmem>>, vector<16xi32>,
        %sub3A_620 = arith.constant 1 : i32
        %sub3A_621 = arith.subi %scan3A_613, %sub3A_620 : i32
        %mul3A_622 = arith.constant 16 : i32
        %mul3A_623 = arith.muli %sub3A_621, %mul3A_622 : i32
        %max3A_624 = arith.constant 0 : i32
        %max3A_625 = arith.maxsi %mul3A_623, %max3A_624 : i32
        %get3A_626 = arith.constant 2 : i32
        %get3A_627 = arith.index_cast %get3A_626 : i32 to index
        %get3A_628 = arith.index_cast %max3A_625 : i32 to index
        %get3A_629 = tpu.vector_load %arg9[%get3A_627, %get3A_628] {strides = array<i32>} : memref<4x80xi32, #tpu.memory_space<vmem>>, vector<16xi32>,
        %eq3A = arith.constant 0 : i32
        %eq3A_630 = arith.cmpi eq, %scan3A_613, %eq3A : i32
        %slice3A_631 = vector.extract_strided_slice %get3A_629 {offsets = [15], sizes = [1], strides = [1]} : vector<16xi32> to vector<1xi32>
        %squeeze3A_632 = vector.extract %slice3A_631[0] : i32 from vector<1xi32>
        %select_n3A = arith.select %eq3A_630, %squeeze3A_412, %squeeze3A_632 : i32
        %lt3A_633 = arith.constant 0 : i32
        %lt3A_634 = vector.broadcast %lt3A_633 : i32 to vector<16xi32>
        %lt3A_635 = arith.cmpi slt, %max3A_100, %lt3A_634 : vector<16xi32>
        %add3A_636 = arith.constant 16 : i32
        %add3A_637 = vector.broadcast %add3A_636 : i32 to vector<16xi32>
        %add3A_638 = arith.addi %max3A_100, %add3A_637 : vector<16xi32>
        %select_n3A_639 = arith.select %lt3A_635, %add3A_638, %max3A_100 : vector<16xi1>, vector<16xi32>
        %broadcast_in_dim3A_640 = vector.shape_cast %select_n3A_639 : vector<16xi32> to vector<16x1xi32>
        %gather3A = vector.shape_cast %broadcast_in_dim3A_640 : vector<16x1xi32> to vector<16xi32>
        %gather3A_641 = tpu.dynamic_gather %get3A_619[%gather3A] in [0] : vector<16xi32>, vector<16xi32> -> vector<16xi32>
        %eq3A_642 = arith.constant 0 : i32
        %eq3A_643 = vector.broadcast %eq3A_642 : i32 to vector<16xi32>
        %eq3A_644 = arith.cmpi eq, %iota3A, %eq3A_643 : vector<16xi32>
        %broadcast_in_dim3A_645 = vector.broadcast %select_n3A : i32 to vector<16xi32>
        %select_n3A_646 = arith.select %eq3A_644, %broadcast_in_dim3A_645, %gather3A_641 : vector<16xi1>, vector<16xi32>
        %ne3A = arith.cmpi ne, %get3A_619, %select_n3A_646 : vector<16xi32>
        %mul3A_647 = arith.constant 80 : i32
        %mul3A_648 = arith.muli %add3A_428, %mul3A_647 : i32
        %mul3A_649 = arith.constant 16 : i32
        %mul3A_650 = arith.muli %scan3A_613, %mul3A_649 : i32
        %add3A_651 = arith.addi %mul3A_648, %mul3A_650 : i32
        %add3A_652 = vector.broadcast %add3A_651 : i32 to vector<16xi32>
        %add3A_653 = arith.addi %add3A_652, %iota3A : vector<16xi32>
        tpu.vector_store_idx %arg10[%get3A_619], %add3A_653 masked %ne3A : memref<512xi32, #tpu.memory_space<vmem>>[vector<16xi32>], vector<16xi32>, vector<16xi1>
      }
      %scan3A_500 = arith.constant 5 : i32
      %get3A_501 = arith.constant 2 : i32
      %get3A_502 = arith.index_cast %get3A_501 : i32 to index
      %get3A_503 = arith.constant 64 : index
      %get3A_504 = tpu.vector_load %arg9[%get3A_502, %get3A_503] {strides = array<i32>} : memref<4x80xi32, #tpu.memory_space<vmem>>, vector<16xi32>,
      %slice3A_505 = vector.extract_strided_slice %get3A_504 {offsets = [15], sizes = [1], strides = [1]} : vector<16xi32> to vector<1xi32>
      %squeeze3A_506 = vector.extract %slice3A_505[0] : i32 from vector<1xi32>
      %add3A_507 = arith.constant 2 : i32
      %add3A_508 = arith.addi %add3A_428, %add3A_507 : i32
      %ge3A_509 = arith.constant 4 : i32
      %ge3A_510 = arith.cmpi sge, %add3A_508, %ge3A_509 : i32
      %convert_element_type3A_511 = arith.extui %ge3A_510 : i1 to i32
      %cond3A_512 = arith.constant 0 : i32
      %cond3A_513 = arith.cmpi ne, %convert_element_type3A_511, %cond3A_512 : i32
      scf.if %cond3A_513 {
        %dma_wait3A_613 = arith.constant 0 : i32
        %dma_wait3A_614 = arith.constant 0 : i32
        %dma_wait3A_615 = arith.constant 0 : i32
        %dma_wait3A_616 = arith.constant 0 : i32
        %dma_wait3A_617 = arith.constant 0 : i32
        %dma_wait3A_618 = tpu.memref_slice %arg7[%dma_wait3A_613, %dma_wait3A_616, %dma_wait3A_617] : memref<4x80x128xf32, #tpu.memory_space<vmem>> -> memref<1x80x128xf32, #tpu.memory_space<vmem>>
        %dma_wait3A_619 = tpu.memref_squeeze %dma_wait3A_618 : memref<1x80x128xf32, #tpu.memory_space<vmem>> -> memref<80x128xf32, #tpu.memory_space<vmem>>
        %dma_wait3A_620 = arith.constant 0 : i32
        %dma_wait3A_621 = tpu.memref_slice %arg9[%dma_wait3A_614, %dma_wait3A_620] : memref<4x80xi32, #tpu.memory_space<vmem>> -> memref<1x80xi32, #tpu.memory_space<vmem>>
        %dma_wait3A_622 = tpu.memref_squeeze %dma_wait3A_621 : memref<1x80xi32, #tpu.memory_space<vmem>> -> memref<80xi32, #tpu.memory_space<vmem>>
        %dma_wait3A_623 = arith.constant 0 : i32
        %dma_wait3A_624 = arith.constant 0 : i32
        %dma_wait3A_625 = tpu.memref_slice %arg12[%dma_wait3A_623, %dma_wait3A_624] : memref<512x128xf32, #tpu.memory_space<vmem_shared>> -> memref<512x128xf32, #tpu.memory_space<vmem_shared>>
        %dma_wait3A_626 = tpu.memref_slice %arg14[%dma_wait3A_615] : memref<4x!tpu.dma_semaphore, #tpu.memory_space<semaphore_mem>> -> memref<1x!tpu.dma_semaphore, #tpu.memory_space<semaphore_mem>>
        %dma_wait3A_627 = tpu.memref_squeeze %dma_wait3A_626 : memref<1x!tpu.dma_semaphore, #tpu.memory_space<semaphore_mem>> -> memref<!tpu.dma_semaphore, #tpu.memory_space<semaphore_mem>>
        tpu.wait_indirect_dma semaphore(%dma_wait3A_627 : memref<!tpu.dma_semaphore, #tpu.memory_space<semaphore_mem>>) src(%dma_wait3A_619 : memref<80x128xf32, #tpu.memory_space<vmem>>) dst(%dma_wait3A_625 : memref<512x128xf32, #tpu.memory_space<vmem_shared>>)
      } else {
      }
      %lt3A_514 = arith.constant 125 : i32
      %lt3A_515 = arith.cmpi slt, %add3A_508, %lt3A_514 : i32
      %convert_element_type3A_516 = arith.extui %lt3A_515 : i1 to i32
      %cond3A_517 = arith.constant 0 : i32
      %cond3A_518 = arith.cmpi ne, %convert_element_type3A_516, %cond3A_517 : i32
      scf.if %cond3A_518 {
        %mul3A_613 = arith.constant 80 : i32
        %mul3A_614 = arith.muli %add3A_508, %mul3A_613 : i32
        %add3A_615 = arith.addi %mul3A_2, %mul3A_614 : i32
        %dma_start3A_616 = arith.constant 0 : i32
        %dma_start3A_617 = arith.constant 0 : i32
        %dma_start3A_618 = arith.constant 0 : i32
        %dma_start3A_619 = tpu.memref_slice %arg9[%dma_start3A_616, %dma_start3A_618] : memref<4x80xi32, #tpu.memory_space<vmem>> -> memref<1x80xi32, #tpu.memory_space<vmem>>
        %dma_start3A_620 = tpu.memref_squeeze %dma_start3A_619 : memref<1x80xi32, #tpu.memory_space<vmem>> -> memref<80xi32, #tpu.memory_space<vmem>>
        %dma_start3A_621 = tpu.memref_slice %arg4[%add3A_615] : memref<320000xi32, #tpu.memory_space<hbm>> -> memref<80xi32, #tpu.memory_space<hbm>>
        %dma_start3A_622 = tpu.memref_slice %arg13[%dma_start3A_617] : memref<4x!tpu.dma_semaphore, #tpu.memory_space<semaphore_mem>> -> memref<1x!tpu.dma_semaphore, #tpu.memory_space<semaphore_mem>>
        %dma_start3A_623 = tpu.memref_squeeze %dma_start3A_622 : memref<1x!tpu.dma_semaphore, #tpu.memory_space<semaphore_mem>> -> memref<!tpu.dma_semaphore, #tpu.memory_space<semaphore_mem>>
        %dma_start3A_624 = arith.constant 0 : i32
        %dma_start3A_625 = tpu.memref_slice %arg9[%dma_start3A_616, %dma_start3A_624] : memref<4x80xi32, #tpu.memory_space<vmem>> -> memref<1x80xi32, #tpu.memory_space<vmem>>
        %dma_start3A_626 = tpu.memref_squeeze %dma_start3A_625 : memref<1x80xi32, #tpu.memory_space<vmem>> -> memref<80xi32, #tpu.memory_space<vmem>>
        %dma_start3A_627 = tpu.memref_slice %arg4[%add3A_615] : memref<320000xi32, #tpu.memory_space<hbm>> -> memref<80xi32, #tpu.memory_space<hbm>>
        tpu.enqueue_dma source(%dma_start3A_627 : memref<80xi32, #tpu.memory_space<hbm>>) target(%dma_start3A_626 : memref<80xi32, #tpu.memory_space<vmem>>) target_semaphore(%dma_start3A_623 : memref<!tpu.dma_semaphore, #tpu.memory_space<semaphore_mem>>)
        %dma_start3A_628 = arith.constant 0 : i32
        %dma_start3A_629 = arith.constant 0 : i32
        %dma_start3A_630 = arith.constant 0 : i32
        %dma_start3A_631 = arith.constant 0 : i32
        %dma_start3A_632 = tpu.memref_slice %arg7[%dma_start3A_628, %dma_start3A_630, %dma_start3A_631] : memref<4x80x128xf32, #tpu.memory_space<vmem>> -> memref<1x80x128xf32, #tpu.memory_space<vmem>>
        %dma_start3A_633 = tpu.memref_squeeze %dma_start3A_632 : memref<1x80x128xf32, #tpu.memory_space<vmem>> -> memref<80x128xf32, #tpu.memory_space<vmem>>
        %dma_start3A_634 = arith.constant 0 : i32
        %dma_start3A_635 = tpu.memref_slice %arg2[%add3A_615, %dma_start3A_634] : memref<320000x128xf32, #tpu.memory_space<hbm>> -> memref<80x128xf32, #tpu.memory_space<hbm>>
        %dma_start3A_636 = tpu.memref_slice %arg13[%dma_start3A_629] : memref<4x!tpu.dma_semaphore, #tpu.memory_space<semaphore_mem>> -> memref<1x!tpu.dma_semaphore, #tpu.memory_space<semaphore_mem>>
        %dma_start3A_637 = tpu.memref_squeeze %dma_start3A_636 : memref<1x!tpu.dma_semaphore, #tpu.memory_space<semaphore_mem>> -> memref<!tpu.dma_semaphore, #tpu.memory_space<semaphore_mem>>
        %dma_start3A_638 = arith.constant 0 : i32
        %dma_start3A_639 = arith.constant 0 : i32
        %dma_start3A_640 = tpu.memref_slice %arg7[%dma_start3A_628, %dma_start3A_638, %dma_start3A_639] : memref<4x80x128xf32, #tpu.memory_space<vmem>> -> memref<1x80x128xf32, #tpu.memory_space<vmem>>
        %dma_start3A_641 = tpu.memref_squeeze %dma_start3A_640 : memref<1x80x128xf32, #tpu.memory_space<vmem>> -> memref<80x128xf32, #tpu.memory_space<vmem>>
        %dma_start3A_642 = arith.constant 0 : i32
        %dma_start3A_643 = tpu.memref_slice %arg2[%add3A_615, %dma_start3A_642] : memref<320000x128xf32, #tpu.memory_space<hbm>> -> memref<80x128xf32, #tpu.memory_space<hbm>>
        tpu.enqueue_dma source(%dma_start3A_643 : memref<80x128xf32, #tpu.memory_space<hbm>>) target(%dma_start3A_641 : memref<80x128xf32, #tpu.memory_space<vmem>>) target_semaphore(%dma_start3A_637 : memref<!tpu.dma_semaphore, #tpu.memory_space<semaphore_mem>>)
        %dma_start3A_644 = arith.constant 0 : i32
        %dma_start3A_645 = arith.constant 0 : i32
        %dma_start3A_646 = arith.constant 0 : i32
        %dma_start3A_647 = arith.constant 0 : i32
        %dma_start3A_648 = tpu.memref_slice %arg8[%dma_start3A_644, %dma_start3A_646, %dma_start3A_647] : memref<4x80x128xf32, #tpu.memory_space<vmem>> -> memref<1x80x128xf32, #tpu.memory_space<vmem>>
        %dma_start3A_649 = tpu.memref_squeeze %dma_start3A_648 : memref<1x80x128xf32, #tpu.memory_space<vmem>> -> memref<80x128xf32, #tpu.memory_space<vmem>>
        %dma_start3A_650 = arith.constant 0 : i32
        %dma_start3A_651 = tpu.memref_slice %arg3[%add3A_615, %dma_start3A_650] : memref<320000x128xf32, #tpu.memory_space<hbm>> -> memref<80x128xf32, #tpu.memory_space<hbm>>
        %dma_start3A_652 = tpu.memref_slice %arg13[%dma_start3A_645] : memref<4x!tpu.dma_semaphore, #tpu.memory_space<semaphore_mem>> -> memref<1x!tpu.dma_semaphore, #tpu.memory_space<semaphore_mem>>
        %dma_start3A_653 = tpu.memref_squeeze %dma_start3A_652 : memref<1x!tpu.dma_semaphore, #tpu.memory_space<semaphore_mem>> -> memref<!tpu.dma_semaphore, #tpu.memory_space<semaphore_mem>>
        %dma_start3A_654 = arith.constant 0 : i32
        %dma_start3A_655 = arith.constant 0 : i32
        %dma_start3A_656 = tpu.memref_slice %arg8[%dma_start3A_644, %dma_start3A_654, %dma_start3A_655] : memref<4x80x128xf32, #tpu.memory_space<vmem>> -> memref<1x80x128xf32, #tpu.memory_space<vmem>>
        %dma_start3A_657 = tpu.memref_squeeze %dma_start3A_656 : memref<1x80x128xf32, #tpu.memory_space<vmem>> -> memref<80x128xf32, #tpu.memory_space<vmem>>
        %dma_start3A_658 = arith.constant 0 : i32
        %dma_start3A_659 = tpu.memref_slice %arg3[%add3A_615, %dma_start3A_658] : memref<320000x128xf32, #tpu.memory_space<hbm>> -> memref<80x128xf32, #tpu.memory_space<hbm>>
        tpu.enqueue_dma source(%dma_start3A_659 : memref<80x128xf32, #tpu.memory_space<hbm>>) target(%dma_start3A_657 : memref<80x128xf32, #tpu.memory_space<vmem>>) target_semaphore(%dma_start3A_653 : memref<!tpu.dma_semaphore, #tpu.memory_space<semaphore_mem>>)
      } else {
      }
      %mul3A_519 = arith.constant 4 : i32
      %mul3A_520 = arith.muli %scan3A_239, %mul3A_519 : i32
      %add3A_521 = arith.constant 3 : i32
      %add3A_522 = arith.addi %mul3A_520, %add3A_521 : i32
      %mul3A_523 = arith.constant 80 : i32
      %mul3A_524 = arith.muli %add3A_522, %mul3A_523 : i32
      %add3A_525 = arith.addi %mul3A_2, %mul3A_524 : i32
      %dma_wait3A_526 = arith.constant 3 : i32
      %dma_wait3A_527 = arith.constant 3 : i32
      %dma_wait3A_528 = arith.constant 0 : i32
      %dma_wait3A_529 = tpu.memref_slice %arg9[%dma_wait3A_526, %dma_wait3A_528] : memref<4x80xi32, #tpu.memory_space<vmem>> -> memref<1x80xi32, #tpu.memory_space<vmem>>
      %dma_wait3A_530 = tpu.memref_squeeze %dma_wait3A_529 : memref<1x80xi32, #tpu.memory_space<vmem>> -> memref<80xi32, #tpu.memory_space<vmem>>
      %dma_wait3A_531 = tpu.memref_slice %arg4[%add3A_525] : memref<320000xi32, #tpu.memory_space<hbm>> -> memref<80xi32, #tpu.memory_space<hbm>>
      %dma_wait3A_532 = tpu.memref_slice %arg13[%dma_wait3A_527] : memref<4x!tpu.dma_semaphore, #tpu.memory_space<semaphore_mem>> -> memref<1x!tpu.dma_semaphore, #tpu.memory_space<semaphore_mem>>
      %dma_wait3A_533 = tpu.memref_squeeze %dma_wait3A_532 : memref<1x!tpu.dma_semaphore, #tpu.memory_space<semaphore_mem>> -> memref<!tpu.dma_semaphore, #tpu.memory_space<semaphore_mem>>
      %dma_wait3A_534 = arith.constant 0 : i32
      %dma_wait3A_535 = tpu.memref_slice %arg9[%dma_wait3A_526, %dma_wait3A_534] : memref<4x80xi32, #tpu.memory_space<vmem>> -> memref<1x80xi32, #tpu.memory_space<vmem>>
      %dma_wait3A_536 = tpu.memref_squeeze %dma_wait3A_535 : memref<1x80xi32, #tpu.memory_space<vmem>> -> memref<80xi32, #tpu.memory_space<vmem>>
      %dma_wait3A_537 = tpu.memref_slice %arg4[%add3A_525] : memref<320000xi32, #tpu.memory_space<hbm>> -> memref<80xi32, #tpu.memory_space<hbm>>
      tpu.wait_dma2 semaphore(%dma_wait3A_533 : memref<!tpu.dma_semaphore, #tpu.memory_space<semaphore_mem>>) src(%dma_wait3A_537 : memref<80xi32, #tpu.memory_space<hbm>>) dst(%dma_wait3A_536 : memref<80xi32, #tpu.memory_space<vmem>>)
      %dma_wait3A_538 = arith.constant 3 : i32
      %dma_wait3A_539 = arith.constant 3 : i32
      %dma_wait3A_540 = arith.constant 0 : i32
      %dma_wait3A_541 = arith.constant 0 : i32
      %dma_wait3A_542 = tpu.memref_slice %arg7[%dma_wait3A_538, %dma_wait3A_540, %dma_wait3A_541] : memref<4x80x128xf32, #tpu.memory_space<vmem>> -> memref<1x80x128xf32, #tpu.memory_space<vmem>>
      %dma_wait3A_543 = tpu.memref_squeeze %dma_wait3A_542 : memref<1x80x128xf32, #tpu.memory_space<vmem>> -> memref<80x128xf32, #tpu.memory_space<vmem>>
      %dma_wait3A_544 = arith.constant 0 : i32
      %dma_wait3A_545 = tpu.memref_slice %arg2[%add3A_525, %dma_wait3A_544] : memref<320000x128xf32, #tpu.memory_space<hbm>> -> memref<80x128xf32, #tpu.memory_space<hbm>>
      %dma_wait3A_546 = tpu.memref_slice %arg13[%dma_wait3A_539] : memref<4x!tpu.dma_semaphore, #tpu.memory_space<semaphore_mem>> -> memref<1x!tpu.dma_semaphore, #tpu.memory_space<semaphore_mem>>
      %dma_wait3A_547 = tpu.memref_squeeze %dma_wait3A_546 : memref<1x!tpu.dma_semaphore, #tpu.memory_space<semaphore_mem>> -> memref<!tpu.dma_semaphore, #tpu.memory_space<semaphore_mem>>
      %dma_wait3A_548 = arith.constant 0 : i32
      %dma_wait3A_549 = arith.constant 0 : i32
      %dma_wait3A_550 = tpu.memref_slice %arg7[%dma_wait3A_538, %dma_wait3A_548, %dma_wait3A_549] : memref<4x80x128xf32, #tpu.memory_space<vmem>> -> memref<1x80x128xf32, #tpu.memory_space<vmem>>
      %dma_wait3A_551 = tpu.memref_squeeze %dma_wait3A_550 : memref<1x80x128xf32, #tpu.memory_space<vmem>> -> memref<80x128xf32, #tpu.memory_space<vmem>>
      %dma_wait3A_552 = arith.constant 0 : i32
      %dma_wait3A_553 = tpu.memref_slice %arg2[%add3A_525, %dma_wait3A_552] : memref<320000x128xf32, #tpu.memory_space<hbm>> -> memref<80x128xf32, #tpu.memory_space<hbm>>
      tpu.wait_dma2 semaphore(%dma_wait3A_547 : memref<!tpu.dma_semaphore, #tpu.memory_space<semaphore_mem>>) src(%dma_wait3A_553 : memref<80x128xf32, #tpu.memory_space<hbm>>) dst(%dma_wait3A_551 : memref<80x128xf32, #tpu.memory_space<vmem>>)
      %dma_wait3A_554 = arith.constant 3 : i32
      %dma_wait3A_555 = arith.constant 3 : i32
      %dma_wait3A_556 = arith.constant 0 : i32
      %dma_wait3A_557 = arith.constant 0 : i32
      %dma_wait3A_558 = tpu.memref_slice %arg8[%dma_wait3A_554, %dma_wait3A_556, %dma_wait3A_557] : memref<4x80x128xf32, #tpu.memory_space<vmem>> -> memref<1x80x128xf32, #tpu.memory_space<vmem>>
      %dma_wait3A_559 = tpu.memref_squeeze %dma_wait3A_558 : memref<1x80x128xf32, #tpu.memory_space<vmem>> -> memref<80x128xf32, #tpu.memory_space<vmem>>
      %dma_wait3A_560 = arith.constant 0 : i32
      %dma_wait3A_561 = tpu.memref_slice %arg3[%add3A_525, %dma_wait3A_560] : memref<320000x128xf32, #tpu.memory_space<hbm>> -> memref<80x128xf32, #tpu.memory_space<hbm>>
      %dma_wait3A_562 = tpu.memref_slice %arg13[%dma_wait3A_555] : memref<4x!tpu.dma_semaphore, #tpu.memory_space<semaphore_mem>> -> memref<1x!tpu.dma_semaphore, #tpu.memory_space<semaphore_mem>>
      %dma_wait3A_563 = tpu.memref_squeeze %dma_wait3A_562 : memref<1x!tpu.dma_semaphore, #tpu.memory_space<semaphore_mem>> -> memref<!tpu.dma_semaphore, #tpu.memory_space<semaphore_mem>>
      %dma_wait3A_564 = arith.constant 0 : i32
      %dma_wait3A_565 = arith.constant 0 : i32
      %dma_wait3A_566 = tpu.memref_slice %arg8[%dma_wait3A_554, %dma_wait3A_564, %dma_wait3A_565] : memref<4x80x128xf32, #tpu.memory_space<vmem>> -> memref<1x80x128xf32, #tpu.memory_space<vmem>>
      %dma_wait3A_567 = tpu.memref_squeeze %dma_wait3A_566 : memref<1x80x128xf32, #tpu.memory_space<vmem>> -> memref<80x128xf32, #tpu.memory_space<vmem>>
      %dma_wait3A_568 = arith.constant 0 : i32
      %dma_wait3A_569 = tpu.memref_slice %arg3[%add3A_525, %dma_wait3A_568] : memref<320000x128xf32, #tpu.memory_space<hbm>> -> memref<80x128xf32, #tpu.memory_space<hbm>>
      tpu.wait_dma2 semaphore(%dma_wait3A_563 : memref<!tpu.dma_semaphore, #tpu.memory_space<semaphore_mem>>) src(%dma_wait3A_569 : memref<80x128xf32, #tpu.memory_space<hbm>>) dst(%dma_wait3A_567 : memref<80x128xf32, #tpu.memory_space<vmem>>)
      %scan3A_570 = arith.constant 0 : i32
      %scan3A_571 = arith.constant 40 : i32
      %scan3A_572 = arith.addi %scan3A_570, %scan3A_571 : i32
      %scan3A_573 = arith.constant 1 : i32
      scf.for %scan3A_613 = %scan3A_570 to %scan3A_572 step %scan3A_573  : i32 {
        %mul3A_614 = arith.constant 2 : i32
        %mul3A_615 = arith.muli %scan3A_613, %mul3A_614 : i32
        %add3A_616 = arith.constant 0 : i32
        %add3A_617 = arith.addi %mul3A_615, %add3A_616 : i32
        %get3A_618 = arith.constant 3 : i32
        %get3A_619 = arith.index_cast %get3A_618 : i32 to index
        %get3A_620 = arith.index_cast %add3A_617 : i32 to index
        %get3A_621 = arith.constant 0 : index
        %get3A_622 = tpu.vector_load %arg7[%get3A_619, %get3A_620, %get3A_621] {strides = array<i32>} : memref<4x80x128xf32, #tpu.memory_space<vmem>>, vector<16xf32>,
        %add3A_623 = arith.constant 0 : i32
        %add3A_624 = arith.addi %mul3A_615, %add3A_623 : i32
        %get3A_625 = arith.constant 3 : i32
        %get3A_626 = arith.index_cast %get3A_625 : i32 to index
        %get3A_627 = arith.index_cast %add3A_624 : i32 to index
        %get3A_628 = arith.constant 0 : index
        %get3A_629 = tpu.vector_load %arg8[%get3A_626, %get3A_627, %get3A_628] {strides = array<i32>} : memref<4x80x128xf32, #tpu.memory_space<vmem>>, vector<16xf32>,
        %sub3A_630 = arith.subf %get3A_622, %get3A_629 : vector<16xf32>
        %add3A_631 = arith.constant 0 : i32
        %add3A_632 = arith.addi %mul3A_615, %add3A_631 : i32
        %swap3A = arith.constant 3 : i32
        %swap3A_633 = arith.index_cast %swap3A : i32 to index
        %swap3A_634 = arith.index_cast %add3A_632 : i32 to index
        %swap3A_635 = arith.constant 0 : index
        %swap3A_636 = tpu.vector_load %arg7[%swap3A_633, %swap3A_634, %swap3A_635] {strides = array<i32>} : memref<4x80x128xf32, #tpu.memory_space<vmem>>, vector<16xf32>,
        tpu.vector_store %arg7[%swap3A_633, %swap3A_634, %swap3A_635], %sub3A_630 {strides = array<i32>} : memref<4x80x128xf32, #tpu.memory_space<vmem>>, vector<16xf32>,
        %add3A_637 = arith.constant 0 : i32
        %add3A_638 = arith.addi %mul3A_615, %add3A_637 : i32
        %get3A_639 = arith.constant 3 : i32
        %get3A_640 = arith.index_cast %get3A_639 : i32 to index
        %get3A_641 = arith.index_cast %add3A_638 : i32 to index
        %get3A_642 = arith.constant 16 : index
        %get3A_643 = tpu.vector_load %arg7[%get3A_640, %get3A_641, %get3A_642] {strides = array<i32>} : memref<4x80x128xf32, #tpu.memory_space<vmem>>, vector<16xf32>,
        %add3A_644 = arith.constant 0 : i32
        %add3A_645 = arith.addi %mul3A_615, %add3A_644 : i32
        %get3A_646 = arith.constant 3 : i32
        %get3A_647 = arith.index_cast %get3A_646 : i32 to index
        %get3A_648 = arith.index_cast %add3A_645 : i32 to index
        %get3A_649 = arith.constant 16 : index
        %get3A_650 = tpu.vector_load %arg8[%get3A_647, %get3A_648, %get3A_649] {strides = array<i32>} : memref<4x80x128xf32, #tpu.memory_space<vmem>>, vector<16xf32>,
        %sub3A_651 = arith.subf %get3A_643, %get3A_650 : vector<16xf32>
        %add3A_652 = arith.constant 0 : i32
        %add3A_653 = arith.addi %mul3A_615, %add3A_652 : i32
        %swap3A_654 = arith.constant 3 : i32
        %swap3A_655 = arith.index_cast %swap3A_654 : i32 to index
        %swap3A_656 = arith.index_cast %add3A_653 : i32 to index
        %swap3A_657 = arith.constant 16 : index
        %swap3A_658 = tpu.vector_load %arg7[%swap3A_655, %swap3A_656, %swap3A_657] {strides = array<i32>} : memref<4x80x128xf32, #tpu.memory_space<vmem>>, vector<16xf32>,
        tpu.vector_store %arg7[%swap3A_655, %swap3A_656, %swap3A_657], %sub3A_651 {strides = array<i32>} : memref<4x80x128xf32, #tpu.memory_space<vmem>>, vector<16xf32>,
        %add3A_659 = arith.constant 0 : i32
        %add3A_660 = arith.addi %mul3A_615, %add3A_659 : i32
        %get3A_661 = arith.constant 3 : i32
        %get3A_662 = arith.index_cast %get3A_661 : i32 to index
        %get3A_663 = arith.index_cast %add3A_660 : i32 to index
        %get3A_664 = arith.constant 32 : index
        %get3A_665 = tpu.vector_load %arg7[%get3A_662, %get3A_663, %get3A_664] {strides = array<i32>} : memref<4x80x128xf32, #tpu.memory_space<vmem>>, vector<16xf32>,
        %add3A_666 = arith.constant 0 : i32
        %add3A_667 = arith.addi %mul3A_615, %add3A_666 : i32
        %get3A_668 = arith.constant 3 : i32
        %get3A_669 = arith.index_cast %get3A_668 : i32 to index
        %get3A_670 = arith.index_cast %add3A_667 : i32 to index
        %get3A_671 = arith.constant 32 : index
        %get3A_672 = tpu.vector_load %arg8[%get3A_669, %get3A_670, %get3A_671] {strides = array<i32>} : memref<4x80x128xf32, #tpu.memory_space<vmem>>, vector<16xf32>,
        %sub3A_673 = arith.subf %get3A_665, %get3A_672 : vector<16xf32>
        %add3A_674 = arith.constant 0 : i32
        %add3A_675 = arith.addi %mul3A_615, %add3A_674 : i32
        %swap3A_676 = arith.constant 3 : i32
        %swap3A_677 = arith.index_cast %swap3A_676 : i32 to index
        %swap3A_678 = arith.index_cast %add3A_675 : i32 to index
        %swap3A_679 = arith.constant 32 : index
        %swap3A_680 = tpu.vector_load %arg7[%swap3A_677, %swap3A_678, %swap3A_679] {strides = array<i32>} : memref<4x80x128xf32, #tpu.memory_space<vmem>>, vector<16xf32>,
        tpu.vector_store %arg7[%swap3A_677, %swap3A_678, %swap3A_679], %sub3A_673 {strides = array<i32>} : memref<4x80x128xf32, #tpu.memory_space<vmem>>, vector<16xf32>,
        %add3A_681 = arith.constant 0 : i32
        %add3A_682 = arith.addi %mul3A_615, %add3A_681 : i32
        %get3A_683 = arith.constant 3 : i32
        %get3A_684 = arith.index_cast %get3A_683 : i32 to index
        %get3A_685 = arith.index_cast %add3A_682 : i32 to index
        %get3A_686 = arith.constant 48 : index
        %get3A_687 = tpu.vector_load %arg7[%get3A_684, %get3A_685, %get3A_686] {strides = array<i32>} : memref<4x80x128xf32, #tpu.memory_space<vmem>>, vector<16xf32>,
        %add3A_688 = arith.constant 0 : i32
        %add3A_689 = arith.addi %mul3A_615, %add3A_688 : i32
        %get3A_690 = arith.constant 3 : i32
        %get3A_691 = arith.index_cast %get3A_690 : i32 to index
        %get3A_692 = arith.index_cast %add3A_689 : i32 to index
        %get3A_693 = arith.constant 48 : index
        %get3A_694 = tpu.vector_load %arg8[%get3A_691, %get3A_692, %get3A_693] {strides = array<i32>} : memref<4x80x128xf32, #tpu.memory_space<vmem>>, vector<16xf32>,
        %sub3A_695 = arith.subf %get3A_687, %get3A_694 : vector<16xf32>
        %add3A_696 = arith.constant 0 : i32
        %add3A_697 = arith.addi %mul3A_615, %add3A_696 : i32
        %swap3A_698 = arith.constant 3 : i32
        %swap3A_699 = arith.index_cast %swap3A_698 : i32 to index
        %swap3A_700 = arith.index_cast %add3A_697 : i32 to index
        %swap3A_701 = arith.constant 48 : index
        %swap3A_702 = tpu.vector_load %arg7[%swap3A_699, %swap3A_700, %swap3A_701] {strides = array<i32>} : memref<4x80x128xf32, #tpu.memory_space<vmem>>, vector<16xf32>,
        tpu.vector_store %arg7[%swap3A_699, %swap3A_700, %swap3A_701], %sub3A_695 {strides = array<i32>} : memref<4x80x128xf32, #tpu.memory_space<vmem>>, vector<16xf32>,
        %add3A_703 = arith.constant 0 : i32
        %add3A_704 = arith.addi %mul3A_615, %add3A_703 : i32
        %get3A_705 = arith.constant 3 : i32
        %get3A_706 = arith.index_cast %get3A_705 : i32 to index
        %get3A_707 = arith.index_cast %add3A_704 : i32 to index
        %get3A_708 = arith.constant 64 : index
        %get3A_709 = tpu.vector_load %arg7[%get3A_706, %get3A_707, %get3A_708] {strides = array<i32>} : memref<4x80x128xf32, #tpu.memory_space<vmem>>, vector<16xf32>,
        %add3A_710 = arith.constant 0 : i32
        %add3A_711 = arith.addi %mul3A_615, %add3A_710 : i32
        %get3A_712 = arith.constant 3 : i32
        %get3A_713 = arith.index_cast %get3A_712 : i32 to index
        %get3A_714 = arith.index_cast %add3A_711 : i32 to index
        %get3A_715 = arith.constant 64 : index
        %get3A_716 = tpu.vector_load %arg8[%get3A_713, %get3A_714, %get3A_715] {strides = array<i32>} : memref<4x80x128xf32, #tpu.memory_space<vmem>>, vector<16xf32>,
        %sub3A_717 = arith.subf %get3A_709, %get3A_716 : vector<16xf32>
        %add3A_718 = arith.constant 0 : i32
        %add3A_719 = arith.addi %mul3A_615, %add3A_718 : i32
        %swap3A_720 = arith.constant 3 : i32
        %swap3A_721 = arith.index_cast %swap3A_720 : i32 to index
        %swap3A_722 = arith.index_cast %add3A_719 : i32 to index
        %swap3A_723 = arith.constant 64 : index
        %swap3A_724 = tpu.vector_load %arg7[%swap3A_721, %swap3A_722, %swap3A_723] {strides = array<i32>} : memref<4x80x128xf32, #tpu.memory_space<vmem>>, vector<16xf32>,
        tpu.vector_store %arg7[%swap3A_721, %swap3A_722, %swap3A_723], %sub3A_717 {strides = array<i32>} : memref<4x80x128xf32, #tpu.memory_space<vmem>>, vector<16xf32>,
        %add3A_725 = arith.constant 0 : i32
        %add3A_726 = arith.addi %mul3A_615, %add3A_725 : i32
        %get3A_727 = arith.constant 3 : i32
        %get3A_728 = arith.index_cast %get3A_727 : i32 to index
        %get3A_729 = arith.index_cast %add3A_726 : i32 to index
        %get3A_730 = arith.constant 80 : index
        %get3A_731 = tpu.vector_load %arg7[%get3A_728, %get3A_729, %get3A_730] {strides = array<i32>} : memref<4x80x128xf32, #tpu.memory_space<vmem>>, vector<16xf32>,
        %add3A_732 = arith.constant 0 : i32
        %add3A_733 = arith.addi %mul3A_615, %add3A_732 : i32
        %get3A_734 = arith.constant 3 : i32
        %get3A_735 = arith.index_cast %get3A_734 : i32 to index
        %get3A_736 = arith.index_cast %add3A_733 : i32 to index
        %get3A_737 = arith.constant 80 : index
        %get3A_738 = tpu.vector_load %arg8[%get3A_735, %get3A_736, %get3A_737] {strides = array<i32>} : memref<4x80x128xf32, #tpu.memory_space<vmem>>, vector<16xf32>,
        %sub3A_739 = arith.subf %get3A_731, %get3A_738 : vector<16xf32>
        %add3A_740 = arith.constant 0 : i32
        %add3A_741 = arith.addi %mul3A_615, %add3A_740 : i32
        %swap3A_742 = arith.constant 3 : i32
        %swap3A_743 = arith.index_cast %swap3A_742 : i32 to index
        %swap3A_744 = arith.index_cast %add3A_741 : i32 to index
        %swap3A_745 = arith.constant 80 : index
        %swap3A_746 = tpu.vector_load %arg7[%swap3A_743, %swap3A_744, %swap3A_745] {strides = array<i32>} : memref<4x80x128xf32, #tpu.memory_space<vmem>>, vector<16xf32>,
        tpu.vector_store %arg7[%swap3A_743, %swap3A_744, %swap3A_745], %sub3A_739 {strides = array<i32>} : memref<4x80x128xf32, #tpu.memory_space<vmem>>, vector<16xf32>,
        %add3A_747 = arith.constant 0 : i32
        %add3A_748 = arith.addi %mul3A_615, %add3A_747 : i32
        %get3A_749 = arith.constant 3 : i32
        %get3A_750 = arith.index_cast %get3A_749 : i32 to index
        %get3A_751 = arith.index_cast %add3A_748 : i32 to index
        %get3A_752 = arith.constant 96 : index
        %get3A_753 = tpu.vector_load %arg7[%get3A_750, %get3A_751, %get3A_752] {strides = array<i32>} : memref<4x80x128xf32, #tpu.memory_space<vmem>>, vector<16xf32>,
        %add3A_754 = arith.constant 0 : i32
        %add3A_755 = arith.addi %mul3A_615, %add3A_754 : i32
        %get3A_756 = arith.constant 3 : i32
        %get3A_757 = arith.index_cast %get3A_756 : i32 to index
        %get3A_758 = arith.index_cast %add3A_755 : i32 to index
        %get3A_759 = arith.constant 96 : index
        %get3A_760 = tpu.vector_load %arg8[%get3A_757, %get3A_758, %get3A_759] {strides = array<i32>} : memref<4x80x128xf32, #tpu.memory_space<vmem>>, vector<16xf32>,
        %sub3A_761 = arith.subf %get3A_753, %get3A_760 : vector<16xf32>
        %add3A_762 = arith.constant 0 : i32
        %add3A_763 = arith.addi %mul3A_615, %add3A_762 : i32
        %swap3A_764 = arith.constant 3 : i32
        %swap3A_765 = arith.index_cast %swap3A_764 : i32 to index
        %swap3A_766 = arith.index_cast %add3A_763 : i32 to index
        %swap3A_767 = arith.constant 96 : index
        %swap3A_768 = tpu.vector_load %arg7[%swap3A_765, %swap3A_766, %swap3A_767] {strides = array<i32>} : memref<4x80x128xf32, #tpu.memory_space<vmem>>, vector<16xf32>,
        tpu.vector_store %arg7[%swap3A_765, %swap3A_766, %swap3A_767], %sub3A_761 {strides = array<i32>} : memref<4x80x128xf32, #tpu.memory_space<vmem>>, vector<16xf32>,
        %add3A_769 = arith.constant 0 : i32
        %add3A_770 = arith.addi %mul3A_615, %add3A_769 : i32
        %get3A_771 = arith.constant 3 : i32
        %get3A_772 = arith.index_cast %get3A_771 : i32 to index
        %get3A_773 = arith.index_cast %add3A_770 : i32 to index
        %get3A_774 = arith.constant 112 : index
        %get3A_775 = tpu.vector_load %arg7[%get3A_772, %get3A_773, %get3A_774] {strides = array<i32>} : memref<4x80x128xf32, #tpu.memory_space<vmem>>, vector<16xf32>,
        %add3A_776 = arith.constant 0 : i32
        %add3A_777 = arith.addi %mul3A_615, %add3A_776 : i32
        %get3A_778 = arith.constant 3 : i32
        %get3A_779 = arith.index_cast %get3A_778 : i32 to index
        %get3A_780 = arith.index_cast %add3A_777 : i32 to index
        %get3A_781 = arith.constant 112 : index
        %get3A_782 = tpu.vector_load %arg8[%get3A_779, %get3A_780, %get3A_781] {strides = array<i32>} : memref<4x80x128xf32, #tpu.memory_space<vmem>>, vector<16xf32>,
        %sub3A_783 = arith.subf %get3A_775, %get3A_782 : vector<16xf32>
        %add3A_784 = arith.constant 0 : i32
        %add3A_785 = arith.addi %mul3A_615, %add3A_784 : i32
        %swap3A_786 = arith.constant 3 : i32
        %swap3A_787 = arith.index_cast %swap3A_786 : i32 to index
        %swap3A_788 = arith.index_cast %add3A_785 : i32 to index
        %swap3A_789 = arith.constant 112 : index
        %swap3A_790 = tpu.vector_load %arg7[%swap3A_787, %swap3A_788, %swap3A_789] {strides = array<i32>} : memref<4x80x128xf32, #tpu.memory_space<vmem>>, vector<16xf32>,
        tpu.vector_store %arg7[%swap3A_787, %swap3A_788, %swap3A_789], %sub3A_783 {strides = array<i32>} : memref<4x80x128xf32, #tpu.memory_space<vmem>>, vector<16xf32>,
        %add3A_791 = arith.constant 1 : i32
        %add3A_792 = arith.addi %mul3A_615, %add3A_791 : i32
        %get3A_793 = arith.constant 3 : i32
        %get3A_794 = arith.index_cast %get3A_793 : i32 to index
        %get3A_795 = arith.index_cast %add3A_792 : i32 to index
        %get3A_796 = arith.constant 0 : index
        %get3A_797 = tpu.vector_load %arg7[%get3A_794, %get3A_795, %get3A_796] {strides = array<i32>} : memref<4x80x128xf32, #tpu.memory_space<vmem>>, vector<16xf32>,
        %add3A_798 = arith.constant 1 : i32
        %add3A_799 = arith.addi %mul3A_615, %add3A_798 : i32
        %get3A_800 = arith.constant 3 : i32
        %get3A_801 = arith.index_cast %get3A_800 : i32 to index
        %get3A_802 = arith.index_cast %add3A_799 : i32 to index
        %get3A_803 = arith.constant 0 : index
        %get3A_804 = tpu.vector_load %arg8[%get3A_801, %get3A_802, %get3A_803] {strides = array<i32>} : memref<4x80x128xf32, #tpu.memory_space<vmem>>, vector<16xf32>,
        %sub3A_805 = arith.subf %get3A_797, %get3A_804 : vector<16xf32>
        %add3A_806 = arith.constant 1 : i32
        %add3A_807 = arith.addi %mul3A_615, %add3A_806 : i32
        %swap3A_808 = arith.constant 3 : i32
        %swap3A_809 = arith.index_cast %swap3A_808 : i32 to index
        %swap3A_810 = arith.index_cast %add3A_807 : i32 to index
        %swap3A_811 = arith.constant 0 : index
        %swap3A_812 = tpu.vector_load %arg7[%swap3A_809, %swap3A_810, %swap3A_811] {strides = array<i32>} : memref<4x80x128xf32, #tpu.memory_space<vmem>>, vector<16xf32>,
        tpu.vector_store %arg7[%swap3A_809, %swap3A_810, %swap3A_811], %sub3A_805 {strides = array<i32>} : memref<4x80x128xf32, #tpu.memory_space<vmem>>, vector<16xf32>,
        %add3A_813 = arith.constant 1 : i32
        %add3A_814 = arith.addi %mul3A_615, %add3A_813 : i32
        %get3A_815 = arith.constant 3 : i32
        %get3A_816 = arith.index_cast %get3A_815 : i32 to index
        %get3A_817 = arith.index_cast %add3A_814 : i32 to index
        %get3A_818 = arith.constant 16 : index
        %get3A_819 = tpu.vector_load %arg7[%get3A_816, %get3A_817, %get3A_818] {strides = array<i32>} : memref<4x80x128xf32, #tpu.memory_space<vmem>>, vector<16xf32>,
        %add3A_820 = arith.constant 1 : i32
        %add3A_821 = arith.addi %mul3A_615, %add3A_820 : i32
        %get3A_822 = arith.constant 3 : i32
        %get3A_823 = arith.index_cast %get3A_822 : i32 to index
        %get3A_824 = arith.index_cast %add3A_821 : i32 to index
        %get3A_825 = arith.constant 16 : index
        %get3A_826 = tpu.vector_load %arg8[%get3A_823, %get3A_824, %get3A_825] {strides = array<i32>} : memref<4x80x128xf32, #tpu.memory_space<vmem>>, vector<16xf32>,
        %sub3A_827 = arith.subf %get3A_819, %get3A_826 : vector<16xf32>
        %add3A_828 = arith.constant 1 : i32
        %add3A_829 = arith.addi %mul3A_615, %add3A_828 : i32
        %swap3A_830 = arith.constant 3 : i32
        %swap3A_831 = arith.index_cast %swap3A_830 : i32 to index
        %swap3A_832 = arith.index_cast %add3A_829 : i32 to index
        %swap3A_833 = arith.constant 16 : index
        %swap3A_834 = tpu.vector_load %arg7[%swap3A_831, %swap3A_832, %swap3A_833] {strides = array<i32>} : memref<4x80x128xf32, #tpu.memory_space<vmem>>, vector<16xf32>,
        tpu.vector_store %arg7[%swap3A_831, %swap3A_832, %swap3A_833], %sub3A_827 {strides = array<i32>} : memref<4x80x128xf32, #tpu.memory_space<vmem>>, vector<16xf32>,
        %add3A_835 = arith.constant 1 : i32
        %add3A_836 = arith.addi %mul3A_615, %add3A_835 : i32
        %get3A_837 = arith.constant 3 : i32
        %get3A_838 = arith.index_cast %get3A_837 : i32 to index
        %get3A_839 = arith.index_cast %add3A_836 : i32 to index
        %get3A_840 = arith.constant 32 : index
        %get3A_841 = tpu.vector_load %arg7[%get3A_838, %get3A_839, %get3A_840] {strides = array<i32>} : memref<4x80x128xf32, #tpu.memory_space<vmem>>, vector<16xf32>,
        %add3A_842 = arith.constant 1 : i32
        %add3A_843 = arith.addi %mul3A_615, %add3A_842 : i32
        %get3A_844 = arith.constant 3 : i32
        %get3A_845 = arith.index_cast %get3A_844 : i32 to index
        %get3A_846 = arith.index_cast %add3A_843 : i32 to index
        %get3A_847 = arith.constant 32 : index
        %get3A_848 = tpu.vector_load %arg8[%get3A_845, %get3A_846, %get3A_847] {strides = array<i32>} : memref<4x80x128xf32, #tpu.memory_space<vmem>>, vector<16xf32>,
        %sub3A_849 = arith.subf %get3A_841, %get3A_848 : vector<16xf32>
        %add3A_850 = arith.constant 1 : i32
        %add3A_851 = arith.addi %mul3A_615, %add3A_850 : i32
        %swap3A_852 = arith.constant 3 : i32
        %swap3A_853 = arith.index_cast %swap3A_852 : i32 to index
        %swap3A_854 = arith.index_cast %add3A_851 : i32 to index
        %swap3A_855 = arith.constant 32 : index
        %swap3A_856 = tpu.vector_load %arg7[%swap3A_853, %swap3A_854, %swap3A_855] {strides = array<i32>} : memref<4x80x128xf32, #tpu.memory_space<vmem>>, vector<16xf32>,
        tpu.vector_store %arg7[%swap3A_853, %swap3A_854, %swap3A_855], %sub3A_849 {strides = array<i32>} : memref<4x80x128xf32, #tpu.memory_space<vmem>>, vector<16xf32>,
        %add3A_857 = arith.constant 1 : i32
        %add3A_858 = arith.addi %mul3A_615, %add3A_857 : i32
        %get3A_859 = arith.constant 3 : i32
        %get3A_860 = arith.index_cast %get3A_859 : i32 to index
        %get3A_861 = arith.index_cast %add3A_858 : i32 to index
        %get3A_862 = arith.constant 48 : index
        %get3A_863 = tpu.vector_load %arg7[%get3A_860, %get3A_861, %get3A_862] {strides = array<i32>} : memref<4x80x128xf32, #tpu.memory_space<vmem>>, vector<16xf32>,
        %add3A_864 = arith.constant 1 : i32
        %add3A_865 = arith.addi %mul3A_615, %add3A_864 : i32
        %get3A_866 = arith.constant 3 : i32
        %get3A_867 = arith.index_cast %get3A_866 : i32 to index
        %get3A_868 = arith.index_cast %add3A_865 : i32 to index
        %get3A_869 = arith.constant 48 : index
        %get3A_870 = tpu.vector_load %arg8[%get3A_867, %get3A_868, %get3A_869] {strides = array<i32>} : memref<4x80x128xf32, #tpu.memory_space<vmem>>, vector<16xf32>,
        %sub3A_871 = arith.subf %get3A_863, %get3A_870 : vector<16xf32>
        %add3A_872 = arith.constant 1 : i32
        %add3A_873 = arith.addi %mul3A_615, %add3A_872 : i32
        %swap3A_874 = arith.constant 3 : i32
        %swap3A_875 = arith.index_cast %swap3A_874 : i32 to index
        %swap3A_876 = arith.index_cast %add3A_873 : i32 to index
        %swap3A_877 = arith.constant 48 : index
        %swap3A_878 = tpu.vector_load %arg7[%swap3A_875, %swap3A_876, %swap3A_877] {strides = array<i32>} : memref<4x80x128xf32, #tpu.memory_space<vmem>>, vector<16xf32>,
        tpu.vector_store %arg7[%swap3A_875, %swap3A_876, %swap3A_877], %sub3A_871 {strides = array<i32>} : memref<4x80x128xf32, #tpu.memory_space<vmem>>, vector<16xf32>,
        %add3A_879 = arith.constant 1 : i32
        %add3A_880 = arith.addi %mul3A_615, %add3A_879 : i32
        %get3A_881 = arith.constant 3 : i32
        %get3A_882 = arith.index_cast %get3A_881 : i32 to index
        %get3A_883 = arith.index_cast %add3A_880 : i32 to index
        %get3A_884 = arith.constant 64 : index
        %get3A_885 = tpu.vector_load %arg7[%get3A_882, %get3A_883, %get3A_884] {strides = array<i32>} : memref<4x80x128xf32, #tpu.memory_space<vmem>>, vector<16xf32>,
        %add3A_886 = arith.constant 1 : i32
        %add3A_887 = arith.addi %mul3A_615, %add3A_886 : i32
        %get3A_888 = arith.constant 3 : i32
        %get3A_889 = arith.index_cast %get3A_888 : i32 to index
        %get3A_890 = arith.index_cast %add3A_887 : i32 to index
        %get3A_891 = arith.constant 64 : index
        %get3A_892 = tpu.vector_load %arg8[%get3A_889, %get3A_890, %get3A_891] {strides = array<i32>} : memref<4x80x128xf32, #tpu.memory_space<vmem>>, vector<16xf32>,
        %sub3A_893 = arith.subf %get3A_885, %get3A_892 : vector<16xf32>
        %add3A_894 = arith.constant 1 : i32
        %add3A_895 = arith.addi %mul3A_615, %add3A_894 : i32
        %swap3A_896 = arith.constant 3 : i32
        %swap3A_897 = arith.index_cast %swap3A_896 : i32 to index
        %swap3A_898 = arith.index_cast %add3A_895 : i32 to index
        %swap3A_899 = arith.constant 64 : index
        %swap3A_900 = tpu.vector_load %arg7[%swap3A_897, %swap3A_898, %swap3A_899] {strides = array<i32>} : memref<4x80x128xf32, #tpu.memory_space<vmem>>, vector<16xf32>,
        tpu.vector_store %arg7[%swap3A_897, %swap3A_898, %swap3A_899], %sub3A_893 {strides = array<i32>} : memref<4x80x128xf32, #tpu.memory_space<vmem>>, vector<16xf32>,
        %add3A_901 = arith.constant 1 : i32
        %add3A_902 = arith.addi %mul3A_615, %add3A_901 : i32
        %get3A_903 = arith.constant 3 : i32
        %get3A_904 = arith.index_cast %get3A_903 : i32 to index
        %get3A_905 = arith.index_cast %add3A_902 : i32 to index
        %get3A_906 = arith.constant 80 : index
        %get3A_907 = tpu.vector_load %arg7[%get3A_904, %get3A_905, %get3A_906] {strides = array<i32>} : memref<4x80x128xf32, #tpu.memory_space<vmem>>, vector<16xf32>,
        %add3A_908 = arith.constant 1 : i32
        %add3A_909 = arith.addi %mul3A_615, %add3A_908 : i32
        %get3A_910 = arith.constant 3 : i32
        %get3A_911 = arith.index_cast %get3A_910 : i32 to index
        %get3A_912 = arith.index_cast %add3A_909 : i32 to index
        %get3A_913 = arith.constant 80 : index
        %get3A_914 = tpu.vector_load %arg8[%get3A_911, %get3A_912, %get3A_913] {strides = array<i32>} : memref<4x80x128xf32, #tpu.memory_space<vmem>>, vector<16xf32>,
        %sub3A_915 = arith.subf %get3A_907, %get3A_914 : vector<16xf32>
        %add3A_916 = arith.constant 1 : i32
        %add3A_917 = arith.addi %mul3A_615, %add3A_916 : i32
        %swap3A_918 = arith.constant 3 : i32
        %swap3A_919 = arith.index_cast %swap3A_918 : i32 to index
        %swap3A_920 = arith.index_cast %add3A_917 : i32 to index
        %swap3A_921 = arith.constant 80 : index
        %swap3A_922 = tpu.vector_load %arg7[%swap3A_919, %swap3A_920, %swap3A_921] {strides = array<i32>} : memref<4x80x128xf32, #tpu.memory_space<vmem>>, vector<16xf32>,
        tpu.vector_store %arg7[%swap3A_919, %swap3A_920, %swap3A_921], %sub3A_915 {strides = array<i32>} : memref<4x80x128xf32, #tpu.memory_space<vmem>>, vector<16xf32>,
        %add3A_923 = arith.constant 1 : i32
        %add3A_924 = arith.addi %mul3A_615, %add3A_923 : i32
        %get3A_925 = arith.constant 3 : i32
        %get3A_926 = arith.index_cast %get3A_925 : i32 to index
        %get3A_927 = arith.index_cast %add3A_924 : i32 to index
        %get3A_928 = arith.constant 96 : index
        %get3A_929 = tpu.vector_load %arg7[%get3A_926, %get3A_927, %get3A_928] {strides = array<i32>} : memref<4x80x128xf32, #tpu.memory_space<vmem>>, vector<16xf32>,
        %add3A_930 = arith.constant 1 : i32
        %add3A_931 = arith.addi %mul3A_615, %add3A_930 : i32
        %get3A_932 = arith.constant 3 : i32
        %get3A_933 = arith.index_cast %get3A_932 : i32 to index
        %get3A_934 = arith.index_cast %add3A_931 : i32 to index
        %get3A_935 = arith.constant 96 : index
        %get3A_936 = tpu.vector_load %arg8[%get3A_933, %get3A_934, %get3A_935] {strides = array<i32>} : memref<4x80x128xf32, #tpu.memory_space<vmem>>, vector<16xf32>,
        %sub3A_937 = arith.subf %get3A_929, %get3A_936 : vector<16xf32>
        %add3A_938 = arith.constant 1 : i32
        %add3A_939 = arith.addi %mul3A_615, %add3A_938 : i32
        %swap3A_940 = arith.constant 3 : i32
        %swap3A_941 = arith.index_cast %swap3A_940 : i32 to index
        %swap3A_942 = arith.index_cast %add3A_939 : i32 to index
        %swap3A_943 = arith.constant 96 : index
        %swap3A_944 = tpu.vector_load %arg7[%swap3A_941, %swap3A_942, %swap3A_943] {strides = array<i32>} : memref<4x80x128xf32, #tpu.memory_space<vmem>>, vector<16xf32>,
        tpu.vector_store %arg7[%swap3A_941, %swap3A_942, %swap3A_943], %sub3A_937 {strides = array<i32>} : memref<4x80x128xf32, #tpu.memory_space<vmem>>, vector<16xf32>,
        %add3A_945 = arith.constant 1 : i32
        %add3A_946 = arith.addi %mul3A_615, %add3A_945 : i32
        %get3A_947 = arith.constant 3 : i32
        %get3A_948 = arith.index_cast %get3A_947 : i32 to index
        %get3A_949 = arith.index_cast %add3A_946 : i32 to index
        %get3A_950 = arith.constant 112 : index
        %get3A_951 = tpu.vector_load %arg7[%get3A_948, %get3A_949, %get3A_950] {strides = array<i32>} : memref<4x80x128xf32, #tpu.memory_space<vmem>>, vector<16xf32>,
        %add3A_952 = arith.constant 1 : i32
        %add3A_953 = arith.addi %mul3A_615, %add3A_952 : i32
        %get3A_954 = arith.constant 3 : i32
        %get3A_955 = arith.index_cast %get3A_954 : i32 to index
        %get3A_956 = arith.index_cast %add3A_953 : i32 to index
        %get3A_957 = arith.constant 112 : index
        %get3A_958 = tpu.vector_load %arg8[%get3A_955, %get3A_956, %get3A_957] {strides = array<i32>} : memref<4x80x128xf32, #tpu.memory_space<vmem>>, vector<16xf32>,
        %sub3A_959 = arith.subf %get3A_951, %get3A_958 : vector<16xf32>
        %add3A_960 = arith.constant 1 : i32
        %add3A_961 = arith.addi %mul3A_615, %add3A_960 : i32
        %swap3A_962 = arith.constant 3 : i32
        %swap3A_963 = arith.index_cast %swap3A_962 : i32 to index
        %swap3A_964 = arith.index_cast %add3A_961 : i32 to index
        %swap3A_965 = arith.constant 112 : index
        %swap3A_966 = tpu.vector_load %arg7[%swap3A_963, %swap3A_964, %swap3A_965] {strides = array<i32>} : memref<4x80x128xf32, #tpu.memory_space<vmem>>, vector<16xf32>,
        tpu.vector_store %arg7[%swap3A_963, %swap3A_964, %swap3A_965], %sub3A_959 {strides = array<i32>} : memref<4x80x128xf32, #tpu.memory_space<vmem>>, vector<16xf32>,
      }
      %scan3A_574 = arith.constant 40 : i32
      %dma_start3A_575 = arith.constant 3 : i32
      %dma_start3A_576 = arith.constant 3 : i32
      %dma_start3A_577 = arith.constant 3 : i32
      %dma_start3A_578 = arith.constant 0 : i32
      %dma_start3A_579 = arith.constant 0 : i32
      %dma_start3A_580 = tpu.memref_slice %arg7[%dma_start3A_575, %dma_start3A_578, %dma_start3A_579] : memref<4x80x128xf32, #tpu.memory_space<vmem>> -> memref<1x80x128xf32, #tpu.memory_space<vmem>>
      %dma_start3A_581 = tpu.memref_squeeze %dma_start3A_580 : memref<1x80x128xf32, #tpu.memory_space<vmem>> -> memref<80x128xf32, #tpu.memory_space<vmem>>
      %dma_start3A_582 = arith.constant 0 : i32
      %dma_start3A_583 = tpu.memref_slice %arg9[%dma_start3A_576, %dma_start3A_582] : memref<4x80xi32, #tpu.memory_space<vmem>> -> memref<1x80xi32, #tpu.memory_space<vmem>>
      %dma_start3A_584 = tpu.memref_squeeze %dma_start3A_583 : memref<1x80xi32, #tpu.memory_space<vmem>> -> memref<80xi32, #tpu.memory_space<vmem>>
      %dma_start3A_585 = arith.constant 0 : i32
      %dma_start3A_586 = arith.constant 0 : i32
      %dma_start3A_587 = tpu.memref_slice %arg12[%dma_start3A_585, %dma_start3A_586] : memref<512x128xf32, #tpu.memory_space<vmem_shared>> -> memref<512x128xf32, #tpu.memory_space<vmem_shared>>
      %dma_start3A_588 = tpu.memref_slice %arg14[%dma_start3A_577] : memref<4x!tpu.dma_semaphore, #tpu.memory_space<semaphore_mem>> -> memref<1x!tpu.dma_semaphore, #tpu.memory_space<semaphore_mem>>
      %dma_start3A_589 = tpu.memref_squeeze %dma_start3A_588 : memref<1x!tpu.dma_semaphore, #tpu.memory_space<semaphore_mem>> -> memref<!tpu.dma_semaphore, #tpu.memory_space<semaphore_mem>>
      tpu.enqueue_indirect_dma source(%dma_start3A_581 : memref<80x128xf32, #tpu.memory_space<vmem>>) target(%dma_start3A_587 : memref<512x128xf32, #tpu.memory_space<vmem_shared>>) offsets(%dma_start3A_584 : memref<80xi32, #tpu.memory_space<vmem>>) semaphore(%dma_start3A_589 : memref<!tpu.dma_semaphore, #tpu.memory_space<semaphore_mem>>) {add = true}
      %scan3A_590 = arith.constant 0 : i32
      %scan3A_591 = arith.constant 5 : i32
      %scan3A_592 = arith.addi %scan3A_590, %scan3A_591 : i32
      %scan3A_593 = arith.constant 1 : i32
      scf.for %scan3A_613 = %scan3A_590 to %scan3A_592 step %scan3A_593  : i32 {
        %mul3A_614 = arith.constant 16 : i32
        %mul3A_615 = arith.muli %scan3A_613, %mul3A_614 : i32
        %get3A_616 = arith.constant 3 : i32
        %get3A_617 = arith.index_cast %get3A_616 : i32 to index
        %get3A_618 = arith.index_cast %mul3A_615 : i32 to index
        %get3A_619 = tpu.vector_load %arg9[%get3A_617, %get3A_618] {strides = array<i32>} : memref<4x80xi32, #tpu.memory_space<vmem>>, vector<16xi32>,
        %sub3A_620 = arith.constant 1 : i32
        %sub3A_621 = arith.subi %scan3A_613, %sub3A_620 : i32
        %mul3A_622 = arith.constant 16 : i32
        %mul3A_623 = arith.muli %sub3A_621, %mul3A_622 : i32
        %max3A_624 = arith.constant 0 : i32
        %max3A_625 = arith.maxsi %mul3A_623, %max3A_624 : i32
        %get3A_626 = arith.constant 3 : i32
        %get3A_627 = arith.index_cast %get3A_626 : i32 to index
        %get3A_628 = arith.index_cast %max3A_625 : i32 to index
        %get3A_629 = tpu.vector_load %arg9[%get3A_627, %get3A_628] {strides = array<i32>} : memref<4x80xi32, #tpu.memory_space<vmem>>, vector<16xi32>,
        %eq3A = arith.constant 0 : i32
        %eq3A_630 = arith.cmpi eq, %scan3A_613, %eq3A : i32
        %slice3A_631 = vector.extract_strided_slice %get3A_629 {offsets = [15], sizes = [1], strides = [1]} : vector<16xi32> to vector<1xi32>
        %squeeze3A_632 = vector.extract %slice3A_631[0] : i32 from vector<1xi32>
        %select_n3A = arith.select %eq3A_630, %squeeze3A_506, %squeeze3A_632 : i32
        %lt3A_633 = arith.constant 0 : i32
        %lt3A_634 = vector.broadcast %lt3A_633 : i32 to vector<16xi32>
        %lt3A_635 = arith.cmpi slt, %max3A_100, %lt3A_634 : vector<16xi32>
        %add3A_636 = arith.constant 16 : i32
        %add3A_637 = vector.broadcast %add3A_636 : i32 to vector<16xi32>
        %add3A_638 = arith.addi %max3A_100, %add3A_637 : vector<16xi32>
        %select_n3A_639 = arith.select %lt3A_635, %add3A_638, %max3A_100 : vector<16xi1>, vector<16xi32>
        %broadcast_in_dim3A_640 = vector.shape_cast %select_n3A_639 : vector<16xi32> to vector<16x1xi32>
        %gather3A = vector.shape_cast %broadcast_in_dim3A_640 : vector<16x1xi32> to vector<16xi32>
        %gather3A_641 = tpu.dynamic_gather %get3A_619[%gather3A] in [0] : vector<16xi32>, vector<16xi32> -> vector<16xi32>
        %eq3A_642 = arith.constant 0 : i32
        %eq3A_643 = vector.broadcast %eq3A_642 : i32 to vector<16xi32>
        %eq3A_644 = arith.cmpi eq, %iota3A, %eq3A_643 : vector<16xi32>
        %broadcast_in_dim3A_645 = vector.broadcast %select_n3A : i32 to vector<16xi32>
        %select_n3A_646 = arith.select %eq3A_644, %broadcast_in_dim3A_645, %gather3A_641 : vector<16xi1>, vector<16xi32>
        %ne3A = arith.cmpi ne, %get3A_619, %select_n3A_646 : vector<16xi32>
        %mul3A_647 = arith.constant 80 : i32
        %mul3A_648 = arith.muli %add3A_522, %mul3A_647 : i32
        %mul3A_649 = arith.constant 16 : i32
        %mul3A_650 = arith.muli %scan3A_613, %mul3A_649 : i32
        %add3A_651 = arith.addi %mul3A_648, %mul3A_650 : i32
        %add3A_652 = vector.broadcast %add3A_651 : i32 to vector<16xi32>
        %add3A_653 = arith.addi %add3A_652, %iota3A : vector<16xi32>
        tpu.vector_store_idx %arg10[%get3A_619], %add3A_653 masked %ne3A : memref<512xi32, #tpu.memory_space<vmem>>[vector<16xi32>], vector<16xi32>, vector<16xi1>
      }
      %scan3A_594 = arith.constant 5 : i32
      %get3A_595 = arith.constant 3 : i32
      %get3A_596 = arith.index_cast %get3A_595 : i32 to index
      %get3A_597 = arith.constant 64 : index
      %get3A_598 = tpu.vector_load %arg9[%get3A_596, %get3A_597] {strides = array<i32>} : memref<4x80xi32, #tpu.memory_space<vmem>>, vector<16xi32>,
      %slice3A_599 = vector.extract_strided_slice %get3A_598 {offsets = [15], sizes = [1], strides = [1]} : vector<16xi32> to vector<1xi32>
      %squeeze3A_600 = vector.extract %slice3A_599[0] : i32 from vector<1xi32>
      %add3A_601 = arith.constant 2 : i32
      %add3A_602 = arith.addi %add3A_522, %add3A_601 : i32
      %ge3A_603 = arith.constant 4 : i32
      %ge3A_604 = arith.cmpi sge, %add3A_602, %ge3A_603 : i32
      %convert_element_type3A_605 = arith.extui %ge3A_604 : i1 to i32
      %cond3A_606 = arith.constant 0 : i32
      %cond3A_607 = arith.cmpi ne, %convert_element_type3A_605, %cond3A_606 : i32
      scf.if %cond3A_607 {
        %dma_wait3A_613 = arith.constant 1 : i32
        %dma_wait3A_614 = arith.constant 1 : i32
        %dma_wait3A_615 = arith.constant 1 : i32
        %dma_wait3A_616 = arith.constant 0 : i32
        %dma_wait3A_617 = arith.constant 0 : i32
        %dma_wait3A_618 = tpu.memref_slice %arg7[%dma_wait3A_613, %dma_wait3A_616, %dma_wait3A_617] : memref<4x80x128xf32, #tpu.memory_space<vmem>> -> memref<1x80x128xf32, #tpu.memory_space<vmem>>
        %dma_wait3A_619 = tpu.memref_squeeze %dma_wait3A_618 : memref<1x80x128xf32, #tpu.memory_space<vmem>> -> memref<80x128xf32, #tpu.memory_space<vmem>>
        %dma_wait3A_620 = arith.constant 0 : i32
        %dma_wait3A_621 = tpu.memref_slice %arg9[%dma_wait3A_614, %dma_wait3A_620] : memref<4x80xi32, #tpu.memory_space<vmem>> -> memref<1x80xi32, #tpu.memory_space<vmem>>
        %dma_wait3A_622 = tpu.memref_squeeze %dma_wait3A_621 : memref<1x80xi32, #tpu.memory_space<vmem>> -> memref<80xi32, #tpu.memory_space<vmem>>
        %dma_wait3A_623 = arith.constant 0 : i32
        %dma_wait3A_624 = arith.constant 0 : i32
        %dma_wait3A_625 = tpu.memref_slice %arg12[%dma_wait3A_623, %dma_wait3A_624] : memref<512x128xf32, #tpu.memory_space<vmem_shared>> -> memref<512x128xf32, #tpu.memory_space<vmem_shared>>
        %dma_wait3A_626 = tpu.memref_slice %arg14[%dma_wait3A_615] : memref<4x!tpu.dma_semaphore, #tpu.memory_space<semaphore_mem>> -> memref<1x!tpu.dma_semaphore, #tpu.memory_space<semaphore_mem>>
        %dma_wait3A_627 = tpu.memref_squeeze %dma_wait3A_626 : memref<1x!tpu.dma_semaphore, #tpu.memory_space<semaphore_mem>> -> memref<!tpu.dma_semaphore, #tpu.memory_space<semaphore_mem>>
        tpu.wait_indirect_dma semaphore(%dma_wait3A_627 : memref<!tpu.dma_semaphore, #tpu.memory_space<semaphore_mem>>) src(%dma_wait3A_619 : memref<80x128xf32, #tpu.memory_space<vmem>>) dst(%dma_wait3A_625 : memref<512x128xf32, #tpu.memory_space<vmem_shared>>)
      } else {
      }
      %lt3A_608 = arith.constant 125 : i32
      %lt3A_609 = arith.cmpi slt, %add3A_602, %lt3A_608 : i32
      %convert_element_type3A_610 = arith.extui %lt3A_609 : i1 to i32
      %cond3A_611 = arith.constant 0 : i32
      %cond3A_612 = arith.cmpi ne, %convert_element_type3A_610, %cond3A_611 : i32
      scf.if %cond3A_612 {
        %mul3A_613 = arith.constant 80 : i32
        %mul3A_614 = arith.muli %add3A_602, %mul3A_613 : i32
        %add3A_615 = arith.addi %mul3A_2, %mul3A_614 : i32
        %dma_start3A_616 = arith.constant 1 : i32
        %dma_start3A_617 = arith.constant 1 : i32
        %dma_start3A_618 = arith.constant 0 : i32
        %dma_start3A_619 = tpu.memref_slice %arg9[%dma_start3A_616, %dma_start3A_618] : memref<4x80xi32, #tpu.memory_space<vmem>> -> memref<1x80xi32, #tpu.memory_space<vmem>>
        %dma_start3A_620 = tpu.memref_squeeze %dma_start3A_619 : memref<1x80xi32, #tpu.memory_space<vmem>> -> memref<80xi32, #tpu.memory_space<vmem>>
        %dma_start3A_621 = tpu.memref_slice %arg4[%add3A_615] : memref<320000xi32, #tpu.memory_space<hbm>> -> memref<80xi32, #tpu.memory_space<hbm>>
        %dma_start3A_622 = tpu.memref_slice %arg13[%dma_start3A_617] : memref<4x!tpu.dma_semaphore, #tpu.memory_space<semaphore_mem>> -> memref<1x!tpu.dma_semaphore, #tpu.memory_space<semaphore_mem>>
        %dma_start3A_623 = tpu.memref_squeeze %dma_start3A_622 : memref<1x!tpu.dma_semaphore, #tpu.memory_space<semaphore_mem>> -> memref<!tpu.dma_semaphore, #tpu.memory_space<semaphore_mem>>
        %dma_start3A_624 = arith.constant 0 : i32
        %dma_start3A_625 = tpu.memref_slice %arg9[%dma_start3A_616, %dma_start3A_624] : memref<4x80xi32, #tpu.memory_space<vmem>> -> memref<1x80xi32, #tpu.memory_space<vmem>>
        %dma_start3A_626 = tpu.memref_squeeze %dma_start3A_625 : memref<1x80xi32, #tpu.memory_space<vmem>> -> memref<80xi32, #tpu.memory_space<vmem>>
        %dma_start3A_627 = tpu.memref_slice %arg4[%add3A_615] : memref<320000xi32, #tpu.memory_space<hbm>> -> memref<80xi32, #tpu.memory_space<hbm>>
        tpu.enqueue_dma source(%dma_start3A_627 : memref<80xi32, #tpu.memory_space<hbm>>) target(%dma_start3A_626 : memref<80xi32, #tpu.memory_space<vmem>>) target_semaphore(%dma_start3A_623 : memref<!tpu.dma_semaphore, #tpu.memory_space<semaphore_mem>>)
        %dma_start3A_628 = arith.constant 1 : i32
        %dma_start3A_629 = arith.constant 1 : i32
        %dma_start3A_630 = arith.constant 0 : i32
        %dma_start3A_631 = arith.constant 0 : i32
        %dma_start3A_632 = tpu.memref_slice %arg7[%dma_start3A_628, %dma_start3A_630, %dma_start3A_631] : memref<4x80x128xf32, #tpu.memory_space<vmem>> -> memref<1x80x128xf32, #tpu.memory_space<vmem>>
        %dma_start3A_633 = tpu.memref_squeeze %dma_start3A_632 : memref<1x80x128xf32, #tpu.memory_space<vmem>> -> memref<80x128xf32, #tpu.memory_space<vmem>>
        %dma_start3A_634 = arith.constant 0 : i32
        %dma_start3A_635 = tpu.memref_slice %arg2[%add3A_615, %dma_start3A_634] : memref<320000x128xf32, #tpu.memory_space<hbm>> -> memref<80x128xf32, #tpu.memory_space<hbm>>
        %dma_start3A_636 = tpu.memref_slice %arg13[%dma_start3A_629] : memref<4x!tpu.dma_semaphore, #tpu.memory_space<semaphore_mem>> -> memref<1x!tpu.dma_semaphore, #tpu.memory_space<semaphore_mem>>
        %dma_start3A_637 = tpu.memref_squeeze %dma_start3A_636 : memref<1x!tpu.dma_semaphore, #tpu.memory_space<semaphore_mem>> -> memref<!tpu.dma_semaphore, #tpu.memory_space<semaphore_mem>>
        %dma_start3A_638 = arith.constant 0 : i32
        %dma_start3A_639 = arith.constant 0 : i32
        %dma_start3A_640 = tpu.memref_slice %arg7[%dma_start3A_628, %dma_start3A_638, %dma_start3A_639] : memref<4x80x128xf32, #tpu.memory_space<vmem>> -> memref<1x80x128xf32, #tpu.memory_space<vmem>>
        %dma_start3A_641 = tpu.memref_squeeze %dma_start3A_640 : memref<1x80x128xf32, #tpu.memory_space<vmem>> -> memref<80x128xf32, #tpu.memory_space<vmem>>
        %dma_start3A_642 = arith.constant 0 : i32
        %dma_start3A_643 = tpu.memref_slice %arg2[%add3A_615, %dma_start3A_642] : memref<320000x128xf32, #tpu.memory_space<hbm>> -> memref<80x128xf32, #tpu.memory_space<hbm>>
        tpu.enqueue_dma source(%dma_start3A_643 : memref<80x128xf32, #tpu.memory_space<hbm>>) target(%dma_start3A_641 : memref<80x128xf32, #tpu.memory_space<vmem>>) target_semaphore(%dma_start3A_637 : memref<!tpu.dma_semaphore, #tpu.memory_space<semaphore_mem>>)
        %dma_start3A_644 = arith.constant 1 : i32
        %dma_start3A_645 = arith.constant 1 : i32
        %dma_start3A_646 = arith.constant 0 : i32
        %dma_start3A_647 = arith.constant 0 : i32
        %dma_start3A_648 = tpu.memref_slice %arg8[%dma_start3A_644, %dma_start3A_646, %dma_start3A_647] : memref<4x80x128xf32, #tpu.memory_space<vmem>> -> memref<1x80x128xf32, #tpu.memory_space<vmem>>
        %dma_start3A_649 = tpu.memref_squeeze %dma_start3A_648 : memref<1x80x128xf32, #tpu.memory_space<vmem>> -> memref<80x128xf32, #tpu.memory_space<vmem>>
        %dma_start3A_650 = arith.constant 0 : i32
        %dma_start3A_651 = tpu.memref_slice %arg3[%add3A_615, %dma_start3A_650] : memref<320000x128xf32, #tpu.memory_space<hbm>> -> memref<80x128xf32, #tpu.memory_space<hbm>>
        %dma_start3A_652 = tpu.memref_slice %arg13[%dma_start3A_645] : memref<4x!tpu.dma_semaphore, #tpu.memory_space<semaphore_mem>> -> memref<1x!tpu.dma_semaphore, #tpu.memory_space<semaphore_mem>>
        %dma_start3A_653 = tpu.memref_squeeze %dma_start3A_652 : memref<1x!tpu.dma_semaphore, #tpu.memory_space<semaphore_mem>> -> memref<!tpu.dma_semaphore, #tpu.memory_space<semaphore_mem>>
        %dma_start3A_654 = arith.constant 0 : i32
        %dma_start3A_655 = arith.constant 0 : i32
        %dma_start3A_656 = tpu.memref_slice %arg8[%dma_start3A_644, %dma_start3A_654, %dma_start3A_655] : memref<4x80x128xf32, #tpu.memory_space<vmem>> -> memref<1x80x128xf32, #tpu.memory_space<vmem>>
        %dma_start3A_657 = tpu.memref_squeeze %dma_start3A_656 : memref<1x80x128xf32, #tpu.memory_space<vmem>> -> memref<80x128xf32, #tpu.memory_space<vmem>>
        %dma_start3A_658 = arith.constant 0 : i32
        %dma_start3A_659 = tpu.memref_slice %arg3[%add3A_615, %dma_start3A_658] : memref<320000x128xf32, #tpu.memory_space<hbm>> -> memref<80x128xf32, #tpu.memory_space<hbm>>
        tpu.enqueue_dma source(%dma_start3A_659 : memref<80x128xf32, #tpu.memory_space<hbm>>) target(%dma_start3A_657 : memref<80x128xf32, #tpu.memory_space<vmem>>) target_semaphore(%dma_start3A_653 : memref<!tpu.dma_semaphore, #tpu.memory_space<semaphore_mem>>)
      } else {
      }
      scf.yield %squeeze3A_600 : i32
    }
    %scan3A_118 = arith.constant 31 : i32
    %add3A_119 = arith.constant 9920 : i32
    %add3A_120 = arith.addi %mul3A_2, %add3A_119 : i32
    %dma_wait3A = arith.constant 0 : i32
    %dma_wait3A_121 = arith.constant 0 : i32
    %dma_wait3A_122 = arith.constant 0 : i32
    %dma_wait3A_123 = tpu.memref_slice %arg9[%dma_wait3A, %dma_wait3A_122] : memref<4x80xi32, #tpu.memory_space<vmem>> -> memref<1x80xi32, #tpu.memory_space<vmem>>
    %dma_wait3A_124 = tpu.memref_squeeze %dma_wait3A_123 : memref<1x80xi32, #tpu.memory_space<vmem>> -> memref<80xi32, #tpu.memory_space<vmem>>
    %dma_wait3A_125 = tpu.memref_slice %arg4[%add3A_120] : memref<320000xi32, #tpu.memory_space<hbm>> -> memref<80xi32, #tpu.memory_space<hbm>>
    %dma_wait3A_126 = tpu.memref_slice %arg13[%dma_wait3A_121] : memref<4x!tpu.dma_semaphore, #tpu.memory_space<semaphore_mem>> -> memref<1x!tpu.dma_semaphore, #tpu.memory_space<semaphore_mem>>
    %dma_wait3A_127 = tpu.memref_squeeze %dma_wait3A_126 : memref<1x!tpu.dma_semaphore, #tpu.memory_space<semaphore_mem>> -> memref<!tpu.dma_semaphore, #tpu.memory_space<semaphore_mem>>
    %dma_wait3A_128 = arith.constant 0 : i32
    %dma_wait3A_129 = tpu.memref_slice %arg9[%dma_wait3A, %dma_wait3A_128] : memref<4x80xi32, #tpu.memory_space<vmem>> -> memref<1x80xi32, #tpu.memory_space<vmem>>
    %dma_wait3A_130 = tpu.memref_squeeze %dma_wait3A_129 : memref<1x80xi32, #tpu.memory_space<vmem>> -> memref<80xi32, #tpu.memory_space<vmem>>
    %dma_wait3A_131 = tpu.memref_slice %arg4[%add3A_120] : memref<320000xi32, #tpu.memory_space<hbm>> -> memref<80xi32, #tpu.memory_space<hbm>>
    tpu.wait_dma2 semaphore(%dma_wait3A_127 : memref<!tpu.dma_semaphore, #tpu.memory_space<semaphore_mem>>) src(%dma_wait3A_131 : memref<80xi32, #tpu.memory_space<hbm>>) dst(%dma_wait3A_130 : memref<80xi32, #tpu.memory_space<vmem>>)
    %dma_wait3A_132 = arith.constant 0 : i32
    %dma_wait3A_133 = arith.constant 0 : i32
    %dma_wait3A_134 = arith.constant 0 : i32
    %dma_wait3A_135 = arith.constant 0 : i32
    %dma_wait3A_136 = tpu.memref_slice %arg7[%dma_wait3A_132, %dma_wait3A_134, %dma_wait3A_135] : memref<4x80x128xf32, #tpu.memory_space<vmem>> -> memref<1x80x128xf32, #tpu.memory_space<vmem>>
    %dma_wait3A_137 = tpu.memref_squeeze %dma_wait3A_136 : memref<1x80x128xf32, #tpu.memory_space<vmem>> -> memref<80x128xf32, #tpu.memory_space<vmem>>
    %dma_wait3A_138 = arith.constant 0 : i32
    %dma_wait3A_139 = tpu.memref_slice %arg2[%add3A_120, %dma_wait3A_138] : memref<320000x128xf32, #tpu.memory_space<hbm>> -> memref<80x128xf32, #tpu.memory_space<hbm>>
    %dma_wait3A_140 = tpu.memref_slice %arg13[%dma_wait3A_133] : memref<4x!tpu.dma_semaphore, #tpu.memory_space<semaphore_mem>> -> memref<1x!tpu.dma_semaphore, #tpu.memory_space<semaphore_mem>>
    %dma_wait3A_141 = tpu.memref_squeeze %dma_wait3A_140 : memref<1x!tpu.dma_semaphore, #tpu.memory_space<semaphore_mem>> -> memref<!tpu.dma_semaphore, #tpu.memory_space<semaphore_mem>>
    %dma_wait3A_142 = arith.constant 0 : i32
    %dma_wait3A_143 = arith.constant 0 : i32
    %dma_wait3A_144 = tpu.memref_slice %arg7[%dma_wait3A_132, %dma_wait3A_142, %dma_wait3A_143] : memref<4x80x128xf32, #tpu.memory_space<vmem>> -> memref<1x80x128xf32, #tpu.memory_space<vmem>>
    %dma_wait3A_145 = tpu.memref_squeeze %dma_wait3A_144 : memref<1x80x128xf32, #tpu.memory_space<vmem>> -> memref<80x128xf32, #tpu.memory_space<vmem>>
    %dma_wait3A_146 = arith.constant 0 : i32
    %dma_wait3A_147 = tpu.memref_slice %arg2[%add3A_120, %dma_wait3A_146] : memref<320000x128xf32, #tpu.memory_space<hbm>> -> memref<80x128xf32, #tpu.memory_space<hbm>>
    tpu.wait_dma2 semaphore(%dma_wait3A_141 : memref<!tpu.dma_semaphore, #tpu.memory_space<semaphore_mem>>) src(%dma_wait3A_147 : memref<80x128xf32, #tpu.memory_space<hbm>>) dst(%dma_wait3A_145 : memref<80x128xf32, #tpu.memory_space<vmem>>)
    %dma_wait3A_148 = arith.constant 0 : i32
    %dma_wait3A_149 = arith.constant 0 : i32
    %dma_wait3A_150 = arith.constant 0 : i32
    %dma_wait3A_151 = arith.constant 0 : i32
    %dma_wait3A_152 = tpu.memref_slice %arg8[%dma_wait3A_148, %dma_wait3A_150, %dma_wait3A_151] : memref<4x80x128xf32, #tpu.memory_space<vmem>> -> memref<1x80x128xf32, #tpu.memory_space<vmem>>
    %dma_wait3A_153 = tpu.memref_squeeze %dma_wait3A_152 : memref<1x80x128xf32, #tpu.memory_space<vmem>> -> memref<80x128xf32, #tpu.memory_space<vmem>>
    %dma_wait3A_154 = arith.constant 0 : i32
    %dma_wait3A_155 = tpu.memref_slice %arg3[%add3A_120, %dma_wait3A_154] : memref<320000x128xf32, #tpu.memory_space<hbm>> -> memref<80x128xf32, #tpu.memory_space<hbm>>
    %dma_wait3A_156 = tpu.memref_slice %arg13[%dma_wait3A_149] : memref<4x!tpu.dma_semaphore, #tpu.memory_space<semaphore_mem>> -> memref<1x!tpu.dma_semaphore, #tpu.memory_space<semaphore_mem>>
    %dma_wait3A_157 = tpu.memref_squeeze %dma_wait3A_156 : memref<1x!tpu.dma_semaphore, #tpu.memory_space<semaphore_mem>> -> memref<!tpu.dma_semaphore, #tpu.memory_space<semaphore_mem>>
    %dma_wait3A_158 = arith.constant 0 : i32
    %dma_wait3A_159 = arith.constant 0 : i32
    %dma_wait3A_160 = tpu.memref_slice %arg8[%dma_wait3A_148, %dma_wait3A_158, %dma_wait3A_159] : memref<4x80x128xf32, #tpu.memory_space<vmem>> -> memref<1x80x128xf32, #tpu.memory_space<vmem>>
    %dma_wait3A_161 = tpu.memref_squeeze %dma_wait3A_160 : memref<1x80x128xf32, #tpu.memory_space<vmem>> -> memref<80x128xf32, #tpu.memory_space<vmem>>
    %dma_wait3A_162 = arith.constant 0 : i32
    %dma_wait3A_163 = tpu.memref_slice %arg3[%add3A_120, %dma_wait3A_162] : memref<320000x128xf32, #tpu.memory_space<hbm>> -> memref<80x128xf32, #tpu.memory_space<hbm>>
    tpu.wait_dma2 semaphore(%dma_wait3A_157 : memref<!tpu.dma_semaphore, #tpu.memory_space<semaphore_mem>>) src(%dma_wait3A_163 : memref<80x128xf32, #tpu.memory_space<hbm>>) dst(%dma_wait3A_161 : memref<80x128xf32, #tpu.memory_space<vmem>>)
    %scan3A_164 = arith.constant 0 : i32
    %scan3A_165 = arith.constant 40 : i32
    %scan3A_166 = arith.addi %scan3A_164, %scan3A_165 : i32
    %scan3A_167 = arith.constant 1 : i32
    scf.for %scan3A_239 = %scan3A_164 to %scan3A_166 step %scan3A_167  : i32 {
      %mul3A_240 = arith.constant 2 : i32
      %mul3A_241 = arith.muli %scan3A_239, %mul3A_240 : i32
      %add3A_242 = arith.constant 0 : i32
      %add3A_243 = arith.addi %mul3A_241, %add3A_242 : i32
      %get3A_244 = arith.constant 0 : i32
      %get3A_245 = arith.index_cast %get3A_244 : i32 to index
      %get3A_246 = arith.index_cast %add3A_243 : i32 to index
      %get3A_247 = arith.constant 0 : index
      %get3A_248 = tpu.vector_load %arg7[%get3A_245, %get3A_246, %get3A_247] {strides = array<i32>} : memref<4x80x128xf32, #tpu.memory_space<vmem>>, vector<16xf32>,
      %add3A_249 = arith.constant 0 : i32
      %add3A_250 = arith.addi %mul3A_241, %add3A_249 : i32
      %get3A_251 = arith.constant 0 : i32
      %get3A_252 = arith.index_cast %get3A_251 : i32 to index
      %get3A_253 = arith.index_cast %add3A_250 : i32 to index
      %get3A_254 = arith.constant 0 : index
      %get3A_255 = tpu.vector_load %arg8[%get3A_252, %get3A_253, %get3A_254] {strides = array<i32>} : memref<4x80x128xf32, #tpu.memory_space<vmem>>, vector<16xf32>,
      %sub3A_256 = arith.subf %get3A_248, %get3A_255 : vector<16xf32>
      %add3A_257 = arith.constant 0 : i32
      %add3A_258 = arith.addi %mul3A_241, %add3A_257 : i32
      %swap3A = arith.constant 0 : i32
      %swap3A_259 = arith.index_cast %swap3A : i32 to index
      %swap3A_260 = arith.index_cast %add3A_258 : i32 to index
      %swap3A_261 = arith.constant 0 : index
      %swap3A_262 = tpu.vector_load %arg7[%swap3A_259, %swap3A_260, %swap3A_261] {strides = array<i32>} : memref<4x80x128xf32, #tpu.memory_space<vmem>>, vector<16xf32>,
      tpu.vector_store %arg7[%swap3A_259, %swap3A_260, %swap3A_261], %sub3A_256 {strides = array<i32>} : memref<4x80x128xf32, #tpu.memory_space<vmem>>, vector<16xf32>,
      %add3A_263 = arith.constant 0 : i32
      %add3A_264 = arith.addi %mul3A_241, %add3A_263 : i32
      %get3A_265 = arith.constant 0 : i32
      %get3A_266 = arith.index_cast %get3A_265 : i32 to index
      %get3A_267 = arith.index_cast %add3A_264 : i32 to index
      %get3A_268 = arith.constant 16 : index
      %get3A_269 = tpu.vector_load %arg7[%get3A_266, %get3A_267, %get3A_268] {strides = array<i32>} : memref<4x80x128xf32, #tpu.memory_space<vmem>>, vector<16xf32>,
      %add3A_270 = arith.constant 0 : i32
      %add3A_271 = arith.addi %mul3A_241, %add3A_270 : i32
      %get3A_272 = arith.constant 0 : i32
      %get3A_273 = arith.index_cast %get3A_272 : i32 to index
      %get3A_274 = arith.index_cast %add3A_271 : i32 to index
      %get3A_275 = arith.constant 16 : index
      %get3A_276 = tpu.vector_load %arg8[%get3A_273, %get3A_274, %get3A_275] {strides = array<i32>} : memref<4x80x128xf32, #tpu.memory_space<vmem>>, vector<16xf32>,
      %sub3A_277 = arith.subf %get3A_269, %get3A_276 : vector<16xf32>
      %add3A_278 = arith.constant 0 : i32
      %add3A_279 = arith.addi %mul3A_241, %add3A_278 : i32
      %swap3A_280 = arith.constant 0 : i32
      %swap3A_281 = arith.index_cast %swap3A_280 : i32 to index
      %swap3A_282 = arith.index_cast %add3A_279 : i32 to index
      %swap3A_283 = arith.constant 16 : index
      %swap3A_284 = tpu.vector_load %arg7[%swap3A_281, %swap3A_282, %swap3A_283] {strides = array<i32>} : memref<4x80x128xf32, #tpu.memory_space<vmem>>, vector<16xf32>,
      tpu.vector_store %arg7[%swap3A_281, %swap3A_282, %swap3A_283], %sub3A_277 {strides = array<i32>} : memref<4x80x128xf32, #tpu.memory_space<vmem>>, vector<16xf32>,
      %add3A_285 = arith.constant 0 : i32
      %add3A_286 = arith.addi %mul3A_241, %add3A_285 : i32
      %get3A_287 = arith.constant 0 : i32
      %get3A_288 = arith.index_cast %get3A_287 : i32 to index
      %get3A_289 = arith.index_cast %add3A_286 : i32 to index
      %get3A_290 = arith.constant 32 : index
      %get3A_291 = tpu.vector_load %arg7[%get3A_288, %get3A_289, %get3A_290] {strides = array<i32>} : memref<4x80x128xf32, #tpu.memory_space<vmem>>, vector<16xf32>,
      %add3A_292 = arith.constant 0 : i32
      %add3A_293 = arith.addi %mul3A_241, %add3A_292 : i32
      %get3A_294 = arith.constant 0 : i32
      %get3A_295 = arith.index_cast %get3A_294 : i32 to index
      %get3A_296 = arith.index_cast %add3A_293 : i32 to index
      %get3A_297 = arith.constant 32 : index
      %get3A_298 = tpu.vector_load %arg8[%get3A_295, %get3A_296, %get3A_297] {strides = array<i32>} : memref<4x80x128xf32, #tpu.memory_space<vmem>>, vector<16xf32>,
      %sub3A_299 = arith.subf %get3A_291, %get3A_298 : vector<16xf32>
      %add3A_300 = arith.constant 0 : i32
      %add3A_301 = arith.addi %mul3A_241, %add3A_300 : i32
      %swap3A_302 = arith.constant 0 : i32
      %swap3A_303 = arith.index_cast %swap3A_302 : i32 to index
      %swap3A_304 = arith.index_cast %add3A_301 : i32 to index
      %swap3A_305 = arith.constant 32 : index
      %swap3A_306 = tpu.vector_load %arg7[%swap3A_303, %swap3A_304, %swap3A_305] {strides = array<i32>} : memref<4x80x128xf32, #tpu.memory_space<vmem>>, vector<16xf32>,
      tpu.vector_store %arg7[%swap3A_303, %swap3A_304, %swap3A_305], %sub3A_299 {strides = array<i32>} : memref<4x80x128xf32, #tpu.memory_space<vmem>>, vector<16xf32>,
      %add3A_307 = arith.constant 0 : i32
      %add3A_308 = arith.addi %mul3A_241, %add3A_307 : i32
      %get3A_309 = arith.constant 0 : i32
      %get3A_310 = arith.index_cast %get3A_309 : i32 to index
      %get3A_311 = arith.index_cast %add3A_308 : i32 to index
      %get3A_312 = arith.constant 48 : index
      %get3A_313 = tpu.vector_load %arg7[%get3A_310, %get3A_311, %get3A_312] {strides = array<i32>} : memref<4x80x128xf32, #tpu.memory_space<vmem>>, vector<16xf32>,
      %add3A_314 = arith.constant 0 : i32
      %add3A_315 = arith.addi %mul3A_241, %add3A_314 : i32
      %get3A_316 = arith.constant 0 : i32
      %get3A_317 = arith.index_cast %get3A_316 : i32 to index
      %get3A_318 = arith.index_cast %add3A_315 : i32 to index
      %get3A_319 = arith.constant 48 : index
      %get3A_320 = tpu.vector_load %arg8[%get3A_317, %get3A_318, %get3A_319] {strides = array<i32>} : memref<4x80x128xf32, #tpu.memory_space<vmem>>, vector<16xf32>,
      %sub3A_321 = arith.subf %get3A_313, %get3A_320 : vector<16xf32>
      %add3A_322 = arith.constant 0 : i32
      %add3A_323 = arith.addi %mul3A_241, %add3A_322 : i32
      %swap3A_324 = arith.constant 0 : i32
      %swap3A_325 = arith.index_cast %swap3A_324 : i32 to index
      %swap3A_326 = arith.index_cast %add3A_323 : i32 to index
      %swap3A_327 = arith.constant 48 : index
      %swap3A_328 = tpu.vector_load %arg7[%swap3A_325, %swap3A_326, %swap3A_327] {strides = array<i32>} : memref<4x80x128xf32, #tpu.memory_space<vmem>>, vector<16xf32>,
      tpu.vector_store %arg7[%swap3A_325, %swap3A_326, %swap3A_327], %sub3A_321 {strides = array<i32>} : memref<4x80x128xf32, #tpu.memory_space<vmem>>, vector<16xf32>,
      %add3A_329 = arith.constant 0 : i32
      %add3A_330 = arith.addi %mul3A_241, %add3A_329 : i32
      %get3A_331 = arith.constant 0 : i32
      %get3A_332 = arith.index_cast %get3A_331 : i32 to index
      %get3A_333 = arith.index_cast %add3A_330 : i32 to index
      %get3A_334 = arith.constant 64 : index
      %get3A_335 = tpu.vector_load %arg7[%get3A_332, %get3A_333, %get3A_334] {strides = array<i32>} : memref<4x80x128xf32, #tpu.memory_space<vmem>>, vector<16xf32>,
      %add3A_336 = arith.constant 0 : i32
      %add3A_337 = arith.addi %mul3A_241, %add3A_336 : i32
      %get3A_338 = arith.constant 0 : i32
      %get3A_339 = arith.index_cast %get3A_338 : i32 to index
      %get3A_340 = arith.index_cast %add3A_337 : i32 to index
      %get3A_341 = arith.constant 64 : index
      %get3A_342 = tpu.vector_load %arg8[%get3A_339, %get3A_340, %get3A_341] {strides = array<i32>} : memref<4x80x128xf32, #tpu.memory_space<vmem>>, vector<16xf32>,
      %sub3A_343 = arith.subf %get3A_335, %get3A_342 : vector<16xf32>
      %add3A_344 = arith.constant 0 : i32
      %add3A_345 = arith.addi %mul3A_241, %add3A_344 : i32
      %swap3A_346 = arith.constant 0 : i32
      %swap3A_347 = arith.index_cast %swap3A_346 : i32 to index
      %swap3A_348 = arith.index_cast %add3A_345 : i32 to index
      %swap3A_349 = arith.constant 64 : index
      %swap3A_350 = tpu.vector_load %arg7[%swap3A_347, %swap3A_348, %swap3A_349] {strides = array<i32>} : memref<4x80x128xf32, #tpu.memory_space<vmem>>, vector<16xf32>,
      tpu.vector_store %arg7[%swap3A_347, %swap3A_348, %swap3A_349], %sub3A_343 {strides = array<i32>} : memref<4x80x128xf32, #tpu.memory_space<vmem>>, vector<16xf32>,
      %add3A_351 = arith.constant 0 : i32
      %add3A_352 = arith.addi %mul3A_241, %add3A_351 : i32
      %get3A_353 = arith.constant 0 : i32
      %get3A_354 = arith.index_cast %get3A_353 : i32 to index
      %get3A_355 = arith.index_cast %add3A_352 : i32 to index
      %get3A_356 = arith.constant 80 : index
      %get3A_357 = tpu.vector_load %arg7[%get3A_354, %get3A_355, %get3A_356] {strides = array<i32>} : memref<4x80x128xf32, #tpu.memory_space<vmem>>, vector<16xf32>,
      %add3A_358 = arith.constant 0 : i32
      %add3A_359 = arith.addi %mul3A_241, %add3A_358 : i32
      %get3A_360 = arith.constant 0 : i32
      %get3A_361 = arith.index_cast %get3A_360 : i32 to index
      %get3A_362 = arith.index_cast %add3A_359 : i32 to index
      %get3A_363 = arith.constant 80 : index
      %get3A_364 = tpu.vector_load %arg8[%get3A_361, %get3A_362, %get3A_363] {strides = array<i32>} : memref<4x80x128xf32, #tpu.memory_space<vmem>>, vector<16xf32>,
      %sub3A_365 = arith.subf %get3A_357, %get3A_364 : vector<16xf32>
      %add3A_366 = arith.constant 0 : i32
      %add3A_367 = arith.addi %mul3A_241, %add3A_366 : i32
      %swap3A_368 = arith.constant 0 : i32
      %swap3A_369 = arith.index_cast %swap3A_368 : i32 to index
      %swap3A_370 = arith.index_cast %add3A_367 : i32 to index
      %swap3A_371 = arith.constant 80 : index
      %swap3A_372 = tpu.vector_load %arg7[%swap3A_369, %swap3A_370, %swap3A_371] {strides = array<i32>} : memref<4x80x128xf32, #tpu.memory_space<vmem>>, vector<16xf32>,
      tpu.vector_store %arg7[%swap3A_369, %swap3A_370, %swap3A_371], %sub3A_365 {strides = array<i32>} : memref<4x80x128xf32, #tpu.memory_space<vmem>>, vector<16xf32>,
      %add3A_373 = arith.constant 0 : i32
      %add3A_374 = arith.addi %mul3A_241, %add3A_373 : i32
      %get3A_375 = arith.constant 0 : i32
      %get3A_376 = arith.index_cast %get3A_375 : i32 to index
      %get3A_377 = arith.index_cast %add3A_374 : i32 to index
      %get3A_378 = arith.constant 96 : index
      %get3A_379 = tpu.vector_load %arg7[%get3A_376, %get3A_377, %get3A_378] {strides = array<i32>} : memref<4x80x128xf32, #tpu.memory_space<vmem>>, vector<16xf32>,
      %add3A_380 = arith.constant 0 : i32
      %add3A_381 = arith.addi %mul3A_241, %add3A_380 : i32
      %get3A_382 = arith.constant 0 : i32
      %get3A_383 = arith.index_cast %get3A_382 : i32 to index
      %get3A_384 = arith.index_cast %add3A_381 : i32 to index
      %get3A_385 = arith.constant 96 : index
      %get3A_386 = tpu.vector_load %arg8[%get3A_383, %get3A_384, %get3A_385] {strides = array<i32>} : memref<4x80x128xf32, #tpu.memory_space<vmem>>, vector<16xf32>,
      %sub3A_387 = arith.subf %get3A_379, %get3A_386 : vector<16xf32>
      %add3A_388 = arith.constant 0 : i32
      %add3A_389 = arith.addi %mul3A_241, %add3A_388 : i32
      %swap3A_390 = arith.constant 0 : i32
      %swap3A_391 = arith.index_cast %swap3A_390 : i32 to index
      %swap3A_392 = arith.index_cast %add3A_389 : i32 to index
      %swap3A_393 = arith.constant 96 : index
      %swap3A_394 = tpu.vector_load %arg7[%swap3A_391, %swap3A_392, %swap3A_393] {strides = array<i32>} : memref<4x80x128xf32, #tpu.memory_space<vmem>>, vector<16xf32>,
      tpu.vector_store %arg7[%swap3A_391, %swap3A_392, %swap3A_393], %sub3A_387 {strides = array<i32>} : memref<4x80x128xf32, #tpu.memory_space<vmem>>, vector<16xf32>,
      %add3A_395 = arith.constant 0 : i32
      %add3A_396 = arith.addi %mul3A_241, %add3A_395 : i32
      %get3A_397 = arith.constant 0 : i32
      %get3A_398 = arith.index_cast %get3A_397 : i32 to index
      %get3A_399 = arith.index_cast %add3A_396 : i32 to index
      %get3A_400 = arith.constant 112 : index
      %get3A_401 = tpu.vector_load %arg7[%get3A_398, %get3A_399, %get3A_400] {strides = array<i32>} : memref<4x80x128xf32, #tpu.memory_space<vmem>>, vector<16xf32>,
      %add3A_402 = arith.constant 0 : i32
      %add3A_403 = arith.addi %mul3A_241, %add3A_402 : i32
      %get3A_404 = arith.constant 0 : i32
      %get3A_405 = arith.index_cast %get3A_404 : i32 to index
      %get3A_406 = arith.index_cast %add3A_403 : i32 to index
      %get3A_407 = arith.constant 112 : index
      %get3A_408 = tpu.vector_load %arg8[%get3A_405, %get3A_406, %get3A_407] {strides = array<i32>} : memref<4x80x128xf32, #tpu.memory_space<vmem>>, vector<16xf32>,
      %sub3A_409 = arith.subf %get3A_401, %get3A_408 : vector<16xf32>
      %add3A_410 = arith.constant 0 : i32
      %add3A_411 = arith.addi %mul3A_241, %add3A_410 : i32
      %swap3A_412 = arith.constant 0 : i32
      %swap3A_413 = arith.index_cast %swap3A_412 : i32 to index
      %swap3A_414 = arith.index_cast %add3A_411 : i32 to index
      %swap3A_415 = arith.constant 112 : index
      %swap3A_416 = tpu.vector_load %arg7[%swap3A_413, %swap3A_414, %swap3A_415] {strides = array<i32>} : memref<4x80x128xf32, #tpu.memory_space<vmem>>, vector<16xf32>,
      tpu.vector_store %arg7[%swap3A_413, %swap3A_414, %swap3A_415], %sub3A_409 {strides = array<i32>} : memref<4x80x128xf32, #tpu.memory_space<vmem>>, vector<16xf32>,
      %add3A_417 = arith.constant 1 : i32
      %add3A_418 = arith.addi %mul3A_241, %add3A_417 : i32
      %get3A_419 = arith.constant 0 : i32
      %get3A_420 = arith.index_cast %get3A_419 : i32 to index
      %get3A_421 = arith.index_cast %add3A_418 : i32 to index
      %get3A_422 = arith.constant 0 : index
      %get3A_423 = tpu.vector_load %arg7[%get3A_420, %get3A_421, %get3A_422] {strides = array<i32>} : memref<4x80x128xf32, #tpu.memory_space<vmem>>, vector<16xf32>,
      %add3A_424 = arith.constant 1 : i32
      %add3A_425 = arith.addi %mul3A_241, %add3A_424 : i32
      %get3A_426 = arith.constant 0 : i32
      %get3A_427 = arith.index_cast %get3A_426 : i32 to index
      %get3A_428 = arith.index_cast %add3A_425 : i32 to index
      %get3A_429 = arith.constant 0 : index
      %get3A_430 = tpu.vector_load %arg8[%get3A_427, %get3A_428, %get3A_429] {strides = array<i32>} : memref<4x80x128xf32, #tpu.memory_space<vmem>>, vector<16xf32>,
      %sub3A_431 = arith.subf %get3A_423, %get3A_430 : vector<16xf32>
      %add3A_432 = arith.constant 1 : i32
      %add3A_433 = arith.addi %mul3A_241, %add3A_432 : i32
      %swap3A_434 = arith.constant 0 : i32
      %swap3A_435 = arith.index_cast %swap3A_434 : i32 to index
      %swap3A_436 = arith.index_cast %add3A_433 : i32 to index
      %swap3A_437 = arith.constant 0 : index
      %swap3A_438 = tpu.vector_load %arg7[%swap3A_435, %swap3A_436, %swap3A_437] {strides = array<i32>} : memref<4x80x128xf32, #tpu.memory_space<vmem>>, vector<16xf32>,
      tpu.vector_store %arg7[%swap3A_435, %swap3A_436, %swap3A_437], %sub3A_431 {strides = array<i32>} : memref<4x80x128xf32, #tpu.memory_space<vmem>>, vector<16xf32>,
      %add3A_439 = arith.constant 1 : i32
      %add3A_440 = arith.addi %mul3A_241, %add3A_439 : i32
      %get3A_441 = arith.constant 0 : i32
      %get3A_442 = arith.index_cast %get3A_441 : i32 to index
      %get3A_443 = arith.index_cast %add3A_440 : i32 to index
      %get3A_444 = arith.constant 16 : index
      %get3A_445 = tpu.vector_load %arg7[%get3A_442, %get3A_443, %get3A_444] {strides = array<i32>} : memref<4x80x128xf32, #tpu.memory_space<vmem>>, vector<16xf32>,
      %add3A_446 = arith.constant 1 : i32
      %add3A_447 = arith.addi %mul3A_241, %add3A_446 : i32
      %get3A_448 = arith.constant 0 : i32
      %get3A_449 = arith.index_cast %get3A_448 : i32 to index
      %get3A_450 = arith.index_cast %add3A_447 : i32 to index
      %get3A_451 = arith.constant 16 : index
      %get3A_452 = tpu.vector_load %arg8[%get3A_449, %get3A_450, %get3A_451] {strides = array<i32>} : memref<4x80x128xf32, #tpu.memory_space<vmem>>, vector<16xf32>,
      %sub3A_453 = arith.subf %get3A_445, %get3A_452 : vector<16xf32>
      %add3A_454 = arith.constant 1 : i32
      %add3A_455 = arith.addi %mul3A_241, %add3A_454 : i32
      %swap3A_456 = arith.constant 0 : i32
      %swap3A_457 = arith.index_cast %swap3A_456 : i32 to index
      %swap3A_458 = arith.index_cast %add3A_455 : i32 to index
      %swap3A_459 = arith.constant 16 : index
      %swap3A_460 = tpu.vector_load %arg7[%swap3A_457, %swap3A_458, %swap3A_459] {strides = array<i32>} : memref<4x80x128xf32, #tpu.memory_space<vmem>>, vector<16xf32>,
      tpu.vector_store %arg7[%swap3A_457, %swap3A_458, %swap3A_459], %sub3A_453 {strides = array<i32>} : memref<4x80x128xf32, #tpu.memory_space<vmem>>, vector<16xf32>,
      %add3A_461 = arith.constant 1 : i32
      %add3A_462 = arith.addi %mul3A_241, %add3A_461 : i32
      %get3A_463 = arith.constant 0 : i32
      %get3A_464 = arith.index_cast %get3A_463 : i32 to index
      %get3A_465 = arith.index_cast %add3A_462 : i32 to index
      %get3A_466 = arith.constant 32 : index
      %get3A_467 = tpu.vector_load %arg7[%get3A_464, %get3A_465, %get3A_466] {strides = array<i32>} : memref<4x80x128xf32, #tpu.memory_space<vmem>>, vector<16xf32>,
      %add3A_468 = arith.constant 1 : i32
      %add3A_469 = arith.addi %mul3A_241, %add3A_468 : i32
      %get3A_470 = arith.constant 0 : i32
      %get3A_471 = arith.index_cast %get3A_470 : i32 to index
      %get3A_472 = arith.index_cast %add3A_469 : i32 to index
      %get3A_473 = arith.constant 32 : index
      %get3A_474 = tpu.vector_load %arg8[%get3A_471, %get3A_472, %get3A_473] {strides = array<i32>} : memref<4x80x128xf32, #tpu.memory_space<vmem>>, vector<16xf32>,
      %sub3A_475 = arith.subf %get3A_467, %get3A_474 : vector<16xf32>
      %add3A_476 = arith.constant 1 : i32
      %add3A_477 = arith.addi %mul3A_241, %add3A_476 : i32
      %swap3A_478 = arith.constant 0 : i32
      %swap3A_479 = arith.index_cast %swap3A_478 : i32 to index
      %swap3A_480 = arith.index_cast %add3A_477 : i32 to index
      %swap3A_481 = arith.constant 32 : index
      %swap3A_482 = tpu.vector_load %arg7[%swap3A_479, %swap3A_480, %swap3A_481] {strides = array<i32>} : memref<4x80x128xf32, #tpu.memory_space<vmem>>, vector<16xf32>,
      tpu.vector_store %arg7[%swap3A_479, %swap3A_480, %swap3A_481], %sub3A_475 {strides = array<i32>} : memref<4x80x128xf32, #tpu.memory_space<vmem>>, vector<16xf32>,
      %add3A_483 = arith.constant 1 : i32
      %add3A_484 = arith.addi %mul3A_241, %add3A_483 : i32
      %get3A_485 = arith.constant 0 : i32
      %get3A_486 = arith.index_cast %get3A_485 : i32 to index
      %get3A_487 = arith.index_cast %add3A_484 : i32 to index
      %get3A_488 = arith.constant 48 : index
      %get3A_489 = tpu.vector_load %arg7[%get3A_486, %get3A_487, %get3A_488] {strides = array<i32>} : memref<4x80x128xf32, #tpu.memory_space<vmem>>, vector<16xf32>,
      %add3A_490 = arith.constant 1 : i32
      %add3A_491 = arith.addi %mul3A_241, %add3A_490 : i32
      %get3A_492 = arith.constant 0 : i32
      %get3A_493 = arith.index_cast %get3A_492 : i32 to index
      %get3A_494 = arith.index_cast %add3A_491 : i32 to index
      %get3A_495 = arith.constant 48 : index
      %get3A_496 = tpu.vector_load %arg8[%get3A_493, %get3A_494, %get3A_495] {strides = array<i32>} : memref<4x80x128xf32, #tpu.memory_space<vmem>>, vector<16xf32>,
      %sub3A_497 = arith.subf %get3A_489, %get3A_496 : vector<16xf32>
      %add3A_498 = arith.constant 1 : i32
      %add3A_499 = arith.addi %mul3A_241, %add3A_498 : i32
      %swap3A_500 = arith.constant 0 : i32
      %swap3A_501 = arith.index_cast %swap3A_500 : i32 to index
      %swap3A_502 = arith.index_cast %add3A_499 : i32 to index
      %swap3A_503 = arith.constant 48 : index
      %swap3A_504 = tpu.vector_load %arg7[%swap3A_501, %swap3A_502, %swap3A_503] {strides = array<i32>} : memref<4x80x128xf32, #tpu.memory_space<vmem>>, vector<16xf32>,
      tpu.vector_store %arg7[%swap3A_501, %swap3A_502, %swap3A_503], %sub3A_497 {strides = array<i32>} : memref<4x80x128xf32, #tpu.memory_space<vmem>>, vector<16xf32>,
      %add3A_505 = arith.constant 1 : i32
      %add3A_506 = arith.addi %mul3A_241, %add3A_505 : i32
      %get3A_507 = arith.constant 0 : i32
      %get3A_508 = arith.index_cast %get3A_507 : i32 to index
      %get3A_509 = arith.index_cast %add3A_506 : i32 to index
      %get3A_510 = arith.constant 64 : index
      %get3A_511 = tpu.vector_load %arg7[%get3A_508, %get3A_509, %get3A_510] {strides = array<i32>} : memref<4x80x128xf32, #tpu.memory_space<vmem>>, vector<16xf32>,
      %add3A_512 = arith.constant 1 : i32
      %add3A_513 = arith.addi %mul3A_241, %add3A_512 : i32
      %get3A_514 = arith.constant 0 : i32
      %get3A_515 = arith.index_cast %get3A_514 : i32 to index
      %get3A_516 = arith.index_cast %add3A_513 : i32 to index
      %get3A_517 = arith.constant 64 : index
      %get3A_518 = tpu.vector_load %arg8[%get3A_515, %get3A_516, %get3A_517] {strides = array<i32>} : memref<4x80x128xf32, #tpu.memory_space<vmem>>, vector<16xf32>,
      %sub3A_519 = arith.subf %get3A_511, %get3A_518 : vector<16xf32>
      %add3A_520 = arith.constant 1 : i32
      %add3A_521 = arith.addi %mul3A_241, %add3A_520 : i32
      %swap3A_522 = arith.constant 0 : i32
      %swap3A_523 = arith.index_cast %swap3A_522 : i32 to index
      %swap3A_524 = arith.index_cast %add3A_521 : i32 to index
      %swap3A_525 = arith.constant 64 : index
      %swap3A_526 = tpu.vector_load %arg7[%swap3A_523, %swap3A_524, %swap3A_525] {strides = array<i32>} : memref<4x80x128xf32, #tpu.memory_space<vmem>>, vector<16xf32>,
      tpu.vector_store %arg7[%swap3A_523, %swap3A_524, %swap3A_525], %sub3A_519 {strides = array<i32>} : memref<4x80x128xf32, #tpu.memory_space<vmem>>, vector<16xf32>,
      %add3A_527 = arith.constant 1 : i32
      %add3A_528 = arith.addi %mul3A_241, %add3A_527 : i32
      %get3A_529 = arith.constant 0 : i32
      %get3A_530 = arith.index_cast %get3A_529 : i32 to index
      %get3A_531 = arith.index_cast %add3A_528 : i32 to index
      %get3A_532 = arith.constant 80 : index
      %get3A_533 = tpu.vector_load %arg7[%get3A_530, %get3A_531, %get3A_532] {strides = array<i32>} : memref<4x80x128xf32, #tpu.memory_space<vmem>>, vector<16xf32>,
      %add3A_534 = arith.constant 1 : i32
      %add3A_535 = arith.addi %mul3A_241, %add3A_534 : i32
      %get3A_536 = arith.constant 0 : i32
      %get3A_537 = arith.index_cast %get3A_536 : i32 to index
      %get3A_538 = arith.index_cast %add3A_535 : i32 to index
      %get3A_539 = arith.constant 80 : index
      %get3A_540 = tpu.vector_load %arg8[%get3A_537, %get3A_538, %get3A_539] {strides = array<i32>} : memref<4x80x128xf32, #tpu.memory_space<vmem>>, vector<16xf32>,
      %sub3A_541 = arith.subf %get3A_533, %get3A_540 : vector<16xf32>
      %add3A_542 = arith.constant 1 : i32
      %add3A_543 = arith.addi %mul3A_241, %add3A_542 : i32
      %swap3A_544 = arith.constant 0 : i32
      %swap3A_545 = arith.index_cast %swap3A_544 : i32 to index
      %swap3A_546 = arith.index_cast %add3A_543 : i32 to index
      %swap3A_547 = arith.constant 80 : index
      %swap3A_548 = tpu.vector_load %arg7[%swap3A_545, %swap3A_546, %swap3A_547] {strides = array<i32>} : memref<4x80x128xf32, #tpu.memory_space<vmem>>, vector<16xf32>,
      tpu.vector_store %arg7[%swap3A_545, %swap3A_546, %swap3A_547], %sub3A_541 {strides = array<i32>} : memref<4x80x128xf32, #tpu.memory_space<vmem>>, vector<16xf32>,
      %add3A_549 = arith.constant 1 : i32
      %add3A_550 = arith.addi %mul3A_241, %add3A_549 : i32
      %get3A_551 = arith.constant 0 : i32
      %get3A_552 = arith.index_cast %get3A_551 : i32 to index
      %get3A_553 = arith.index_cast %add3A_550 : i32 to index
      %get3A_554 = arith.constant 96 : index
      %get3A_555 = tpu.vector_load %arg7[%get3A_552, %get3A_553, %get3A_554] {strides = array<i32>} : memref<4x80x128xf32, #tpu.memory_space<vmem>>, vector<16xf32>,
      %add3A_556 = arith.constant 1 : i32
      %add3A_557 = arith.addi %mul3A_241, %add3A_556 : i32
      %get3A_558 = arith.constant 0 : i32
      %get3A_559 = arith.index_cast %get3A_558 : i32 to index
      %get3A_560 = arith.index_cast %add3A_557 : i32 to index
      %get3A_561 = arith.constant 96 : index
      %get3A_562 = tpu.vector_load %arg8[%get3A_559, %get3A_560, %get3A_561] {strides = array<i32>} : memref<4x80x128xf32, #tpu.memory_space<vmem>>, vector<16xf32>,
      %sub3A_563 = arith.subf %get3A_555, %get3A_562 : vector<16xf32>
      %add3A_564 = arith.constant 1 : i32
      %add3A_565 = arith.addi %mul3A_241, %add3A_564 : i32
      %swap3A_566 = arith.constant 0 : i32
      %swap3A_567 = arith.index_cast %swap3A_566 : i32 to index
      %swap3A_568 = arith.index_cast %add3A_565 : i32 to index
      %swap3A_569 = arith.constant 96 : index
      %swap3A_570 = tpu.vector_load %arg7[%swap3A_567, %swap3A_568, %swap3A_569] {strides = array<i32>} : memref<4x80x128xf32, #tpu.memory_space<vmem>>, vector<16xf32>,
      tpu.vector_store %arg7[%swap3A_567, %swap3A_568, %swap3A_569], %sub3A_563 {strides = array<i32>} : memref<4x80x128xf32, #tpu.memory_space<vmem>>, vector<16xf32>,
      %add3A_571 = arith.constant 1 : i32
      %add3A_572 = arith.addi %mul3A_241, %add3A_571 : i32
      %get3A_573 = arith.constant 0 : i32
      %get3A_574 = arith.index_cast %get3A_573 : i32 to index
      %get3A_575 = arith.index_cast %add3A_572 : i32 to index
      %get3A_576 = arith.constant 112 : index
      %get3A_577 = tpu.vector_load %arg7[%get3A_574, %get3A_575, %get3A_576] {strides = array<i32>} : memref<4x80x128xf32, #tpu.memory_space<vmem>>, vector<16xf32>,
      %add3A_578 = arith.constant 1 : i32
      %add3A_579 = arith.addi %mul3A_241, %add3A_578 : i32
      %get3A_580 = arith.constant 0 : i32
      %get3A_581 = arith.index_cast %get3A_580 : i32 to index
      %get3A_582 = arith.index_cast %add3A_579 : i32 to index
      %get3A_583 = arith.constant 112 : index
      %get3A_584 = tpu.vector_load %arg8[%get3A_581, %get3A_582, %get3A_583] {strides = array<i32>} : memref<4x80x128xf32, #tpu.memory_space<vmem>>, vector<16xf32>,
      %sub3A_585 = arith.subf %get3A_577, %get3A_584 : vector<16xf32>
      %add3A_586 = arith.constant 1 : i32
      %add3A_587 = arith.addi %mul3A_241, %add3A_586 : i32
      %swap3A_588 = arith.constant 0 : i32
      %swap3A_589 = arith.index_cast %swap3A_588 : i32 to index
      %swap3A_590 = arith.index_cast %add3A_587 : i32 to index
      %swap3A_591 = arith.constant 112 : index
      %swap3A_592 = tpu.vector_load %arg7[%swap3A_589, %swap3A_590, %swap3A_591] {strides = array<i32>} : memref<4x80x128xf32, #tpu.memory_space<vmem>>, vector<16xf32>,
      tpu.vector_store %arg7[%swap3A_589, %swap3A_590, %swap3A_591], %sub3A_585 {strides = array<i32>} : memref<4x80x128xf32, #tpu.memory_space<vmem>>, vector<16xf32>,
    }
    %scan3A_168 = arith.constant 40 : i32
    %dma_start3A_169 = arith.constant 0 : i32
    %dma_start3A_170 = arith.constant 0 : i32
    %dma_start3A_171 = arith.constant 0 : i32
    %dma_start3A_172 = arith.constant 0 : i32
    %dma_start3A_173 = arith.constant 0 : i32
    %dma_start3A_174 = tpu.memref_slice %arg7[%dma_start3A_169, %dma_start3A_172, %dma_start3A_173] : memref<4x80x128xf32, #tpu.memory_space<vmem>> -> memref<1x80x128xf32, #tpu.memory_space<vmem>>
    %dma_start3A_175 = tpu.memref_squeeze %dma_start3A_174 : memref<1x80x128xf32, #tpu.memory_space<vmem>> -> memref<80x128xf32, #tpu.memory_space<vmem>>
    %dma_start3A_176 = arith.constant 0 : i32
    %dma_start3A_177 = tpu.memref_slice %arg9[%dma_start3A_170, %dma_start3A_176] : memref<4x80xi32, #tpu.memory_space<vmem>> -> memref<1x80xi32, #tpu.memory_space<vmem>>
    %dma_start3A_178 = tpu.memref_squeeze %dma_start3A_177 : memref<1x80xi32, #tpu.memory_space<vmem>> -> memref<80xi32, #tpu.memory_space<vmem>>
    %dma_start3A_179 = arith.constant 0 : i32
    %dma_start3A_180 = arith.constant 0 : i32
    %dma_start3A_181 = tpu.memref_slice %arg12[%dma_start3A_179, %dma_start3A_180] : memref<512x128xf32, #tpu.memory_space<vmem_shared>> -> memref<512x128xf32, #tpu.memory_space<vmem_shared>>
    %dma_start3A_182 = tpu.memref_slice %arg14[%dma_start3A_171] : memref<4x!tpu.dma_semaphore, #tpu.memory_space<semaphore_mem>> -> memref<1x!tpu.dma_semaphore, #tpu.memory_space<semaphore_mem>>
    %dma_start3A_183 = tpu.memref_squeeze %dma_start3A_182 : memref<1x!tpu.dma_semaphore, #tpu.memory_space<semaphore_mem>> -> memref<!tpu.dma_semaphore, #tpu.memory_space<semaphore_mem>>
    tpu.enqueue_indirect_dma source(%dma_start3A_175 : memref<80x128xf32, #tpu.memory_space<vmem>>) target(%dma_start3A_181 : memref<512x128xf32, #tpu.memory_space<vmem_shared>>) offsets(%dma_start3A_178 : memref<80xi32, #tpu.memory_space<vmem>>) semaphore(%dma_start3A_183 : memref<!tpu.dma_semaphore, #tpu.memory_space<semaphore_mem>>) {add = true}
    %scan3A_184 = arith.constant 0 : i32
    %scan3A_185 = arith.constant 5 : i32
    %scan3A_186 = arith.addi %scan3A_184, %scan3A_185 : i32
    %scan3A_187 = arith.constant 1 : i32
    scf.for %scan3A_239 = %scan3A_184 to %scan3A_186 step %scan3A_187  : i32 {
      %mul3A_240 = arith.constant 16 : i32
      %mul3A_241 = arith.muli %scan3A_239, %mul3A_240 : i32
      %get3A_242 = arith.constant 0 : i32
      %get3A_243 = arith.index_cast %get3A_242 : i32 to index
      %get3A_244 = arith.index_cast %mul3A_241 : i32 to index
      %get3A_245 = tpu.vector_load %arg9[%get3A_243, %get3A_244] {strides = array<i32>} : memref<4x80xi32, #tpu.memory_space<vmem>>, vector<16xi32>,
      %sub3A_246 = arith.constant 1 : i32
      %sub3A_247 = arith.subi %scan3A_239, %sub3A_246 : i32
      %mul3A_248 = arith.constant 16 : i32
      %mul3A_249 = arith.muli %sub3A_247, %mul3A_248 : i32
      %max3A_250 = arith.constant 0 : i32
      %max3A_251 = arith.maxsi %mul3A_249, %max3A_250 : i32
      %get3A_252 = arith.constant 0 : i32
      %get3A_253 = arith.index_cast %get3A_252 : i32 to index
      %get3A_254 = arith.index_cast %max3A_251 : i32 to index
      %get3A_255 = tpu.vector_load %arg9[%get3A_253, %get3A_254] {strides = array<i32>} : memref<4x80xi32, #tpu.memory_space<vmem>>, vector<16xi32>,
      %eq3A = arith.constant 0 : i32
      %eq3A_256 = arith.cmpi eq, %scan3A_239, %eq3A : i32
      %slice3A_257 = vector.extract_strided_slice %get3A_255 {offsets = [15], sizes = [1], strides = [1]} : vector<16xi32> to vector<1xi32>
      %squeeze3A_258 = vector.extract %slice3A_257[0] : i32 from vector<1xi32>
      %select_n3A = arith.select %eq3A_256, %scan3A_117, %squeeze3A_258 : i32
      %lt3A = arith.constant 0 : i32
      %lt3A_259 = vector.broadcast %lt3A : i32 to vector<16xi32>
      %lt3A_260 = arith.cmpi slt, %max3A_100, %lt3A_259 : vector<16xi32>
      %add3A_261 = arith.constant 16 : i32
      %add3A_262 = vector.broadcast %add3A_261 : i32 to vector<16xi32>
      %add3A_263 = arith.addi %max3A_100, %add3A_262 : vector<16xi32>
      %select_n3A_264 = arith.select %lt3A_260, %add3A_263, %max3A_100 : vector<16xi1>, vector<16xi32>
      %broadcast_in_dim3A_265 = vector.shape_cast %select_n3A_264 : vector<16xi32> to vector<16x1xi32>
      %gather3A = vector.shape_cast %broadcast_in_dim3A_265 : vector<16x1xi32> to vector<16xi32>
      %gather3A_266 = tpu.dynamic_gather %get3A_245[%gather3A] in [0] : vector<16xi32>, vector<16xi32> -> vector<16xi32>
      %eq3A_267 = arith.constant 0 : i32
      %eq3A_268 = vector.broadcast %eq3A_267 : i32 to vector<16xi32>
      %eq3A_269 = arith.cmpi eq, %iota3A, %eq3A_268 : vector<16xi32>
      %broadcast_in_dim3A_270 = vector.broadcast %select_n3A : i32 to vector<16xi32>
      %select_n3A_271 = arith.select %eq3A_269, %broadcast_in_dim3A_270, %gather3A_266 : vector<16xi1>, vector<16xi32>
      %ne3A = arith.cmpi ne, %get3A_245, %select_n3A_271 : vector<16xi32>
      %mul3A_272 = arith.constant 16 : i32
      %mul3A_273 = arith.muli %scan3A_239, %mul3A_272 : i32
      %add3A_274 = arith.constant 9920 : i32
      %add3A_275 = arith.addi %add3A_274, %mul3A_273 : i32
      %add3A_276 = vector.broadcast %add3A_275 : i32 to vector<16xi32>
      %add3A_277 = arith.addi %add3A_276, %iota3A : vector<16xi32>
      tpu.vector_store_idx %arg10[%get3A_245], %add3A_277 masked %ne3A : memref<512xi32, #tpu.memory_space<vmem>>[vector<16xi32>], vector<16xi32>, vector<16xi1>
    }
    %scan3A_188 = arith.constant 5 : i32
    %get3A = arith.constant 0 : i32
    %get3A_189 = arith.index_cast %get3A : i32 to index
    %get3A_190 = arith.constant 64 : index
    %get3A_191 = tpu.vector_load %arg9[%get3A_189, %get3A_190] {strides = array<i32>} : memref<4x80xi32, #tpu.memory_space<vmem>>, vector<16xi32>,
    %slice3A = vector.extract_strided_slice %get3A_191 {offsets = [15], sizes = [1], strides = [1]} : vector<16xi32> to vector<1xi32>
    %squeeze3A = vector.extract %slice3A[0] : i32 from vector<1xi32>
    %dma_wait3A_192 = arith.constant 2 : i32
    %dma_wait3A_193 = arith.constant 2 : i32
    %dma_wait3A_194 = arith.constant 2 : i32
    %dma_wait3A_195 = arith.constant 0 : i32
    %dma_wait3A_196 = arith.constant 0 : i32
    %dma_wait3A_197 = tpu.memref_slice %arg7[%dma_wait3A_192, %dma_wait3A_195, %dma_wait3A_196] : memref<4x80x128xf32, #tpu.memory_space<vmem>> -> memref<1x80x128xf32, #tpu.memory_space<vmem>>
    %dma_wait3A_198 = tpu.memref_squeeze %dma_wait3A_197 : memref<1x80x128xf32, #tpu.memory_space<vmem>> -> memref<80x128xf32, #tpu.memory_space<vmem>>
    %dma_wait3A_199 = arith.constant 0 : i32
    %dma_wait3A_200 = tpu.memref_slice %arg9[%dma_wait3A_193, %dma_wait3A_199] : memref<4x80xi32, #tpu.memory_space<vmem>> -> memref<1x80xi32, #tpu.memory_space<vmem>>
    %dma_wait3A_201 = tpu.memref_squeeze %dma_wait3A_200 : memref<1x80xi32, #tpu.memory_space<vmem>> -> memref<80xi32, #tpu.memory_space<vmem>>
    %dma_wait3A_202 = arith.constant 0 : i32
    %dma_wait3A_203 = arith.constant 0 : i32
    %dma_wait3A_204 = tpu.memref_slice %arg12[%dma_wait3A_202, %dma_wait3A_203] : memref<512x128xf32, #tpu.memory_space<vmem_shared>> -> memref<512x128xf32, #tpu.memory_space<vmem_shared>>
    %dma_wait3A_205 = tpu.memref_slice %arg14[%dma_wait3A_194] : memref<4x!tpu.dma_semaphore, #tpu.memory_space<semaphore_mem>> -> memref<1x!tpu.dma_semaphore, #tpu.memory_space<semaphore_mem>>
    %dma_wait3A_206 = tpu.memref_squeeze %dma_wait3A_205 : memref<1x!tpu.dma_semaphore, #tpu.memory_space<semaphore_mem>> -> memref<!tpu.dma_semaphore, #tpu.memory_space<semaphore_mem>>
    tpu.wait_indirect_dma semaphore(%dma_wait3A_206 : memref<!tpu.dma_semaphore, #tpu.memory_space<semaphore_mem>>) src(%dma_wait3A_198 : memref<80x128xf32, #tpu.memory_space<vmem>>) dst(%dma_wait3A_204 : memref<512x128xf32, #tpu.memory_space<vmem_shared>>)
    %dma_wait3A_207 = arith.constant 3 : i32
    %dma_wait3A_208 = arith.constant 3 : i32
    %dma_wait3A_209 = arith.constant 3 : i32
    %dma_wait3A_210 = arith.constant 0 : i32
    %dma_wait3A_211 = arith.constant 0 : i32
    %dma_wait3A_212 = tpu.memref_slice %arg7[%dma_wait3A_207, %dma_wait3A_210, %dma_wait3A_211] : memref<4x80x128xf32, #tpu.memory_space<vmem>> -> memref<1x80x128xf32, #tpu.memory_space<vmem>>
    %dma_wait3A_213 = tpu.memref_squeeze %dma_wait3A_212 : memref<1x80x128xf32, #tpu.memory_space<vmem>> -> memref<80x128xf32, #tpu.memory_space<vmem>>
    %dma_wait3A_214 = arith.constant 0 : i32
    %dma_wait3A_215 = tpu.memref_slice %arg9[%dma_wait3A_208, %dma_wait3A_214] : memref<4x80xi32, #tpu.memory_space<vmem>> -> memref<1x80xi32, #tpu.memory_space<vmem>>
    %dma_wait3A_216 = tpu.memref_squeeze %dma_wait3A_215 : memref<1x80xi32, #tpu.memory_space<vmem>> -> memref<80xi32, #tpu.memory_space<vmem>>
    %dma_wait3A_217 = arith.constant 0 : i32
    %dma_wait3A_218 = arith.constant 0 : i32
    %dma_wait3A_219 = tpu.memref_slice %arg12[%dma_wait3A_217, %dma_wait3A_218] : memref<512x128xf32, #tpu.memory_space<vmem_shared>> -> memref<512x128xf32, #tpu.memory_space<vmem_shared>>
    %dma_wait3A_220 = tpu.memref_slice %arg14[%dma_wait3A_209] : memref<4x!tpu.dma_semaphore, #tpu.memory_space<semaphore_mem>> -> memref<1x!tpu.dma_semaphore, #tpu.memory_space<semaphore_mem>>
    %dma_wait3A_221 = tpu.memref_squeeze %dma_wait3A_220 : memref<1x!tpu.dma_semaphore, #tpu.memory_space<semaphore_mem>> -> memref<!tpu.dma_semaphore, #tpu.memory_space<semaphore_mem>>
    tpu.wait_indirect_dma semaphore(%dma_wait3A_221 : memref<!tpu.dma_semaphore, #tpu.memory_space<semaphore_mem>>) src(%dma_wait3A_213 : memref<80x128xf32, #tpu.memory_space<vmem>>) dst(%dma_wait3A_219 : memref<512x128xf32, #tpu.memory_space<vmem_shared>>)
    %dma_wait3A_222 = arith.constant 0 : i32
    %dma_wait3A_223 = arith.constant 0 : i32
    %dma_wait3A_224 = arith.constant 0 : i32
    %dma_wait3A_225 = arith.constant 0 : i32
    %dma_wait3A_226 = arith.constant 0 : i32
    %dma_wait3A_227 = tpu.memref_slice %arg7[%dma_wait3A_222, %dma_wait3A_225, %dma_wait3A_226] : memref<4x80x128xf32, #tpu.memory_space<vmem>> -> memref<1x80x128xf32, #tpu.memory_space<vmem>>
    %dma_wait3A_228 = tpu.memref_squeeze %dma_wait3A_227 : memref<1x80x128xf32, #tpu.memory_space<vmem>> -> memref<80x128xf32, #tpu.memory_space<vmem>>
    %dma_wait3A_229 = arith.constant 0 : i32
    %dma_wait3A_230 = tpu.memref_slice %arg9[%dma_wait3A_223, %dma_wait3A_229] : memref<4x80xi32, #tpu.memory_space<vmem>> -> memref<1x80xi32, #tpu.memory_space<vmem>>
    %dma_wait3A_231 = tpu.memref_squeeze %dma_wait3A_230 : memref<1x80xi32, #tpu.memory_space<vmem>> -> memref<80xi32, #tpu.memory_space<vmem>>
    %dma_wait3A_232 = arith.constant 0 : i32
    %dma_wait3A_233 = arith.constant 0 : i32
    %dma_wait3A_234 = tpu.memref_slice %arg12[%dma_wait3A_232, %dma_wait3A_233] : memref<512x128xf32, #tpu.memory_space<vmem_shared>> -> memref<512x128xf32, #tpu.memory_space<vmem_shared>>
    %dma_wait3A_235 = tpu.memref_slice %arg14[%dma_wait3A_224] : memref<4x!tpu.dma_semaphore, #tpu.memory_space<semaphore_mem>> -> memref<1x!tpu.dma_semaphore, #tpu.memory_space<semaphore_mem>>
    %dma_wait3A_236 = tpu.memref_squeeze %dma_wait3A_235 : memref<1x!tpu.dma_semaphore, #tpu.memory_space<semaphore_mem>> -> memref<!tpu.dma_semaphore, #tpu.memory_space<semaphore_mem>>
    tpu.wait_indirect_dma semaphore(%dma_wait3A_236 : memref<!tpu.dma_semaphore, #tpu.memory_space<semaphore_mem>>) src(%dma_wait3A_228 : memref<80x128xf32, #tpu.memory_space<vmem>>) dst(%dma_wait3A_234 : memref<512x128xf32, #tpu.memory_space<vmem_shared>>)
    "tpu.region"() ({
      %run_scoped3A_239 = tpu.sem_alloc : memref<!tpu.dma_semaphore, #tpu.memory_space<semaphore_mem>>
      %dma_start3A_240 = arith.constant 0 : i32
      %dma_start3A_241 = tpu.memref_slice %arg6[%add3A, %dma_start3A_240] : memref<32x512xi32, #tpu.memory_space<hbm>> -> memref<1x512xi32, #tpu.memory_space<hbm>>
      %dma_start3A_242 = tpu.memref_squeeze %dma_start3A_241 : memref<1x512xi32, #tpu.memory_space<hbm>> -> memref<512xi32, #tpu.memory_space<hbm>>
      %dma_start3A_243 = arith.constant 0 : i32
      %dma_start3A_244 = tpu.memref_slice %arg6[%add3A, %dma_start3A_243] : memref<32x512xi32, #tpu.memory_space<hbm>> -> memref<1x512xi32, #tpu.memory_space<hbm>>
      %dma_start3A_245 = tpu.memref_squeeze %dma_start3A_244 : memref<1x512xi32, #tpu.memory_space<hbm>> -> memref<512xi32, #tpu.memory_space<hbm>>
      tpu.enqueue_dma source(%arg10 : memref<512xi32, #tpu.memory_space<vmem>>) target(%dma_start3A_245 : memref<512xi32, #tpu.memory_space<hbm>>) target_semaphore(%run_scoped3A_239 : memref<!tpu.dma_semaphore, #tpu.memory_space<semaphore_mem>>)
      %dma_wait3A_246 = arith.constant 0 : i32
      %dma_wait3A_247 = tpu.memref_slice %arg6[%add3A, %dma_wait3A_246] : memref<32x512xi32, #tpu.memory_space<hbm>> -> memref<1x512xi32, #tpu.memory_space<hbm>>
      %dma_wait3A_248 = tpu.memref_squeeze %dma_wait3A_247 : memref<1x512xi32, #tpu.memory_space<hbm>> -> memref<512xi32, #tpu.memory_space<hbm>>
      %dma_wait3A_249 = arith.constant 0 : i32
      %dma_wait3A_250 = tpu.memref_slice %arg6[%add3A, %dma_wait3A_249] : memref<32x512xi32, #tpu.memory_space<hbm>> -> memref<1x512xi32, #tpu.memory_space<hbm>>
      %dma_wait3A_251 = tpu.memref_squeeze %dma_wait3A_250 : memref<1x512xi32, #tpu.memory_space<hbm>> -> memref<512xi32, #tpu.memory_space<hbm>>
      tpu.wait_dma2 semaphore(%run_scoped3A_239 : memref<!tpu.dma_semaphore, #tpu.memory_space<semaphore_mem>>) src(%arg10 : memref<512xi32, #tpu.memory_space<vmem>>) dst(%dma_wait3A_251 : memref<512xi32, #tpu.memory_space<hbm>>)
      tpu.yield
    }) : () -> ()
    %barrier3A_237 = arith.constant 0 : index
    tpu.barrier barrier_id(%barrier3A_237)
    %run_scoped3A = arith.constant 0 : i32
    "tpu.region"() ({
      %run_scoped3A_239 = tpu.sem_alloc : memref<!tpu.dma_semaphore, #tpu.memory_space<semaphore_mem>>
      %dma_start3A_240 = arith.constant 0 : i32
      %dma_start3A_241 = arith.constant 0 : i32
      %dma_start3A_242 = tpu.memref_slice %arg7[%run_scoped3A, %dma_start3A_240, %dma_start3A_241] : memref<4x80x128xf32, #tpu.memory_space<vmem>> -> memref<1x32x128xf32, #tpu.memory_space<vmem>>
      %dma_start3A_243 = tpu.memref_squeeze %dma_start3A_242 : memref<1x32x128xf32, #tpu.memory_space<vmem>> -> memref<32x128xf32, #tpu.memory_space<vmem>>
      %dma_start3A_244 = arith.constant 0 : i32
      %dma_start3A_245 = tpu.memref_slice %arg12[%mul3A_111, %dma_start3A_244] : memref<512x128xf32, #tpu.memory_space<vmem_shared>> -> memref<32x128xf32, #tpu.memory_space<vmem_shared>>
      %dma_start3A_246 = arith.constant 0 : i32
      %dma_start3A_247 = arith.constant 0 : i32
      %dma_start3A_248 = tpu.memref_slice %arg7[%run_scoped3A, %dma_start3A_246, %dma_start3A_247] : memref<4x80x128xf32, #tpu.memory_space<vmem>> -> memref<1x32x128xf32, #tpu.memory_space<vmem>>
      %dma_start3A_249 = tpu.memref_squeeze %dma_start3A_248 : memref<1x32x128xf32, #tpu.memory_space<vmem>> -> memref<32x128xf32, #tpu.memory_space<vmem>>
      %dma_start3A_250 = arith.constant 0 : i32
      %dma_start3A_251 = tpu.memref_slice %arg12[%mul3A_111, %dma_start3A_250] : memref<512x128xf32, #tpu.memory_space<vmem_shared>> -> memref<32x128xf32, #tpu.memory_space<vmem_shared>>
      tpu.enqueue_dma source(%dma_start3A_251 : memref<32x128xf32, #tpu.memory_space<vmem_shared>>) target(%dma_start3A_249 : memref<32x128xf32, #tpu.memory_space<vmem>>) target_semaphore(%run_scoped3A_239 : memref<!tpu.dma_semaphore, #tpu.memory_space<semaphore_mem>>)
      %dma_wait3A_252 = arith.constant 0 : i32
      %dma_wait3A_253 = arith.constant 0 : i32
      %dma_wait3A_254 = tpu.memref_slice %arg7[%run_scoped3A, %dma_wait3A_252, %dma_wait3A_253] : memref<4x80x128xf32, #tpu.memory_space<vmem>> -> memref<1x32x128xf32, #tpu.memory_space<vmem>>
      %dma_wait3A_255 = tpu.memref_squeeze %dma_wait3A_254 : memref<1x32x128xf32, #tpu.memory_space<vmem>> -> memref<32x128xf32, #tpu.memory_space<vmem>>
      %dma_wait3A_256 = arith.constant 0 : i32
      %dma_wait3A_257 = tpu.memref_slice %arg12[%mul3A_111, %dma_wait3A_256] : memref<512x128xf32, #tpu.memory_space<vmem_shared>> -> memref<32x128xf32, #tpu.memory_space<vmem_shared>>
      %dma_wait3A_258 = arith.constant 0 : i32
      %dma_wait3A_259 = arith.constant 0 : i32
      %dma_wait3A_260 = tpu.memref_slice %arg7[%run_scoped3A, %dma_wait3A_258, %dma_wait3A_259] : memref<4x80x128xf32, #tpu.memory_space<vmem>> -> memref<1x32x128xf32, #tpu.memory_space<vmem>>
      %dma_wait3A_261 = tpu.memref_squeeze %dma_wait3A_260 : memref<1x32x128xf32, #tpu.memory_space<vmem>> -> memref<32x128xf32, #tpu.memory_space<vmem>>
      %dma_wait3A_262 = arith.constant 0 : i32
      %dma_wait3A_263 = tpu.memref_slice %arg12[%mul3A_111, %dma_wait3A_262] : memref<512x128xf32, #tpu.memory_space<vmem_shared>> -> memref<32x128xf32, #tpu.memory_space<vmem_shared>>
      tpu.wait_dma2 semaphore(%run_scoped3A_239 : memref<!tpu.dma_semaphore, #tpu.memory_space<semaphore_mem>>) src(%dma_wait3A_263 : memref<32x128xf32, #tpu.memory_space<vmem_shared>>) dst(%dma_wait3A_261 : memref<32x128xf32, #tpu.memory_space<vmem>>)
      tpu.yield
    }) : () -> ()
    %run_scoped3A_238 = arith.constant 0 : i32
    "tpu.region"() ({
      %run_scoped3A_239 = tpu.sem_alloc : memref<!tpu.dma_semaphore, #tpu.memory_space<semaphore_mem>>
      %dma_start3A_240 = arith.constant 0 : i32
      %dma_start3A_241 = arith.constant 0 : i32
      %dma_start3A_242 = tpu.memref_slice %arg7[%run_scoped3A_238, %dma_start3A_240, %dma_start3A_241] : memref<4x80x128xf32, #tpu.memory_space<vmem>> -> memref<1x32x128xf32, #tpu.memory_space<vmem>>
      %dma_start3A_243 = tpu.memref_squeeze %dma_start3A_242 : memref<1x32x128xf32, #tpu.memory_space<vmem>> -> memref<32x128xf32, #tpu.memory_space<vmem>>
      %dma_start3A_244 = arith.constant 0 : i32
      %dma_start3A_245 = tpu.memref_slice %arg5[%arg0, %mul3A_111, %dma_start3A_244] : memref<2x512x128xf32, #tpu.memory_space<hbm>> -> memref<1x32x128xf32, #tpu.memory_space<hbm>>
      %dma_start3A_246 = tpu.memref_squeeze %dma_start3A_245 : memref<1x32x128xf32, #tpu.memory_space<hbm>> -> memref<32x128xf32, #tpu.memory_space<hbm>>
      %dma_start3A_247 = arith.constant 0 : i32
      %dma_start3A_248 = tpu.memref_slice %arg5[%arg0, %mul3A_111, %dma_start3A_247] : memref<2x512x128xf32, #tpu.memory_space<hbm>> -> memref<1x32x128xf32, #tpu.memory_space<hbm>>
      %dma_start3A_249 = tpu.memref_squeeze %dma_start3A_248 : memref<1x32x128xf32, #tpu.memory_space<hbm>> -> memref<32x128xf32, #tpu.memory_space<hbm>>
      %dma_start3A_250 = arith.constant 0 : i32
      %dma_start3A_251 = arith.constant 0 : i32
      %dma_start3A_252 = tpu.memref_slice %arg7[%run_scoped3A_238, %dma_start3A_250, %dma_start3A_251] : memref<4x80x128xf32, #tpu.memory_space<vmem>> -> memref<1x32x128xf32, #tpu.memory_space<vmem>>
      %dma_start3A_253 = tpu.memref_squeeze %dma_start3A_252 : memref<1x32x128xf32, #tpu.memory_space<vmem>> -> memref<32x128xf32, #tpu.memory_space<vmem>>
      tpu.enqueue_dma source(%dma_start3A_253 : memref<32x128xf32, #tpu.memory_space<vmem>>) target(%dma_start3A_249 : memref<32x128xf32, #tpu.memory_space<hbm>>) target_semaphore(%run_scoped3A_239 : memref<!tpu.dma_semaphore, #tpu.memory_space<semaphore_mem>>)
      %dma_wait3A_254 = arith.constant 0 : i32
      %dma_wait3A_255 = arith.constant 0 : i32
      %dma_wait3A_256 = tpu.memref_slice %arg7[%run_scoped3A_238, %dma_wait3A_254, %dma_wait3A_255] : memref<4x80x128xf32, #tpu.memory_space<vmem>> -> memref<1x32x128xf32, #tpu.memory_space<vmem>>
      %dma_wait3A_257 = tpu.memref_squeeze %dma_wait3A_256 : memref<1x32x128xf32, #tpu.memory_space<vmem>> -> memref<32x128xf32, #tpu.memory_space<vmem>>
      %dma_wait3A_258 = arith.constant 0 : i32
      %dma_wait3A_259 = tpu.memref_slice %arg5[%arg0, %mul3A_111, %dma_wait3A_258] : memref<2x512x128xf32, #tpu.memory_space<hbm>> -> memref<1x32x128xf32, #tpu.memory_space<hbm>>
      %dma_wait3A_260 = tpu.memref_squeeze %dma_wait3A_259 : memref<1x32x128xf32, #tpu.memory_space<hbm>> -> memref<32x128xf32, #tpu.memory_space<hbm>>
      %dma_wait3A_261 = arith.constant 0 : i32
      %dma_wait3A_262 = tpu.memref_slice %arg5[%arg0, %mul3A_111, %dma_wait3A_261] : memref<2x512x128xf32, #tpu.memory_space<hbm>> -> memref<1x32x128xf32, #tpu.memory_space<hbm>>
      %dma_wait3A_263 = tpu.memref_squeeze %dma_wait3A_262 : memref<1x32x128xf32, #tpu.memory_space<hbm>> -> memref<32x128xf32, #tpu.memory_space<hbm>>
      %dma_wait3A_264 = arith.constant 0 : i32
      %dma_wait3A_265 = arith.constant 0 : i32
      %dma_wait3A_266 = tpu.memref_slice %arg7[%run_scoped3A_238, %dma_wait3A_264, %dma_wait3A_265] : memref<4x80x128xf32, #tpu.memory_space<vmem>> -> memref<1x32x128xf32, #tpu.memory_space<vmem>>
      %dma_wait3A_267 = tpu.memref_squeeze %dma_wait3A_266 : memref<1x32x128xf32, #tpu.memory_space<vmem>> -> memref<32x128xf32, #tpu.memory_space<vmem>>
      tpu.wait_dma2 semaphore(%run_scoped3A_239 : memref<!tpu.dma_semaphore, #tpu.memory_space<semaphore_mem>>) src(%dma_wait3A_267 : memref<32x128xf32, #tpu.memory_space<vmem>>) dst(%dma_wait3A_263 : memref<32x128xf32, #tpu.memory_space<hbm>>)
      tpu.yield
    }) : () -> ()
    return
  }
}

module attributes {stable_mosaic.version = 14 : i64} {
  func.func @_fin_body(%arg0: memref<2x512x128xf32, #tpu.memory_space<vmem>>, %arg1: memref<32x512xi32, #tpu.memory_space<vmem>>, %arg2: memref<1x1xf32, #tpu.memory_space<vmem>>) attributes {dimension_semantics = [], scalar_prefetch = 0 : i64, scratch_operands = 0 : i64, tpu.core_type = #tpu.core_type<tc>} {
    %get3A = arith.constant 0 : index
    %get3A_0 = arith.constant 0 : index
    %get3A_1 = arith.constant 0 : index
    %get3A_2 = vector.load %arg0[%get3A, %get3A_0, %get3A_1] : memref<2x512x128xf32, #tpu.memory_space<vmem>>, vector<1x512x128xf32>
    %get3A_3 = vector.shape_cast %get3A_2 : vector<1x512x128xf32> to vector<512x128xf32>
    %get3A_4 = arith.constant 1 : index
    %get3A_5 = arith.constant 0 : index
    %get3A_6 = arith.constant 0 : index
    %get3A_7 = vector.load %arg0[%get3A_4, %get3A_5, %get3A_6] : memref<2x512x128xf32, #tpu.memory_space<vmem>>, vector<1x512x128xf32>
    %get3A_8 = vector.shape_cast %get3A_7 : vector<1x512x128xf32> to vector<512x128xf32>
    %add3A = arith.addf %get3A_3, %get3A_8 : vector<512x128xf32>
    %mul3A = arith.mulf %add3A, %add3A : vector<512x128xf32>
    %reduce_sum3A = arith.constant dense<0.000000e+00> : vector<512xf32>
    %reduce_sum3A_9 = vector.multi_reduction <add>, %mul3A, %reduce_sum3A [1] : vector<512x128xf32> to vector<512xf32>
    %broadcast_in_dim3A = vector.shape_cast %reduce_sum3A_9 : vector<512xf32> to vector<512x1xf32>
    %get3A_10 = arith.constant 0 : index
    %get3A_11 = arith.constant 0 : index
    %get3A_12 = vector.load %arg1[%get3A_10, %get3A_11] : memref<32x512xi32, #tpu.memory_space<vmem>>, vector<32x512xi32>
    %slice3A = vector.extract_strided_slice %get3A_12 {offsets = [0, 1], sizes = [32, 511], strides = [1, 1]} : vector<32x512xi32> to vector<32x511xi32>
    %broadcast_in_dim3A_13 = arith.constant 10000 : i32
    %broadcast_in_dim3A_14 = vector.broadcast %broadcast_in_dim3A_13 : i32 to vector<32x1xi32>
    %concatenate3A = tpu.concatenate %slice3A, %broadcast_in_dim3A_14 in 1 : vector<32x511xi32>, vector<32x1xi32> -> vector<32x512xi32>
    %broadcast_in_dim3A_15 = arith.constant 10000 : i32
    %broadcast_in_dim3A_16 = vector.broadcast %broadcast_in_dim3A_15 : i32 to vector<32x1xi32>
    %slice3A_17 = vector.extract_strided_slice %concatenate3A {offsets = [0, 1], sizes = [32, 511], strides = [1, 1]} : vector<32x512xi32> to vector<32x511xi32>
    %concatenate3A_18 = tpu.concatenate %slice3A_17, %broadcast_in_dim3A_16 in 1 : vector<32x511xi32>, vector<32x1xi32> -> vector<32x512xi32>
    %min3A = arith.minsi %concatenate3A, %concatenate3A_18 : vector<32x512xi32>
    %broadcast_in_dim3A_19 = arith.constant 10000 : i32
    %broadcast_in_dim3A_20 = vector.broadcast %broadcast_in_dim3A_19 : i32 to vector<32x2xi32>
    %slice3A_21 = vector.extract_strided_slice %min3A {offsets = [0, 2], sizes = [32, 510], strides = [1, 1]} : vector<32x512xi32> to vector<32x510xi32>
    %concatenate3A_22 = tpu.concatenate %slice3A_21, %broadcast_in_dim3A_20 in 1 : vector<32x510xi32>, vector<32x2xi32> -> vector<32x512xi32>
    %min3A_23 = arith.minsi %min3A, %concatenate3A_22 : vector<32x512xi32>
    %broadcast_in_dim3A_24 = arith.constant 10000 : i32
    %broadcast_in_dim3A_25 = vector.broadcast %broadcast_in_dim3A_24 : i32 to vector<32x4xi32>
    %slice3A_26 = vector.extract_strided_slice %min3A_23 {offsets = [0, 4], sizes = [32, 508], strides = [1, 1]} : vector<32x512xi32> to vector<32x508xi32>
    %concatenate3A_27 = tpu.concatenate %slice3A_26, %broadcast_in_dim3A_25 in 1 : vector<32x508xi32>, vector<32x4xi32> -> vector<32x512xi32>
    %min3A_28 = arith.minsi %min3A_23, %concatenate3A_27 : vector<32x512xi32>
    %broadcast_in_dim3A_29 = arith.constant 10000 : i32
    %broadcast_in_dim3A_30 = vector.broadcast %broadcast_in_dim3A_29 : i32 to vector<32x8xi32>
    %slice3A_31 = vector.extract_strided_slice %min3A_28 {offsets = [0, 8], sizes = [32, 504], strides = [1, 1]} : vector<32x512xi32> to vector<32x504xi32>
    %concatenate3A_32 = tpu.concatenate %slice3A_31, %broadcast_in_dim3A_30 in 1 : vector<32x504xi32>, vector<32x8xi32> -> vector<32x512xi32>
    %min3A_33 = arith.minsi %min3A_28, %concatenate3A_32 : vector<32x512xi32>
    %broadcast_in_dim3A_34 = arith.constant 10000 : i32
    %broadcast_in_dim3A_35 = vector.broadcast %broadcast_in_dim3A_34 : i32 to vector<32x16xi32>
    %slice3A_36 = vector.extract_strided_slice %min3A_33 {offsets = [0, 16], sizes = [32, 496], strides = [1, 1]} : vector<32x512xi32> to vector<32x496xi32>
    %concatenate3A_37 = tpu.concatenate %slice3A_36, %broadcast_in_dim3A_35 in 1 : vector<32x496xi32>, vector<32x16xi32> -> vector<32x512xi32>
    %min3A_38 = arith.minsi %min3A_33, %concatenate3A_37 : vector<32x512xi32>
    %broadcast_in_dim3A_39 = arith.constant 10000 : i32
    %broadcast_in_dim3A_40 = vector.broadcast %broadcast_in_dim3A_39 : i32 to vector<32x32xi32>
    %slice3A_41 = vector.extract_strided_slice %min3A_38 {offsets = [0, 32], sizes = [32, 480], strides = [1, 1]} : vector<32x512xi32> to vector<32x480xi32>
    %concatenate3A_42 = tpu.concatenate %slice3A_41, %broadcast_in_dim3A_40 in 1 : vector<32x480xi32>, vector<32x32xi32> -> vector<32x512xi32>
    %min3A_43 = arith.minsi %min3A_38, %concatenate3A_42 : vector<32x512xi32>
    %broadcast_in_dim3A_44 = arith.constant 10000 : i32
    %broadcast_in_dim3A_45 = vector.broadcast %broadcast_in_dim3A_44 : i32 to vector<32x64xi32>
    %slice3A_46 = vector.extract_strided_slice %min3A_43 {offsets = [0, 64], sizes = [32, 448], strides = [1, 1]} : vector<32x512xi32> to vector<32x448xi32>
    %concatenate3A_47 = tpu.concatenate %slice3A_46, %broadcast_in_dim3A_45 in 1 : vector<32x448xi32>, vector<32x64xi32> -> vector<32x512xi32>
    %min3A_48 = arith.minsi %min3A_43, %concatenate3A_47 : vector<32x512xi32>
    %broadcast_in_dim3A_49 = arith.constant 10000 : i32
    %broadcast_in_dim3A_50 = vector.broadcast %broadcast_in_dim3A_49 : i32 to vector<32x128xi32>
    %slice3A_51 = vector.extract_strided_slice %min3A_48 {offsets = [0, 128], sizes = [32, 384], strides = [1, 1]} : vector<32x512xi32> to vector<32x384xi32>
    %concatenate3A_52 = tpu.concatenate %slice3A_51, %broadcast_in_dim3A_50 in 1 : vector<32x384xi32>, vector<32x128xi32> -> vector<32x512xi32>
    %min3A_53 = arith.minsi %min3A_48, %concatenate3A_52 : vector<32x512xi32>
    %broadcast_in_dim3A_54 = arith.constant 10000 : i32
    %broadcast_in_dim3A_55 = vector.broadcast %broadcast_in_dim3A_54 : i32 to vector<32x256xi32>
    %slice3A_56 = vector.extract_strided_slice %min3A_53 {offsets = [0, 256], sizes = [32, 256], strides = [1, 1]} : vector<32x512xi32> to vector<32x256xi32>
    %concatenate3A_57 = tpu.concatenate %slice3A_56, %broadcast_in_dim3A_55 in 1 : vector<32x256xi32>, vector<32x256xi32> -> vector<32x512xi32>
    %min3A_58 = arith.minsi %min3A_53, %concatenate3A_57 : vector<32x512xi32>
    %lt3A = arith.constant 10000 : i32
    %lt3A_59 = vector.broadcast %lt3A : i32 to vector<32x512xi32>
    %lt3A_60 = arith.cmpi slt, %get3A_12, %lt3A_59 : vector<32x512xi32>
    %sub3A = arith.subi %min3A_58, %get3A_12 : vector<32x512xi32>
    %jit3A = arith.constant 0 : i32
    %broadcast_in_dim3A_61 = vector.broadcast %jit3A : i32 to vector<32x512xi32>
    %select_n3A = arith.select %lt3A_60, %sub3A, %broadcast_in_dim3A_61 : vector<32x512xi1>, vector<32x512xi32>
    %convert_element_type3A = arith.sitofp %select_n3A : vector<32x512xi32> to vector<32x512xf32>
    %reduce_sum3A_62 = arith.constant dense<0.000000e+00> : vector<512xf32>
    %reduce_sum3A_63 = vector.multi_reduction <add>, %convert_element_type3A, %reduce_sum3A_62 [0] : vector<32x512xf32> to vector<512xf32>
    %broadcast_in_dim3A_64 = vector.shape_cast %reduce_sum3A_63 : vector<512xf32> to vector<512x1xf32>
    %gt3A = arith.constant 0.000000e+00 : f32
    %gt3A_65 = vector.broadcast %gt3A : f32 to vector<512x1xf32>
    %gt3A_66 = arith.cmpf ogt, %broadcast_in_dim3A_64, %gt3A_65 : vector<512x1xf32>
    %max3A = arith.constant 1.000000e+00 : f32
    %max3A_67 = vector.broadcast %max3A : f32 to vector<512x1xf32>
    %max3A_68 = arith.maximumf %broadcast_in_dim3A_64, %max3A_67 : vector<512x1xf32>
    %jit3A_69 = arith.constant 1.000000e+00 : f32
    %broadcast_in_dim3A_70 = vector.broadcast %jit3A_69 : f32 to vector<512x1xf32>
    %select_n3A_71 = arith.select %gt3A_66, %broadcast_in_dim3A, %broadcast_in_dim3A_70 : vector<512x1xi1>, vector<512x1xf32>
    %sqrt3A = math.sqrt %select_n3A_71 : vector<512x1xf32>
    %div3A = arith.divf %sqrt3A, %max3A_68 : vector<512x1xf32>
    %jit3A_72 = arith.constant 0.000000e+00 : f32
    %broadcast_in_dim3A_73 = vector.broadcast %jit3A_72 : f32 to vector<512x1xf32>
    %select_n3A_74 = arith.select %gt3A_66, %div3A, %broadcast_in_dim3A_73 : vector<512x1xi1>, vector<512x1xf32>
    %reduce_sum3A_75 = vector.shape_cast %select_n3A_74 : vector<512x1xf32> to vector<1x512x1xf32>
    %reduce_sum3A_76 = arith.constant dense<0.000000e+00> : vector<1xf32>
    %reduce_sum3A_77 = vector.multi_reduction <add>, %reduce_sum3A_75, %reduce_sum3A_76 [1, 2] : vector<1x512x1xf32> to vector<1xf32>
    %reduce_sum3A_78 = vector.shape_cast %reduce_sum3A_77 : vector<1xf32> to vector<1x1x1xf32>
    %reduce_sum3A_79 = vector.extract %reduce_sum3A_78[0, 0, 0] : f32 from vector<1x1x1xf32>
    %jit3A_80 = arith.constant 1.000000e+00 : f32
    %jit3A_81 = arith.constant 0.000000e+00 : f32
    %broadcast_in_dim3A_82 = vector.broadcast %jit3A_80 : f32 to vector<512x1xf32>
    %broadcast_in_dim3A_83 = vector.broadcast %jit3A_81 : f32 to vector<512x1xf32>
    %select_n3A_84 = arith.select %gt3A_66, %broadcast_in_dim3A_82, %broadcast_in_dim3A_83 : vector<512x1xi1>, vector<512x1xf32>
    %reduce_sum3A_85 = vector.shape_cast %select_n3A_84 : vector<512x1xf32> to vector<1x512x1xf32>
    %reduce_sum3A_86 = arith.constant dense<0.000000e+00> : vector<1xf32>
    %reduce_sum3A_87 = vector.multi_reduction <add>, %reduce_sum3A_85, %reduce_sum3A_86 [1, 2] : vector<1x512x1xf32> to vector<1xf32>
    %reduce_sum3A_88 = vector.shape_cast %reduce_sum3A_87 : vector<1xf32> to vector<1x1x1xf32>
    %reduce_sum3A_89 = vector.extract %reduce_sum3A_88[0, 0, 0] : f32 from vector<1x1x1xf32>
    %max3A_90 = arith.constant 1.000000e+00 : f32
    %max3A_91 = arith.maximumf %reduce_sum3A_89, %max3A_90 : f32
    %div3A_92 = arith.divf %reduce_sum3A_79, %max3A_91 : f32
    %mul3A_93 = arith.constant 3.000000e-01 : f32
    %mul3A_94 = arith.mulf %mul3A_93, %div3A_92 : f32
    %broadcast_in_dim3A_95 = vector.broadcast %mul3A_94 : f32 to vector<1x1xf32>
    %swap3A = arith.constant 0 : index
    %swap3A_96 = arith.constant 0 : index
    %swap3A_97 = vector.load %arg2[%swap3A, %swap3A_96] : memref<1x1xf32, #tpu.memory_space<vmem>>, vector<1x1xf32>
    tpu.vector_store %arg2[%swap3A, %swap3A_96], %broadcast_in_dim3A_95 {strides = array<i32>} : memref<1x1xf32, #tpu.memory_space<vmem>>, vector<1x1xf32>,
    return
  }
}

</mosaic_0001>

<sc_bundles>
// kernel: kernel.4.cloned.1.call-start
scs
__scs_entry_jumppad:
0x0: {  	(pc) =	sbr.rel $0x88, $3  }
0x1: {  	(tag) =	ssettag $0x0;
	lr =	simm.s32 $0x1  }
0x2: {  	[smem:$0x3F9E] =	sst lr;
	_ =	strace $0xD0000000  }
0x3: {  	_ = 	snop  }
0x4: {  	_ = 	snop  }
0x5: {  	_ = 	snop  }
0x6: {  	_ = 	snop  }
0x7: {  	_ = 	snop  }
__scs_overlays_trampoline_lowered:
0x8: {  	[smem:$0x3FAD] =	sst s0  }
0x9: {  	[smem:$0x3FAE] =	sst s1  }
0xa: {  	[smem:$0x3FAF] =	sst s2  }
0xb: {  	[smem:$0x3FB0] =	sst s3  }
0xc: {  	[smem:$0x3FB1] =	sst s4  }
0xd: {  	[smem:$0x3FB2] =	sst s5  }
0xe: {  	[smem:$0x3FB3] =	sst s6  }
0xf: {  	[smem:$0x3FB4] =	sst s7  }
0x10: {  	[smem:$0x3FB5] =	sst s8  }
0x11: {  	[smem:$0x3FB6] =	sst s9;
	s0 =	simm.s32 @!p0 $0x0  }
0x12: {  	s1 =	sld [smem:$0x3F9C];
	s0 =	simm.s32 @p0 $0x1  }
0x13: {  	[smem:$0x3FB7] =	sst s0;
	s0 =	simm.s32 @!p1 $0x0  }
0x14: {  	s2 =	sld [smem:$0x3F9B];
	s0 =	simm.s32 @p1 $0x1  }
0x15: {  	[smem:$0x3FB8] =	sst s0;
	s0 =	simm.s32 @!p2 $0x0  }
0x16: {  	s3 =	sld [smem:$0x3FDB];
	s0 =	simm.s32 @p2 $0x1  }
0x17: {  	s4 =	simm.s32 $0x1BF5;
	[smem:$0x3FBA] =	sst s0  }
0x18: {  	s0 =	sld [smem:$0x3F9D];
	_ =	swait.ge [sflag:s4], $0x0  }
0x19: {  	s7 =	sld [smem:$0x3F9E]  }
0x1a: {  	s8 =	sadd.s32 $0xFFFFE003, lr  }
0x1b: {  	s9 =	sadd.s32 $0xFFFFFEF7, lr;
	s5 =	simm.s32 $0xFFFFFFFF;
	p2 =	slt.u32 s8, $0xFFFFF086  }
0x1c: {  	p1 =	slt.u32 s9, $0xF7A;
	s5 =	simm.s32 @!p2 $0x0  }
0x1d: {  	s5 =	simm.s32 @p1 $0x1;
	p0 =	seq.s32 s7, s2  }
0x1e: {  	s7 =	smul.u32 @!p0 $0xF7A, s2;
	p2 =	seq.s32 @!p0 s5, $0x0  }
0x1f: {  	s9 =	smul.u32 $0xF7A, s1;
	s8 =	simm.s32 @!p0 $0x1BF5;
	p2 =	por !p2, p0  }
0x20: {  	[sflag:s8] =	ssyncset.s32 @!p0 $0xFFFFF086;
	s6 =	sadd.s32 @!p0 s3, s7;
	s7 =	simm.s32 @!p0 $0x108  }
0x21: {  	s3 =	sadd.s32 s3, s9;
	s6 =	sadd.s32 @!p0 $0x88, s6;
	s7 =	simm.s32 @p2 $0x1082  }
0x22: {  	[simem:s7], [sflag:s8] =	dma.local @!p0 [hbm:s6], $0xF7A  }
0x23: {  	s9 =	sor.u32 $0xD0000000, s2;
	s6 =	simm.s32 $0x108;
	_ =	swait.ge @!p0 [sflag:s8], $0x0  }
0x24: {  	s3 =	sadd.s32 $0x88, s3;
	s6 =	simm.s32 @!p1 $0x1082;
	[sflag:s4] =	ssyncset.s32 $0xFFFFF086  }
0x25: {  	[simem:s6], [sflag:s4] =	dma.local [hbm:s3], $0xF7A  }
0x26: {  	[smem:$0x3F9E] =	sst s1;
	(tag) =	ssettag s2;
	_ =	strace s9  }
0x27: {  	s1 =	sld [smem:$0x3FAE]  }
0x28: {  	s2 =	sld [smem:$0x3FAF]  }
0x29: {  	s4 =	sld [smem:$0x3FB1]  }
0x2a: {  	p0 =	seq.s32 s5, $0x0;
	s5 =	sld [smem:$0x3FB2]  }
0x2b: {  	s6 =	sld [smem:$0x3FB3]  }
0x2c: {  	s7 =	sld [smem:$0x3FB4]  }
0x2d: {  	s3 =	simm.s32 $0x108;
	s8 =	sld [smem:$0x3FB5]  }
0x2e: {  	s3 =	simm.s32 @!p0 $0x1082;
	s9 =	sld [smem:$0x3FB6]  }
0x2f: {  	lr =	sadd.s32 s0, s3;
	s0 =	sld [smem:$0x3FAD]  }
0x30: {  	s3 =	sld [smem:$0x3FB0]  }
0x31: {  	[smem:$0x3FB9] =	sst s10  }
0x32: {  	s10 =	sld [smem:$0x3FB7];
	_ =	sdelay $0x3  }
0x33: {  	p0 =	seq.s32 s10, $0x1;
	s10 =	sld [smem:$0x3FB9];
	_ =	sdelay $0x3  }
0x34: {  	[smem:$0x3FB9] =	sst s10  }
0x35: {  	s10 =	sld [smem:$0x3FB8];
	_ =	sdelay $0x3  }
0x36: {  	p1 =	seq.s32 s10, $0x1;
	s10 =	sld [smem:$0x3FB9];
	_ =	sdelay $0x3  }
0x37: {  	[smem:$0x3FB9] =	sst s10  }
0x38: {  	s10 =	sld [smem:$0x3FBA]  }
0x39: {  	_ = 	snop;
	(pc) =	sbr.ind lr, $3  }
0x3a: {  	_ = 	snop  }
0x3b: {  	_ = 	snop  }
0x3c: {  	p2 =	seq.s32 s10, $0x1;
	s10 =	sld [smem:$0x3FB9]  }
0x3d: {  	_ =	shalt  }
0x3e: {  	_ =	shalt  }
0x3f: {  	_ =	shalt  }
0x40: {  	_ =	shalt  }
0x41: {  	_ =	shalt  }
0x42: {  	_ =	shalt  }
0x43: {  	_ =	shalt  }
0x44: {  	_ =	shalt  }
0x45: {  	_ =	shalt  }
0x46: {  	_ =	shalt  }
0x47: {  	_ =	shalt  }
0x48: {  	_ =	shalt  }
0x49: {  	_ =	shalt  }
0x4a: {  	_ =	shalt  }
0x4b: {  	_ =	shalt  }
0x4c: {  	_ =	shalt  }
0x4d: {  	_ =	shalt  }
0x4e: {  	_ =	shalt  }
0x4f: {  	_ =	shalt  }
0x50: {  	_ =	shalt  }
0x51: {  	_ =	shalt  }
0x52: {  	_ =	shalt  }
0x53: {  	_ =	shalt  }
0x54: {  	_ =	shalt  }
0x55: {  	_ =	shalt  }
0x56: {  	_ =	shalt  }
0x57: {  	_ =	shalt  }
0x58: {  	_ =	shalt  }
0x59: {  	_ =	shalt  }
0x5a: {  	_ =	shalt  }
0x5b: {  	_ =	shalt  }
0x5c: {  	_ =	shalt  }
0x5d: {  	_ =	shalt  }
0x5e: {  	_ =	shalt  }
0x5f: {  	_ =	shalt  }
0x60: {  	_ =	shalt  }
0x61: {  	_ =	shalt  }
0x62: {  	_ =	shalt  }
0x63: {  	_ =	shalt  }
0x64: {  	_ =	shalt  }
0x65: {  	_ =	shalt  }
0x66: {  	_ =	shalt  }
0x67: {  	_ =	shalt  }
0x68: {  	_ =	shalt  }
0x69: {  	_ =	shalt  }
0x6a: {  	_ =	shalt  }
0x6b: {  	_ =	shalt  }
0x6c: {  	_ =	shalt  }
0x6d: {  	_ =	shalt  }
0x6e: {  	_ =	shalt  }
0x6f: {  	_ =	shalt  }
0x70: {  	_ =	shalt  }
0x71: {  	_ =	shalt  }
0x72: {  	_ =	shalt  }
0x73: {  	_ =	shalt  }
0x74: {  	_ =	shalt  }
0x75: {  	_ =	shalt  }
0x76: {  	_ =	shalt  }
0x77: {  	_ =	shalt  }
0x78: {  	_ =	shalt  }
0x79: {  	_ =	shalt  }
0x7a: {  	_ =	shalt  }
0x7b: {  	_ =	shalt  }
0x7c: {  	_ =	shalt  }
0x7d: {  	_ =	shalt  }
0x7e: {  	_ =	shalt  }
0x7f: {  	_ =	shalt  }
0x80: {  	_ =	shalt  }
0x81: {  	_ =	shalt  }
0x82: {  	_ =	shalt  }
0x83: {  	_ =	shalt  }
0x84: {  	_ =	shalt  }
0x85: {  	_ =	shalt  }
0x86: {  	_ =	shalt  }
0x87: {  	_ =	shalt  }
.Lfunc_end0:
.L_simem_size_0:
called_computation_lowered:
.L_overlay_start_0:
0x88: {  	s2 =	sld [smem:$0x3FD9]  }
0x89: {  	s3 =	sld [smem:$0x3FFE];
	_ =	sdelay $0x1  }
0x8a: {  	s1 =	srdreg.scid  }
0x8b: {  	s0 =	sand.u32 $0x1, s1  }
0x8c: {  	s17 =	sshll.u32 s0, $0xA;
	s2 =	sadd.s32 s3, s2  }
0x8d: {  	s2 =	sadd.s32 s2, s17  }
0x8e: {  	[smem:$0x3FC5] =	sst s2  }
0x8f: {  	_ = 	snop  }
0x90: {  	s2 =	sld [smem:$0x3FC9]  }
0x91: {  	s18 =	sld [smem:$0x3FC8]  }
0x92: {  	s4 =	sld [smem:$0x3FC7];
	(tm) =	ssettm $0x1  }
0x93: {  	s5 =	sld [smem:$0x3FFB];
	_ =	sdelay $0x3  }
0x94: {  	_ =	strace s5  }
0x95: {  	s5 =	sld [smem:$0x3FFC];
	_ =	sdelay $0x3  }
0x96: {  	_ =	strace s5  }
0x97: {  	s5 =	sld [smem:$0x3FFD];
	_ =	sdelay $0x3  }
0x98: {  	_ =	strace s5  }
0x99: {  	_ =	strace $0x8FFFFFFF  }
0x9a: {  	s19 =	sld [smem:$0x3FDB];
	_ =	sdelay $0x1  }
0x9b: {  	s6 =	simm.s32 $_scs_section_size  }
0x9c: {  	s7 =	simm.s32 $_size__tile_overlayer_lowered;
	s8 =	simm.s32 $_tile_overlayer_lowered  }
0x9d: {  	s22 =	simm.s32 $0x1BFF;
	s21 =	sshll.u32 s8, $0x1;
	s5 =	sadd.s32 s6, s19  }
0x9e: {  	s9 =	simm.s32 $0x0;
	s20 =	sshll.u32 s7, $0x1;
	s7 =	sadd.s32 s21, s5  }
0x9f: {  	[timem:s9], [sflag:s22] =	dma.local [hbm:s7], s20  }
0xa0: {  	_ =	swait.ge [sflag:s22], s20  }
0xa1: {  	s6 =	ssub.s32 $0x0, s20;
	[sflag:s22] =	ssyncset.done $0x0  }
0xa2: {  	[sflag:s22] =	ssyncadd.s32 s6;
	_ =	sdelay $0x1  }
0xa3: {  	s23 =	simm.s32 $0x1B8B  }
0xa4: {  	_ =	swait.ge [sflag:s23], $0x1  }
0xa5: {  	[sflag:s23] =	ssyncset.done $0x0  }
0xa6: {  	s25 =	simm.s32 $0x1B8E;
	s24 =	sld [smem:$0x3FFE];
	[sflag:s23] =	ssyncadd.s32 $0xFFFFFFFF  }
0xa7: {  	s26 =	simm.s32 $execute0_lowered;
	[smem:$0x3FD2] =	sst s25  }
0xa8: {  	s7 =	sshll.u32 s26, $0x1;
	_ =	strace $0x80000046;
	[dreg:$0x1] =	wrdreg $0xFFFFFFFF  }
0xa9: {  	s28 =	simm.s32 $_size_execute0_lowered;
	s5 =	sadd.s32 s5, s7;
	[dreg:$0x0] =	wrdreg $0x0  }
0xaa: {  	s7 =	sshll.u32 s28, $0x1;
	[dreg:$0x2] =	wrdreg s5  }
0xab: {  	[dreg:$0x3] =	wrdreg s7  }
0xac: {  	[dreg:$0x4] =	wrdreg $0xC0  }
0xad: {  	_ =	task [dreg:s9], $0x5FFFF  }
0xae: {  	[dreg:$0x1] =	wrdreg $0xFFFFFFFF  }
0xaf: {  	[dreg:$0x0] =	wrdreg $0x60  }
0xb0: {  	[dreg:$0x2] =	wrdreg s2  }
0xb1: {  	[dreg:$0x3] =	wrdreg s18  }
0xb2: {  	[dreg:$0x4] =	wrdreg s4  }
0xb3: {  	[dreg:$0x5] =	wrdreg s24  }
0xb4: {  	[dreg:$0x6] =	wrdreg $0x154000  }
0xb5: {  	[dreg:$0x7] =	wrdreg $0x9  }
0xb6: {  	_ =	task.clear_ibuf [dreg:s9], $0x8FFFF;
	_ =	strace $0x90000046  }
0xb7: {  	s29 =	simm.s32 $0x9;
	_ =	strace $0x80000048  }
0xb8: {  	_ =	swait.ge [sflag:s29], $0x1  }
0xb9: {  	[sflag:s29] =	ssyncadd.s32 $0xFFFFFFFF  }
0xba: {  	_ =	strace $0x90000048  }
0xbb: {  	_ =	sfence  }
0xbc: {  	s30 =	sld [smem:$0x0];
	_ =	sdelay $0x2  }
0xbd: {  	s31 =	sshll.u32 s1, $0xD;
	s1 =	sshrl.u32 s1, $0x2  }
0xbe: {  	s3 =	sand.u32 $0x4000, s31;
	s1 =	sadd.s32 s1, s30  }
0xbf: {  	s0 =	sor.u32 s3, s0;
	s1 =	sshll.u32 s1, $0x11  }
0xc0: {  	s0 =	sor.u32 s1, s0  }
0xc1: {  	s0 =	sadd.s32 $0x8F2B, s0  }
0xc2: {  	[sflag:s0] =	ssyncadd.remote.s32 $0x1  }
0xc3: {  	_ =	sfence.sel $0xFFFF  }
0xc4: {  	[dreg:$0x0] =	wrdreg $0xFFFFFFFF;
	(pc) =	sbr.abs _section_cstart, $3  }
0xc5: {  	[dreg:$0x1] =	wrdreg $0xFFFFFFFF  }
0xc6: {  	_ =	task.clear_ibuf [dreg:s9], $0x2FFFF;
	_ =	strace $0x9FFFFFFF  }
0xc7: {  	(tm) =	ssettm $0x7FFFFFFF  }
tec
execute0_lowered:
.L_overlay_start_1:
0x0: {  	(tag) =	ssettag $0x1  }
0x1: {  	s1 =	rddreg [dreg:$0x0]  }
0x2: {  	s2 =	rddreg [dreg:$0x1]  }
0x3: {  	s3 =	rddreg [dreg:$0x2]  }
0x4: {  	s0 =	rddreg [dreg:$0x3]  }
0x5: {  	s5 =	rddreg [dreg:$0x4]  }
0x6: {  	s6 =	simm.s32 $0x0;
	s14 =	stileid.u32;
	s4 =	srdreg.scid  }
0x7: {  	s28 =	simm.s32 $0x1;
	s29 =	simm.s32 $0x50;
	s30 =	simm.s32 $0x14200  }
0x8: {  	s31 =	simm.s32 $0x14100;
	[smem:$0x7FF] =	sst s6;
	s4 =	sand.u32 $0x1, s4  }
0x9: {  	s7 =	sshll.u32 s14, $0x1;
	s8 =	sshll.u32 s14, $0x7;
	s10 =	sshll.u32 s14, $0x9  }
0xa: {  	s22 =	sshll.u32 s14, $0xC;
	_ =	strace $0x80000047;
	s9 =	sor.u32 s4, s7  }
0xb: {  	s8 =	sand.u32 $0x600, s8;
	s10 =	sadd.s32 s10, s0;
	s16 =	ssub.s32 $0x2, s4  }
0xc: {  	s4 =	sshll.u32 s4, $0xD;
	s7 =	smul.u32 $0x2710, s9;
	s0 =	sadd.s32 s8, s0  }
0xd: {  	s11 =	sshrl.u32 s16, $0x1;
	s13 =	smul.u32 $0x27100, s9;
	s9 =	sshll.u32 s9, $0x4  }
0xe: {  	s4 =	sadd.s32 s4, s10;
	s10 =	simm.s32 $0x0;
	s8 =	ssub.s32 s16, s11  }
0xf: {  	s16 =	sadd.s32 s22, s5;
	s9 =	sand.u32 $0x70, s9;
	s25 =	sadd.s32 $0xC00, s4  }
0x10: {  	s22 =	simm.s32 $0x14080;
	s12 =	sshrl.u32 s7, $0x3;
	s18 =	sadd.s32 $0x50, s7  }
0x11: {  	s19 =	sadd.s32 s1, s13;
	s13 =	sadd.s32 s2, s13;
	[dreg:$0x10] =	wrdreg s25  }
0x12: {  	s23 =	sadd.s32 $0x140, s7;
	s0 =	sadd.s32 s9, s0;
	[dreg:$0xc] =	wrdreg s16  }
0x13: {  	s24 =	sadd.s32 $0x190, s7;
	s26 =	smax.u32 s8, $0x1;
	[dreg:$0x7] =	wrdreg s19  }
0x14: {  	s25 =	simm.s32 $0x2;
	s8 =	simm.s32 $0x14180;
	[dreg:$0x8] =	wrdreg s13  }
0x15: {  	v0 =	vimm.s32 $0xEDCBA987;
	s9 =	simm.s32 $0x7800;
	s17 =	sadd.s32 s3, s12;
	[dreg:$0xd] =	wrdreg s23  }
0x16: {  	v1 =	vimm.s32 $0x65432100;
	v0 =	vunpack.c.l.s4.s8 v0;
	s20 =	sshrl.u32 s18, $0x3;
	s11 =	sshll.u32 s18, $0x4;
	[dreg:$0xe] =	wrdreg s24  }
0x17: {  	v1 =	vunpack.c.l.s4.s8 v1;
	s0 =	sadd.s32 $0x4C00, s0;
	[dreg:$0x11] =	wrdreg s26;
	s23 =	simm.s32 $0x2800  }
0x18: {  	v2 =	vunpack.c.0.s8.s32 v0;
	s18 =	simm.s32 $0x9;
	s13 =	simm.s32 $0x4;
	[dreg:$0x6] =	wrdreg s17  }
0x19: {  	v3 =	vunpack.c.0.s8.s32 v1;
	s12 =	sadd.s32 s3, s20;
	s21 =	sadd.s32 s1, s11;
	[dreg:$0xf] =	wrdreg s0  }
0x1a: {  	v4 =	vimm.s32 $0xF;
	v2 =	vand.u32 $0xF, v2;
	s11 =	sadd.s32 s2, s11;
	s20 =	simm.s32 $0x14000;
	[dreg:$0x9] =	wrdreg s12  }
0x1b: {  	vm0 =	vcmask $0x3F04;
	v2 =	vcombine.low v3, v2;
	v3 =	vlaneseq.u32;
	s0 =	simm.s32 $0x5000;
	s17 =	simm.s32 $0x6;
	[dreg:$0xa] =	wrdreg s21  }
0x1c: {  	v0 =	vimm.f32 $0.0e+00;
	v1 =	vimm.s32 $0x2710;
	v5 =	vor.u32 $0x26C0, v3;
	[dreg:$0xb] =	wrdreg s11;
	s11 =	simm.s32 $0x3;
	s12 =	simm.s32 $0x5  }
.LBB2_1:
0x1d: {  	[dreg:$0x12] =	wrdreg s10  }
0x1e: {  	s4 =	rddreg [dreg:$0x6]  }
0x1f: {  	s21 =	rddreg [dreg:$0x7]  }
0x20: {  	s24 =	rddreg [dreg:$0x8]  }
0x21: {  	[tilespmem:s20], [sflag:$0x1] =	stream.linear.gather [hbm4b:s4+s6], $0x50, $0x38;
	[tilespmem:$0x16400] =	vst v63  }
0x22: {  	s14 =	rddreg [dreg:$0x9]  }
0x23: {  	[tilespmem:s6], [sflag:$0x1] =	stream.linear.gather [hbm4b:s21+s6], $0x2800, $0x38;
	[tilespmem:$0x16400] =	vst v63  }
0x24: {  	s26 =	simm.s32 $0xA000;
	s15 =	rddreg [dreg:$0xa]  }
0x25: {  	[tilespmem:s26], [sflag:$0x1] =	stream.linear.gather [hbm4b:s24+s6], $0x2800, $0x38;
	[tilespmem:$0x16400] =	vst v63  }
0x26: {  	s19 =	rddreg [dreg:$0xb];
	s24 =	sand.u32 $0x3E00, s6  }
0x27: {  	[tilespmem:s22], [sflag:$0x2] =	stream.linear.gather [hbm4b:s14+s6], $0x50, $0x38;
	[tilespmem:$0x16400] =	vst v63  }
0x28: {  	s10 =	simm.s32 $0x0;
	s26 =	sand.u32 $0x70, s6;
	s14 =	sshrl.u32 s24, $0x2  }
0x29: {  	[tilespmem:s23], [sflag:$0x2] =	stream.linear.gather [hbm4b:s15+s6], $0x2800, $0x38;
	[tilespmem:$0x16400] =	vst v63  }
0x2a: {  	s4 =	simm.s32 $0x40;
	s21 =	simm.s32 $0xC800;
	s14 =	sor.u32 s26, s14  }
0x2b: {  	[tilespmem:s21], [sflag:$0x2] =	stream.linear.gather [hbm4b:s19+s6], $0x2800, $0x38;
	[tilespmem:$0x16400] =	vst v63  }
.LBB2_2:
0x2c: {  	p0 =	sne.s32 s4, $0x3FC0  }
0x2d: {  	[tilespmem:s14+$0x14400] =	vst v0;
	s10 =	sadd.s32 $0x10, s10;
	s14 =	smov.u32 s4;
	s4 =	sadd.s32 $0x40, s4  }
.Ltmp0:
0x2e: {  	(pc) =	sbr.rel @p0 .LBB2_2-.Ltmp0, $4  }
0x2f: {  	_ = 	snop  }
0x30: {  	s14 =	sand.u32 $0x3E00, s14  }
0x31: {  	s15 =	sand.u32 $0x70, s10;
	s14 =	sshrl.u32 s14, $0x2  }
0x32: {  	s14 =	sor.u32 s15, s14  }
0x33: {  	[tilespmem:s14+$0x14400] =	vst v0  }
0x34: {  	[tilespmem:$0x14200] =	vst v1  }
0x35: {  	[tilespmem:$0x14210] =	vst v1  }
0x36: {  	[tilespmem:$0x14220] =	vst v1  }
0x37: {  	[tilespmem:$0x14230] =	vst v1  }
0x38: {  	[tilespmem:$0x14240] =	vst v1  }
0x39: {  	[tilespmem:$0x14250] =	vst v1  }
0x3a: {  	[tilespmem:$0x14260] =	vst v1  }
0x3b: {  	[tilespmem:$0x14270] =	vst v1  }
0x3c: {  	[tilespmem:$0x14280] =	vst v1  }
0x3d: {  	[tilespmem:$0x14290] =	vst v1  }
0x3e: {  	[tilespmem:$0x142A0] =	vst v1  }
0x3f: {  	[tilespmem:$0x142B0] =	vst v1  }
0x40: {  	[tilespmem:$0x142C0] =	vst v1  }
0x41: {  	[tilespmem:$0x142D0] =	vst v1  }
0x42: {  	[tilespmem:$0x142E0] =	vst v1  }
0x43: {  	[tilespmem:$0x142F0] =	vst v1  }
0x44: {  	[tilespmem:$0x14300] =	vst v1  }
0x45: {  	[tilespmem:$0x14310] =	vst v1  }
0x46: {  	[tilespmem:$0x14320] =	vst v1  }
0x47: {  	[tilespmem:$0x14330] =	vst v1  }
0x48: {  	[tilespmem:$0x14340] =	vst v1  }
0x49: {  	[tilespmem:$0x14350] =	vst v1  }
0x4a: {  	[tilespmem:$0x14360] =	vst v1  }
0x4b: {  	[tilespmem:$0x14370] =	vst v1  }
0x4c: {  	[tilespmem:$0x14380] =	vst v1  }
0x4d: {  	[tilespmem:$0x14390] =	vst v1  }
0x4e: {  	[tilespmem:$0x143A0] =	vst v1  }
0x4f: {  	[tilespmem:$0x143B0] =	vst v1  }
0x50: {  	[tilespmem:$0x143C0] =	vst v1  }
0x51: {  	[tilespmem:$0x143D0] =	vst v1  }
0x52: {  	[tilespmem:$0x143E0] =	vst v1  }
0x53: {  	s4 =	simm.s32 $0x14400;
	[tilespmem:$0x143F0] =	vst v1  }
0x54: {  	[spmem:s16] =	stream.linear.scatter [tilespmem:s4], [sflag:$0x9], $0x1000, $0x38;
	[tilespmem:$0x16400] =	vst v63  }
0x55: {  	_ =	swait.ge [sflag:s18], $0x1000  }
0x56: {  	s19 =	simm.s32 $0x0;
	s14 =	simm.s32 $0x10;
	[sflag:s18] =	ssyncset.done $0x0  }
0x57: {  	s26 =	simm.s32 $0x60;
	s24 =	simm.s32 $0x100;
	[sflag:s18] =	ssyncadd.s32 $0xFFFFF000  }
0x58: {  	s4 =	simm.s32 $0xFFFFFFFF;
	s18 =	simm.s32 $0xB0;
	[bflag:$0x0] =	sbarrier.arrive $0xFFFF  }
.LBB2_4:
0x59: {  	_ =	swait.ge [sflag:s28], $0x50  }
0x5a: {  	[sflag:s28] =	ssyncset.done $0x0  }
0x5b: {  	[sflag:s28] =	ssyncadd.s32 $0xFFFFFFB0  }
0x5c: {  	_ =	swait.ge [sflag:s28], $0x2800  }
0x5d: {  	[sflag:s28] =	ssyncset.done $0x0  }
0x5e: {  	[sflag:s28] =	ssyncadd.s32 $0xFFFFD800  }
0x5f: {  	_ =	swait.ge [sflag:s28], $0x2800  }
0x60: {  	[sflag:s28] =	ssyncset.done $0x0  }
0x61: {  	s10 =	simm.s32 $0xF0;
	[sflag:s28] =	ssyncadd.s32 $0xFFFFD800  }
0x62: {  	v12 =	vld [tilespmem:s10+$0x9F10]  }
0x63: {  	v13 =	vld [tilespmem:s10+$0x9F20]  }
0x64: {  	v14 =	vld [tilespmem:s10+$0x9F30]  }
0x65: {  	v15 =	vld [tilespmem:s10+$0x9F40]  }
0x66: {  	v16 =	vld [tilespmem:s10+$0x9F50]  }
0x67: {  	v17 =	vld [tilespmem:s10+$0x9F60]  }
0x68: {  	v18 =	vld [tilespmem:s10+$0x9F70]  }
0x69: {  	v19 =	vld [tilespmem:s10+$0x9F80]  }
0x6a: {  	v20 =	vld [tilespmem:s10+$0x9F90]  }
0x6b: {  	v11 =	vld [tilespmem:s10+$0x9FA0]  }
0x6c: {  	v10 =	vld [tilespmem:s10+$0x9FB0]  }
0x6d: {  	v9 =	vld [tilespmem:s10+$0x9FC0]  }
0x6e: {  	v8 =	vld [tilespmem:s10+$0x9FD0]  }
0x6f: {  	v7 =	vld [tilespmem:s10+$0x9FE0]  }
0x70: {  	v6 =	vld [tilespmem:s10+$0xA000]  }
0x71: {  	v21 =	vld [tilespmem:s10+$0xFFFFFF10]  }
0x72: {  	v22 =	vld [tilespmem:s10+$0xFFFFFF20]  }
0x73: {  	v23 =	vld [tilespmem:s10+$0xFFFFFF30]  }
0x74: {  	v24 =	vld [tilespmem:s10+$0xFFFFFF40]  }
0x75: {  	v25 =	vld [tilespmem:s10+$0xFFFFFF50]  }
0x76: {  	v61 =	vld [tilespmem:s10+$0xFFFFFF60];
	v12 =	vsub.f32 v21, v12  }
0x77: {  	v26 =	vld [tilespmem:s10+$0xFFFFFF70];
	v13 =	vsub.f32 v22, v13  }
0x78: {  	v62 =	vld [tilespmem:s10+$0xFFFFFF80];
	[tilespmem:s10+$0xFFFFFF10] =	vst v12;
	v12 =	vsub.f32 v23, v14  }
0x79: {  	v63 =	vld [tilespmem:s10+$0xFFFFFF90];
	[tilespmem:s10+$0xFFFFFF20] =	vst v13;
	v13 =	vsub.f32 v24, v15  }
0x7a: {  	v15 =	vld [tilespmem:s10+$0xFFFFFFA0];
	v14 =	vsub.f32 v25, v16;
	[tilespmem:s10+$0xFFFFFF30] =	vst v12  }
0x7b: {  	v16 =	vsub.f32 v61, v17;
	[tilespmem:s10+$0xFFFFFF40] =	vst v13;
	v12 =	vld [tilespmem:s10+$0xFFFFFFB0]  }
0x7c: {  	v17 =	vsub.f32 v26, v18;
	[tilespmem:s10+$0xFFFFFF50] =	vst v14;
	v13 =	vld [tilespmem:s10+$0xFFFFFFC0]  }
0x7d: {  	v18 =	vsub.f32 v62, v19;
	[tilespmem:s10+$0xFFFFFF60] =	vst v16;
	v14 =	vld [tilespmem:s10+$0xFFFFFFD0]  }
0x7e: {  	s16 =	simm.s32 $0x7C0;
	[tilespmem:s10+$0xFFFFFF70] =	vst v17;
	v17 =	vsub.f32 v63, v20;
	v16 =	vld [tilespmem:s10+$0xFFFFFFE0]  }
.LBB2_5:
0x7f: {  	p0 =	sne.s32 s16, $0x9FC0;
	[tilespmem:s10+$0xFFFFFF80] =	vst v18;
	v11 =	vsub.f32 v15, v11;
	v15 =	vld [tilespmem:s10+$0x0]  }
0x80: {  	[tilespmem:s10+$0xFFFFFF90] =	vst v17;
	v10 =	vsub.f32 v12, v10;
	v12 =	vld [tilespmem:s10+$0xFFFFFFF0]  }
0x81: {  	s15 =	sshra.s32 s16, $0x2;
	[tilespmem:s10+$0xFFFFFFA0] =	vst v11;
	v9 =	vsub.f32 v13, v9;
	v11 =	vld [tilespmem:s10+$0x9FF0]  }
0x82: {  	v13 =	vld [tilespmem:s15+$0x9F10];
	[tilespmem:s10+$0xFFFFFFB0] =	vst v10;
	v8 =	vsub.f32 v14, v8  }
0x83: {  	v14 =	vld [tilespmem:s15+$0x9F20];
	[tilespmem:s10+$0xFFFFFFC0] =	vst v9;
	v7 =	vsub.f32 v16, v7  }
0x84: {  	v16 =	vld [tilespmem:s15+$0x9F30];
	[tilespmem:s10+$0xFFFFFFD0] =	vst v8;
	v6 =	vsub.f32 v15, v6  }
0x85: {  	v15 =	vld [tilespmem:s15+$0x9F40];
	[tilespmem:s10+$0xFFFFFFE0] =	vst v7  }
0x86: {  	v17 =	vld [tilespmem:s15+$0x9F50];
	v7 =	vsub.f32 v12, v11;
	[tilespmem:s10+$0x0] =	vst v6  }
0x87: {  	v12 =	vld [tilespmem:s15+$0x9F60]  }
0x88: {  	v18 =	vld [tilespmem:s15+$0x9F70];
	[tilespmem:s10+$0xFFFFFFF0] =	vst v7;
	s10 =	smov.u32 s15  }
0x89: {  	v19 =	vld [tilespmem:s10+$0x9F80]  }
0x8a: {  	v20 =	vld [tilespmem:s10+$0x9F90]  }
0x8b: {  	v11 =	vld [tilespmem:s10+$0x9FA0]  }
0x8c: {  	v10 =	vld [tilespmem:s10+$0x9FB0]  }
0x8d: {  	v9 =	vld [tilespmem:s10+$0x9FC0]  }
0x8e: {  	v8 =	vld [tilespmem:s10+$0x9FD0]  }
0x8f: {  	v7 =	vld [tilespmem:s10+$0x9FE0]  }
0x90: {  	v6 =	vld [tilespmem:s10+$0xA000]  }
0x91: {  	v21 =	vld [tilespmem:s10+$0xFFFFFF10]  }
0x92: {  	v22 =	vld [tilespmem:s10+$0xFFFFFF20]  }
0x93: {  	v23 =	vld [tilespmem:s10+$0xFFFFFF30]  }
0x94: {  	v24 =	vld [tilespmem:s10+$0xFFFFFF40]  }
0x95: {  	v25 =	vld [tilespmem:s10+$0xFFFFFF50]  }
0x96: {  	v13 =	vsub.f32 v21, v13;
	v21 =	vld [tilespmem:s10+$0xFFFFFF60]  }
0x97: {  	v14 =	vsub.f32 v22, v14;
	v22 =	vld [tilespmem:s10+$0xFFFFFF70]  }
0x98: {  	[tilespmem:s10+$0xFFFFFF10] =	vst v13;
	v13 =	vsub.f32 v23, v16;
	v16 =	vld [tilespmem:s10+$0xFFFFFF80]  }
0x99: {  	[tilespmem:s10+$0xFFFFFF20] =	vst v14;
	v14 =	vsub.f32 v24, v15;
	v23 =	vld [tilespmem:s10+$0xFFFFFF90]  }
.Ltmp1:
0x9a: {  	[tilespmem:s10+$0xFFFFFF30] =	vst v13;
	v13 =	vsub.f32 v25, v17;
	v15 =	vld [tilespmem:s10+$0xFFFFFFA0];
	(pc) =	sbr.rel @p0 .LBB2_5-.Ltmp1, $4  }
0x9b: {  	[tilespmem:s10+$0xFFFFFF40] =	vst v14;
	v14 =	vsub.f32 v21, v12;
	v12 =	vld [tilespmem:s10+$0xFFFFFFB0]  }
0x9c: {  	[tilespmem:s10+$0xFFFFFF50] =	vst v13;
	v17 =	vsub.f32 v22, v18;
	v13 =	vld [tilespmem:s10+$0xFFFFFFC0]  }
0x9d: {  	[tilespmem:s10+$0xFFFFFF60] =	vst v14;
	v18 =	vsub.f32 v16, v19;
	v14 =	vld [tilespmem:s10+$0xFFFFFFD0]  }
0x9e: {  	s16 =	sadd.s32 $0x400, s16;
	[tilespmem:s10+$0xFFFFFF70] =	vst v17;
	v17 =	vsub.f32 v23, v20;
	v16 =	vld [tilespmem:s10+$0xFFFFFFE0]  }
0x9f: {  	v60 =	vld [tilespmem:s10+$0x0]  }
0xa0: {  	[tilespmem:s10+$0xFFFFFF80] =	vst v18;
	v11 =	vsub.f32 v15, v11;
	v61 =	vld [tilespmem:s10+$0xFFFFFFF0]  }
0xa1: {  	v62 =	vld [tilespmem:s10+$0x9FF0];
	[tilespmem:s10+$0xFFFFFF90] =	vst v17;
	v10 =	vsub.f32 v12, v10  }
0xa2: {  	[tilespmem:s10+$0xFFFFFFA0] =	vst v11;
	v9 =	vsub.f32 v13, v9  }
0xa3: {  	[tilespmem:s10+$0xFFFFFFB0] =	vst v10;
	v8 =	vsub.f32 v14, v8  }
0xa4: {  	[tilespmem:s10+$0xFFFFFFC0] =	vst v9;
	v7 =	vsub.f32 v16, v7  }
0xa5: {  	[tilespmem:s10+$0xFFFFFFD0] =	vst v8;
	v6 =	vsub.f32 v60, v6  }
0xa6: {  	[tilespmem:s10+$0xFFFFFFE0] =	vst v7;
	v7 =	vsub.f32 v61, v62  }
0xa7: {  	[tilespmem:s10+$0x0] =	vst v6  }
0xa8: {  	s16 =	simm.s32 $0x0;
	[tilespmem:s10+$0xFFFFFFF0] =	vst v7  }
0xa9: {  	[spmem:s5] =	stream.indirect.scatter.add.f32 [tilespmem:s16], [sflag:$0x5], $0x80, s20, s29, $0xb8;
	[tilespmem:$0x16400] =	vst v63  }
0xaa: {  	v6 =	vld [tilespmem:$0x14000];
	_ =	sdelay $0x4  }
0xab: {  	v7 =	vperm.xlane v6, v2  }
0xac: {  	vm1 =	veq.s32 v3, $0x0  }
0xad: {  	v7 =	vsel vm1, s4, v7  }
0xae: {  	vm1 =	vne.s32 v6, v7;
	_ =	sdelay $0x2  }
0xaf: {  	s4 =	smul.u32 $0x140, s19;
	_ =	sdelay $0x1  }
0xb0: {  	v7 =	vor.u32 s4, v3  }
0xb1: {  	s21 =	simm.s32 $0x0;
	[tilespmem:v6+s30+$0x0] =	vst.idx.msk vm1, v7  }
0xb2: {  	v6 =	vld [tilespmem:s21+$0x14010];
	_ =	sdelay $0x1  }
0xb3: {  	v7 =	vld [tilespmem:s21+$0x14000];
	_ =	sdelay $0x2  }
0xb4: {  	v63 =	vperm.xlane v6, v2;
	_ =	sdelay $0x1  }
0xb5: {  	v7 =	vperm.xlane v7, v4;
	v8 =	vperm.xlane v63, v3;
	_ =	sdelay $0x1  }
0xb6: {  	v7 =	vsel vm0, v8, v7  }
0xb7: {  	vm1 =	vne.s32 v6, v7;
	_ =	sdelay $0x4  }
0xb8: {  	v7 =	vor.u32 s14, v3  }
0xb9: {  	s15 =	simm.s32 $0x80;
	s10 =	smov.u32 s14;
	s16 =	simm.s32 $0x10;
	[tilespmem:v6+s30+$0x0] =	vst.idx.msk vm1, v7  }
.LBB2_7:
0xba: {  	p0 =	sne.s32 s15, $0xC0;
	v6 =	vld [tilespmem:s16+$0x14010];
	_ =	sdelay $0x1  }
0xbb: {  	v7 =	vld [tilespmem:s16+$0x14000];
	_ =	sdelay $0x2  }
0xbc: {  	v8 =	vperm.xlane v6, v2;
	_ =	sdelay $0x1  }
0xbd: {  	v7 =	vperm.xlane v7, v4;
	v8 =	vperm.xlane v8, v3;
	_ =	sdelay $0x1  }
0xbe: {  	v7 =	vsel vm0, v8, v7  }
0xbf: {  	vm1 =	vne.s32 v6, v7;
	_ =	sdelay $0x1  }
.Ltmp2:
0xc0: {  	(pc) =	sbr.rel @p0 .LBB2_7-.Ltmp2, $4  }
0xc1: {  	_ = 	snop  }
0xc2: {  	s10 =	sadd.s32 $0x10, s10  }
0xc3: {  	v7 =	vor.u32 s10, v3  }
0xc4: {  	s16 =	sshra.s32 s15, $0x2;
	s15 =	sadd.s32 $0x40, s15;
	[tilespmem:v6+s30+$0x0] =	vst.idx.msk vm1, v7  }
0xc5: {  	v6 =	vld [tilespmem:s16+$0x14010];
	_ =	sdelay $0x1  }
0xc6: {  	v7 =	vld [tilespmem:s16+$0x14000];
	_ =	sdelay $0x2  }
0xc7: {  	v8 =	vperm.xlane v6, v2;
	_ =	sdelay $0x1  }
0xc8: {  	v7 =	vperm.xlane v7, v4;
	v8 =	vperm.xlane v8, v3;
	_ =	sdelay $0x1  }
0xc9: {  	v7 =	vsel vm0, v8, v7  }
0xca: {  	vm1 =	vne.s32 v6, v7;
	_ =	sdelay $0x3  }
0xcb: {  	s10 =	sadd.s32 $0x10, s10  }
0xcc: {  	p0 =	seq.s32 s19, $0x0;
	v7 =	vor.u32 s10, v3  }
0xcd: {  	s15 =	simm.s32 @!p0 $0x7;
	s10 =	sadd.s32 $0xA0, s4;
	[tilespmem:v6+s30+$0x0] =	vst.idx.msk vm1, v7  }
0xce: {  	s16 =	sadd.s32 s7, s10;
	v6 =	vld [tilespmem:$0x14040];
	_ =	swait.ge @!p0 [sflag:s15], $0x2800  }
0xcf: {  	s21 =	sshrl.u32 s16, $0x3;
	[sflag:s15] =	ssyncset.done @!p0 $0x0  }
0xd0: {  	[sflag:s15] =	ssyncadd.s32 @!p0 $0xFFFFD800;
	s15 =	sadd.s32 s3, s21;
	s21 =	simm.s32 $0x0  }
0xd1: {  	[tilespmem:s31], [sflag:$0x3] =	stream.linear.gather [hbm4b:s15+s21], $0x50, $0x38;
	[tilespmem:$0x16400] =	vst v63  }
0xd2: {  	s15 =	sshll.u32 s16, $0x4  }
0xd3: {  	s16 =	sadd.s32 s1, s15  }
0xd4: {  	[tilespmem:s0], [sflag:$0x3] =	stream.linear.gather [hbm4b:s16+s21], $0x2800, $0x38;
	[tilespmem:$0x16400] =	vst v63  }
0xd5: {  	s15 =	sadd.s32 s2, s15;
	s16 =	simm.s32 $0xF000  }
0xd6: {  	[tilespmem:s16], [sflag:$0x3] =	stream.linear.gather [hbm4b:s15+s21], $0x2800, $0x38;
	[tilespmem:$0x16400] =	vst v63  }
0xd7: {  	_ =	swait.ge [sflag:s25], $0x50  }
0xd8: {  	[sflag:s25] =	ssyncset.done $0x0  }
0xd9: {  	[sflag:s25] =	ssyncadd.s32 $0xFFFFFFB0  }
0xda: {  	_ =	swait.ge [sflag:s25], $0x2800  }
0xdb: {  	[sflag:s25] =	ssyncset.done $0x0  }
0xdc: {  	[sflag:s25] =	ssyncadd.s32 $0xFFFFD800  }
0xdd: {  	_ =	swait.ge [sflag:s25], $0x2800  }
0xde: {  	[sflag:s25] =	ssyncset.done $0x0  }
0xdf: {  	s21 =	simm.s32 $0x0;
	[sflag:s25] =	ssyncadd.s32 $0xFFFFD800  }
0xe0: {  	v13 =	vld [tilespmem:s21+$0xC800]  }
0xe1: {  	v14 =	vld [tilespmem:s21+$0xC810]  }
0xe2: {  	v15 =	vld [tilespmem:s21+$0xC820]  }
0xe3: {  	v16 =	vld [tilespmem:s21+$0xC830]  }
0xe4: {  	v17 =	vld [tilespmem:s21+$0xC840]  }
0xe5: {  	v18 =	vld [tilespmem:s21+$0xC850]  }
0xe6: {  	v19 =	vld [tilespmem:s21+$0xC860]  }
0xe7: {  	v20 =	vld [tilespmem:s21+$0xC870]  }
0xe8: {  	v21 =	vld [tilespmem:s21+$0xC880]  }
0xe9: {  	v22 =	vld [tilespmem:s21+$0xC890]  }
0xea: {  	v12 =	vld [tilespmem:s21+$0xC8A0]  }
0xeb: {  	v11 =	vld [tilespmem:s21+$0xC8B0]  }
0xec: {  	v10 =	vld [tilespmem:s21+$0xC8C0]  }
0xed: {  	v9 =	vld [tilespmem:s21+$0xC8D0]  }
0xee: {  	v8 =	vld [tilespmem:s21+$0xC8E0]  }
0xef: {  	v7 =	vld [tilespmem:s21+$0xC8F0]  }
0xf0: {  	v23 =	vld [tilespmem:s21+$0x2800]  }
0xf1: {  	v24 =	vld [tilespmem:s21+$0x2810]  }
0xf2: {  	v25 =	vld [tilespmem:s21+$0x2820]  }
0xf3: {  	v26 =	vld [tilespmem:s21+$0x2830]  }
0xf4: {  	v27 =	vld [tilespmem:s21+$0x2840]  }
0xf5: {  	v60 =	vld [tilespmem:s21+$0x2850];
	v13 =	vsub.f32 v23, v13  }
0xf6: {  	v28 =	vld [tilespmem:s21+$0x2860];
	v14 =	vsub.f32 v24, v14  }
0xf7: {  	v61 =	vld [tilespmem:s21+$0x2870];
	[tilespmem:s21+$0x2800] =	vst v13;
	v13 =	vsub.f32 v25, v15  }
0xf8: {  	v62 =	vld [tilespmem:s21+$0x2880];
	[tilespmem:s21+$0x2810] =	vst v14;
	v14 =	vsub.f32 v26, v16  }
0xf9: {  	v63 =	vld [tilespmem:s21+$0x2890];
	[tilespmem:s21+$0x2820] =	vst v13;
	v13 =	vsub.f32 v27, v17  }
0xfa: {  	v15 =	vsub.f32 v60, v18;
	[tilespmem:s21+$0x2830] =	vst v14;
	v14 =	vld [tilespmem:s21+$0x28A0]  }
0xfb: {  	v16 =	vsub.f32 v28, v19;
	[tilespmem:s21+$0x2840] =	vst v13;
	v13 =	vld [tilespmem:s21+$0x28B0]  }
0xfc: {  	[tilespmem:s21+$0x2850] =	vst v15;
	v15 =	vld [tilespmem:s21+$0x28C0];
	v17 =	vsub.f32 v61, v20  }
0xfd: {  	v19 =	vsub.f32 v62, v21;
	[tilespmem:s21+$0x2860] =	vst v16;
	v16 =	vld [tilespmem:s21+$0x28D0]  }
0xfe: {  	s16 =	simm.s32 $0x400;
	v18 =	vsub.f32 v63, v22;
	[tilespmem:s21+$0x2870] =	vst v17;
	v17 =	vld [tilespmem:s21+$0x28E0]  }
.LBB2_9:
0xff: {  	s15 =	sshra.s32 s16, $0x2;
	p1 =	sne.s32 s16, $0x9C00;
	[tilespmem:s21+$0x2880] =	vst v19;
	v12 =	vsub.f32 v14, v12;
	v14 =	vld [tilespmem:s21+$0x28F0]  }
0x100: {  	v19 =	vld [tilespmem:s15+$0xC800];
	[tilespmem:s21+$0x2890] =	vst v18;
	v11 =	vsub.f32 v13, v11  }
0x101: {  	v13 =	vld [tilespmem:s15+$0xC810];
	[tilespmem:s21+$0x28A0] =	vst v12;
	v10 =	vsub.f32 v15, v10  }
0x102: {  	v15 =	vld [tilespmem:s15+$0xC820];
	[tilespmem:s21+$0x28B0] =	vst v11;
	v9 =	vsub.f32 v16, v9  }
0x103: {  	v16 =	vld [tilespmem:s15+$0xC830];
	[tilespmem:s21+$0x28C0] =	vst v10;
	v8 =	vsub.f32 v17, v8  }
0x104: {  	v17 =	vld [tilespmem:s15+$0xC840];
	[tilespmem:s21+$0x28D0] =	vst v9;
	v7 =	vsub.f32 v14, v7  }
0x105: {  	v14 =	vld [tilespmem:s15+$0xC850];
	[tilespmem:s21+$0x28E0] =	vst v8  }
0x106: {  	v18 =	vld [tilespmem:s15+$0xC860];
	[tilespmem:s21+$0x28F0] =	vst v7;
	s21 =	smov.u32 s15  }
0x107: {  	v20 =	vld [tilespmem:s21+$0xC870]  }
0x108: {  	v21 =	vld [tilespmem:s21+$0xC880]  }
0x109: {  	v22 =	vld [tilespmem:s21+$0xC890]  }
0x10a: {  	v12 =	vld [tilespmem:s21+$0xC8A0]  }
0x10b: {  	v11 =	vld [tilespmem:s21+$0xC8B0]  }
0x10c: {  	v10 =	vld [tilespmem:s21+$0xC8C0]  }
0x10d: {  	v9 =	vld [tilespmem:s21+$0xC8D0]  }
0x10e: {  	v8 =	vld [tilespmem:s21+$0xC8E0]  }
0x10f: {  	v7 =	vld [tilespmem:s21+$0xC8F0]  }
0x110: {  	v23 =	vld [tilespmem:s21+$0x2800]  }
0x111: {  	v24 =	vld [tilespmem:s21+$0x2810]  }
0x112: {  	v25 =	vld [tilespmem:s21+$0x2820]  }
0x113: {  	v26 =	vld [tilespmem:s21+$0x2830]  }
0x114: {  	v27 =	vld [tilespmem:s21+$0x2840]  }
0x115: {  	v19 =	vsub.f32 v23, v19;
	v23 =	vld [tilespmem:s21+$0x2850]  }
0x116: {  	v13 =	vsub.f32 v24, v13;
	v24 =	vld [tilespmem:s21+$0x2860]  }
0x117: {  	[tilespmem:s21+$0x2800] =	vst v19;
	v15 =	vsub.f32 v25, v15;
	v19 =	vld [tilespmem:s21+$0x2870]  }
0x118: {  	[tilespmem:s21+$0x2810] =	vst v13;
	v13 =	vsub.f32 v26, v16;
	v16 =	vld [tilespmem:s21+$0x2880]  }
0x119: {  	[tilespmem:s21+$0x2820] =	vst v15;
	v15 =	vsub.f32 v27, v17;
	v17 =	vld [tilespmem:s21+$0x2890]  }
.Ltmp3:
0x11a: {  	[tilespmem:s21+$0x2830] =	vst v13;
	v23 =	vsub.f32 v23, v14;
	v14 =	vld [tilespmem:s21+$0x28A0];
	(pc) =	sbr.rel @p1 .LBB2_9-.Ltmp3, $4  }
0x11b: {  	[tilespmem:s21+$0x2840] =	vst v15;
	v18 =	vsub.f32 v24, v18;
	v13 =	vld [tilespmem:s21+$0x28B0]  }
0x11c: {  	[tilespmem:s21+$0x2850] =	vst v23;
	v20 =	vsub.f32 v19, v20;
	v15 =	vld [tilespmem:s21+$0x28C0]  }
0x11d: {  	[tilespmem:s21+$0x2860] =	vst v18;
	v19 =	vsub.f32 v16, v21;
	v16 =	vld [tilespmem:s21+$0x28D0]  }
0x11e: {  	s16 =	sadd.s32 $0x400, s16;
	[tilespmem:s21+$0x2870] =	vst v20;
	v18 =	vsub.f32 v17, v22;
	v17 =	vld [tilespmem:s21+$0x28E0]  }
0x11f: {  	[tilespmem:s21+$0x2880] =	vst v19;
	v12 =	vsub.f32 v14, v12;
	v63 =	vld [tilespmem:s21+$0x28F0]  }
0x120: {  	[tilespmem:s21+$0x2890] =	vst v18;
	v11 =	vsub.f32 v13, v11  }
0x121: {  	[tilespmem:s21+$0x28A0] =	vst v12;
	v10 =	vsub.f32 v15, v10  }
0x122: {  	[tilespmem:s21+$0x28B0] =	vst v11;
	v9 =	vsub.f32 v16, v9  }
0x123: {  	[tilespmem:s21+$0x28C0] =	vst v10;
	v8 =	vsub.f32 v17, v8  }
0x124: {  	[tilespmem:s21+$0x28D0] =	vst v9;
	v7 =	vsub.f32 v63, v7  }
0x125: {  	[tilespmem:s21+$0x28E0] =	vst v8  }
0x126: {  	[tilespmem:s21+$0x28F0] =	vst v7  }
0x127: {  	[spmem:s5] =	stream.indirect.scatter.add.f32 [tilespmem:s23], [sflag:$0x6], $0x80, s22, s29, $0xb8;
	[tilespmem:$0x16400] =	vst v63  }
0x128: {  	v7 =	vld [tilespmem:$0x14080];
	_ =	sdelay $0x4  }
0x129: {  	v8 =	vperm.xlane v7, v2;
	_ =	sdelay $0x1  }
0x12a: {  	v6 =	vperm.xlane v6, v4;
	v8 =	vperm.xlane v8, v3;
	_ =	sdelay $0x1  }
0x12b: {  	v6 =	vsel vm0, v8, v6  }
0x12c: {  	vm1 =	vne.s32 v7, v6;
	_ =	sdelay $0x3  }
0x12d: {  	s15 =	sadd.s32 $0x50, s4  }
0x12e: {  	v6 =	vor.u32 s15, v3  }
0x12f: {  	s16 =	simm.s32 $0x14090;
	[tilespmem:v7+s30+$0x0] =	vst.idx.msk vm1, v6  }
0x130: {  	s21 =	simm.s32 $0x10;
	s15 =	simm.s32 $0x0;
	v6 =	vld [tilespmem:s16+$0x0]  }
.LBB2_11:
0x131: {  	p1 =	sne.s32 s21, $0x30  }
0x132: {  	v7 =	vld [tilespmem:s16+$0xFFFFFFF0];
	_ =	sdelay $0x2  }
0x133: {  	v8 =	vperm.xlane v6, v2;
	_ =	sdelay $0x1  }
0x134: {  	v7 =	vperm.xlane v7, v4;
	v8 =	vperm.xlane v8, v3;
	_ =	sdelay $0x1  }
0x135: {  	v7 =	vsel vm0, v8, v7  }
0x136: {  	vm1 =	vne.s32 v6, v7;
	_ =	sdelay $0x2  }
.Ltmp4:
0x137: {  	(pc) =	sbr.rel @p1 .LBB2_11-.Ltmp4, $4  }
0x138: {  	s22 =	sadd.s32 s15, s26;
	s15 =	smov.u32 s21  }
0x139: {  	v7 =	vor.u32 s22, v3  }
0x13a: {  	s16 =	sadd.s32 $0x10, s16;
	[tilespmem:v6+s30+$0x0] =	vst.idx.msk vm1, v7  }
0x13b: {  	s21 =	sadd.s32 $0x10, s21;
	v6 =	vld [tilespmem:s16+$0x0]  }
0x13c: {  	_ = 	snop  }
0x13d: {  	v7 =	vld [tilespmem:s16+$0xFFFFFFF0];
	_ =	sdelay $0x2  }
0x13e: {  	v8 =	vperm.xlane v6, v2;
	_ =	sdelay $0x1  }
0x13f: {  	v7 =	vperm.xlane v7, v4;
	v8 =	vperm.xlane v8, v3;
	_ =	sdelay $0x1  }
0x140: {  	v7 =	vsel vm0, v8, v7  }
0x141: {  	vm1 =	vne.s32 v6, v7;
	_ =	sdelay $0x3  }
0x142: {  	s15 =	sadd.s32 s15, s26  }
0x143: {  	v7 =	vor.u32 s15, v3  }
0x144: {  	s21 =	sadd.s32 $0xF0, s4;
	s15 =	simm.s32 @!p0 $0x8;
	[tilespmem:v6+s30+$0x0] =	vst.idx.msk vm1, v7  }
0x145: {  	s16 =	sadd.s32 s7, s21;
	v6 =	vld [tilespmem:$0x140C0];
	_ =	swait.ge @!p0 [sflag:s15], $0x2800  }
0x146: {  	s22 =	sshrl.u32 s16, $0x3;
	[sflag:s15] =	ssyncset.done @!p0 $0x0  }
0x147: {  	[sflag:s15] =	ssyncadd.s32 @!p0 $0xFFFFD800;
	s15 =	sadd.s32 s3, s22;
	s22 =	simm.s32 $0x0  }
0x148: {  	[tilespmem:s8], [sflag:$0x4] =	stream.linear.gather [hbm4b:s15+s22], $0x50, $0x38;
	[tilespmem:$0x16400] =	vst v63  }
0x149: {  	s15 =	sshll.u32 s16, $0x4  }
0x14a: {  	s16 =	sadd.s32 s1, s15  }
0x14b: {  	[tilespmem:s9], [sflag:$0x4] =	stream.linear.gather [hbm4b:s16+s22], $0x2800, $0x38;
	[tilespmem:$0x16400] =	vst v63  }
0x14c: {  	s15 =	sadd.s32 s2, s15;
	s16 =	simm.s32 $0x11800  }
0x14d: {  	[tilespmem:s16], [sflag:$0x4] =	stream.linear.gather [hbm4b:s15+s22], $0x2800, $0x38;
	[tilespmem:$0x16400] =	vst v63  }
0x14e: {  	_ =	swait.ge [sflag:s11], $0x50  }
0x14f: {  	[sflag:s11] =	ssyncset.done $0x0  }
0x150: {  	[sflag:s11] =	ssyncadd.s32 $0xFFFFFFB0  }
0x151: {  	_ =	swait.ge [sflag:s11], $0x2800  }
0x152: {  	[sflag:s11] =	ssyncset.done $0x0  }
0x153: {  	[sflag:s11] =	ssyncadd.s32 $0xFFFFD800  }
0x154: {  	_ =	swait.ge [sflag:s11], $0x2800  }
0x155: {  	[sflag:s11] =	ssyncset.done $0x0  }
0x156: {  	s16 =	simm.s32 $0x0;
	[sflag:s11] =	ssyncadd.s32 $0xFFFFD800  }
0x157: {  	v13 =	vld [tilespmem:s16+$0xF000]  }
0x158: {  	v14 =	vld [tilespmem:s16+$0xF010]  }
0x159: {  	v15 =	vld [tilespmem:s16+$0xF020]  }
0x15a: {  	v16 =	vld [tilespmem:s16+$0xF030]  }
0x15b: {  	v17 =	vld [tilespmem:s16+$0xF040]  }
0x15c: {  	v18 =	vld [tilespmem:s16+$0xF050]  }
0x15d: {  	v19 =	vld [tilespmem:s16+$0xF060]  }
0x15e: {  	v20 =	vld [tilespmem:s16+$0xF070]  }
0x15f: {  	v21 =	vld [tilespmem:s16+$0xF080]  }
0x160: {  	v22 =	vld [tilespmem:s16+$0xF090]  }
0x161: {  	v12 =	vld [tilespmem:s16+$0xF0A0]  }
0x162: {  	v11 =	vld [tilespmem:s16+$0xF0B0]  }
0x163: {  	v10 =	vld [tilespmem:s16+$0xF0C0]  }
0x164: {  	v9 =	vld [tilespmem:s16+$0xF0D0]  }
0x165: {  	v8 =	vld [tilespmem:s16+$0xF0E0]  }
0x166: {  	v7 =	vld [tilespmem:s16+$0xF0F0]  }
0x167: {  	v23 =	vld [tilespmem:s16+$0x5000]  }
0x168: {  	v24 =	vld [tilespmem:s16+$0x5010]  }
0x169: {  	v25 =	vld [tilespmem:s16+$0x5020]  }
0x16a: {  	v26 =	vld [tilespmem:s16+$0x5030]  }
0x16b: {  	v27 =	vld [tilespmem:s16+$0x5040]  }
0x16c: {  	v60 =	vld [tilespmem:s16+$0x5050];
	v13 =	vsub.f32 v23, v13  }
0x16d: {  	v28 =	vld [tilespmem:s16+$0x5060];
	v14 =	vsub.f32 v24, v14  }
0x16e: {  	v61 =	vld [tilespmem:s16+$0x5070];
	[tilespmem:s16+$0x5000] =	vst v13;
	v13 =	vsub.f32 v25, v15  }
0x16f: {  	v62 =	vld [tilespmem:s16+$0x5080];
	[tilespmem:s16+$0x5010] =	vst v14;
	v14 =	vsub.f32 v26, v16  }
0x170: {  	v63 =	vld [tilespmem:s16+$0x5090];
	[tilespmem:s16+$0x5020] =	vst v13;
	v13 =	vsub.f32 v27, v17  }
0x171: {  	v15 =	vsub.f32 v60, v18;
	[tilespmem:s16+$0x5030] =	vst v14;
	v14 =	vld [tilespmem:s16+$0x50A0]  }
0x172: {  	v16 =	vsub.f32 v28, v19;
	[tilespmem:s16+$0x5040] =	vst v13;
	v13 =	vld [tilespmem:s16+$0x50B0]  }
0x173: {  	[tilespmem:s16+$0x5050] =	vst v15;
	v15 =	vld [tilespmem:s16+$0x50C0];
	v17 =	vsub.f32 v61, v20  }
0x174: {  	v19 =	vsub.f32 v62, v21;
	[tilespmem:s16+$0x5060] =	vst v16;
	v16 =	vld [tilespmem:s16+$0x50D0]  }
0x175: {  	s15 =	simm.s32 $0x400;
	v18 =	vsub.f32 v63, v22;
	[tilespmem:s16+$0x5070] =	vst v17;
	v17 =	vld [tilespmem:s16+$0x50E0]  }
.LBB2_13:
0x176: {  	s22 =	sshra.s32 s15, $0x2;
	p0 =	sne.s32 s15, $0x9C00;
	[tilespmem:s16+$0x5080] =	vst v19;
	v12 =	vsub.f32 v14, v12;
	v14 =	vld [tilespmem:s16+$0x50F0]  }
0x177: {  	v19 =	vld [tilespmem:s22+$0xF000];
	[tilespmem:s16+$0x5090] =	vst v18;
	v11 =	vsub.f32 v13, v11  }
0x178: {  	v13 =	vld [tilespmem:s22+$0xF010];
	[tilespmem:s16+$0x50A0] =	vst v12;
	v10 =	vsub.f32 v15, v10  }
0x179: {  	v15 =	vld [tilespmem:s22+$0xF020];
	[tilespmem:s16+$0x50B0] =	vst v11;
	v9 =	vsub.f32 v16, v9  }
0x17a: {  	v16 =	vld [tilespmem:s22+$0xF030];
	[tilespmem:s16+$0x50C0] =	vst v10;
	v8 =	vsub.f32 v17, v8  }
0x17b: {  	v17 =	vld [tilespmem:s22+$0xF040];
	[tilespmem:s16+$0x50D0] =	vst v9;
	v7 =	vsub.f32 v14, v7  }
0x17c: {  	v14 =	vld [tilespmem:s22+$0xF050];
	[tilespmem:s16+$0x50E0] =	vst v8  }
0x17d: {  	v18 =	vld [tilespmem:s22+$0xF060];
	[tilespmem:s16+$0x50F0] =	vst v7;
	s16 =	smov.u32 s22  }
0x17e: {  	v20 =	vld [tilespmem:s16+$0xF070]  }
0x17f: {  	v21 =	vld [tilespmem:s16+$0xF080]  }
0x180: {  	v22 =	vld [tilespmem:s16+$0xF090]  }
0x181: {  	v12 =	vld [tilespmem:s16+$0xF0A0]  }
0x182: {  	v11 =	vld [tilespmem:s16+$0xF0B0]  }
0x183: {  	v10 =	vld [tilespmem:s16+$0xF0C0]  }
0x184: {  	v9 =	vld [tilespmem:s16+$0xF0D0]  }
0x185: {  	v8 =	vld [tilespmem:s16+$0xF0E0]  }
0x186: {  	v7 =	vld [tilespmem:s16+$0xF0F0]  }
0x187: {  	v23 =	vld [tilespmem:s16+$0x5000]  }
0x188: {  	v24 =	vld [tilespmem:s16+$0x5010]  }
0x189: {  	v25 =	vld [tilespmem:s16+$0x5020]  }
0x18a: {  	v26 =	vld [tilespmem:s16+$0x5030]  }
0x18b: {  	v27 =	vld [tilespmem:s16+$0x5040]  }
0x18c: {  	v19 =	vsub.f32 v23, v19;
	v23 =	vld [tilespmem:s16+$0x5050]  }
0x18d: {  	v13 =	vsub.f32 v24, v13;
	v24 =	vld [tilespmem:s16+$0x5060]  }
0x18e: {  	[tilespmem:s16+$0x5000] =	vst v19;
	v15 =	vsub.f32 v25, v15;
	v19 =	vld [tilespmem:s16+$0x5070]  }
0x18f: {  	[tilespmem:s16+$0x5010] =	vst v13;
	v13 =	vsub.f32 v26, v16;
	v16 =	vld [tilespmem:s16+$0x5080]  }
0x190: {  	[tilespmem:s16+$0x5020] =	vst v15;
	v15 =	vsub.f32 v27, v17;
	v17 =	vld [tilespmem:s16+$0x5090]  }
.Ltmp5:
0x191: {  	[tilespmem:s16+$0x5030] =	vst v13;
	v23 =	vsub.f32 v23, v14;
	v14 =	vld [tilespmem:s16+$0x50A0];
	(pc) =	sbr.rel @p0 .LBB2_13-.Ltmp5, $4  }
0x192: {  	[tilespmem:s16+$0x5040] =	vst v15;
	v18 =	vsub.f32 v24, v18;
	v13 =	vld [tilespmem:s16+$0x50B0]  }
0x193: {  	[tilespmem:s16+$0x5050] =	vst v23;
	v20 =	vsub.f32 v19, v20;
	v15 =	vld [tilespmem:s16+$0x50C0]  }
0x194: {  	[tilespmem:s16+$0x5060] =	vst v18;
	v19 =	vsub.f32 v16, v21;
	v16 =	vld [tilespmem:s16+$0x50D0]  }
0x195: {  	s15 =	sadd.s32 $0x400, s15;
	[tilespmem:s16+$0x5070] =	vst v20;
	v18 =	vsub.f32 v17, v22;
	v17 =	vld [tilespmem:s16+$0x50E0]  }
0x196: {  	[tilespmem:s16+$0x5080] =	vst v19;
	v12 =	vsub.f32 v14, v12;
	v63 =	vld [tilespmem:s16+$0x50F0]  }
0x197: {  	[tilespmem:s16+$0x5090] =	vst v18;
	v11 =	vsub.f32 v13, v11  }
0x198: {  	[tilespmem:s16+$0x50A0] =	vst v12;
	v10 =	vsub.f32 v15, v10  }
0x199: {  	[tilespmem:s16+$0x50B0] =	vst v11;
	v9 =	vsub.f32 v16, v9  }
0x19a: {  	[tilespmem:s16+$0x50C0] =	vst v10;
	v8 =	vsub.f32 v17, v8  }
0x19b: {  	[tilespmem:s16+$0x50D0] =	vst v9;
	v7 =	vsub.f32 v63, v7  }
0x19c: {  	[tilespmem:s16+$0x50E0] =	vst v8  }
0x19d: {  	[tilespmem:s16+$0x50F0] =	vst v7  }
0x19e: {  	[spmem:s5] =	stream.indirect.scatter.add.f32 [tilespmem:s0], [sflag:$0x7], $0x80, s31, s29, $0xb8;
	[tilespmem:$0x16400] =	vst v63  }
0x19f: {  	v7 =	vld [tilespmem:$0x14100];
	_ =	sdelay $0x4  }
0x1a0: {  	v8 =	vperm.xlane v7, v2;
	_ =	sdelay $0x1  }
0x1a1: {  	v6 =	vperm.xlane v6, v4;
	v8 =	vperm.xlane v8, v3;
	_ =	sdelay $0x1  }
0x1a2: {  	v6 =	vsel vm0, v8, v6  }
0x1a3: {  	vm1 =	vne.s32 v7, v6;
	_ =	sdelay $0x4  }
0x1a4: {  	v6 =	vor.u32 s10, v3  }
0x1a5: {  	s15 =	simm.s32 $0x14110;
	[tilespmem:v7+s30+$0x0] =	vst.idx.msk vm1, v6  }
0x1a6: {  	s16 =	simm.s32 $0x10;
	s10 =	simm.s32 $0x0;
	v6 =	vld [tilespmem:s15+$0x0]  }
.LBB2_15:
0x1a7: {  	p0 =	sne.s32 s16, $0x30  }
0x1a8: {  	v7 =	vld [tilespmem:s15+$0xFFFFFFF0];
	_ =	sdelay $0x2  }
0x1a9: {  	v8 =	vperm.xlane v6, v2;
	_ =	sdelay $0x1  }
0x1aa: {  	v7 =	vperm.xlane v7, v4;
	v8 =	vperm.xlane v8, v3;
	_ =	sdelay $0x1  }
0x1ab: {  	v7 =	vsel vm0, v8, v7  }
0x1ac: {  	vm1 =	vne.s32 v6, v7;
	_ =	sdelay $0x2  }
.Ltmp6:
0x1ad: {  	(pc) =	sbr.rel @p0 .LBB2_15-.Ltmp6, $4  }
0x1ae: {  	s22 =	sadd.s32 s10, s18;
	s10 =	smov.u32 s16  }
0x1af: {  	v7 =	vor.u32 s22, v3  }
0x1b0: {  	s15 =	sadd.s32 $0x10, s15;
	[tilespmem:v6+s30+$0x0] =	vst.idx.msk vm1, v7  }
0x1b1: {  	s16 =	sadd.s32 $0x10, s16;
	v6 =	vld [tilespmem:s15+$0x0]  }
0x1b2: {  	_ = 	snop  }
0x1b3: {  	v7 =	vld [tilespmem:s15+$0xFFFFFFF0];
	_ =	sdelay $0x2  }
0x1b4: {  	v8 =	vperm.xlane v6, v2;
	_ =	sdelay $0x1  }
0x1b5: {  	v7 =	vperm.xlane v7, v4;
	v8 =	vperm.xlane v8, v3;
	_ =	sdelay $0x1  }
0x1b6: {  	v7 =	vsel vm0, v8, v7  }
0x1b7: {  	vm1 =	vne.s32 v6, v7;
	_ =	sdelay $0x3  }
0x1b8: {  	s10 =	sadd.s32 s10, s18  }
0x1b9: {  	v7 =	vor.u32 s10, v3  }
0x1ba: {  	[tilespmem:v6+s30+$0x0] =	vst.idx.msk vm1, v7  }
0x1bb: {  	v6 =	vld [tilespmem:$0x14140];
	_ =	swait.ge [sflag:s12], $0x2800  }
0x1bc: {  	s15 =	rddreg [dreg:$0xd]  }
0x1bd: {  	[sflag:s12] =	ssyncset.done $0x0;
	s10 =	sadd.s32 s4, s15  }
0x1be: {  	[sflag:s12] =	ssyncadd.s32 $0xFFFFD800;
	s16 =	sshrl.u32 s10, $0x3  }
0x1bf: {  	s10 =	sshll.u32 s10, $0x4;
	s15 =	sadd.s32 s3, s16;
	s16 =	simm.s32 $0x0  }
0x1c0: {  	[tilespmem:s20], [sflag:$0x1] =	stream.linear.gather [hbm4b:s15+s16], $0x50, $0x38;
	[tilespmem:$0x16400] =	vst v63  }
0x1c1: {  	s22 =	sadd.s32 s1, s10  }
0x1c2: {  	[tilespmem:s16], [sflag:$0x1] =	stream.linear.gather [hbm4b:s22+s16], $0x2800, $0x38;
	[tilespmem:$0x16400] =	vst v63  }
0x1c3: {  	s10 =	sadd.s32 s2, s10;
	s22 =	simm.s32 $0xA000  }
0x1c4: {  	[tilespmem:s22], [sflag:$0x1] =	stream.linear.gather [hbm4b:s10+s16], $0x2800, $0x38;
	[tilespmem:$0x16400] =	vst v63  }
0x1c5: {  	_ =	swait.ge [sflag:s13], $0x50  }
0x1c6: {  	[sflag:s13] =	ssyncset.done $0x0  }
0x1c7: {  	[sflag:s13] =	ssyncadd.s32 $0xFFFFFFB0  }
0x1c8: {  	_ =	swait.ge [sflag:s13], $0x2800  }
0x1c9: {  	[sflag:s13] =	ssyncset.done $0x0  }
0x1ca: {  	[sflag:s13] =	ssyncadd.s32 $0xFFFFD800  }
0x1cb: {  	_ =	swait.ge [sflag:s13], $0x2800  }
0x1cc: {  	[sflag:s13] =	ssyncset.done $0x0  }
0x1cd: {  	s10 =	simm.s32 $0x0;
	[sflag:s13] =	ssyncadd.s32 $0xFFFFD800  }
0x1ce: {  	v13 =	vld [tilespmem:s10+$0x11800]  }
0x1cf: {  	v14 =	vld [tilespmem:s10+$0x11810]  }
0x1d0: {  	v15 =	vld [tilespmem:s10+$0x11820]  }
0x1d1: {  	v16 =	vld [tilespmem:s10+$0x11830]  }
0x1d2: {  	v17 =	vld [tilespmem:s10+$0x11840]  }
0x1d3: {  	v18 =	vld [tilespmem:s10+$0x11850]  }
0x1d4: {  	v19 =	vld [tilespmem:s10+$0x11860]  }
0x1d5: {  	v20 =	vld [tilespmem:s10+$0x11870]  }
0x1d6: {  	v21 =	vld [tilespmem:s10+$0x11880]  }
0x1d7: {  	v22 =	vld [tilespmem:s10+$0x11890]  }
0x1d8: {  	v12 =	vld [tilespmem:s10+$0x118A0]  }
0x1d9: {  	v11 =	vld [tilespmem:s10+$0x118B0]  }
0x1da: {  	v10 =	vld [tilespmem:s10+$0x118C0]  }
0x1db: {  	v9 =	vld [tilespmem:s10+$0x118D0]  }
0x1dc: {  	v8 =	vld [tilespmem:s10+$0x118E0]  }
0x1dd: {  	v7 =	vld [tilespmem:s10+$0x118F0]  }
0x1de: {  	v23 =	vld [tilespmem:s10+$0x7800]  }
0x1df: {  	v24 =	vld [tilespmem:s10+$0x7810]  }
0x1e0: {  	v25 =	vld [tilespmem:s10+$0x7820]  }
0x1e1: {  	v26 =	vld [tilespmem:s10+$0x7830]  }
0x1e2: {  	v27 =	vld [tilespmem:s10+$0x7840]  }
0x1e3: {  	v60 =	vld [tilespmem:s10+$0x7850];
	v13 =	vsub.f32 v23, v13  }
0x1e4: {  	v28 =	vld [tilespmem:s10+$0x7860];
	v14 =	vsub.f32 v24, v14  }
0x1e5: {  	v61 =	vld [tilespmem:s10+$0x7870];
	[tilespmem:s10+$0x7800] =	vst v13;
	v13 =	vsub.f32 v25, v15  }
0x1e6: {  	v62 =	vld [tilespmem:s10+$0x7880];
	[tilespmem:s10+$0x7810] =	vst v14;
	v14 =	vsub.f32 v26, v16  }
0x1e7: {  	v63 =	vld [tilespmem:s10+$0x7890];
	[tilespmem:s10+$0x7820] =	vst v13;
	v13 =	vsub.f32 v27, v17  }
0x1e8: {  	v15 =	vsub.f32 v60, v18;
	[tilespmem:s10+$0x7830] =	vst v14;
	v14 =	vld [tilespmem:s10+$0x78A0]  }
0x1e9: {  	v16 =	vsub.f32 v28, v19;
	[tilespmem:s10+$0x7840] =	vst v13;
	v13 =	vld [tilespmem:s10+$0x78B0]  }
0x1ea: {  	[tilespmem:s10+$0x7850] =	vst v15;
	v15 =	vld [tilespmem:s10+$0x78C0];
	v17 =	vsub.f32 v61, v20  }
0x1eb: {  	v19 =	vsub.f32 v62, v21;
	[tilespmem:s10+$0x7860] =	vst v16;
	v16 =	vld [tilespmem:s10+$0x78D0]  }
0x1ec: {  	s15 =	simm.s32 $0x400;
	v18 =	vsub.f32 v63, v22;
	[tilespmem:s10+$0x7870] =	vst v17;
	v17 =	vld [tilespmem:s10+$0x78E0]  }
.LBB2_17:
0x1ed: {  	s16 =	sshra.s32 s15, $0x2;
	p0 =	sne.s32 s15, $0x9C00;
	[tilespmem:s10+$0x7880] =	vst v19;
	v12 =	vsub.f32 v14, v12;
	v14 =	vld [tilespmem:s10+$0x78F0]  }
0x1ee: {  	v19 =	vld [tilespmem:s16+$0x11800];
	[tilespmem:s10+$0x7890] =	vst v18;
	v11 =	vsub.f32 v13, v11  }
0x1ef: {  	v13 =	vld [tilespmem:s16+$0x11810];
	[tilespmem:s10+$0x78A0] =	vst v12;
	v10 =	vsub.f32 v15, v10  }
0x1f0: {  	v15 =	vld [tilespmem:s16+$0x11820];
	[tilespmem:s10+$0x78B0] =	vst v11;
	v9 =	vsub.f32 v16, v9  }
0x1f1: {  	v16 =	vld [tilespmem:s16+$0x11830];
	[tilespmem:s10+$0x78C0] =	vst v10;
	v8 =	vsub.f32 v17, v8  }
0x1f2: {  	v17 =	vld [tilespmem:s16+$0x11840];
	[tilespmem:s10+$0x78D0] =	vst v9;
	v7 =	vsub.f32 v14, v7  }
0x1f3: {  	v14 =	vld [tilespmem:s16+$0x11850];
	[tilespmem:s10+$0x78E0] =	vst v8  }
0x1f4: {  	v18 =	vld [tilespmem:s16+$0x11860];
	[tilespmem:s10+$0x78F0] =	vst v7;
	s10 =	smov.u32 s16  }
0x1f5: {  	v20 =	vld [tilespmem:s10+$0x11870]  }
0x1f6: {  	v21 =	vld [tilespmem:s10+$0x11880]  }
0x1f7: {  	v22 =	vld [tilespmem:s10+$0x11890]  }
0x1f8: {  	v12 =	vld [tilespmem:s10+$0x118A0]  }
0x1f9: {  	v11 =	vld [tilespmem:s10+$0x118B0]  }
0x1fa: {  	v10 =	vld [tilespmem:s10+$0x118C0]  }
0x1fb: {  	v9 =	vld [tilespmem:s10+$0x118D0]  }
0x1fc: {  	v8 =	vld [tilespmem:s10+$0x118E0]  }
0x1fd: {  	v7 =	vld [tilespmem:s10+$0x118F0]  }
0x1fe: {  	v23 =	vld [tilespmem:s10+$0x7800]  }
0x1ff: {  	v24 =	vld [tilespmem:s10+$0x7810]  }
0x200: {  	v25 =	vld [tilespmem:s10+$0x7820]  }
0x201: {  	v26 =	vld [tilespmem:s10+$0x7830]  }
0x202: {  	v27 =	vld [tilespmem:s10+$0x7840]  }
0x203: {  	v19 =	vsub.f32 v23, v19;
	v23 =	vld [tilespmem:s10+$0x7850]  }
0x204: {  	v13 =	vsub.f32 v24, v13;
	v24 =	vld [tilespmem:s10+$0x7860]  }
0x205: {  	[tilespmem:s10+$0x7800] =	vst v19;
	v15 =	vsub.f32 v25, v15;
	v19 =	vld [tilespmem:s10+$0x7870]  }
0x206: {  	[tilespmem:s10+$0x7810] =	vst v13;
	v13 =	vsub.f32 v26, v16;
	v16 =	vld [tilespmem:s10+$0x7880]  }
0x207: {  	[tilespmem:s10+$0x7820] =	vst v15;
	v15 =	vsub.f32 v27, v17;
	v17 =	vld [tilespmem:s10+$0x7890]  }
.Ltmp7:
0x208: {  	[tilespmem:s10+$0x7830] =	vst v13;
	v23 =	vsub.f32 v23, v14;
	v14 =	vld [tilespmem:s10+$0x78A0];
	(pc) =	sbr.rel @p0 .LBB2_17-.Ltmp7, $4  }
0x209: {  	[tilespmem:s10+$0x7840] =	vst v15;
	v18 =	vsub.f32 v24, v18;
	v13 =	vld [tilespmem:s10+$0x78B0]  }
0x20a: {  	[tilespmem:s10+$0x7850] =	vst v23;
	v20 =	vsub.f32 v19, v20;
	v15 =	vld [tilespmem:s10+$0x78C0]  }
0x20b: {  	[tilespmem:s10+$0x7860] =	vst v18;
	v19 =	vsub.f32 v16, v21;
	v16 =	vld [tilespmem:s10+$0x78D0]  }
0x20c: {  	s15 =	sadd.s32 $0x400, s15;
	[tilespmem:s10+$0x7870] =	vst v20;
	v18 =	vsub.f32 v17, v22;
	v17 =	vld [tilespmem:s10+$0x78E0]  }
0x20d: {  	[tilespmem:s10+$0x7880] =	vst v19;
	v12 =	vsub.f32 v14, v12;
	v63 =	vld [tilespmem:s10+$0x78F0]  }
0x20e: {  	[tilespmem:s10+$0x7890] =	vst v18;
	v11 =	vsub.f32 v13, v11  }
0x20f: {  	[tilespmem:s10+$0x78A0] =	vst v12;
	v10 =	vsub.f32 v15, v10  }
0x210: {  	[tilespmem:s10+$0x78B0] =	vst v11;
	v9 =	vsub.f32 v16, v9  }
0x211: {  	[tilespmem:s10+$0x78C0] =	vst v10;
	v8 =	vsub.f32 v17, v8  }
0x212: {  	[tilespmem:s10+$0x78D0] =	vst v9;
	v7 =	vsub.f32 v63, v7  }
0x213: {  	[tilespmem:s10+$0x78E0] =	vst v8  }
0x214: {  	[tilespmem:s10+$0x78F0] =	vst v7  }
0x215: {  	[spmem:s5] =	stream.indirect.scatter.add.f32 [tilespmem:s9], [sflag:$0x8], $0x80, s8, s29, $0xb8;
	[tilespmem:$0x16400] =	vst v63  }
0x216: {  	v7 =	vld [tilespmem:$0x14180];
	_ =	sdelay $0x4  }
0x217: {  	v8 =	vperm.xlane v7, v2;
	_ =	sdelay $0x1  }
0x218: {  	v6 =	vperm.xlane v6, v4;
	v8 =	vperm.xlane v8, v3;
	_ =	sdelay $0x1  }
0x219: {  	v6 =	vsel vm0, v8, v6  }
0x21a: {  	vm1 =	vne.s32 v7, v6;
	_ =	sdelay $0x4  }
0x21b: {  	v6 =	vor.u32 s21, v3  }
0x21c: {  	s15 =	simm.s32 $0x14190;
	[tilespmem:v7+s30+$0x0] =	vst.idx.msk vm1, v6  }
0x21d: {  	s16 =	simm.s32 $0x10;
	s22 =	simm.s32 $0x14080;
	s10 =	simm.s32 $0x0;
	v6 =	vld [tilespmem:s15+$0x0]  }
.LBB2_19:
0x21e: {  	p0 =	sne.s32 s16, $0x30  }
0x21f: {  	v7 =	vld [tilespmem:s15+$0xFFFFFFF0];
	_ =	sdelay $0x2  }
0x220: {  	v8 =	vperm.xlane v6, v2;
	_ =	sdelay $0x1  }
0x221: {  	v7 =	vperm.xlane v7, v4;
	v8 =	vperm.xlane v8, v3;
	_ =	sdelay $0x1  }
0x222: {  	v7 =	vsel vm0, v8, v7  }
0x223: {  	vm1 =	vne.s32 v6, v7;
	_ =	sdelay $0x2  }
.Ltmp8:
0x224: {  	(pc) =	sbr.rel @p0 .LBB2_19-.Ltmp8, $4  }
0x225: {  	s21 =	sadd.s32 s10, s24;
	s10 =	smov.u32 s16  }
0x226: {  	v7 =	vor.u32 s21, v3  }
0x227: {  	s15 =	sadd.s32 $0x10, s15;
	[tilespmem:v6+s30+$0x0] =	vst.idx.msk vm1, v7  }
0x228: {  	s16 =	sadd.s32 $0x10, s16;
	v6 =	vld [tilespmem:s15+$0x0]  }
0x229: {  	_ = 	snop  }
0x22a: {  	v7 =	vld [tilespmem:s15+$0xFFFFFFF0];
	_ =	sdelay $0x2  }
0x22b: {  	v8 =	vperm.xlane v6, v2;
	_ =	sdelay $0x1  }
0x22c: {  	v7 =	vperm.xlane v7, v4;
	v8 =	vperm.xlane v8, v3;
	_ =	sdelay $0x1  }
0x22d: {  	v7 =	vsel vm0, v8, v7  }
0x22e: {  	vm1 =	vne.s32 v6, v7;
	_ =	sdelay $0x3  }
0x22f: {  	s10 =	sadd.s32 s10, s24;
	p0 =	seq.s32 s19, $0x1E  }
.Ltmp9:
0x230: {  	v7 =	vor.u32 s10, v3;
	(pc) =	sbr.rel @p0 .LBB2_22-.Ltmp9, $4  }
0x231: {  	[tilespmem:v6+s30+$0x0] =	vst.idx.msk vm1, v7  }
0x232: {  	v6 =	vld [tilespmem:$0x141C0];
	_ =	swait.ge [sflag:s17], $0x2800  }
0x233: {  	[sflag:s17] =	ssyncset.done $0x0  }
0x234: {  	[sflag:s17] =	ssyncadd.s32 $0xFFFFD800  }
0x235: {  	_ =	sdelay $0x1  }
0x236: {  	(v2sf) =	vpush v6, $0xF;
	_ =	sdelay $0x5  }
0x237: {  	s10 =	rddreg [dreg:$0xe]  }
0x238: {  	s4 =	sadd.s32 s4, s10  }
0x239: {  	s10 =	sshrl.u32 s4, $0x3  }
0x23a: {  	s21 =	simm.s32 $0xC800;
	s4 =	sshll.u32 s4, $0x4;
	s10 =	sadd.s32 s3, s10  }
0x23b: {  	[tilespmem:s22], [sflag:$0x2] =	stream.linear.gather [hbm4b:s10+s6], $0x50, $0x38;
	[tilespmem:$0x16400] =	vst v63  }
.Ltmp10:
0x23c: {  	s19 =	sadd.s32 $0x1, s19;
	s16 =	sadd.s32 s1, s4;
	(pc) =	sbr.rel .LBB2_4-.Ltmp10, $4  }
0x23d: {  	[tilespmem:s23], [sflag:$0x2] =	stream.linear.gather [hbm4b:s16+s6], $0x2800, $0x38;
	[tilespmem:$0x16400] =	vst v63  }
0x23e: {  	s14 =	sadd.s32 $0x140, s14;
	s26 =	sadd.s32 $0x140, s26;
	s4 =	sadd.s32 s2, s4  }
0x23f: {  	[tilespmem:s21], [sflag:$0x2] =	stream.linear.gather [hbm4b:s4+s6], $0x2800, $0x38;
	[tilespmem:$0x16400] =	vst v63  }
0x240: {  	s18 =	sadd.s32 $0x140, s18;
	s24 =	sadd.s32 $0x140, s24;
	s4 =	spop (v2sf)  }
.LBB2_22:
0x241: {  	_ =	swait.ge [sflag:s28], $0x50  }
0x242: {  	[sflag:s28] =	ssyncset.done $0x0  }
0x243: {  	[sflag:s28] =	ssyncadd.s32 $0xFFFFFFB0  }
0x244: {  	_ =	swait.ge [sflag:s28], $0x2800  }
0x245: {  	[sflag:s28] =	ssyncset.done $0x0  }
0x246: {  	[sflag:s28] =	ssyncadd.s32 $0xFFFFD800  }
0x247: {  	_ =	swait.ge [sflag:s28], $0x2800  }
0x248: {  	[sflag:s28] =	ssyncset.done $0x0  }
0x249: {  	s4 =	simm.s32 $0xF0;
	[sflag:s28] =	ssyncadd.s32 $0xFFFFD800  }
0x24a: {  	v13 =	vld [tilespmem:s4+$0x9F10]  }
0x24b: {  	v14 =	vld [tilespmem:s4+$0x9F20]  }
0x24c: {  	v15 =	vld [tilespmem:s4+$0x9F30]  }
0x24d: {  	v16 =	vld [tilespmem:s4+$0x9F40]  }
0x24e: {  	v17 =	vld [tilespmem:s4+$0x9F50]  }
0x24f: {  	v18 =	vld [tilespmem:s4+$0x9F60]  }
0x250: {  	v19 =	vld [tilespmem:s4+$0x9F70]  }
0x251: {  	v20 =	vld [tilespmem:s4+$0x9F80]  }
0x252: {  	v21 =	vld [tilespmem:s4+$0x9F90]  }
0x253: {  	v12 =	vld [tilespmem:s4+$0x9FA0]  }
0x254: {  	v11 =	vld [tilespmem:s4+$0x9FB0]  }
0x255: {  	v10 =	vld [tilespmem:s4+$0x9FC0]  }
0x256: {  	v9 =	vld [tilespmem:s4+$0x9FD0]  }
0x257: {  	v8 =	vld [tilespmem:s4+$0x9FE0]  }
0x258: {  	v7 =	vld [tilespmem:s4+$0xA000]  }
0x259: {  	v22 =	vld [tilespmem:s4+$0xFFFFFF10]  }
0x25a: {  	v23 =	vld [tilespmem:s4+$0xFFFFFF20]  }
0x25b: {  	v24 =	vld [tilespmem:s4+$0xFFFFFF30]  }
0x25c: {  	v25 =	vld [tilespmem:s4+$0xFFFFFF40]  }
0x25d: {  	v26 =	vld [tilespmem:s4+$0xFFFFFF50]  }
0x25e: {  	v61 =	vld [tilespmem:s4+$0xFFFFFF60];
	v13 =	vsub.f32 v22, v13  }
0x25f: {  	v27 =	vld [tilespmem:s4+$0xFFFFFF70];
	v14 =	vsub.f32 v23, v14  }
0x260: {  	v62 =	vld [tilespmem:s4+$0xFFFFFF80];
	[tilespmem:s4+$0xFFFFFF10] =	vst v13;
	v13 =	vsub.f32 v24, v15  }
0x261: {  	v63 =	vld [tilespmem:s4+$0xFFFFFF90];
	[tilespmem:s4+$0xFFFFFF20] =	vst v14;
	v14 =	vsub.f32 v25, v16  }
0x262: {  	v16 =	vld [tilespmem:s4+$0xFFFFFFA0];
	v15 =	vsub.f32 v26, v17;
	[tilespmem:s4+$0xFFFFFF30] =	vst v13  }
0x263: {  	v17 =	vsub.f32 v61, v18;
	[tilespmem:s4+$0xFFFFFF40] =	vst v14;
	v13 =	vld [tilespmem:s4+$0xFFFFFFB0]  }
0x264: {  	v18 =	vsub.f32 v27, v19;
	[tilespmem:s4+$0xFFFFFF50] =	vst v15;
	v14 =	vld [tilespmem:s4+$0xFFFFFFC0]  }
0x265: {  	v19 =	vsub.f32 v62, v20;
	[tilespmem:s4+$0xFFFFFF60] =	vst v17;
	v15 =	vld [tilespmem:s4+$0xFFFFFFD0]  }
0x266: {  	s10 =	simm.s32 $0x7C0;
	[tilespmem:s4+$0xFFFFFF70] =	vst v18;
	v18 =	vsub.f32 v63, v21;
	v17 =	vld [tilespmem:s4+$0xFFFFFFE0]  }
.LBB2_23:
0x267: {  	p0 =	sne.s32 s10, $0x9FC0;
	[tilespmem:s4+$0xFFFFFF80] =	vst v19;
	v12 =	vsub.f32 v16, v12;
	v16 =	vld [tilespmem:s4+$0x0]  }
0x268: {  	[tilespmem:s4+$0xFFFFFF90] =	vst v18;
	v11 =	vsub.f32 v13, v11;
	v13 =	vld [tilespmem:s4+$0xFFFFFFF0]  }
0x269: {  	s14 =	sshra.s32 s10, $0x2;
	[tilespmem:s4+$0xFFFFFFA0] =	vst v12;
	v10 =	vsub.f32 v14, v10;
	v12 =	vld [tilespmem:s4+$0x9FF0]  }
0x26a: {  	v14 =	vld [tilespmem:s14+$0x9F10];
	[tilespmem:s4+$0xFFFFFFB0] =	vst v11;
	v9 =	vsub.f32 v15, v9  }
0x26b: {  	v15 =	vld [tilespmem:s14+$0x9F20];
	[tilespmem:s4+$0xFFFFFFC0] =	vst v10;
	v8 =	vsub.f32 v17, v8  }
0x26c: {  	v17 =	vld [tilespmem:s14+$0x9F30];
	[tilespmem:s4+$0xFFFFFFD0] =	vst v9;
	v7 =	vsub.f32 v16, v7  }
0x26d: {  	v16 =	vld [tilespmem:s14+$0x9F40];
	[tilespmem:s4+$0xFFFFFFE0] =	vst v8  }
0x26e: {  	v18 =	vld [tilespmem:s14+$0x9F50];
	v8 =	vsub.f32 v13, v12;
	[tilespmem:s4+$0x0] =	vst v7  }
0x26f: {  	v13 =	vld [tilespmem:s14+$0x9F60]  }
0x270: {  	v19 =	vld [tilespmem:s14+$0x9F70];
	[tilespmem:s4+$0xFFFFFFF0] =	vst v8;
	s4 =	smov.u32 s14  }
0x271: {  	v20 =	vld [tilespmem:s4+$0x9F80]  }
0x272: {  	v21 =	vld [tilespmem:s4+$0x9F90]  }
0x273: {  	v12 =	vld [tilespmem:s4+$0x9FA0]  }
0x274: {  	v11 =	vld [tilespmem:s4+$0x9FB0]  }
0x275: {  	v10 =	vld [tilespmem:s4+$0x9FC0]  }
0x276: {  	v9 =	vld [tilespmem:s4+$0x9FD0]  }
0x277: {  	v8 =	vld [tilespmem:s4+$0x9FE0]  }
0x278: {  	v7 =	vld [tilespmem:s4+$0xA000]  }
0x279: {  	v22 =	vld [tilespmem:s4+$0xFFFFFF10]  }
0x27a: {  	v23 =	vld [tilespmem:s4+$0xFFFFFF20]  }
0x27b: {  	v24 =	vld [tilespmem:s4+$0xFFFFFF30]  }
0x27c: {  	v25 =	vld [tilespmem:s4+$0xFFFFFF40]  }
0x27d: {  	v26 =	vld [tilespmem:s4+$0xFFFFFF50]  }
0x27e: {  	v14 =	vsub.f32 v22, v14;
	v22 =	vld [tilespmem:s4+$0xFFFFFF60]  }
0x27f: {  	v15 =	vsub.f32 v23, v15;
	v23 =	vld [tilespmem:s4+$0xFFFFFF70]  }
0x280: {  	[tilespmem:s4+$0xFFFFFF10] =	vst v14;
	v14 =	vsub.f32 v24, v17;
	v17 =	vld [tilespmem:s4+$0xFFFFFF80]  }
0x281: {  	[tilespmem:s4+$0xFFFFFF20] =	vst v15;
	v15 =	vsub.f32 v25, v16;
	v24 =	vld [tilespmem:s4+$0xFFFFFF90]  }
.Ltmp11:
0x282: {  	[tilespmem:s4+$0xFFFFFF30] =	vst v14;
	v14 =	vsub.f32 v26, v18;
	v16 =	vld [tilespmem:s4+$0xFFFFFFA0];
	(pc) =	sbr.rel @p0 .LBB2_23-.Ltmp11, $4  }
0x283: {  	[tilespmem:s4+$0xFFFFFF40] =	vst v15;
	v15 =	vsub.f32 v22, v13;
	v13 =	vld [tilespmem:s4+$0xFFFFFFB0]  }
0x284: {  	[tilespmem:s4+$0xFFFFFF50] =	vst v14;
	v18 =	vsub.f32 v23, v19;
	v14 =	vld [tilespmem:s4+$0xFFFFFFC0]  }
0x285: {  	[tilespmem:s4+$0xFFFFFF60] =	vst v15;
	v19 =	vsub.f32 v17, v20;
	v15 =	vld [tilespmem:s4+$0xFFFFFFD0]  }
0x286: {  	s10 =	sadd.s32 $0x400, s10;
	[tilespmem:s4+$0xFFFFFF70] =	vst v18;
	v18 =	vsub.f32 v24, v21;
	v17 =	vld [tilespmem:s4+$0xFFFFFFE0]  }
0x287: {  	v61 =	vld [tilespmem:s4+$0x0]  }
0x288: {  	[tilespmem:s4+$0xFFFFFF80] =	vst v19;
	v12 =	vsub.f32 v16, v12;
	v62 =	vld [tilespmem:s4+$0xFFFFFFF0]  }
0x289: {  	v63 =	vld [tilespmem:s4+$0x9FF0];
	[tilespmem:s4+$0xFFFFFF90] =	vst v18;
	v11 =	vsub.f32 v13, v11  }
0x28a: {  	[tilespmem:s4+$0xFFFFFFA0] =	vst v12;
	v10 =	vsub.f32 v14, v10  }
0x28b: {  	[tilespmem:s4+$0xFFFFFFB0] =	vst v11;
	v9 =	vsub.f32 v15, v9  }
0x28c: {  	[tilespmem:s4+$0xFFFFFFC0] =	vst v10;
	v8 =	vsub.f32 v17, v8  }
0x28d: {  	[tilespmem:s4+$0xFFFFFFD0] =	vst v9;
	v7 =	vsub.f32 v61, v7  }
0x28e: {  	[tilespmem:s4+$0xFFFFFFE0] =	vst v8;
	v8 =	vsub.f32 v62, v63  }
0x28f: {  	[tilespmem:s4+$0x0] =	vst v7  }
0x290: {  	[tilespmem:s4+$0xFFFFFFF0] =	vst v8  }
0x291: {  	[spmem:s5] =	stream.indirect.scatter.add.f32 [tilespmem:s6], [sflag:$0x5], $0x80, s20, s29, $0xb8;
	[tilespmem:$0x16400] =	vst v63  }
0x292: {  	v7 =	vld [tilespmem:$0x14000];
	_ =	sdelay $0x4  }
0x293: {  	v8 =	vperm.xlane v7, v2;
	_ =	sdelay $0x1  }
0x294: {  	v6 =	vperm.xlane v6, v4;
	v8 =	vperm.xlane v8, v3;
	_ =	sdelay $0x1  }
0x295: {  	v6 =	vsel vm0, v8, v6  }
0x296: {  	vm1 =	vne.s32 v7, v6;
	_ =	sdelay $0x5  }
0x297: {  	s10 =	simm.s32 $0x14010;
	s14 =	simm.s32 $0x26E0;
	[tilespmem:v7+s30+$0x0] =	vst.idx.msk vm1, v5  }
0x298: {  	s16 =	rddreg [dreg:$0xc];
	s18 =	simm.s32 $0x9;
	s4 =	simm.s32 $0x26D0;
	v6 =	vld [tilespmem:s10+$0x0]  }
.LBB2_25:
0x299: {  	p0 =	sne.s32 s14, $0x2700  }
0x29a: {  	v7 =	vld [tilespmem:s10+$0xFFFFFFF0];
	_ =	sdelay $0x2  }
0x29b: {  	v8 =	vperm.xlane v6, v2;
	_ =	sdelay $0x1  }
0x29c: {  	v7 =	vperm.xlane v7, v4;
	v8 =	vperm.xlane v8, v3;
	_ =	sdelay $0x1  }
0x29d: {  	v7 =	vsel vm0, v8, v7  }
0x29e: {  	vm1 =	vne.s32 v6, v7;
	_ =	sdelay $0x2  }
.Ltmp12:
0x29f: {  	(pc) =	sbr.rel @p0 .LBB2_25-.Ltmp12, $4  }
0x2a0: {  	_ = 	snop  }
0x2a1: {  	v7 =	vor.u32 s4, v3;
	s4 =	smov.u32 s14  }
0x2a2: {  	s10 =	sadd.s32 $0x10, s10;
	[tilespmem:v6+s30+$0x0] =	vst.idx.msk vm1, v7  }
0x2a3: {  	s14 =	sadd.s32 $0x10, s14;
	v6 =	vld [tilespmem:s10+$0x0]  }
0x2a4: {  	_ = 	snop  }
0x2a5: {  	v7 =	vld [tilespmem:s10+$0xFFFFFFF0];
	_ =	sdelay $0x2  }
0x2a6: {  	v8 =	vperm.xlane v6, v2;
	_ =	sdelay $0x1  }
0x2a7: {  	v7 =	vperm.xlane v7, v4;
	v8 =	vperm.xlane v8, v3;
	_ =	sdelay $0x1  }
0x2a8: {  	v7 =	vsel vm0, v8, v7  }
0x2a9: {  	vm1 =	vne.s32 v6, v7;
	_ =	sdelay $0x4  }
0x2aa: {  	v7 =	vor.u32 s4, v3  }
0x2ab: {  	s10 =	simm.s32 $0x7;
	[tilespmem:v6+s30+$0x0] =	vst.idx.msk vm1, v7  }
0x2ac: {  	_ =	swait.ge [sflag:s10], $0x2800  }
0x2ad: {  	[sflag:s10] =	ssyncset.done $0x0  }
0x2ae: {  	s14 =	simm.s32 $0x8;
	[sflag:s10] =	ssyncadd.s32 $0xFFFFD800  }
0x2af: {  	_ =	swait.ge [sflag:s14], $0x2800  }
0x2b0: {  	[sflag:s14] =	ssyncset.done $0x0  }
0x2b1: {  	[sflag:s14] =	ssyncadd.s32 $0xFFFFD800  }
0x2b2: {  	_ =	swait.ge [sflag:s12], $0x2800  }
0x2b3: {  	s19 =	simm.s32 $0x80;
	[sflag:s12] =	ssyncset.done $0x0  }
0x2b4: {  	s14 =	simm.s32 $0x400;
	s15 =	rddreg [dreg:$0xf];
	[sflag:s12] =	ssyncadd.s32 $0xFFFFD800  }
0x2b5: {  	[hbm4b:s15+s19] =	stream.strided.scatter [tilespmem:s30], [sflag:$0x9], $0x200, s14, s19, $0x38;
	[tilespmem:$0x16400] =	vst v63  }
0x2b6: {  	_ =	swait.ge [sflag:s18], $0x200  }
0x2b7: {  	[sflag:s18] =	ssyncset.done $0x0  }
0x2b8: {  	[sflag:s18] =	ssyncadd.s32 $0xFFFFFE00  }
0x2b9: {  	[bflag:$0x0] =	sbarrier.arrive $0xFFFF  }
0x2ba: {  	[tilespmem:s6], [sflag:$0x9] =	stream.linear.gather [spmem:s16], $0x1000, $0x38;
	[tilespmem:$0x16400] =	vst v63  }
0x2bb: {  	_ =	swait.ge [sflag:s18], $0x1000  }
0x2bc: {  	[sflag:s18] =	ssyncset.done $0x0  }
0x2bd: {  	s21 =	rddreg [dreg:$0x10];
	[sflag:s18] =	ssyncadd.s32 $0xFFFFF000  }
0x2be: {  	[hbm4b:s21+s6] =	stream.linear.scatter [tilespmem:s6], [sflag:$0x9], $0x1000, $0x38;
	[tilespmem:$0x16400] =	vst v63  }
0x2bf: {  	_ =	swait.ge [sflag:s18], $0x1000  }
0x2c0: {  	s24 =	rddreg [dreg:$0x12]  }
0x2c1: {  	s26 =	rddreg [dreg:$0x11];
	s10 =	sadd.s32 $0x1, s24  }
0x2c2: {  	p0 =	sne.s32 s10, s26  }
.Ltmp13:
0x2c3: {  	_ = 	snop;
	(pc) =	sbr.rel @p0 .LBB2_1-.Ltmp13, $3  }
0x2c4: {  	_ =	sdelay $0x1  }
0x2c5: {  	[sflag:s18] =	ssyncset.done $0x0  }
0x2c6: {  	[sflag:s18] =	ssyncadd.s32 $0xFFFFF000  }
0x2c7: {  	_ =	sfence.sel $0x180000  }
0x2c8: {  	[bflag:$0x0] =	sbarrier.arrive $0xFFFF  }
0x2c9: {  	_ =	strace $0x90000047  }
0x2ca: {  	s0 =	stileid.u32;
	[bflag:$0x2] =	sbarrier.arrive $0xFFFF  }
0x2cb: {  	p0 =	sne.s32 s0, $0x0;
	s0 =	rddreg [dreg:$0x5]  }
0x2cc: {  	s0 =	sadd.s32 @!p0 $0x100000, s0  }
0x2cd: {  	[sflag:s0] =	ssyncadd.tile.s32 @!p0 $0x1;
	_ =	shalt  }
.Lfunc_end2:
_tile_overlayer_lowered:
.L_overlay_start_2:
0x2ce: {  	(tag) =	ssettag $0x2  }
0x2cf: {  	s0 =	rddreg [dreg:$0x0];
	s2 =	stileid.u32  }
0x2d0: {  	s1 =	rddreg [dreg:$0x1];
	p0 =	sne.s32 s2, $0x0  }
0x2d1: {  	s3 =	rddreg [dreg:$0x2];
	[bflag:$0x3] =	sbarrier.arrive $0xFFFF;
	s2 =	simm.s32 @!p0 $0x1C09  }
0x2d2: {  	[timem:s3], [sflag:s2] =	dma.local @!p0 [hbm:s0], s1  }
0x2d3: {  	s0 =	simm.s32 @!p0 $0x9  }
0x2d4: {  	_ =	swait.ge @!p0 [sflag:s0], s1  }
0x2d5: {  	s1 =	ssub.s32 @!p0 $0x0, s1;
	[sflag:s0] =	ssyncset.done @!p0 $0x0  }
0x2d6: {  	[sflag:s0] =	ssyncadd.s32 @!p0 s1  }
0x2d7: {  	[bflag:$0x3] =	sbarrier.arrive $0xFFFF  }
0x2d8: {  	_ =	shalt  }

</sc_bundles>
